<compile_context>
chip_gen: v7x
topology: tpu7x:2x2x1
jax: 0.10.2.dev20260603
libtpu: 0.0.44.dev20260713+nightly
codegen_flags: <defaults>
</compile_context>

<pallas_src>
import functools

import jax
import jax.numpy as jnp
from jax import lax
from jax.experimental import pallas as pl
from jax.experimental.pallas import tpu as pltpu
from jax.experimental.pallas import tpu_sc as plsc

VOCAB = 100000
EMB = 128
B = 1024
S = 512
LANES = 16
NC = 2
NS = 16
NW = NC * NS
S_PER_W = S // NW
CHUNK = 64
NCHUNK = B // CHUNK
PAIR = 4
NROUND = S_PER_W * NCHUNK // PAIR


def _emb_body(idxT_hbm, table_hbm, pos_hbm, out_hbm,
              idx_all, pos_all, rows_v, oidx_v, gsem, ssem):
    wid = lax.axis_index("s") * NC + lax.axis_index("c")
    s0 = wid * S_PER_W
    pltpu.sync_copy(idxT_hbm.at[pl.ds(s0, S_PER_W)], idx_all)
    pltpu.sync_copy(pos_hbm.at[pl.ds(s0, S_PER_W)], pos_all)

    def gather_of(r, half, b):
        t = PAIR * r + b
        si = t >> 4
        c = t & (NCHUNK - 1)
        slot = half * PAIR + b
        return pltpu.make_async_copy(
            table_hbm.at[idx_all.at[si, pl.ds(c * CHUNK, CHUNK)]],
            rows_v.at[slot], gsem.at[slot])

    def scatter_of(half, b):
        slot = half * PAIR + b
        return pltpu.make_async_copy(
            rows_v.at[slot], out_hbm.at[oidx_v.at[slot]], ssem.at[slot])

    def launch_half(r, half):
        for b in range(PAIR):
            gather_of(r, half, b).start()

    def wait_scatters(half):
        for b in range(PAIR):
            scatter_of(half, b).wait()

    def process_half(r, half):
        for b in range(PAIR):
            slot = half * PAIR + b
            t = PAIR * r + b
            si = t >> 4
            c = t & (NCHUNK - 1)
            s = s0 + si
            lane = lax.iota(jnp.int32, LANES)
            for k in range(CHUNK // LANES):
                oidx_v[slot, pl.ds(k * LANES, LANES)] = (
                    lane * S + (c * CHUNK + k * LANES) * S + s)
            pvecs = [pos_all[si, pl.ds(j * LANES, LANES)]
                     for j in range(EMB // LANES)]
            gather_of(r, half, b).wait()

            @plsc.parallel_loop(0, CHUNK, unroll=4)
            def _(tt):
                for j in range(EMB // LANES):
                    plsc.addupdate(
                        rows_v.at[slot, tt, pl.ds(j * LANES, LANES)], pvecs[j])

            scatter_of(half, b).start()

    def body(gg, carry):
        r0 = 2 * gg
        r1 = 2 * gg + 1

        @pl.when(gg >= 1)
        def _():
            wait_scatters(0)
            launch_half(r0, 0)
            process_half(r0 - 1, 1)
            wait_scatters(1)

        @pl.when(gg == 0)
        def _():
            launch_half(r0, 0)

        launch_half(r1, 1)
        process_half(r0, 0)
        return carry

    lax.fori_loop(0, NROUND // 2, body, 0)
    process_half(NROUND - 1, 1)
    wait_scatters(0)
    wait_scatters(1)


_emb = functools.partial(
    pl.kernel,
    out_type=jax.ShapeDtypeStruct((B * S, EMB), jnp.float32),
    mesh=plsc.VectorSubcoreMesh(core_axis_name="c", subcore_axis_name="s"),
    scratch_types=[
        pltpu.VMEM((S_PER_W, B), jnp.int32),
        pltpu.VMEM((S_PER_W, EMB), jnp.float32),
        pltpu.VMEM((2 * PAIR, CHUNK, EMB), jnp.float32),
        pltpu.VMEM((2 * PAIR, CHUNK), jnp.int32),
        pltpu.SemaphoreType.DMA((2 * PAIR,)),
        pltpu.SemaphoreType.DMA((2 * PAIR,)),
    ],
)(_emb_body)


def kernel(inputs, token_table, position_embedding):
    idxT = jnp.transpose(inputs.astype(jnp.int32))
    out = _emb(idxT, token_table, position_embedding[:S])
    return out.reshape(B, S, EMB)

# --- scband reference (transcript-rebuilt; emitter-appended) ---
"""Pipeline reference for scband-transformer-embedding-30193620091479 (READ-ONLY COPY).

The authoritative reference and input builder live on the scoring server;
editing this copy changes nothing except your own understanding.
"""

import jax, jax.numpy as jnp
import numpy as np

VOCAB = 100000
MAX_POS = 512
EMB = 128
B = 1024
S = 512

def _positional_encoding(max_positions, embedding_size):
    pos = np.arange(max_positions)[:, np.newaxis].astype(np.float64)
    d = np.arange(embedding_size)[np.newaxis, :].astype(np.float64)
    rads = 1.0 / np.power(10000, 2 * (d // 2) / np.float32(embedding_size))
    rads = pos * rads
    rads[:, 0::2] = np.sin(rads[:, 0::2])
    rads[:, 1::2] = np.cos(rads[:, 1::2])
    return jnp.asarray(rads, dtype=jnp.float32)

def setup_inputs(seed: int = 0) -> dict:
    key = jax.random.key(seed)
    k1, k2 = jax.random.split(key)
    inputs = jax.random.randint(k1, (B, S), 0, VOCAB, dtype=jnp.int64)
    # Embedding table (uniform init like keras Embedding default)
    token_table = jax.random.uniform(k2, (VOCAB, EMB), dtype=jnp.float32, minval=-0.05, maxval=0.05)
    position_embedding = _positional_encoding(MAX_POS, EMB)
    return {"inputs": inputs, "token_table": token_table, "position_embedding": position_embedding}

def reference(inputs, token_table, position_embedding):
    # token embedding lookup (gather)
    token_embeddings = jnp.take(token_table, inputs, axis=0)  # [B, S, E]
    # positional encoding sliced to seq length
    seq_len = inputs.shape[1]
    pos_embeddings = position_embedding[jnp.newaxis, :seq_len, :]  # [1, S, E]
    embedding = token_embeddings + pos_embeddings
    # dropout is identity at inference (training=None/False)
    return embedding

if __name__ == "__main__":
    import jax
    _d = setup_inputs()
    print(jax.jit(kernel)(*tuple(_d.values())))

</pallas_src>

<mosaic_0001>
#map = affine_map<(d0, d1) -> (0, 0)>
module attributes {stable_mosaic.version = 14 : i64} {
  func.func @_emb_body(%arg0: i32, %arg1: i32, %arg2: memref<512x1024xi32, #tpu.memory_space<hbm>>, %arg3: memref<100000x128xf32, #tpu.memory_space<hbm>>, %arg4: memref<512x128xf32, #tpu.memory_space<hbm>>, %arg5: memref<524288x128xf32, #tpu.memory_space<hbm>>, %arg6: memref<16x1024xi32, #tpu.memory_space<vmem>>, %arg7: memref<16x128xf32, #tpu.memory_space<vmem>>, %arg8: memref<8x64x128xf32, #tpu.memory_space<vmem>>, %arg9: memref<8x64xi32, #tpu.memory_space<vmem>>, %arg10: memref<8x!tpu.dma_semaphore, #tpu.memory_space<semaphore_mem>>, %arg11: memref<8x!tpu.dma_semaphore, #tpu.memory_space<semaphore_mem>>) attributes {dimension_semantics = [#tpu.dimension_semantics<core_parallel>, #tpu.dimension_semantics<subcore_parallel>], iteration_bounds = array<i64: 2, 16>, scalar_prefetch = 0 : i64, scratch_operands = 6 : i64, tpu.core_type = #tpu.core_type<sc_vector_subcore>, window_params = [{transform_indices = #map}, {transform_indices = #map}, {transform_indices = #map}, {transform_indices = #map}]} {
    %mul3A = arith.constant 2 : i32
    %mul3A_0 = arith.muli %arg1, %mul3A : i32
    %add3A = arith.addi %mul3A_0, %arg0 : i32
    %mul3A_1 = arith.constant 16 : i32
    %mul3A_2 = arith.muli %add3A, %mul3A_1 : i32
    "tpu.region"() ({
      %run_scoped3A = tpu.sem_alloc : memref<!tpu.dma_semaphore, #tpu.memory_space<semaphore_mem>>
      %dma_start3A_650 = arith.constant 0 : i32
      %dma_start3A_651 = tpu.memref_slice %arg2[%mul3A_2, %dma_start3A_650] : memref<512x1024xi32, #tpu.memory_space<hbm>> -> memref<16x1024xi32, #tpu.memory_space<hbm>>
      %dma_start3A_652 = arith.constant 0 : i32
      %dma_start3A_653 = tpu.memref_slice %arg2[%mul3A_2, %dma_start3A_652] : memref<512x1024xi32, #tpu.memory_space<hbm>> -> memref<16x1024xi32, #tpu.memory_space<hbm>>
      tpu.enqueue_dma source(%dma_start3A_653 : memref<16x1024xi32, #tpu.memory_space<hbm>>) target(%arg6 : memref<16x1024xi32, #tpu.memory_space<vmem>>) target_semaphore(%run_scoped3A : memref<!tpu.dma_semaphore, #tpu.memory_space<semaphore_mem>>)
      %dma_wait3A_654 = arith.constant 0 : i32
      %dma_wait3A_655 = tpu.memref_slice %arg2[%mul3A_2, %dma_wait3A_654] : memref<512x1024xi32, #tpu.memory_space<hbm>> -> memref<16x1024xi32, #tpu.memory_space<hbm>>
      %dma_wait3A_656 = arith.constant 0 : i32
      %dma_wait3A_657 = tpu.memref_slice %arg2[%mul3A_2, %dma_wait3A_656] : memref<512x1024xi32, #tpu.memory_space<hbm>> -> memref<16x1024xi32, #tpu.memory_space<hbm>>
      tpu.wait_dma2 semaphore(%run_scoped3A : memref<!tpu.dma_semaphore, #tpu.memory_space<semaphore_mem>>) src(%dma_wait3A_657 : memref<16x1024xi32, #tpu.memory_space<hbm>>) dst(%arg6 : memref<16x1024xi32, #tpu.memory_space<vmem>>)
      tpu.yield
    }) : () -> ()
    "tpu.region"() ({
      %run_scoped3A = tpu.sem_alloc : memref<!tpu.dma_semaphore, #tpu.memory_space<semaphore_mem>>
      %dma_start3A_650 = arith.constant 0 : i32
      %dma_start3A_651 = tpu.memref_slice %arg4[%mul3A_2, %dma_start3A_650] : memref<512x128xf32, #tpu.memory_space<hbm>> -> memref<16x128xf32, #tpu.memory_space<hbm>>
      %dma_start3A_652 = arith.constant 0 : i32
      %dma_start3A_653 = tpu.memref_slice %arg4[%mul3A_2, %dma_start3A_652] : memref<512x128xf32, #tpu.memory_space<hbm>> -> memref<16x128xf32, #tpu.memory_space<hbm>>
      tpu.enqueue_dma source(%dma_start3A_653 : memref<16x128xf32, #tpu.memory_space<hbm>>) target(%arg7 : memref<16x128xf32, #tpu.memory_space<vmem>>) target_semaphore(%run_scoped3A : memref<!tpu.dma_semaphore, #tpu.memory_space<semaphore_mem>>)
      %dma_wait3A_654 = arith.constant 0 : i32
      %dma_wait3A_655 = tpu.memref_slice %arg4[%mul3A_2, %dma_wait3A_654] : memref<512x128xf32, #tpu.memory_space<hbm>> -> memref<16x128xf32, #tpu.memory_space<hbm>>
      %dma_wait3A_656 = arith.constant 0 : i32
      %dma_wait3A_657 = tpu.memref_slice %arg4[%mul3A_2, %dma_wait3A_656] : memref<512x128xf32, #tpu.memory_space<hbm>> -> memref<16x128xf32, #tpu.memory_space<hbm>>
      tpu.wait_dma2 semaphore(%run_scoped3A : memref<!tpu.dma_semaphore, #tpu.memory_space<semaphore_mem>>) src(%dma_wait3A_657 : memref<16x128xf32, #tpu.memory_space<hbm>>) dst(%arg7 : memref<16x128xf32, #tpu.memory_space<vmem>>)
      tpu.yield
    }) : () -> ()
    %scan3A = arith.constant 0 : i32
    %scan3A_3 = arith.constant 0 : i32
    %scan3A_4 = arith.constant 32 : i32
    %scan3A_5 = arith.addi %scan3A_3, %scan3A_4 : i32
    %scan3A_6 = arith.constant 1 : i32
    scf.for %scan3A_650 = %scan3A_3 to %scan3A_5 step %scan3A_6  : i32 {
      %mul3A_651 = arith.constant 2 : i32
      %mul3A_652 = arith.muli %mul3A_651, %scan3A_650 : i32
      %mul3A_653 = arith.constant 2 : i32
      %mul3A_654 = arith.muli %mul3A_653, %scan3A_650 : i32
      %add3A_655 = arith.constant 1 : i32
      %add3A_656 = arith.addi %mul3A_654, %add3A_655 : i32
      %ge3A = arith.constant 1 : i32
      %ge3A_657 = arith.cmpi sge, %scan3A_650, %ge3A : i32
      %convert_element_type3A = arith.extui %ge3A_657 : i1 to i32
      %cond3A = arith.constant 0 : i32
      %cond3A_658 = arith.cmpi ne, %convert_element_type3A, %cond3A : i32
      scf.if %cond3A_658 {
        %dma_wait3A_1389 = arith.constant 0 : i32
        %dma_wait3A_1390 = arith.constant 0 : i32
        %dma_wait3A_1391 = arith.constant 0 : i32
        %dma_wait3A_1392 = arith.constant 0 : i32
        %dma_wait3A_1393 = arith.constant 0 : i32
        %dma_wait3A_1394 = tpu.memref_slice %arg8[%dma_wait3A_1389, %dma_wait3A_1392, %dma_wait3A_1393] : memref<8x64x128xf32, #tpu.memory_space<vmem>> -> memref<1x64x128xf32, #tpu.memory_space<vmem>>
        %dma_wait3A_1395 = tpu.memref_squeeze %dma_wait3A_1394 : memref<1x64x128xf32, #tpu.memory_space<vmem>> -> memref<64x128xf32, #tpu.memory_space<vmem>>
        %dma_wait3A_1396 = arith.constant 0 : i32
        %dma_wait3A_1397 = tpu.memref_slice %arg9[%dma_wait3A_1390, %dma_wait3A_1396] : memref<8x64xi32, #tpu.memory_space<vmem>> -> memref<1x64xi32, #tpu.memory_space<vmem>>
        %dma_wait3A_1398 = tpu.memref_squeeze %dma_wait3A_1397 : memref<1x64xi32, #tpu.memory_space<vmem>> -> memref<64xi32, #tpu.memory_space<vmem>>
        %dma_wait3A_1399 = arith.constant 0 : i32
        %dma_wait3A_1400 = arith.constant 0 : i32
        %dma_wait3A_1401 = tpu.memref_slice %arg5[%dma_wait3A_1399, %dma_wait3A_1400] : memref<524288x128xf32, #tpu.memory_space<hbm>> -> memref<524288x128xf32, #tpu.memory_space<hbm>>
        %dma_wait3A_1402 = tpu.memref_slice %arg11[%dma_wait3A_1391] : memref<8x!tpu.dma_semaphore, #tpu.memory_space<semaphore_mem>> -> memref<1x!tpu.dma_semaphore, #tpu.memory_space<semaphore_mem>>
        %dma_wait3A_1403 = tpu.memref_squeeze %dma_wait3A_1402 : memref<1x!tpu.dma_semaphore, #tpu.memory_space<semaphore_mem>> -> memref<!tpu.dma_semaphore, #tpu.memory_space<semaphore_mem>>
        tpu.wait_indirect_dma semaphore(%dma_wait3A_1403 : memref<!tpu.dma_semaphore, #tpu.memory_space<semaphore_mem>>) src(%dma_wait3A_1395 : memref<64x128xf32, #tpu.memory_space<vmem>>) dst(%dma_wait3A_1401 : memref<524288x128xf32, #tpu.memory_space<hbm>>)
        %dma_wait3A_1404 = arith.constant 1 : i32
        %dma_wait3A_1405 = arith.constant 1 : i32
        %dma_wait3A_1406 = arith.constant 1 : i32
        %dma_wait3A_1407 = arith.constant 0 : i32
        %dma_wait3A_1408 = arith.constant 0 : i32
        %dma_wait3A_1409 = tpu.memref_slice %arg8[%dma_wait3A_1404, %dma_wait3A_1407, %dma_wait3A_1408] : memref<8x64x128xf32, #tpu.memory_space<vmem>> -> memref<1x64x128xf32, #tpu.memory_space<vmem>>
        %dma_wait3A_1410 = tpu.memref_squeeze %dma_wait3A_1409 : memref<1x64x128xf32, #tpu.memory_space<vmem>> -> memref<64x128xf32, #tpu.memory_space<vmem>>
        %dma_wait3A_1411 = arith.constant 0 : i32
        %dma_wait3A_1412 = tpu.memref_slice %arg9[%dma_wait3A_1405, %dma_wait3A_1411] : memref<8x64xi32, #tpu.memory_space<vmem>> -> memref<1x64xi32, #tpu.memory_space<vmem>>
        %dma_wait3A_1413 = tpu.memref_squeeze %dma_wait3A_1412 : memref<1x64xi32, #tpu.memory_space<vmem>> -> memref<64xi32, #tpu.memory_space<vmem>>
        %dma_wait3A_1414 = arith.constant 0 : i32
        %dma_wait3A_1415 = arith.constant 0 : i32
        %dma_wait3A_1416 = tpu.memref_slice %arg5[%dma_wait3A_1414, %dma_wait3A_1415] : memref<524288x128xf32, #tpu.memory_space<hbm>> -> memref<524288x128xf32, #tpu.memory_space<hbm>>
        %dma_wait3A_1417 = tpu.memref_slice %arg11[%dma_wait3A_1406] : memref<8x!tpu.dma_semaphore, #tpu.memory_space<semaphore_mem>> -> memref<1x!tpu.dma_semaphore, #tpu.memory_space<semaphore_mem>>
        %dma_wait3A_1418 = tpu.memref_squeeze %dma_wait3A_1417 : memref<1x!tpu.dma_semaphore, #tpu.memory_space<semaphore_mem>> -> memref<!tpu.dma_semaphore, #tpu.memory_space<semaphore_mem>>
        tpu.wait_indirect_dma semaphore(%dma_wait3A_1418 : memref<!tpu.dma_semaphore, #tpu.memory_space<semaphore_mem>>) src(%dma_wait3A_1410 : memref<64x128xf32, #tpu.memory_space<vmem>>) dst(%dma_wait3A_1416 : memref<524288x128xf32, #tpu.memory_space<hbm>>)
        %dma_wait3A_1419 = arith.constant 2 : i32
        %dma_wait3A_1420 = arith.constant 2 : i32
        %dma_wait3A_1421 = arith.constant 2 : i32
        %dma_wait3A_1422 = arith.constant 0 : i32
        %dma_wait3A_1423 = arith.constant 0 : i32
        %dma_wait3A_1424 = tpu.memref_slice %arg8[%dma_wait3A_1419, %dma_wait3A_1422, %dma_wait3A_1423] : memref<8x64x128xf32, #tpu.memory_space<vmem>> -> memref<1x64x128xf32, #tpu.memory_space<vmem>>
        %dma_wait3A_1425 = tpu.memref_squeeze %dma_wait3A_1424 : memref<1x64x128xf32, #tpu.memory_space<vmem>> -> memref<64x128xf32, #tpu.memory_space<vmem>>
        %dma_wait3A_1426 = arith.constant 0 : i32
        %dma_wait3A_1427 = tpu.memref_slice %arg9[%dma_wait3A_1420, %dma_wait3A_1426] : memref<8x64xi32, #tpu.memory_space<vmem>> -> memref<1x64xi32, #tpu.memory_space<vmem>>
        %dma_wait3A_1428 = tpu.memref_squeeze %dma_wait3A_1427 : memref<1x64xi32, #tpu.memory_space<vmem>> -> memref<64xi32, #tpu.memory_space<vmem>>
        %dma_wait3A_1429 = arith.constant 0 : i32
        %dma_wait3A_1430 = arith.constant 0 : i32
        %dma_wait3A_1431 = tpu.memref_slice %arg5[%dma_wait3A_1429, %dma_wait3A_1430] : memref<524288x128xf32, #tpu.memory_space<hbm>> -> memref<524288x128xf32, #tpu.memory_space<hbm>>
        %dma_wait3A_1432 = tpu.memref_slice %arg11[%dma_wait3A_1421] : memref<8x!tpu.dma_semaphore, #tpu.memory_space<semaphore_mem>> -> memref<1x!tpu.dma_semaphore, #tpu.memory_space<semaphore_mem>>
        %dma_wait3A_1433 = tpu.memref_squeeze %dma_wait3A_1432 : memref<1x!tpu.dma_semaphore, #tpu.memory_space<semaphore_mem>> -> memref<!tpu.dma_semaphore, #tpu.memory_space<semaphore_mem>>
        tpu.wait_indirect_dma semaphore(%dma_wait3A_1433 : memref<!tpu.dma_semaphore, #tpu.memory_space<semaphore_mem>>) src(%dma_wait3A_1425 : memref<64x128xf32, #tpu.memory_space<vmem>>) dst(%dma_wait3A_1431 : memref<524288x128xf32, #tpu.memory_space<hbm>>)
        %dma_wait3A_1434 = arith.constant 3 : i32
        %dma_wait3A_1435 = arith.constant 3 : i32
        %dma_wait3A_1436 = arith.constant 3 : i32
        %dma_wait3A_1437 = arith.constant 0 : i32
        %dma_wait3A_1438 = arith.constant 0 : i32
        %dma_wait3A_1439 = tpu.memref_slice %arg8[%dma_wait3A_1434, %dma_wait3A_1437, %dma_wait3A_1438] : memref<8x64x128xf32, #tpu.memory_space<vmem>> -> memref<1x64x128xf32, #tpu.memory_space<vmem>>
        %dma_wait3A_1440 = tpu.memref_squeeze %dma_wait3A_1439 : memref<1x64x128xf32, #tpu.memory_space<vmem>> -> memref<64x128xf32, #tpu.memory_space<vmem>>
        %dma_wait3A_1441 = arith.constant 0 : i32
        %dma_wait3A_1442 = tpu.memref_slice %arg9[%dma_wait3A_1435, %dma_wait3A_1441] : memref<8x64xi32, #tpu.memory_space<vmem>> -> memref<1x64xi32, #tpu.memory_space<vmem>>
        %dma_wait3A_1443 = tpu.memref_squeeze %dma_wait3A_1442 : memref<1x64xi32, #tpu.memory_space<vmem>> -> memref<64xi32, #tpu.memory_space<vmem>>
        %dma_wait3A_1444 = arith.constant 0 : i32
        %dma_wait3A_1445 = arith.constant 0 : i32
        %dma_wait3A_1446 = tpu.memref_slice %arg5[%dma_wait3A_1444, %dma_wait3A_1445] : memref<524288x128xf32, #tpu.memory_space<hbm>> -> memref<524288x128xf32, #tpu.memory_space<hbm>>
        %dma_wait3A_1447 = tpu.memref_slice %arg11[%dma_wait3A_1436] : memref<8x!tpu.dma_semaphore, #tpu.memory_space<semaphore_mem>> -> memref<1x!tpu.dma_semaphore, #tpu.memory_space<semaphore_mem>>
        %dma_wait3A_1448 = tpu.memref_squeeze %dma_wait3A_1447 : memref<1x!tpu.dma_semaphore, #tpu.memory_space<semaphore_mem>> -> memref<!tpu.dma_semaphore, #tpu.memory_space<semaphore_mem>>
        tpu.wait_indirect_dma semaphore(%dma_wait3A_1448 : memref<!tpu.dma_semaphore, #tpu.memory_space<semaphore_mem>>) src(%dma_wait3A_1440 : memref<64x128xf32, #tpu.memory_space<vmem>>) dst(%dma_wait3A_1446 : memref<524288x128xf32, #tpu.memory_space<hbm>>)
        %mul3A_1449 = arith.constant 4 : i32
        %mul3A_1450 = arith.muli %mul3A_1449, %mul3A_652 : i32
        %add3A_1451 = arith.constant 0 : i32
        %add3A_1452 = arith.addi %mul3A_1450, %add3A_1451 : i32
        %shift_right_arithmetic3A_1453 = arith.constant 4 : i32
        %shift_right_arithmetic3A_1454 = arith.shrsi %add3A_1452, %shift_right_arithmetic3A_1453 : i32
        %and3A_1455 = arith.constant 15 : i32
        %and3A_1456 = arith.andi %add3A_1452, %and3A_1455 : i32
        %mul3A_1457 = arith.constant 64 : i32
        %mul3A_1458 = arith.muli %and3A_1456, %mul3A_1457 : i32
        %dma_start3A_1459 = arith.constant 0 : i32
        %dma_start3A_1460 = arith.constant 0 : i32
        %dma_start3A_1461 = arith.constant 0 : i32
        %dma_start3A_1462 = arith.constant 0 : i32
        %dma_start3A_1463 = tpu.memref_slice %arg8[%dma_start3A_1459, %dma_start3A_1461, %dma_start3A_1462] : memref<8x64x128xf32, #tpu.memory_space<vmem>> -> memref<1x64x128xf32, #tpu.memory_space<vmem>>
        %dma_start3A_1464 = tpu.memref_squeeze %dma_start3A_1463 : memref<1x64x128xf32, #tpu.memory_space<vmem>> -> memref<64x128xf32, #tpu.memory_space<vmem>>
        %dma_start3A_1465 = tpu.memref_slice %arg6[%shift_right_arithmetic3A_1454, %mul3A_1458] : memref<16x1024xi32, #tpu.memory_space<vmem>> -> memref<1x64xi32, #tpu.memory_space<vmem>>
        %dma_start3A_1466 = tpu.memref_squeeze %dma_start3A_1465 : memref<1x64xi32, #tpu.memory_space<vmem>> -> memref<64xi32, #tpu.memory_space<vmem>>
        %dma_start3A_1467 = arith.constant 0 : i32
        %dma_start3A_1468 = arith.constant 0 : i32
        %dma_start3A_1469 = tpu.memref_slice %arg3[%dma_start3A_1467, %dma_start3A_1468] : memref<100000x128xf32, #tpu.memory_space<hbm>> -> memref<100000x128xf32, #tpu.memory_space<hbm>>
        %dma_start3A_1470 = tpu.memref_slice %arg10[%dma_start3A_1460] : memref<8x!tpu.dma_semaphore, #tpu.memory_space<semaphore_mem>> -> memref<1x!tpu.dma_semaphore, #tpu.memory_space<semaphore_mem>>
        %dma_start3A_1471 = tpu.memref_squeeze %dma_start3A_1470 : memref<1x!tpu.dma_semaphore, #tpu.memory_space<semaphore_mem>> -> memref<!tpu.dma_semaphore, #tpu.memory_space<semaphore_mem>>
        tpu.enqueue_indirect_dma source(%dma_start3A_1469 : memref<100000x128xf32, #tpu.memory_space<hbm>>) target(%dma_start3A_1464 : memref<64x128xf32, #tpu.memory_space<vmem>>) offsets(%dma_start3A_1466 : memref<64xi32, #tpu.memory_space<vmem>>) semaphore(%dma_start3A_1471 : memref<!tpu.dma_semaphore, #tpu.memory_space<semaphore_mem>>)
        %mul3A_1472 = arith.constant 4 : i32
        %mul3A_1473 = arith.muli %mul3A_1472, %mul3A_652 : i32
        %add3A_1474 = arith.constant 1 : i32
        %add3A_1475 = arith.addi %mul3A_1473, %add3A_1474 : i32
        %shift_right_arithmetic3A_1476 = arith.constant 4 : i32
        %shift_right_arithmetic3A_1477 = arith.shrsi %add3A_1475, %shift_right_arithmetic3A_1476 : i32
        %and3A_1478 = arith.constant 15 : i32
        %and3A_1479 = arith.andi %add3A_1475, %and3A_1478 : i32
        %mul3A_1480 = arith.constant 64 : i32
        %mul3A_1481 = arith.muli %and3A_1479, %mul3A_1480 : i32
        %dma_start3A_1482 = arith.constant 1 : i32
        %dma_start3A_1483 = arith.constant 1 : i32
        %dma_start3A_1484 = arith.constant 0 : i32
        %dma_start3A_1485 = arith.constant 0 : i32
        %dma_start3A_1486 = tpu.memref_slice %arg8[%dma_start3A_1482, %dma_start3A_1484, %dma_start3A_1485] : memref<8x64x128xf32, #tpu.memory_space<vmem>> -> memref<1x64x128xf32, #tpu.memory_space<vmem>>
        %dma_start3A_1487 = tpu.memref_squeeze %dma_start3A_1486 : memref<1x64x128xf32, #tpu.memory_space<vmem>> -> memref<64x128xf32, #tpu.memory_space<vmem>>
        %dma_start3A_1488 = tpu.memref_slice %arg6[%shift_right_arithmetic3A_1477, %mul3A_1481] : memref<16x1024xi32, #tpu.memory_space<vmem>> -> memref<1x64xi32, #tpu.memory_space<vmem>>
        %dma_start3A_1489 = tpu.memref_squeeze %dma_start3A_1488 : memref<1x64xi32, #tpu.memory_space<vmem>> -> memref<64xi32, #tpu.memory_space<vmem>>
        %dma_start3A_1490 = arith.constant 0 : i32
        %dma_start3A_1491 = arith.constant 0 : i32
        %dma_start3A_1492 = tpu.memref_slice %arg3[%dma_start3A_1490, %dma_start3A_1491] : memref<100000x128xf32, #tpu.memory_space<hbm>> -> memref<100000x128xf32, #tpu.memory_space<hbm>>
        %dma_start3A_1493 = tpu.memref_slice %arg10[%dma_start3A_1483] : memref<8x!tpu.dma_semaphore, #tpu.memory_space<semaphore_mem>> -> memref<1x!tpu.dma_semaphore, #tpu.memory_space<semaphore_mem>>
        %dma_start3A_1494 = tpu.memref_squeeze %dma_start3A_1493 : memref<1x!tpu.dma_semaphore, #tpu.memory_space<semaphore_mem>> -> memref<!tpu.dma_semaphore, #tpu.memory_space<semaphore_mem>>
        tpu.enqueue_indirect_dma source(%dma_start3A_1492 : memref<100000x128xf32, #tpu.memory_space<hbm>>) target(%dma_start3A_1487 : memref<64x128xf32, #tpu.memory_space<vmem>>) offsets(%dma_start3A_1489 : memref<64xi32, #tpu.memory_space<vmem>>) semaphore(%dma_start3A_1494 : memref<!tpu.dma_semaphore, #tpu.memory_space<semaphore_mem>>)
        %mul3A_1495 = arith.constant 4 : i32
        %mul3A_1496 = arith.muli %mul3A_1495, %mul3A_652 : i32
        %add3A_1497 = arith.constant 2 : i32
        %add3A_1498 = arith.addi %mul3A_1496, %add3A_1497 : i32
        %shift_right_arithmetic3A_1499 = arith.constant 4 : i32
        %shift_right_arithmetic3A_1500 = arith.shrsi %add3A_1498, %shift_right_arithmetic3A_1499 : i32
        %and3A_1501 = arith.constant 15 : i32
        %and3A_1502 = arith.andi %add3A_1498, %and3A_1501 : i32
        %mul3A_1503 = arith.constant 64 : i32
        %mul3A_1504 = arith.muli %and3A_1502, %mul3A_1503 : i32
        %dma_start3A_1505 = arith.constant 2 : i32
        %dma_start3A_1506 = arith.constant 2 : i32
        %dma_start3A_1507 = arith.constant 0 : i32
        %dma_start3A_1508 = arith.constant 0 : i32
        %dma_start3A_1509 = tpu.memref_slice %arg8[%dma_start3A_1505, %dma_start3A_1507, %dma_start3A_1508] : memref<8x64x128xf32, #tpu.memory_space<vmem>> -> memref<1x64x128xf32, #tpu.memory_space<vmem>>
        %dma_start3A_1510 = tpu.memref_squeeze %dma_start3A_1509 : memref<1x64x128xf32, #tpu.memory_space<vmem>> -> memref<64x128xf32, #tpu.memory_space<vmem>>
        %dma_start3A_1511 = tpu.memref_slice %arg6[%shift_right_arithmetic3A_1500, %mul3A_1504] : memref<16x1024xi32, #tpu.memory_space<vmem>> -> memref<1x64xi32, #tpu.memory_space<vmem>>
        %dma_start3A_1512 = tpu.memref_squeeze %dma_start3A_1511 : memref<1x64xi32, #tpu.memory_space<vmem>> -> memref<64xi32, #tpu.memory_space<vmem>>
        %dma_start3A_1513 = arith.constant 0 : i32
        %dma_start3A_1514 = arith.constant 0 : i32
        %dma_start3A_1515 = tpu.memref_slice %arg3[%dma_start3A_1513, %dma_start3A_1514] : memref<100000x128xf32, #tpu.memory_space<hbm>> -> memref<100000x128xf32, #tpu.memory_space<hbm>>
        %dma_start3A_1516 = tpu.memref_slice %arg10[%dma_start3A_1506] : memref<8x!tpu.dma_semaphore, #tpu.memory_space<semaphore_mem>> -> memref<1x!tpu.dma_semaphore, #tpu.memory_space<semaphore_mem>>
        %dma_start3A_1517 = tpu.memref_squeeze %dma_start3A_1516 : memref<1x!tpu.dma_semaphore, #tpu.memory_space<semaphore_mem>> -> memref<!tpu.dma_semaphore, #tpu.memory_space<semaphore_mem>>
        tpu.enqueue_indirect_dma source(%dma_start3A_1515 : memref<100000x128xf32, #tpu.memory_space<hbm>>) target(%dma_start3A_1510 : memref<64x128xf32, #tpu.memory_space<vmem>>) offsets(%dma_start3A_1512 : memref<64xi32, #tpu.memory_space<vmem>>) semaphore(%dma_start3A_1517 : memref<!tpu.dma_semaphore, #tpu.memory_space<semaphore_mem>>)
        %mul3A_1518 = arith.constant 4 : i32
        %mul3A_1519 = arith.muli %mul3A_1518, %mul3A_652 : i32
        %add3A_1520 = arith.constant 3 : i32
        %add3A_1521 = arith.addi %mul3A_1519, %add3A_1520 : i32
        %shift_right_arithmetic3A_1522 = arith.constant 4 : i32
        %shift_right_arithmetic3A_1523 = arith.shrsi %add3A_1521, %shift_right_arithmetic3A_1522 : i32
        %and3A_1524 = arith.constant 15 : i32
        %and3A_1525 = arith.andi %add3A_1521, %and3A_1524 : i32
        %mul3A_1526 = arith.constant 64 : i32
        %mul3A_1527 = arith.muli %and3A_1525, %mul3A_1526 : i32
        %dma_start3A_1528 = arith.constant 3 : i32
        %dma_start3A_1529 = arith.constant 3 : i32
        %dma_start3A_1530 = arith.constant 0 : i32
        %dma_start3A_1531 = arith.constant 0 : i32
        %dma_start3A_1532 = tpu.memref_slice %arg8[%dma_start3A_1528, %dma_start3A_1530, %dma_start3A_1531] : memref<8x64x128xf32, #tpu.memory_space<vmem>> -> memref<1x64x128xf32, #tpu.memory_space<vmem>>
        %dma_start3A_1533 = tpu.memref_squeeze %dma_start3A_1532 : memref<1x64x128xf32, #tpu.memory_space<vmem>> -> memref<64x128xf32, #tpu.memory_space<vmem>>
        %dma_start3A_1534 = tpu.memref_slice %arg6[%shift_right_arithmetic3A_1523, %mul3A_1527] : memref<16x1024xi32, #tpu.memory_space<vmem>> -> memref<1x64xi32, #tpu.memory_space<vmem>>
        %dma_start3A_1535 = tpu.memref_squeeze %dma_start3A_1534 : memref<1x64xi32, #tpu.memory_space<vmem>> -> memref<64xi32, #tpu.memory_space<vmem>>
        %dma_start3A_1536 = arith.constant 0 : i32
        %dma_start3A_1537 = arith.constant 0 : i32
        %dma_start3A_1538 = tpu.memref_slice %arg3[%dma_start3A_1536, %dma_start3A_1537] : memref<100000x128xf32, #tpu.memory_space<hbm>> -> memref<100000x128xf32, #tpu.memory_space<hbm>>
        %dma_start3A_1539 = tpu.memref_slice %arg10[%dma_start3A_1529] : memref<8x!tpu.dma_semaphore, #tpu.memory_space<semaphore_mem>> -> memref<1x!tpu.dma_semaphore, #tpu.memory_space<semaphore_mem>>
        %dma_start3A_1540 = tpu.memref_squeeze %dma_start3A_1539 : memref<1x!tpu.dma_semaphore, #tpu.memory_space<semaphore_mem>> -> memref<!tpu.dma_semaphore, #tpu.memory_space<semaphore_mem>>
        tpu.enqueue_indirect_dma source(%dma_start3A_1538 : memref<100000x128xf32, #tpu.memory_space<hbm>>) target(%dma_start3A_1533 : memref<64x128xf32, #tpu.memory_space<vmem>>) offsets(%dma_start3A_1535 : memref<64xi32, #tpu.memory_space<vmem>>) semaphore(%dma_start3A_1540 : memref<!tpu.dma_semaphore, #tpu.memory_space<semaphore_mem>>)
        %sub3A = arith.constant 1 : i32
        %sub3A_1541 = arith.subi %mul3A_652, %sub3A : i32
        %mul3A_1542 = arith.constant 4 : i32
        %mul3A_1543 = arith.muli %mul3A_1542, %sub3A_1541 : i32
        %add3A_1544 = arith.constant 0 : i32
        %add3A_1545 = arith.addi %mul3A_1543, %add3A_1544 : i32
        %shift_right_arithmetic3A_1546 = arith.constant 4 : i32
        %shift_right_arithmetic3A_1547 = arith.shrsi %add3A_1545, %shift_right_arithmetic3A_1546 : i32
        %and3A_1548 = arith.constant 15 : i32
        %and3A_1549 = arith.andi %add3A_1545, %and3A_1548 : i32
        %add3A_1550 = arith.addi %mul3A_2, %shift_right_arithmetic3A_1547 : i32
        %iota3A_1551 = tpu.iota {dimensions = array<i32: 0>} : vector<16xi32>
        %mul3A_1552 = arith.constant 512 : i32
        %mul3A_1553 = vector.broadcast %mul3A_1552 : i32 to vector<16xi32>
        %mul3A_1554 = arith.muli %iota3A_1551, %mul3A_1553 : vector<16xi32>
        %mul3A_1555 = arith.constant 64 : i32
        %mul3A_1556 = arith.muli %and3A_1549, %mul3A_1555 : i32
        %add3A_1557 = arith.constant 0 : i32
        %add3A_1558 = arith.addi %mul3A_1556, %add3A_1557 : i32
        %mul3A_1559 = arith.constant 512 : i32
        %mul3A_1560 = arith.muli %add3A_1558, %mul3A_1559 : i32
        %add3A_1561 = vector.broadcast %mul3A_1560 : i32 to vector<16xi32>
        %add3A_1562 = arith.addi %mul3A_1554, %add3A_1561 : vector<16xi32>
        %add3A_1563 = vector.broadcast %add3A_1550 : i32 to vector<16xi32>
        %add3A_1564 = arith.addi %add3A_1562, %add3A_1563 : vector<16xi32>
        %swap3A_1565 = arith.constant 4 : i32
        %swap3A_1566 = arith.index_cast %swap3A_1565 : i32 to index
        %swap3A_1567 = arith.constant 0 : index
        %swap3A_1568 = tpu.vector_load %arg9[%swap3A_1566, %swap3A_1567] {strides = array<i32>} : memref<8x64xi32, #tpu.memory_space<vmem>>, vector<1x16xi32>,
        %swap3A_1569 = vector.shape_cast %swap3A_1568 : vector<1x16xi32> to vector<16xi32>
        %swap3A_1570 = vector.shape_cast %add3A_1564 : vector<16xi32> to vector<1x16xi32>
        tpu.vector_store %arg9[%swap3A_1566, %swap3A_1567], %swap3A_1570 {strides = array<i32>} : memref<8x64xi32, #tpu.memory_space<vmem>>, vector<1x16xi32>,
        %mul3A_1571 = arith.constant 512 : i32
        %mul3A_1572 = vector.broadcast %mul3A_1571 : i32 to vector<16xi32>
        %mul3A_1573 = arith.muli %iota3A_1551, %mul3A_1572 : vector<16xi32>
        %mul3A_1574 = arith.constant 64 : i32
        %mul3A_1575 = arith.muli %and3A_1549, %mul3A_1574 : i32
        %add3A_1576 = arith.constant 16 : i32
        %add3A_1577 = arith.addi %mul3A_1575, %add3A_1576 : i32
        %mul3A_1578 = arith.constant 512 : i32
        %mul3A_1579 = arith.muli %add3A_1577, %mul3A_1578 : i32
        %add3A_1580 = vector.broadcast %mul3A_1579 : i32 to vector<16xi32>
        %add3A_1581 = arith.addi %mul3A_1573, %add3A_1580 : vector<16xi32>
        %add3A_1582 = vector.broadcast %add3A_1550 : i32 to vector<16xi32>
        %add3A_1583 = arith.addi %add3A_1581, %add3A_1582 : vector<16xi32>
        %swap3A_1584 = arith.constant 4 : i32
        %swap3A_1585 = arith.index_cast %swap3A_1584 : i32 to index
        %swap3A_1586 = arith.constant 16 : index
        %swap3A_1587 = tpu.vector_load %arg9[%swap3A_1585, %swap3A_1586] {strides = array<i32>} : memref<8x64xi32, #tpu.memory_space<vmem>>, vector<1x16xi32>,
        %swap3A_1588 = vector.shape_cast %swap3A_1587 : vector<1x16xi32> to vector<16xi32>
        %swap3A_1589 = vector.shape_cast %add3A_1583 : vector<16xi32> to vector<1x16xi32>
        tpu.vector_store %arg9[%swap3A_1585, %swap3A_1586], %swap3A_1589 {strides = array<i32>} : memref<8x64xi32, #tpu.memory_space<vmem>>, vector<1x16xi32>,
        %mul3A_1590 = arith.constant 512 : i32
        %mul3A_1591 = vector.broadcast %mul3A_1590 : i32 to vector<16xi32>
        %mul3A_1592 = arith.muli %iota3A_1551, %mul3A_1591 : vector<16xi32>
        %mul3A_1593 = arith.constant 64 : i32
        %mul3A_1594 = arith.muli %and3A_1549, %mul3A_1593 : i32
        %add3A_1595 = arith.constant 32 : i32
        %add3A_1596 = arith.addi %mul3A_1594, %add3A_1595 : i32
        %mul3A_1597 = arith.constant 512 : i32
        %mul3A_1598 = arith.muli %add3A_1596, %mul3A_1597 : i32
        %add3A_1599 = vector.broadcast %mul3A_1598 : i32 to vector<16xi32>
        %add3A_1600 = arith.addi %mul3A_1592, %add3A_1599 : vector<16xi32>
        %add3A_1601 = vector.broadcast %add3A_1550 : i32 to vector<16xi32>
        %add3A_1602 = arith.addi %add3A_1600, %add3A_1601 : vector<16xi32>
        %swap3A_1603 = arith.constant 4 : i32
        %swap3A_1604 = arith.index_cast %swap3A_1603 : i32 to index
        %swap3A_1605 = arith.constant 32 : index
        %swap3A_1606 = tpu.vector_load %arg9[%swap3A_1604, %swap3A_1605] {strides = array<i32>} : memref<8x64xi32, #tpu.memory_space<vmem>>, vector<1x16xi32>,
        %swap3A_1607 = vector.shape_cast %swap3A_1606 : vector<1x16xi32> to vector<16xi32>
        %swap3A_1608 = vector.shape_cast %add3A_1602 : vector<16xi32> to vector<1x16xi32>
        tpu.vector_store %arg9[%swap3A_1604, %swap3A_1605], %swap3A_1608 {strides = array<i32>} : memref<8x64xi32, #tpu.memory_space<vmem>>, vector<1x16xi32>,
        %mul3A_1609 = arith.constant 512 : i32
        %mul3A_1610 = vector.broadcast %mul3A_1609 : i32 to vector<16xi32>
        %mul3A_1611 = arith.muli %iota3A_1551, %mul3A_1610 : vector<16xi32>
        %mul3A_1612 = arith.constant 64 : i32
        %mul3A_1613 = arith.muli %and3A_1549, %mul3A_1612 : i32
        %add3A_1614 = arith.constant 48 : i32
        %add3A_1615 = arith.addi %mul3A_1613, %add3A_1614 : i32
        %mul3A_1616 = arith.constant 512 : i32
        %mul3A_1617 = arith.muli %add3A_1615, %mul3A_1616 : i32
        %add3A_1618 = vector.broadcast %mul3A_1617 : i32 to vector<16xi32>
        %add3A_1619 = arith.addi %mul3A_1611, %add3A_1618 : vector<16xi32>
        %add3A_1620 = vector.broadcast %add3A_1550 : i32 to vector<16xi32>
        %add3A_1621 = arith.addi %add3A_1619, %add3A_1620 : vector<16xi32>
        %swap3A_1622 = arith.constant 4 : i32
        %swap3A_1623 = arith.index_cast %swap3A_1622 : i32 to index
        %swap3A_1624 = arith.constant 48 : index
        %swap3A_1625 = tpu.vector_load %arg9[%swap3A_1623, %swap3A_1624] {strides = array<i32>} : memref<8x64xi32, #tpu.memory_space<vmem>>, vector<1x16xi32>,
        %swap3A_1626 = vector.shape_cast %swap3A_1625 : vector<1x16xi32> to vector<16xi32>
        %swap3A_1627 = vector.shape_cast %add3A_1621 : vector<16xi32> to vector<1x16xi32>
        tpu.vector_store %arg9[%swap3A_1623, %swap3A_1624], %swap3A_1627 {strides = array<i32>} : memref<8x64xi32, #tpu.memory_space<vmem>>, vector<1x16xi32>,
        %get3A_1628 = arith.index_cast %shift_right_arithmetic3A_1547 : i32 to index
        %get3A_1629 = arith.constant 0 : index
        %get3A_1630 = tpu.vector_load %arg7[%get3A_1628, %get3A_1629] {strides = array<i32>} : memref<16x128xf32, #tpu.memory_space<vmem>>, vector<1x16xf32>,
        %get3A_1631 = vector.shape_cast %get3A_1630 : vector<1x16xf32> to vector<16xf32>
        %get3A_1632 = arith.index_cast %shift_right_arithmetic3A_1547 : i32 to index
        %get3A_1633 = arith.constant 16 : index
        %get3A_1634 = tpu.vector_load %arg7[%get3A_1632, %get3A_1633] {strides = array<i32>} : memref<16x128xf32, #tpu.memory_space<vmem>>, vector<1x16xf32>,
        %get3A_1635 = vector.shape_cast %get3A_1634 : vector<1x16xf32> to vector<16xf32>
        %get3A_1636 = arith.index_cast %shift_right_arithmetic3A_1547 : i32 to index
        %get3A_1637 = arith.constant 32 : index
        %get3A_1638 = tpu.vector_load %arg7[%get3A_1636, %get3A_1637] {strides = array<i32>} : memref<16x128xf32, #tpu.memory_space<vmem>>, vector<1x16xf32>,
        %get3A_1639 = vector.shape_cast %get3A_1638 : vector<1x16xf32> to vector<16xf32>
        %get3A_1640 = arith.index_cast %shift_right_arithmetic3A_1547 : i32 to index
        %get3A_1641 = arith.constant 48 : index
        %get3A_1642 = tpu.vector_load %arg7[%get3A_1640, %get3A_1641] {strides = array<i32>} : memref<16x128xf32, #tpu.memory_space<vmem>>, vector<1x16xf32>,
        %get3A_1643 = vector.shape_cast %get3A_1642 : vector<1x16xf32> to vector<16xf32>
        %get3A_1644 = arith.index_cast %shift_right_arithmetic3A_1547 : i32 to index
        %get3A_1645 = arith.constant 64 : index
        %get3A_1646 = tpu.vector_load %arg7[%get3A_1644, %get3A_1645] {strides = array<i32>} : memref<16x128xf32, #tpu.memory_space<vmem>>, vector<1x16xf32>,
        %get3A_1647 = vector.shape_cast %get3A_1646 : vector<1x16xf32> to vector<16xf32>
        %get3A_1648 = arith.index_cast %shift_right_arithmetic3A_1547 : i32 to index
        %get3A_1649 = arith.constant 80 : index
        %get3A_1650 = tpu.vector_load %arg7[%get3A_1648, %get3A_1649] {strides = array<i32>} : memref<16x128xf32, #tpu.memory_space<vmem>>, vector<1x16xf32>,
        %get3A_1651 = vector.shape_cast %get3A_1650 : vector<1x16xf32> to vector<16xf32>
        %get3A_1652 = arith.index_cast %shift_right_arithmetic3A_1547 : i32 to index
        %get3A_1653 = arith.constant 96 : index
        %get3A_1654 = tpu.vector_load %arg7[%get3A_1652, %get3A_1653] {strides = array<i32>} : memref<16x128xf32, #tpu.memory_space<vmem>>, vector<1x16xf32>,
        %get3A_1655 = vector.shape_cast %get3A_1654 : vector<1x16xf32> to vector<16xf32>
        %get3A_1656 = arith.index_cast %shift_right_arithmetic3A_1547 : i32 to index
        %get3A_1657 = arith.constant 112 : index
        %get3A_1658 = tpu.vector_load %arg7[%get3A_1656, %get3A_1657] {strides = array<i32>} : memref<16x128xf32, #tpu.memory_space<vmem>>, vector<1x16xf32>,
        %get3A_1659 = vector.shape_cast %get3A_1658 : vector<1x16xf32> to vector<16xf32>
        %mul3A_1660 = arith.constant 4 : i32
        %mul3A_1661 = arith.muli %mul3A_1660, %sub3A_1541 : i32
        %add3A_1662 = arith.constant 0 : i32
        %add3A_1663 = arith.addi %mul3A_1661, %add3A_1662 : i32
        %shift_right_arithmetic3A_1664 = arith.constant 4 : i32
        %shift_right_arithmetic3A_1665 = arith.shrsi %add3A_1663, %shift_right_arithmetic3A_1664 : i32
        %and3A_1666 = arith.constant 15 : i32
        %and3A_1667 = arith.andi %add3A_1663, %and3A_1666 : i32
        %mul3A_1668 = arith.constant 64 : i32
        %mul3A_1669 = arith.muli %and3A_1667, %mul3A_1668 : i32
        %dma_wait3A_1670 = arith.constant 4 : i32
        %dma_wait3A_1671 = arith.constant 4 : i32
        %dma_wait3A_1672 = arith.constant 0 : i32
        %dma_wait3A_1673 = arith.constant 0 : i32
        %dma_wait3A_1674 = tpu.memref_slice %arg8[%dma_wait3A_1670, %dma_wait3A_1672, %dma_wait3A_1673] : memref<8x64x128xf32, #tpu.memory_space<vmem>> -> memref<1x64x128xf32, #tpu.memory_space<vmem>>
        %dma_wait3A_1675 = tpu.memref_squeeze %dma_wait3A_1674 : memref<1x64x128xf32, #tpu.memory_space<vmem>> -> memref<64x128xf32, #tpu.memory_space<vmem>>
        %dma_wait3A_1676 = tpu.memref_slice %arg6[%shift_right_arithmetic3A_1665, %mul3A_1669] : memref<16x1024xi32, #tpu.memory_space<vmem>> -> memref<1x64xi32, #tpu.memory_space<vmem>>
        %dma_wait3A_1677 = tpu.memref_squeeze %dma_wait3A_1676 : memref<1x64xi32, #tpu.memory_space<vmem>> -> memref<64xi32, #tpu.memory_space<vmem>>
        %dma_wait3A_1678 = arith.constant 0 : i32
        %dma_wait3A_1679 = arith.constant 0 : i32
        %dma_wait3A_1680 = tpu.memref_slice %arg3[%dma_wait3A_1678, %dma_wait3A_1679] : memref<100000x128xf32, #tpu.memory_space<hbm>> -> memref<100000x128xf32, #tpu.memory_space<hbm>>
        %dma_wait3A_1681 = tpu.memref_slice %arg10[%dma_wait3A_1671] : memref<8x!tpu.dma_semaphore, #tpu.memory_space<semaphore_mem>> -> memref<1x!tpu.dma_semaphore, #tpu.memory_space<semaphore_mem>>
        %dma_wait3A_1682 = tpu.memref_squeeze %dma_wait3A_1681 : memref<1x!tpu.dma_semaphore, #tpu.memory_space<semaphore_mem>> -> memref<!tpu.dma_semaphore, #tpu.memory_space<semaphore_mem>>
        tpu.wait_indirect_dma semaphore(%dma_wait3A_1682 : memref<!tpu.dma_semaphore, #tpu.memory_space<semaphore_mem>>) src(%dma_wait3A_1680 : memref<100000x128xf32, #tpu.memory_space<hbm>>) dst(%dma_wait3A_1675 : memref<64x128xf32, #tpu.memory_space<vmem>>)
        %parallel_loop3A_1683 = arith.constant 0 : i32
        %parallel_loop3A_1684 = arith.constant 64 : i32
        %parallel_loop3A_1685 = arith.constant 1 : i32
        scf.for %parallel_loop3A_2238 = %parallel_loop3A_1683 to %parallel_loop3A_1684 step %parallel_loop3A_1685  : i32 {
          %parallel_loop3A_2239 = arith.constant 4 : i32
          %parallel_loop3A_2240 = arith.index_cast %parallel_loop3A_2239 : i32 to index
          %parallel_loop3A_2241 = arith.index_cast %parallel_loop3A_2238 : i32 to index
          %parallel_loop3A_2242 = arith.constant 0 : index
          %parallel_loop3A_2243 = tpu.vector_load %arg8[%parallel_loop3A_2240, %parallel_loop3A_2241, %parallel_loop3A_2242] {strides = array<i32>} : memref<8x64x128xf32, #tpu.memory_space<vmem>>, vector<1x1x16xf32>,
          %parallel_loop3A_2244 = vector.shape_cast %parallel_loop3A_2243 : vector<1x1x16xf32> to vector<16xf32>
          %parallel_loop3A_2245 = vector.shape_cast %get3A_1631 : vector<16xf32> to vector<1x1x16xf32>
          tpu.vector_store %arg8[%parallel_loop3A_2240, %parallel_loop3A_2241, %parallel_loop3A_2242], %parallel_loop3A_2245 {add = true, strides = array<i32>} : memref<8x64x128xf32, #tpu.memory_space<vmem>>, vector<1x1x16xf32>,
          %parallel_loop3A_2246 = arith.constant 4 : i32
          %parallel_loop3A_2247 = arith.index_cast %parallel_loop3A_2246 : i32 to index
          %parallel_loop3A_2248 = arith.index_cast %parallel_loop3A_2238 : i32 to index
          %parallel_loop3A_2249 = arith.constant 16 : index
          %parallel_loop3A_2250 = tpu.vector_load %arg8[%parallel_loop3A_2247, %parallel_loop3A_2248, %parallel_loop3A_2249] {strides = array<i32>} : memref<8x64x128xf32, #tpu.memory_space<vmem>>, vector<1x1x16xf32>,
          %parallel_loop3A_2251 = vector.shape_cast %parallel_loop3A_2250 : vector<1x1x16xf32> to vector<16xf32>
          %parallel_loop3A_2252 = vector.shape_cast %get3A_1635 : vector<16xf32> to vector<1x1x16xf32>
          tpu.vector_store %arg8[%parallel_loop3A_2247, %parallel_loop3A_2248, %parallel_loop3A_2249], %parallel_loop3A_2252 {add = true, strides = array<i32>} : memref<8x64x128xf32, #tpu.memory_space<vmem>>, vector<1x1x16xf32>,
          %parallel_loop3A_2253 = arith.constant 4 : i32
          %parallel_loop3A_2254 = arith.index_cast %parallel_loop3A_2253 : i32 to index
          %parallel_loop3A_2255 = arith.index_cast %parallel_loop3A_2238 : i32 to index
          %parallel_loop3A_2256 = arith.constant 32 : index
          %parallel_loop3A_2257 = tpu.vector_load %arg8[%parallel_loop3A_2254, %parallel_loop3A_2255, %parallel_loop3A_2256] {strides = array<i32>} : memref<8x64x128xf32, #tpu.memory_space<vmem>>, vector<1x1x16xf32>,
          %parallel_loop3A_2258 = vector.shape_cast %parallel_loop3A_2257 : vector<1x1x16xf32> to vector<16xf32>
          %parallel_loop3A_2259 = vector.shape_cast %get3A_1639 : vector<16xf32> to vector<1x1x16xf32>
          tpu.vector_store %arg8[%parallel_loop3A_2254, %parallel_loop3A_2255, %parallel_loop3A_2256], %parallel_loop3A_2259 {add = true, strides = array<i32>} : memref<8x64x128xf32, #tpu.memory_space<vmem>>, vector<1x1x16xf32>,
          %parallel_loop3A_2260 = arith.constant 4 : i32
          %parallel_loop3A_2261 = arith.index_cast %parallel_loop3A_2260 : i32 to index
          %parallel_loop3A_2262 = arith.index_cast %parallel_loop3A_2238 : i32 to index
          %parallel_loop3A_2263 = arith.constant 48 : index
          %parallel_loop3A_2264 = tpu.vector_load %arg8[%parallel_loop3A_2261, %parallel_loop3A_2262, %parallel_loop3A_2263] {strides = array<i32>} : memref<8x64x128xf32, #tpu.memory_space<vmem>>, vector<1x1x16xf32>,
          %parallel_loop3A_2265 = vector.shape_cast %parallel_loop3A_2264 : vector<1x1x16xf32> to vector<16xf32>
          %parallel_loop3A_2266 = vector.shape_cast %get3A_1643 : vector<16xf32> to vector<1x1x16xf32>
          tpu.vector_store %arg8[%parallel_loop3A_2261, %parallel_loop3A_2262, %parallel_loop3A_2263], %parallel_loop3A_2266 {add = true, strides = array<i32>} : memref<8x64x128xf32, #tpu.memory_space<vmem>>, vector<1x1x16xf32>,
          %parallel_loop3A_2267 = arith.constant 4 : i32
          %parallel_loop3A_2268 = arith.index_cast %parallel_loop3A_2267 : i32 to index
          %parallel_loop3A_2269 = arith.index_cast %parallel_loop3A_2238 : i32 to index
          %parallel_loop3A_2270 = arith.constant 64 : index
          %parallel_loop3A_2271 = tpu.vector_load %arg8[%parallel_loop3A_2268, %parallel_loop3A_2269, %parallel_loop3A_2270] {strides = array<i32>} : memref<8x64x128xf32, #tpu.memory_space<vmem>>, vector<1x1x16xf32>,
          %parallel_loop3A_2272 = vector.shape_cast %parallel_loop3A_2271 : vector<1x1x16xf32> to vector<16xf32>
          %parallel_loop3A_2273 = vector.shape_cast %get3A_1647 : vector<16xf32> to vector<1x1x16xf32>
          tpu.vector_store %arg8[%parallel_loop3A_2268, %parallel_loop3A_2269, %parallel_loop3A_2270], %parallel_loop3A_2273 {add = true, strides = array<i32>} : memref<8x64x128xf32, #tpu.memory_space<vmem>>, vector<1x1x16xf32>,
          %parallel_loop3A_2274 = arith.constant 4 : i32
          %parallel_loop3A_2275 = arith.index_cast %parallel_loop3A_2274 : i32 to index
          %parallel_loop3A_2276 = arith.index_cast %parallel_loop3A_2238 : i32 to index
          %parallel_loop3A_2277 = arith.constant 80 : index
          %parallel_loop3A_2278 = tpu.vector_load %arg8[%parallel_loop3A_2275, %parallel_loop3A_2276, %parallel_loop3A_2277] {strides = array<i32>} : memref<8x64x128xf32, #tpu.memory_space<vmem>>, vector<1x1x16xf32>,
          %parallel_loop3A_2279 = vector.shape_cast %parallel_loop3A_2278 : vector<1x1x16xf32> to vector<16xf32>
          %parallel_loop3A_2280 = vector.shape_cast %get3A_1651 : vector<16xf32> to vector<1x1x16xf32>
          tpu.vector_store %arg8[%parallel_loop3A_2275, %parallel_loop3A_2276, %parallel_loop3A_2277], %parallel_loop3A_2280 {add = true, strides = array<i32>} : memref<8x64x128xf32, #tpu.memory_space<vmem>>, vector<1x1x16xf32>,
          %parallel_loop3A_2281 = arith.constant 4 : i32
          %parallel_loop3A_2282 = arith.index_cast %parallel_loop3A_2281 : i32 to index
          %parallel_loop3A_2283 = arith.index_cast %parallel_loop3A_2238 : i32 to index
          %parallel_loop3A_2284 = arith.constant 96 : index
          %parallel_loop3A_2285 = tpu.vector_load %arg8[%parallel_loop3A_2282, %parallel_loop3A_2283, %parallel_loop3A_2284] {strides = array<i32>} : memref<8x64x128xf32, #tpu.memory_space<vmem>>, vector<1x1x16xf32>,
          %parallel_loop3A_2286 = vector.shape_cast %parallel_loop3A_2285 : vector<1x1x16xf32> to vector<16xf32>
          %parallel_loop3A_2287 = vector.shape_cast %get3A_1655 : vector<16xf32> to vector<1x1x16xf32>
          tpu.vector_store %arg8[%parallel_loop3A_2282, %parallel_loop3A_2283, %parallel_loop3A_2284], %parallel_loop3A_2287 {add = true, strides = array<i32>} : memref<8x64x128xf32, #tpu.memory_space<vmem>>, vector<1x1x16xf32>,
          %parallel_loop3A_2288 = arith.constant 4 : i32
          %parallel_loop3A_2289 = arith.index_cast %parallel_loop3A_2288 : i32 to index
          %parallel_loop3A_2290 = arith.index_cast %parallel_loop3A_2238 : i32 to index
          %parallel_loop3A_2291 = arith.constant 112 : index
          %parallel_loop3A_2292 = tpu.vector_load %arg8[%parallel_loop3A_2289, %parallel_loop3A_2290, %parallel_loop3A_2291] {strides = array<i32>} : memref<8x64x128xf32, #tpu.memory_space<vmem>>, vector<1x1x16xf32>,
          %parallel_loop3A_2293 = vector.shape_cast %parallel_loop3A_2292 : vector<1x1x16xf32> to vector<16xf32>
          %parallel_loop3A_2294 = vector.shape_cast %get3A_1659 : vector<16xf32> to vector<1x1x16xf32>
          tpu.vector_store %arg8[%parallel_loop3A_2289, %parallel_loop3A_2290, %parallel_loop3A_2291], %parallel_loop3A_2294 {add = true, strides = array<i32>} : memref<8x64x128xf32, #tpu.memory_space<vmem>>, vector<1x1x16xf32>,
        } {sc.loop_unroll_factor = 4 : i64, sc.parallel_access}
        %dma_start3A_1686 = arith.constant 4 : i32
        %dma_start3A_1687 = arith.constant 4 : i32
        %dma_start3A_1688 = arith.constant 4 : i32
        %dma_start3A_1689 = arith.constant 0 : i32
        %dma_start3A_1690 = arith.constant 0 : i32
        %dma_start3A_1691 = tpu.memref_slice %arg8[%dma_start3A_1686, %dma_start3A_1689, %dma_start3A_1690] : memref<8x64x128xf32, #tpu.memory_space<vmem>> -> memref<1x64x128xf32, #tpu.memory_space<vmem>>
        %dma_start3A_1692 = tpu.memref_squeeze %dma_start3A_1691 : memref<1x64x128xf32, #tpu.memory_space<vmem>> -> memref<64x128xf32, #tpu.memory_space<vmem>>
        %dma_start3A_1693 = arith.constant 0 : i32
        %dma_start3A_1694 = tpu.memref_slice %arg9[%dma_start3A_1687, %dma_start3A_1693] : memref<8x64xi32, #tpu.memory_space<vmem>> -> memref<1x64xi32, #tpu.memory_space<vmem>>
        %dma_start3A_1695 = tpu.memref_squeeze %dma_start3A_1694 : memref<1x64xi32, #tpu.memory_space<vmem>> -> memref<64xi32, #tpu.memory_space<vmem>>
        %dma_start3A_1696 = arith.constant 0 : i32
        %dma_start3A_1697 = arith.constant 0 : i32
        %dma_start3A_1698 = tpu.memref_slice %arg5[%dma_start3A_1696, %dma_start3A_1697] : memref<524288x128xf32, #tpu.memory_space<hbm>> -> memref<524288x128xf32, #tpu.memory_space<hbm>>
        %dma_start3A_1699 = tpu.memref_slice %arg11[%dma_start3A_1688] : memref<8x!tpu.dma_semaphore, #tpu.memory_space<semaphore_mem>> -> memref<1x!tpu.dma_semaphore, #tpu.memory_space<semaphore_mem>>
        %dma_start3A_1700 = tpu.memref_squeeze %dma_start3A_1699 : memref<1x!tpu.dma_semaphore, #tpu.memory_space<semaphore_mem>> -> memref<!tpu.dma_semaphore, #tpu.memory_space<semaphore_mem>>
        tpu.enqueue_indirect_dma source(%dma_start3A_1692 : memref<64x128xf32, #tpu.memory_space<vmem>>) target(%dma_start3A_1698 : memref<524288x128xf32, #tpu.memory_space<hbm>>) offsets(%dma_start3A_1695 : memref<64xi32, #tpu.memory_space<vmem>>) semaphore(%dma_start3A_1700 : memref<!tpu.dma_semaphore, #tpu.memory_space<semaphore_mem>>)
        %mul3A_1701 = arith.constant 4 : i32
        %mul3A_1702 = arith.muli %mul3A_1701, %sub3A_1541 : i32
        %add3A_1703 = arith.constant 1 : i32
        %add3A_1704 = arith.addi %mul3A_1702, %add3A_1703 : i32
        %shift_right_arithmetic3A_1705 = arith.constant 4 : i32
        %shift_right_arithmetic3A_1706 = arith.shrsi %add3A_1704, %shift_right_arithmetic3A_1705 : i32
        %and3A_1707 = arith.constant 15 : i32
        %and3A_1708 = arith.andi %add3A_1704, %and3A_1707 : i32
        %add3A_1709 = arith.addi %mul3A_2, %shift_right_arithmetic3A_1706 : i32
        %iota3A_1710 = tpu.iota {dimensions = array<i32: 0>} : vector<16xi32>
        %mul3A_1711 = arith.constant 512 : i32
        %mul3A_1712 = vector.broadcast %mul3A_1711 : i32 to vector<16xi32>
        %mul3A_1713 = arith.muli %iota3A_1710, %mul3A_1712 : vector<16xi32>
        %mul3A_1714 = arith.constant 64 : i32
        %mul3A_1715 = arith.muli %and3A_1708, %mul3A_1714 : i32
        %add3A_1716 = arith.constant 0 : i32
        %add3A_1717 = arith.addi %mul3A_1715, %add3A_1716 : i32
        %mul3A_1718 = arith.constant 512 : i32
        %mul3A_1719 = arith.muli %add3A_1717, %mul3A_1718 : i32
        %add3A_1720 = vector.broadcast %mul3A_1719 : i32 to vector<16xi32>
        %add3A_1721 = arith.addi %mul3A_1713, %add3A_1720 : vector<16xi32>
        %add3A_1722 = vector.broadcast %add3A_1709 : i32 to vector<16xi32>
        %add3A_1723 = arith.addi %add3A_1721, %add3A_1722 : vector<16xi32>
        %swap3A_1724 = arith.constant 5 : i32
        %swap3A_1725 = arith.index_cast %swap3A_1724 : i32 to index
        %swap3A_1726 = arith.constant 0 : index
        %swap3A_1727 = tpu.vector_load %arg9[%swap3A_1725, %swap3A_1726] {strides = array<i32>} : memref<8x64xi32, #tpu.memory_space<vmem>>, vector<1x16xi32>,
        %swap3A_1728 = vector.shape_cast %swap3A_1727 : vector<1x16xi32> to vector<16xi32>
        %swap3A_1729 = vector.shape_cast %add3A_1723 : vector<16xi32> to vector<1x16xi32>
        tpu.vector_store %arg9[%swap3A_1725, %swap3A_1726], %swap3A_1729 {strides = array<i32>} : memref<8x64xi32, #tpu.memory_space<vmem>>, vector<1x16xi32>,
        %mul3A_1730 = arith.constant 512 : i32
        %mul3A_1731 = vector.broadcast %mul3A_1730 : i32 to vector<16xi32>
        %mul3A_1732 = arith.muli %iota3A_1710, %mul3A_1731 : vector<16xi32>
        %mul3A_1733 = arith.constant 64 : i32
        %mul3A_1734 = arith.muli %and3A_1708, %mul3A_1733 : i32
        %add3A_1735 = arith.constant 16 : i32
        %add3A_1736 = arith.addi %mul3A_1734, %add3A_1735 : i32
        %mul3A_1737 = arith.constant 512 : i32
        %mul3A_1738 = arith.muli %add3A_1736, %mul3A_1737 : i32
        %add3A_1739 = vector.broadcast %mul3A_1738 : i32 to vector<16xi32>
        %add3A_1740 = arith.addi %mul3A_1732, %add3A_1739 : vector<16xi32>
        %add3A_1741 = vector.broadcast %add3A_1709 : i32 to vector<16xi32>
        %add3A_1742 = arith.addi %add3A_1740, %add3A_1741 : vector<16xi32>
        %swap3A_1743 = arith.constant 5 : i32
        %swap3A_1744 = arith.index_cast %swap3A_1743 : i32 to index
        %swap3A_1745 = arith.constant 16 : index
        %swap3A_1746 = tpu.vector_load %arg9[%swap3A_1744, %swap3A_1745] {strides = array<i32>} : memref<8x64xi32, #tpu.memory_space<vmem>>, vector<1x16xi32>,
        %swap3A_1747 = vector.shape_cast %swap3A_1746 : vector<1x16xi32> to vector<16xi32>
        %swap3A_1748 = vector.shape_cast %add3A_1742 : vector<16xi32> to vector<1x16xi32>
        tpu.vector_store %arg9[%swap3A_1744, %swap3A_1745], %swap3A_1748 {strides = array<i32>} : memref<8x64xi32, #tpu.memory_space<vmem>>, vector<1x16xi32>,
        %mul3A_1749 = arith.constant 512 : i32
        %mul3A_1750 = vector.broadcast %mul3A_1749 : i32 to vector<16xi32>
        %mul3A_1751 = arith.muli %iota3A_1710, %mul3A_1750 : vector<16xi32>
        %mul3A_1752 = arith.constant 64 : i32
        %mul3A_1753 = arith.muli %and3A_1708, %mul3A_1752 : i32
        %add3A_1754 = arith.constant 32 : i32
        %add3A_1755 = arith.addi %mul3A_1753, %add3A_1754 : i32
        %mul3A_1756 = arith.constant 512 : i32
        %mul3A_1757 = arith.muli %add3A_1755, %mul3A_1756 : i32
        %add3A_1758 = vector.broadcast %mul3A_1757 : i32 to vector<16xi32>
        %add3A_1759 = arith.addi %mul3A_1751, %add3A_1758 : vector<16xi32>
        %add3A_1760 = vector.broadcast %add3A_1709 : i32 to vector<16xi32>
        %add3A_1761 = arith.addi %add3A_1759, %add3A_1760 : vector<16xi32>
        %swap3A_1762 = arith.constant 5 : i32
        %swap3A_1763 = arith.index_cast %swap3A_1762 : i32 to index
        %swap3A_1764 = arith.constant 32 : index
        %swap3A_1765 = tpu.vector_load %arg9[%swap3A_1763, %swap3A_1764] {strides = array<i32>} : memref<8x64xi32, #tpu.memory_space<vmem>>, vector<1x16xi32>,
        %swap3A_1766 = vector.shape_cast %swap3A_1765 : vector<1x16xi32> to vector<16xi32>
        %swap3A_1767 = vector.shape_cast %add3A_1761 : vector<16xi32> to vector<1x16xi32>
        tpu.vector_store %arg9[%swap3A_1763, %swap3A_1764], %swap3A_1767 {strides = array<i32>} : memref<8x64xi32, #tpu.memory_space<vmem>>, vector<1x16xi32>,
        %mul3A_1768 = arith.constant 512 : i32
        %mul3A_1769 = vector.broadcast %mul3A_1768 : i32 to vector<16xi32>
        %mul3A_1770 = arith.muli %iota3A_1710, %mul3A_1769 : vector<16xi32>
        %mul3A_1771 = arith.constant 64 : i32
        %mul3A_1772 = arith.muli %and3A_1708, %mul3A_1771 : i32
        %add3A_1773 = arith.constant 48 : i32
        %add3A_1774 = arith.addi %mul3A_1772, %add3A_1773 : i32
        %mul3A_1775 = arith.constant 512 : i32
        %mul3A_1776 = arith.muli %add3A_1774, %mul3A_1775 : i32
        %add3A_1777 = vector.broadcast %mul3A_1776 : i32 to vector<16xi32>
        %add3A_1778 = arith.addi %mul3A_1770, %add3A_1777 : vector<16xi32>
        %add3A_1779 = vector.broadcast %add3A_1709 : i32 to vector<16xi32>
        %add3A_1780 = arith.addi %add3A_1778, %add3A_1779 : vector<16xi32>
        %swap3A_1781 = arith.constant 5 : i32
        %swap3A_1782 = arith.index_cast %swap3A_1781 : i32 to index
        %swap3A_1783 = arith.constant 48 : index
        %swap3A_1784 = tpu.vector_load %arg9[%swap3A_1782, %swap3A_1783] {strides = array<i32>} : memref<8x64xi32, #tpu.memory_space<vmem>>, vector<1x16xi32>,
        %swap3A_1785 = vector.shape_cast %swap3A_1784 : vector<1x16xi32> to vector<16xi32>
        %swap3A_1786 = vector.shape_cast %add3A_1780 : vector<16xi32> to vector<1x16xi32>
        tpu.vector_store %arg9[%swap3A_1782, %swap3A_1783], %swap3A_1786 {strides = array<i32>} : memref<8x64xi32, #tpu.memory_space<vmem>>, vector<1x16xi32>,
        %get3A_1787 = arith.index_cast %shift_right_arithmetic3A_1706 : i32 to index
        %get3A_1788 = arith.constant 0 : index
        %get3A_1789 = tpu.vector_load %arg7[%get3A_1787, %get3A_1788] {strides = array<i32>} : memref<16x128xf32, #tpu.memory_space<vmem>>, vector<1x16xf32>,
        %get3A_1790 = vector.shape_cast %get3A_1789 : vector<1x16xf32> to vector<16xf32>
        %get3A_1791 = arith.index_cast %shift_right_arithmetic3A_1706 : i32 to index
        %get3A_1792 = arith.constant 16 : index
        %get3A_1793 = tpu.vector_load %arg7[%get3A_1791, %get3A_1792] {strides = array<i32>} : memref<16x128xf32, #tpu.memory_space<vmem>>, vector<1x16xf32>,
        %get3A_1794 = vector.shape_cast %get3A_1793 : vector<1x16xf32> to vector<16xf32>
        %get3A_1795 = arith.index_cast %shift_right_arithmetic3A_1706 : i32 to index
        %get3A_1796 = arith.constant 32 : index
        %get3A_1797 = tpu.vector_load %arg7[%get3A_1795, %get3A_1796] {strides = array<i32>} : memref<16x128xf32, #tpu.memory_space<vmem>>, vector<1x16xf32>,
        %get3A_1798 = vector.shape_cast %get3A_1797 : vector<1x16xf32> to vector<16xf32>
        %get3A_1799 = arith.index_cast %shift_right_arithmetic3A_1706 : i32 to index
        %get3A_1800 = arith.constant 48 : index
        %get3A_1801 = tpu.vector_load %arg7[%get3A_1799, %get3A_1800] {strides = array<i32>} : memref<16x128xf32, #tpu.memory_space<vmem>>, vector<1x16xf32>,
        %get3A_1802 = vector.shape_cast %get3A_1801 : vector<1x16xf32> to vector<16xf32>
        %get3A_1803 = arith.index_cast %shift_right_arithmetic3A_1706 : i32 to index
        %get3A_1804 = arith.constant 64 : index
        %get3A_1805 = tpu.vector_load %arg7[%get3A_1803, %get3A_1804] {strides = array<i32>} : memref<16x128xf32, #tpu.memory_space<vmem>>, vector<1x16xf32>,
        %get3A_1806 = vector.shape_cast %get3A_1805 : vector<1x16xf32> to vector<16xf32>
        %get3A_1807 = arith.index_cast %shift_right_arithmetic3A_1706 : i32 to index
        %get3A_1808 = arith.constant 80 : index
        %get3A_1809 = tpu.vector_load %arg7[%get3A_1807, %get3A_1808] {strides = array<i32>} : memref<16x128xf32, #tpu.memory_space<vmem>>, vector<1x16xf32>,
        %get3A_1810 = vector.shape_cast %get3A_1809 : vector<1x16xf32> to vector<16xf32>
        %get3A_1811 = arith.index_cast %shift_right_arithmetic3A_1706 : i32 to index
        %get3A_1812 = arith.constant 96 : index
        %get3A_1813 = tpu.vector_load %arg7[%get3A_1811, %get3A_1812] {strides = array<i32>} : memref<16x128xf32, #tpu.memory_space<vmem>>, vector<1x16xf32>,
        %get3A_1814 = vector.shape_cast %get3A_1813 : vector<1x16xf32> to vector<16xf32>
        %get3A_1815 = arith.index_cast %shift_right_arithmetic3A_1706 : i32 to index
        %get3A_1816 = arith.constant 112 : index
        %get3A_1817 = tpu.vector_load %arg7[%get3A_1815, %get3A_1816] {strides = array<i32>} : memref<16x128xf32, #tpu.memory_space<vmem>>, vector<1x16xf32>,
        %get3A_1818 = vector.shape_cast %get3A_1817 : vector<1x16xf32> to vector<16xf32>
        %mul3A_1819 = arith.constant 4 : i32
        %mul3A_1820 = arith.muli %mul3A_1819, %sub3A_1541 : i32
        %add3A_1821 = arith.constant 1 : i32
        %add3A_1822 = arith.addi %mul3A_1820, %add3A_1821 : i32
        %shift_right_arithmetic3A_1823 = arith.constant 4 : i32
        %shift_right_arithmetic3A_1824 = arith.shrsi %add3A_1822, %shift_right_arithmetic3A_1823 : i32
        %and3A_1825 = arith.constant 15 : i32
        %and3A_1826 = arith.andi %add3A_1822, %and3A_1825 : i32
        %mul3A_1827 = arith.constant 64 : i32
        %mul3A_1828 = arith.muli %and3A_1826, %mul3A_1827 : i32
        %dma_wait3A_1829 = arith.constant 5 : i32
        %dma_wait3A_1830 = arith.constant 5 : i32
        %dma_wait3A_1831 = arith.constant 0 : i32
        %dma_wait3A_1832 = arith.constant 0 : i32
        %dma_wait3A_1833 = tpu.memref_slice %arg8[%dma_wait3A_1829, %dma_wait3A_1831, %dma_wait3A_1832] : memref<8x64x128xf32, #tpu.memory_space<vmem>> -> memref<1x64x128xf32, #tpu.memory_space<vmem>>
        %dma_wait3A_1834 = tpu.memref_squeeze %dma_wait3A_1833 : memref<1x64x128xf32, #tpu.memory_space<vmem>> -> memref<64x128xf32, #tpu.memory_space<vmem>>
        %dma_wait3A_1835 = tpu.memref_slice %arg6[%shift_right_arithmetic3A_1824, %mul3A_1828] : memref<16x1024xi32, #tpu.memory_space<vmem>> -> memref<1x64xi32, #tpu.memory_space<vmem>>
        %dma_wait3A_1836 = tpu.memref_squeeze %dma_wait3A_1835 : memref<1x64xi32, #tpu.memory_space<vmem>> -> memref<64xi32, #tpu.memory_space<vmem>>
        %dma_wait3A_1837 = arith.constant 0 : i32
        %dma_wait3A_1838 = arith.constant 0 : i32
        %dma_wait3A_1839 = tpu.memref_slice %arg3[%dma_wait3A_1837, %dma_wait3A_1838] : memref<100000x128xf32, #tpu.memory_space<hbm>> -> memref<100000x128xf32, #tpu.memory_space<hbm>>
        %dma_wait3A_1840 = tpu.memref_slice %arg10[%dma_wait3A_1830] : memref<8x!tpu.dma_semaphore, #tpu.memory_space<semaphore_mem>> -> memref<1x!tpu.dma_semaphore, #tpu.memory_space<semaphore_mem>>
        %dma_wait3A_1841 = tpu.memref_squeeze %dma_wait3A_1840 : memref<1x!tpu.dma_semaphore, #tpu.memory_space<semaphore_mem>> -> memref<!tpu.dma_semaphore, #tpu.memory_space<semaphore_mem>>
        tpu.wait_indirect_dma semaphore(%dma_wait3A_1841 : memref<!tpu.dma_semaphore, #tpu.memory_space<semaphore_mem>>) src(%dma_wait3A_1839 : memref<100000x128xf32, #tpu.memory_space<hbm>>) dst(%dma_wait3A_1834 : memref<64x128xf32, #tpu.memory_space<vmem>>)
        %parallel_loop3A_1842 = arith.constant 0 : i32
        %parallel_loop3A_1843 = arith.constant 64 : i32
        %parallel_loop3A_1844 = arith.constant 1 : i32
        scf.for %parallel_loop3A_2238 = %parallel_loop3A_1842 to %parallel_loop3A_1843 step %parallel_loop3A_1844  : i32 {
          %parallel_loop3A_2239 = arith.constant 5 : i32
          %parallel_loop3A_2240 = arith.index_cast %parallel_loop3A_2239 : i32 to index
          %parallel_loop3A_2241 = arith.index_cast %parallel_loop3A_2238 : i32 to index
          %parallel_loop3A_2242 = arith.constant 0 : index
          %parallel_loop3A_2243 = tpu.vector_load %arg8[%parallel_loop3A_2240, %parallel_loop3A_2241, %parallel_loop3A_2242] {strides = array<i32>} : memref<8x64x128xf32, #tpu.memory_space<vmem>>, vector<1x1x16xf32>,
          %parallel_loop3A_2244 = vector.shape_cast %parallel_loop3A_2243 : vector<1x1x16xf32> to vector<16xf32>
          %parallel_loop3A_2245 = vector.shape_cast %get3A_1790 : vector<16xf32> to vector<1x1x16xf32>
          tpu.vector_store %arg8[%parallel_loop3A_2240, %parallel_loop3A_2241, %parallel_loop3A_2242], %parallel_loop3A_2245 {add = true, strides = array<i32>} : memref<8x64x128xf32, #tpu.memory_space<vmem>>, vector<1x1x16xf32>,
          %parallel_loop3A_2246 = arith.constant 5 : i32
          %parallel_loop3A_2247 = arith.index_cast %parallel_loop3A_2246 : i32 to index
          %parallel_loop3A_2248 = arith.index_cast %parallel_loop3A_2238 : i32 to index
          %parallel_loop3A_2249 = arith.constant 16 : index
          %parallel_loop3A_2250 = tpu.vector_load %arg8[%parallel_loop3A_2247, %parallel_loop3A_2248, %parallel_loop3A_2249] {strides = array<i32>} : memref<8x64x128xf32, #tpu.memory_space<vmem>>, vector<1x1x16xf32>,
          %parallel_loop3A_2251 = vector.shape_cast %parallel_loop3A_2250 : vector<1x1x16xf32> to vector<16xf32>
          %parallel_loop3A_2252 = vector.shape_cast %get3A_1794 : vector<16xf32> to vector<1x1x16xf32>
          tpu.vector_store %arg8[%parallel_loop3A_2247, %parallel_loop3A_2248, %parallel_loop3A_2249], %parallel_loop3A_2252 {add = true, strides = array<i32>} : memref<8x64x128xf32, #tpu.memory_space<vmem>>, vector<1x1x16xf32>,
          %parallel_loop3A_2253 = arith.constant 5 : i32
          %parallel_loop3A_2254 = arith.index_cast %parallel_loop3A_2253 : i32 to index
          %parallel_loop3A_2255 = arith.index_cast %parallel_loop3A_2238 : i32 to index
          %parallel_loop3A_2256 = arith.constant 32 : index
          %parallel_loop3A_2257 = tpu.vector_load %arg8[%parallel_loop3A_2254, %parallel_loop3A_2255, %parallel_loop3A_2256] {strides = array<i32>} : memref<8x64x128xf32, #tpu.memory_space<vmem>>, vector<1x1x16xf32>,
          %parallel_loop3A_2258 = vector.shape_cast %parallel_loop3A_2257 : vector<1x1x16xf32> to vector<16xf32>
          %parallel_loop3A_2259 = vector.shape_cast %get3A_1798 : vector<16xf32> to vector<1x1x16xf32>
          tpu.vector_store %arg8[%parallel_loop3A_2254, %parallel_loop3A_2255, %parallel_loop3A_2256], %parallel_loop3A_2259 {add = true, strides = array<i32>} : memref<8x64x128xf32, #tpu.memory_space<vmem>>, vector<1x1x16xf32>,
          %parallel_loop3A_2260 = arith.constant 5 : i32
          %parallel_loop3A_2261 = arith.index_cast %parallel_loop3A_2260 : i32 to index
          %parallel_loop3A_2262 = arith.index_cast %parallel_loop3A_2238 : i32 to index
          %parallel_loop3A_2263 = arith.constant 48 : index
          %parallel_loop3A_2264 = tpu.vector_load %arg8[%parallel_loop3A_2261, %parallel_loop3A_2262, %parallel_loop3A_2263] {strides = array<i32>} : memref<8x64x128xf32, #tpu.memory_space<vmem>>, vector<1x1x16xf32>,
          %parallel_loop3A_2265 = vector.shape_cast %parallel_loop3A_2264 : vector<1x1x16xf32> to vector<16xf32>
          %parallel_loop3A_2266 = vector.shape_cast %get3A_1802 : vector<16xf32> to vector<1x1x16xf32>
          tpu.vector_store %arg8[%parallel_loop3A_2261, %parallel_loop3A_2262, %parallel_loop3A_2263], %parallel_loop3A_2266 {add = true, strides = array<i32>} : memref<8x64x128xf32, #tpu.memory_space<vmem>>, vector<1x1x16xf32>,
          %parallel_loop3A_2267 = arith.constant 5 : i32
          %parallel_loop3A_2268 = arith.index_cast %parallel_loop3A_2267 : i32 to index
          %parallel_loop3A_2269 = arith.index_cast %parallel_loop3A_2238 : i32 to index
          %parallel_loop3A_2270 = arith.constant 64 : index
          %parallel_loop3A_2271 = tpu.vector_load %arg8[%parallel_loop3A_2268, %parallel_loop3A_2269, %parallel_loop3A_2270] {strides = array<i32>} : memref<8x64x128xf32, #tpu.memory_space<vmem>>, vector<1x1x16xf32>,
          %parallel_loop3A_2272 = vector.shape_cast %parallel_loop3A_2271 : vector<1x1x16xf32> to vector<16xf32>
          %parallel_loop3A_2273 = vector.shape_cast %get3A_1806 : vector<16xf32> to vector<1x1x16xf32>
          tpu.vector_store %arg8[%parallel_loop3A_2268, %parallel_loop3A_2269, %parallel_loop3A_2270], %parallel_loop3A_2273 {add = true, strides = array<i32>} : memref<8x64x128xf32, #tpu.memory_space<vmem>>, vector<1x1x16xf32>,
          %parallel_loop3A_2274 = arith.constant 5 : i32
          %parallel_loop3A_2275 = arith.index_cast %parallel_loop3A_2274 : i32 to index
          %parallel_loop3A_2276 = arith.index_cast %parallel_loop3A_2238 : i32 to index
          %parallel_loop3A_2277 = arith.constant 80 : index
          %parallel_loop3A_2278 = tpu.vector_load %arg8[%parallel_loop3A_2275, %parallel_loop3A_2276, %parallel_loop3A_2277] {strides = array<i32>} : memref<8x64x128xf32, #tpu.memory_space<vmem>>, vector<1x1x16xf32>,
          %parallel_loop3A_2279 = vector.shape_cast %parallel_loop3A_2278 : vector<1x1x16xf32> to vector<16xf32>
          %parallel_loop3A_2280 = vector.shape_cast %get3A_1810 : vector<16xf32> to vector<1x1x16xf32>
          tpu.vector_store %arg8[%parallel_loop3A_2275, %parallel_loop3A_2276, %parallel_loop3A_2277], %parallel_loop3A_2280 {add = true, strides = array<i32>} : memref<8x64x128xf32, #tpu.memory_space<vmem>>, vector<1x1x16xf32>,
          %parallel_loop3A_2281 = arith.constant 5 : i32
          %parallel_loop3A_2282 = arith.index_cast %parallel_loop3A_2281 : i32 to index
          %parallel_loop3A_2283 = arith.index_cast %parallel_loop3A_2238 : i32 to index
          %parallel_loop3A_2284 = arith.constant 96 : index
          %parallel_loop3A_2285 = tpu.vector_load %arg8[%parallel_loop3A_2282, %parallel_loop3A_2283, %parallel_loop3A_2284] {strides = array<i32>} : memref<8x64x128xf32, #tpu.memory_space<vmem>>, vector<1x1x16xf32>,
          %parallel_loop3A_2286 = vector.shape_cast %parallel_loop3A_2285 : vector<1x1x16xf32> to vector<16xf32>
          %parallel_loop3A_2287 = vector.shape_cast %get3A_1814 : vector<16xf32> to vector<1x1x16xf32>
          tpu.vector_store %arg8[%parallel_loop3A_2282, %parallel_loop3A_2283, %parallel_loop3A_2284], %parallel_loop3A_2287 {add = true, strides = array<i32>} : memref<8x64x128xf32, #tpu.memory_space<vmem>>, vector<1x1x16xf32>,
          %parallel_loop3A_2288 = arith.constant 5 : i32
          %parallel_loop3A_2289 = arith.index_cast %parallel_loop3A_2288 : i32 to index
          %parallel_loop3A_2290 = arith.index_cast %parallel_loop3A_2238 : i32 to index
          %parallel_loop3A_2291 = arith.constant 112 : index
          %parallel_loop3A_2292 = tpu.vector_load %arg8[%parallel_loop3A_2289, %parallel_loop3A_2290, %parallel_loop3A_2291] {strides = array<i32>} : memref<8x64x128xf32, #tpu.memory_space<vmem>>, vector<1x1x16xf32>,
          %parallel_loop3A_2293 = vector.shape_cast %parallel_loop3A_2292 : vector<1x1x16xf32> to vector<16xf32>
          %parallel_loop3A_2294 = vector.shape_cast %get3A_1818 : vector<16xf32> to vector<1x1x16xf32>
          tpu.vector_store %arg8[%parallel_loop3A_2289, %parallel_loop3A_2290, %parallel_loop3A_2291], %parallel_loop3A_2294 {add = true, strides = array<i32>} : memref<8x64x128xf32, #tpu.memory_space<vmem>>, vector<1x1x16xf32>,
        } {sc.loop_unroll_factor = 4 : i64, sc.parallel_access}
        %dma_start3A_1845 = arith.constant 5 : i32
        %dma_start3A_1846 = arith.constant 5 : i32
        %dma_start3A_1847 = arith.constant 5 : i32
        %dma_start3A_1848 = arith.constant 0 : i32
        %dma_start3A_1849 = arith.constant 0 : i32
        %dma_start3A_1850 = tpu.memref_slice %arg8[%dma_start3A_1845, %dma_start3A_1848, %dma_start3A_1849] : memref<8x64x128xf32, #tpu.memory_space<vmem>> -> memref<1x64x128xf32, #tpu.memory_space<vmem>>
        %dma_start3A_1851 = tpu.memref_squeeze %dma_start3A_1850 : memref<1x64x128xf32, #tpu.memory_space<vmem>> -> memref<64x128xf32, #tpu.memory_space<vmem>>
        %dma_start3A_1852 = arith.constant 0 : i32
        %dma_start3A_1853 = tpu.memref_slice %arg9[%dma_start3A_1846, %dma_start3A_1852] : memref<8x64xi32, #tpu.memory_space<vmem>> -> memref<1x64xi32, #tpu.memory_space<vmem>>
        %dma_start3A_1854 = tpu.memref_squeeze %dma_start3A_1853 : memref<1x64xi32, #tpu.memory_space<vmem>> -> memref<64xi32, #tpu.memory_space<vmem>>
        %dma_start3A_1855 = arith.constant 0 : i32
        %dma_start3A_1856 = arith.constant 0 : i32
        %dma_start3A_1857 = tpu.memref_slice %arg5[%dma_start3A_1855, %dma_start3A_1856] : memref<524288x128xf32, #tpu.memory_space<hbm>> -> memref<524288x128xf32, #tpu.memory_space<hbm>>
        %dma_start3A_1858 = tpu.memref_slice %arg11[%dma_start3A_1847] : memref<8x!tpu.dma_semaphore, #tpu.memory_space<semaphore_mem>> -> memref<1x!tpu.dma_semaphore, #tpu.memory_space<semaphore_mem>>
        %dma_start3A_1859 = tpu.memref_squeeze %dma_start3A_1858 : memref<1x!tpu.dma_semaphore, #tpu.memory_space<semaphore_mem>> -> memref<!tpu.dma_semaphore, #tpu.memory_space<semaphore_mem>>
        tpu.enqueue_indirect_dma source(%dma_start3A_1851 : memref<64x128xf32, #tpu.memory_space<vmem>>) target(%dma_start3A_1857 : memref<524288x128xf32, #tpu.memory_space<hbm>>) offsets(%dma_start3A_1854 : memref<64xi32, #tpu.memory_space<vmem>>) semaphore(%dma_start3A_1859 : memref<!tpu.dma_semaphore, #tpu.memory_space<semaphore_mem>>)
        %mul3A_1860 = arith.constant 4 : i32
        %mul3A_1861 = arith.muli %mul3A_1860, %sub3A_1541 : i32
        %add3A_1862 = arith.constant 2 : i32
        %add3A_1863 = arith.addi %mul3A_1861, %add3A_1862 : i32
        %shift_right_arithmetic3A_1864 = arith.constant 4 : i32
        %shift_right_arithmetic3A_1865 = arith.shrsi %add3A_1863, %shift_right_arithmetic3A_1864 : i32
        %and3A_1866 = arith.constant 15 : i32
        %and3A_1867 = arith.andi %add3A_1863, %and3A_1866 : i32
        %add3A_1868 = arith.addi %mul3A_2, %shift_right_arithmetic3A_1865 : i32
        %iota3A_1869 = tpu.iota {dimensions = array<i32: 0>} : vector<16xi32>
        %mul3A_1870 = arith.constant 512 : i32
        %mul3A_1871 = vector.broadcast %mul3A_1870 : i32 to vector<16xi32>
        %mul3A_1872 = arith.muli %iota3A_1869, %mul3A_1871 : vector<16xi32>
        %mul3A_1873 = arith.constant 64 : i32
        %mul3A_1874 = arith.muli %and3A_1867, %mul3A_1873 : i32
        %add3A_1875 = arith.constant 0 : i32
        %add3A_1876 = arith.addi %mul3A_1874, %add3A_1875 : i32
        %mul3A_1877 = arith.constant 512 : i32
        %mul3A_1878 = arith.muli %add3A_1876, %mul3A_1877 : i32
        %add3A_1879 = vector.broadcast %mul3A_1878 : i32 to vector<16xi32>
        %add3A_1880 = arith.addi %mul3A_1872, %add3A_1879 : vector<16xi32>
        %add3A_1881 = vector.broadcast %add3A_1868 : i32 to vector<16xi32>
        %add3A_1882 = arith.addi %add3A_1880, %add3A_1881 : vector<16xi32>
        %swap3A_1883 = arith.constant 6 : i32
        %swap3A_1884 = arith.index_cast %swap3A_1883 : i32 to index
        %swap3A_1885 = arith.constant 0 : index
        %swap3A_1886 = tpu.vector_load %arg9[%swap3A_1884, %swap3A_1885] {strides = array<i32>} : memref<8x64xi32, #tpu.memory_space<vmem>>, vector<1x16xi32>,
        %swap3A_1887 = vector.shape_cast %swap3A_1886 : vector<1x16xi32> to vector<16xi32>
        %swap3A_1888 = vector.shape_cast %add3A_1882 : vector<16xi32> to vector<1x16xi32>
        tpu.vector_store %arg9[%swap3A_1884, %swap3A_1885], %swap3A_1888 {strides = array<i32>} : memref<8x64xi32, #tpu.memory_space<vmem>>, vector<1x16xi32>,
        %mul3A_1889 = arith.constant 512 : i32
        %mul3A_1890 = vector.broadcast %mul3A_1889 : i32 to vector<16xi32>
        %mul3A_1891 = arith.muli %iota3A_1869, %mul3A_1890 : vector<16xi32>
        %mul3A_1892 = arith.constant 64 : i32
        %mul3A_1893 = arith.muli %and3A_1867, %mul3A_1892 : i32
        %add3A_1894 = arith.constant 16 : i32
        %add3A_1895 = arith.addi %mul3A_1893, %add3A_1894 : i32
        %mul3A_1896 = arith.constant 512 : i32
        %mul3A_1897 = arith.muli %add3A_1895, %mul3A_1896 : i32
        %add3A_1898 = vector.broadcast %mul3A_1897 : i32 to vector<16xi32>
        %add3A_1899 = arith.addi %mul3A_1891, %add3A_1898 : vector<16xi32>
        %add3A_1900 = vector.broadcast %add3A_1868 : i32 to vector<16xi32>
        %add3A_1901 = arith.addi %add3A_1899, %add3A_1900 : vector<16xi32>
        %swap3A_1902 = arith.constant 6 : i32
        %swap3A_1903 = arith.index_cast %swap3A_1902 : i32 to index
        %swap3A_1904 = arith.constant 16 : index
        %swap3A_1905 = tpu.vector_load %arg9[%swap3A_1903, %swap3A_1904] {strides = array<i32>} : memref<8x64xi32, #tpu.memory_space<vmem>>, vector<1x16xi32>,
        %swap3A_1906 = vector.shape_cast %swap3A_1905 : vector<1x16xi32> to vector<16xi32>
        %swap3A_1907 = vector.shape_cast %add3A_1901 : vector<16xi32> to vector<1x16xi32>
        tpu.vector_store %arg9[%swap3A_1903, %swap3A_1904], %swap3A_1907 {strides = array<i32>} : memref<8x64xi32, #tpu.memory_space<vmem>>, vector<1x16xi32>,
        %mul3A_1908 = arith.constant 512 : i32
        %mul3A_1909 = vector.broadcast %mul3A_1908 : i32 to vector<16xi32>
        %mul3A_1910 = arith.muli %iota3A_1869, %mul3A_1909 : vector<16xi32>
        %mul3A_1911 = arith.constant 64 : i32
        %mul3A_1912 = arith.muli %and3A_1867, %mul3A_1911 : i32
        %add3A_1913 = arith.constant 32 : i32
        %add3A_1914 = arith.addi %mul3A_1912, %add3A_1913 : i32
        %mul3A_1915 = arith.constant 512 : i32
        %mul3A_1916 = arith.muli %add3A_1914, %mul3A_1915 : i32
        %add3A_1917 = vector.broadcast %mul3A_1916 : i32 to vector<16xi32>
        %add3A_1918 = arith.addi %mul3A_1910, %add3A_1917 : vector<16xi32>
        %add3A_1919 = vector.broadcast %add3A_1868 : i32 to vector<16xi32>
        %add3A_1920 = arith.addi %add3A_1918, %add3A_1919 : vector<16xi32>
        %swap3A_1921 = arith.constant 6 : i32
        %swap3A_1922 = arith.index_cast %swap3A_1921 : i32 to index
        %swap3A_1923 = arith.constant 32 : index
        %swap3A_1924 = tpu.vector_load %arg9[%swap3A_1922, %swap3A_1923] {strides = array<i32>} : memref<8x64xi32, #tpu.memory_space<vmem>>, vector<1x16xi32>,
        %swap3A_1925 = vector.shape_cast %swap3A_1924 : vector<1x16xi32> to vector<16xi32>
        %swap3A_1926 = vector.shape_cast %add3A_1920 : vector<16xi32> to vector<1x16xi32>
        tpu.vector_store %arg9[%swap3A_1922, %swap3A_1923], %swap3A_1926 {strides = array<i32>} : memref<8x64xi32, #tpu.memory_space<vmem>>, vector<1x16xi32>,
        %mul3A_1927 = arith.constant 512 : i32
        %mul3A_1928 = vector.broadcast %mul3A_1927 : i32 to vector<16xi32>
        %mul3A_1929 = arith.muli %iota3A_1869, %mul3A_1928 : vector<16xi32>
        %mul3A_1930 = arith.constant 64 : i32
        %mul3A_1931 = arith.muli %and3A_1867, %mul3A_1930 : i32
        %add3A_1932 = arith.constant 48 : i32
        %add3A_1933 = arith.addi %mul3A_1931, %add3A_1932 : i32
        %mul3A_1934 = arith.constant 512 : i32
        %mul3A_1935 = arith.muli %add3A_1933, %mul3A_1934 : i32
        %add3A_1936 = vector.broadcast %mul3A_1935 : i32 to vector<16xi32>
        %add3A_1937 = arith.addi %mul3A_1929, %add3A_1936 : vector<16xi32>
        %add3A_1938 = vector.broadcast %add3A_1868 : i32 to vector<16xi32>
        %add3A_1939 = arith.addi %add3A_1937, %add3A_1938 : vector<16xi32>
        %swap3A_1940 = arith.constant 6 : i32
        %swap3A_1941 = arith.index_cast %swap3A_1940 : i32 to index
        %swap3A_1942 = arith.constant 48 : index
        %swap3A_1943 = tpu.vector_load %arg9[%swap3A_1941, %swap3A_1942] {strides = array<i32>} : memref<8x64xi32, #tpu.memory_space<vmem>>, vector<1x16xi32>,
        %swap3A_1944 = vector.shape_cast %swap3A_1943 : vector<1x16xi32> to vector<16xi32>
        %swap3A_1945 = vector.shape_cast %add3A_1939 : vector<16xi32> to vector<1x16xi32>
        tpu.vector_store %arg9[%swap3A_1941, %swap3A_1942], %swap3A_1945 {strides = array<i32>} : memref<8x64xi32, #tpu.memory_space<vmem>>, vector<1x16xi32>,
        %get3A_1946 = arith.index_cast %shift_right_arithmetic3A_1865 : i32 to index
        %get3A_1947 = arith.constant 0 : index
        %get3A_1948 = tpu.vector_load %arg7[%get3A_1946, %get3A_1947] {strides = array<i32>} : memref<16x128xf32, #tpu.memory_space<vmem>>, vector<1x16xf32>,
        %get3A_1949 = vector.shape_cast %get3A_1948 : vector<1x16xf32> to vector<16xf32>
        %get3A_1950 = arith.index_cast %shift_right_arithmetic3A_1865 : i32 to index
        %get3A_1951 = arith.constant 16 : index
        %get3A_1952 = tpu.vector_load %arg7[%get3A_1950, %get3A_1951] {strides = array<i32>} : memref<16x128xf32, #tpu.memory_space<vmem>>, vector<1x16xf32>,
        %get3A_1953 = vector.shape_cast %get3A_1952 : vector<1x16xf32> to vector<16xf32>
        %get3A_1954 = arith.index_cast %shift_right_arithmetic3A_1865 : i32 to index
        %get3A_1955 = arith.constant 32 : index
        %get3A_1956 = tpu.vector_load %arg7[%get3A_1954, %get3A_1955] {strides = array<i32>} : memref<16x128xf32, #tpu.memory_space<vmem>>, vector<1x16xf32>,
        %get3A_1957 = vector.shape_cast %get3A_1956 : vector<1x16xf32> to vector<16xf32>
        %get3A_1958 = arith.index_cast %shift_right_arithmetic3A_1865 : i32 to index
        %get3A_1959 = arith.constant 48 : index
        %get3A_1960 = tpu.vector_load %arg7[%get3A_1958, %get3A_1959] {strides = array<i32>} : memref<16x128xf32, #tpu.memory_space<vmem>>, vector<1x16xf32>,
        %get3A_1961 = vector.shape_cast %get3A_1960 : vector<1x16xf32> to vector<16xf32>
        %get3A_1962 = arith.index_cast %shift_right_arithmetic3A_1865 : i32 to index
        %get3A_1963 = arith.constant 64 : index
        %get3A_1964 = tpu.vector_load %arg7[%get3A_1962, %get3A_1963] {strides = array<i32>} : memref<16x128xf32, #tpu.memory_space<vmem>>, vector<1x16xf32>,
        %get3A_1965 = vector.shape_cast %get3A_1964 : vector<1x16xf32> to vector<16xf32>
        %get3A_1966 = arith.index_cast %shift_right_arithmetic3A_1865 : i32 to index
        %get3A_1967 = arith.constant 80 : index
        %get3A_1968 = tpu.vector_load %arg7[%get3A_1966, %get3A_1967] {strides = array<i32>} : memref<16x128xf32, #tpu.memory_space<vmem>>, vector<1x16xf32>,
        %get3A_1969 = vector.shape_cast %get3A_1968 : vector<1x16xf32> to vector<16xf32>
        %get3A_1970 = arith.index_cast %shift_right_arithmetic3A_1865 : i32 to index
        %get3A_1971 = arith.constant 96 : index
        %get3A_1972 = tpu.vector_load %arg7[%get3A_1970, %get3A_1971] {strides = array<i32>} : memref<16x128xf32, #tpu.memory_space<vmem>>, vector<1x16xf32>,
        %get3A_1973 = vector.shape_cast %get3A_1972 : vector<1x16xf32> to vector<16xf32>
        %get3A_1974 = arith.index_cast %shift_right_arithmetic3A_1865 : i32 to index
        %get3A_1975 = arith.constant 112 : index
        %get3A_1976 = tpu.vector_load %arg7[%get3A_1974, %get3A_1975] {strides = array<i32>} : memref<16x128xf32, #tpu.memory_space<vmem>>, vector<1x16xf32>,
        %get3A_1977 = vector.shape_cast %get3A_1976 : vector<1x16xf32> to vector<16xf32>
        %mul3A_1978 = arith.constant 4 : i32
        %mul3A_1979 = arith.muli %mul3A_1978, %sub3A_1541 : i32
        %add3A_1980 = arith.constant 2 : i32
        %add3A_1981 = arith.addi %mul3A_1979, %add3A_1980 : i32
        %shift_right_arithmetic3A_1982 = arith.constant 4 : i32
        %shift_right_arithmetic3A_1983 = arith.shrsi %add3A_1981, %shift_right_arithmetic3A_1982 : i32
        %and3A_1984 = arith.constant 15 : i32
        %and3A_1985 = arith.andi %add3A_1981, %and3A_1984 : i32
        %mul3A_1986 = arith.constant 64 : i32
        %mul3A_1987 = arith.muli %and3A_1985, %mul3A_1986 : i32
        %dma_wait3A_1988 = arith.constant 6 : i32
        %dma_wait3A_1989 = arith.constant 6 : i32
        %dma_wait3A_1990 = arith.constant 0 : i32
        %dma_wait3A_1991 = arith.constant 0 : i32
        %dma_wait3A_1992 = tpu.memref_slice %arg8[%dma_wait3A_1988, %dma_wait3A_1990, %dma_wait3A_1991] : memref<8x64x128xf32, #tpu.memory_space<vmem>> -> memref<1x64x128xf32, #tpu.memory_space<vmem>>
        %dma_wait3A_1993 = tpu.memref_squeeze %dma_wait3A_1992 : memref<1x64x128xf32, #tpu.memory_space<vmem>> -> memref<64x128xf32, #tpu.memory_space<vmem>>
        %dma_wait3A_1994 = tpu.memref_slice %arg6[%shift_right_arithmetic3A_1983, %mul3A_1987] : memref<16x1024xi32, #tpu.memory_space<vmem>> -> memref<1x64xi32, #tpu.memory_space<vmem>>
        %dma_wait3A_1995 = tpu.memref_squeeze %dma_wait3A_1994 : memref<1x64xi32, #tpu.memory_space<vmem>> -> memref<64xi32, #tpu.memory_space<vmem>>
        %dma_wait3A_1996 = arith.constant 0 : i32
        %dma_wait3A_1997 = arith.constant 0 : i32
        %dma_wait3A_1998 = tpu.memref_slice %arg3[%dma_wait3A_1996, %dma_wait3A_1997] : memref<100000x128xf32, #tpu.memory_space<hbm>> -> memref<100000x128xf32, #tpu.memory_space<hbm>>
        %dma_wait3A_1999 = tpu.memref_slice %arg10[%dma_wait3A_1989] : memref<8x!tpu.dma_semaphore, #tpu.memory_space<semaphore_mem>> -> memref<1x!tpu.dma_semaphore, #tpu.memory_space<semaphore_mem>>
        %dma_wait3A_2000 = tpu.memref_squeeze %dma_wait3A_1999 : memref<1x!tpu.dma_semaphore, #tpu.memory_space<semaphore_mem>> -> memref<!tpu.dma_semaphore, #tpu.memory_space<semaphore_mem>>
        tpu.wait_indirect_dma semaphore(%dma_wait3A_2000 : memref<!tpu.dma_semaphore, #tpu.memory_space<semaphore_mem>>) src(%dma_wait3A_1998 : memref<100000x128xf32, #tpu.memory_space<hbm>>) dst(%dma_wait3A_1993 : memref<64x128xf32, #tpu.memory_space<vmem>>)
        %parallel_loop3A_2001 = arith.constant 0 : i32
        %parallel_loop3A_2002 = arith.constant 64 : i32
        %parallel_loop3A_2003 = arith.constant 1 : i32
        scf.for %parallel_loop3A_2238 = %parallel_loop3A_2001 to %parallel_loop3A_2002 step %parallel_loop3A_2003  : i32 {
          %parallel_loop3A_2239 = arith.constant 6 : i32
          %parallel_loop3A_2240 = arith.index_cast %parallel_loop3A_2239 : i32 to index
          %parallel_loop3A_2241 = arith.index_cast %parallel_loop3A_2238 : i32 to index
          %parallel_loop3A_2242 = arith.constant 0 : index
          %parallel_loop3A_2243 = tpu.vector_load %arg8[%parallel_loop3A_2240, %parallel_loop3A_2241, %parallel_loop3A_2242] {strides = array<i32>} : memref<8x64x128xf32, #tpu.memory_space<vmem>>, vector<1x1x16xf32>,
          %parallel_loop3A_2244 = vector.shape_cast %parallel_loop3A_2243 : vector<1x1x16xf32> to vector<16xf32>
          %parallel_loop3A_2245 = vector.shape_cast %get3A_1949 : vector<16xf32> to vector<1x1x16xf32>
          tpu.vector_store %arg8[%parallel_loop3A_2240, %parallel_loop3A_2241, %parallel_loop3A_2242], %parallel_loop3A_2245 {add = true, strides = array<i32>} : memref<8x64x128xf32, #tpu.memory_space<vmem>>, vector<1x1x16xf32>,
          %parallel_loop3A_2246 = arith.constant 6 : i32
          %parallel_loop3A_2247 = arith.index_cast %parallel_loop3A_2246 : i32 to index
          %parallel_loop3A_2248 = arith.index_cast %parallel_loop3A_2238 : i32 to index
          %parallel_loop3A_2249 = arith.constant 16 : index
          %parallel_loop3A_2250 = tpu.vector_load %arg8[%parallel_loop3A_2247, %parallel_loop3A_2248, %parallel_loop3A_2249] {strides = array<i32>} : memref<8x64x128xf32, #tpu.memory_space<vmem>>, vector<1x1x16xf32>,
          %parallel_loop3A_2251 = vector.shape_cast %parallel_loop3A_2250 : vector<1x1x16xf32> to vector<16xf32>
          %parallel_loop3A_2252 = vector.shape_cast %get3A_1953 : vector<16xf32> to vector<1x1x16xf32>
          tpu.vector_store %arg8[%parallel_loop3A_2247, %parallel_loop3A_2248, %parallel_loop3A_2249], %parallel_loop3A_2252 {add = true, strides = array<i32>} : memref<8x64x128xf32, #tpu.memory_space<vmem>>, vector<1x1x16xf32>,
          %parallel_loop3A_2253 = arith.constant 6 : i32
          %parallel_loop3A_2254 = arith.index_cast %parallel_loop3A_2253 : i32 to index
          %parallel_loop3A_2255 = arith.index_cast %parallel_loop3A_2238 : i32 to index
          %parallel_loop3A_2256 = arith.constant 32 : index
          %parallel_loop3A_2257 = tpu.vector_load %arg8[%parallel_loop3A_2254, %parallel_loop3A_2255, %parallel_loop3A_2256] {strides = array<i32>} : memref<8x64x128xf32, #tpu.memory_space<vmem>>, vector<1x1x16xf32>,
          %parallel_loop3A_2258 = vector.shape_cast %parallel_loop3A_2257 : vector<1x1x16xf32> to vector<16xf32>
          %parallel_loop3A_2259 = vector.shape_cast %get3A_1957 : vector<16xf32> to vector<1x1x16xf32>
          tpu.vector_store %arg8[%parallel_loop3A_2254, %parallel_loop3A_2255, %parallel_loop3A_2256], %parallel_loop3A_2259 {add = true, strides = array<i32>} : memref<8x64x128xf32, #tpu.memory_space<vmem>>, vector<1x1x16xf32>,
          %parallel_loop3A_2260 = arith.constant 6 : i32
          %parallel_loop3A_2261 = arith.index_cast %parallel_loop3A_2260 : i32 to index
          %parallel_loop3A_2262 = arith.index_cast %parallel_loop3A_2238 : i32 to index
          %parallel_loop3A_2263 = arith.constant 48 : index
          %parallel_loop3A_2264 = tpu.vector_load %arg8[%parallel_loop3A_2261, %parallel_loop3A_2262, %parallel_loop3A_2263] {strides = array<i32>} : memref<8x64x128xf32, #tpu.memory_space<vmem>>, vector<1x1x16xf32>,
          %parallel_loop3A_2265 = vector.shape_cast %parallel_loop3A_2264 : vector<1x1x16xf32> to vector<16xf32>
          %parallel_loop3A_2266 = vector.shape_cast %get3A_1961 : vector<16xf32> to vector<1x1x16xf32>
          tpu.vector_store %arg8[%parallel_loop3A_2261, %parallel_loop3A_2262, %parallel_loop3A_2263], %parallel_loop3A_2266 {add = true, strides = array<i32>} : memref<8x64x128xf32, #tpu.memory_space<vmem>>, vector<1x1x16xf32>,
          %parallel_loop3A_2267 = arith.constant 6 : i32
          %parallel_loop3A_2268 = arith.index_cast %parallel_loop3A_2267 : i32 to index
          %parallel_loop3A_2269 = arith.index_cast %parallel_loop3A_2238 : i32 to index
          %parallel_loop3A_2270 = arith.constant 64 : index
          %parallel_loop3A_2271 = tpu.vector_load %arg8[%parallel_loop3A_2268, %parallel_loop3A_2269, %parallel_loop3A_2270] {strides = array<i32>} : memref<8x64x128xf32, #tpu.memory_space<vmem>>, vector<1x1x16xf32>,
          %parallel_loop3A_2272 = vector.shape_cast %parallel_loop3A_2271 : vector<1x1x16xf32> to vector<16xf32>
          %parallel_loop3A_2273 = vector.shape_cast %get3A_1965 : vector<16xf32> to vector<1x1x16xf32>
          tpu.vector_store %arg8[%parallel_loop3A_2268, %parallel_loop3A_2269, %parallel_loop3A_2270], %parallel_loop3A_2273 {add = true, strides = array<i32>} : memref<8x64x128xf32, #tpu.memory_space<vmem>>, vector<1x1x16xf32>,
          %parallel_loop3A_2274 = arith.constant 6 : i32
          %parallel_loop3A_2275 = arith.index_cast %parallel_loop3A_2274 : i32 to index
          %parallel_loop3A_2276 = arith.index_cast %parallel_loop3A_2238 : i32 to index
          %parallel_loop3A_2277 = arith.constant 80 : index
          %parallel_loop3A_2278 = tpu.vector_load %arg8[%parallel_loop3A_2275, %parallel_loop3A_2276, %parallel_loop3A_2277] {strides = array<i32>} : memref<8x64x128xf32, #tpu.memory_space<vmem>>, vector<1x1x16xf32>,
          %parallel_loop3A_2279 = vector.shape_cast %parallel_loop3A_2278 : vector<1x1x16xf32> to vector<16xf32>
          %parallel_loop3A_2280 = vector.shape_cast %get3A_1969 : vector<16xf32> to vector<1x1x16xf32>
          tpu.vector_store %arg8[%parallel_loop3A_2275, %parallel_loop3A_2276, %parallel_loop3A_2277], %parallel_loop3A_2280 {add = true, strides = array<i32>} : memref<8x64x128xf32, #tpu.memory_space<vmem>>, vector<1x1x16xf32>,
          %parallel_loop3A_2281 = arith.constant 6 : i32
          %parallel_loop3A_2282 = arith.index_cast %parallel_loop3A_2281 : i32 to index
          %parallel_loop3A_2283 = arith.index_cast %parallel_loop3A_2238 : i32 to index
          %parallel_loop3A_2284 = arith.constant 96 : index
          %parallel_loop3A_2285 = tpu.vector_load %arg8[%parallel_loop3A_2282, %parallel_loop3A_2283, %parallel_loop3A_2284] {strides = array<i32>} : memref<8x64x128xf32, #tpu.memory_space<vmem>>, vector<1x1x16xf32>,
          %parallel_loop3A_2286 = vector.shape_cast %parallel_loop3A_2285 : vector<1x1x16xf32> to vector<16xf32>
          %parallel_loop3A_2287 = vector.shape_cast %get3A_1973 : vector<16xf32> to vector<1x1x16xf32>
          tpu.vector_store %arg8[%parallel_loop3A_2282, %parallel_loop3A_2283, %parallel_loop3A_2284], %parallel_loop3A_2287 {add = true, strides = array<i32>} : memref<8x64x128xf32, #tpu.memory_space<vmem>>, vector<1x1x16xf32>,
          %parallel_loop3A_2288 = arith.constant 6 : i32
          %parallel_loop3A_2289 = arith.index_cast %parallel_loop3A_2288 : i32 to index
          %parallel_loop3A_2290 = arith.index_cast %parallel_loop3A_2238 : i32 to index
          %parallel_loop3A_2291 = arith.constant 112 : index
          %parallel_loop3A_2292 = tpu.vector_load %arg8[%parallel_loop3A_2289, %parallel_loop3A_2290, %parallel_loop3A_2291] {strides = array<i32>} : memref<8x64x128xf32, #tpu.memory_space<vmem>>, vector<1x1x16xf32>,
          %parallel_loop3A_2293 = vector.shape_cast %parallel_loop3A_2292 : vector<1x1x16xf32> to vector<16xf32>
          %parallel_loop3A_2294 = vector.shape_cast %get3A_1977 : vector<16xf32> to vector<1x1x16xf32>
          tpu.vector_store %arg8[%parallel_loop3A_2289, %parallel_loop3A_2290, %parallel_loop3A_2291], %parallel_loop3A_2294 {add = true, strides = array<i32>} : memref<8x64x128xf32, #tpu.memory_space<vmem>>, vector<1x1x16xf32>,
        } {sc.loop_unroll_factor = 4 : i64, sc.parallel_access}
        %dma_start3A_2004 = arith.constant 6 : i32
        %dma_start3A_2005 = arith.constant 6 : i32
        %dma_start3A_2006 = arith.constant 6 : i32
        %dma_start3A_2007 = arith.constant 0 : i32
        %dma_start3A_2008 = arith.constant 0 : i32
        %dma_start3A_2009 = tpu.memref_slice %arg8[%dma_start3A_2004, %dma_start3A_2007, %dma_start3A_2008] : memref<8x64x128xf32, #tpu.memory_space<vmem>> -> memref<1x64x128xf32, #tpu.memory_space<vmem>>
        %dma_start3A_2010 = tpu.memref_squeeze %dma_start3A_2009 : memref<1x64x128xf32, #tpu.memory_space<vmem>> -> memref<64x128xf32, #tpu.memory_space<vmem>>
        %dma_start3A_2011 = arith.constant 0 : i32
        %dma_start3A_2012 = tpu.memref_slice %arg9[%dma_start3A_2005, %dma_start3A_2011] : memref<8x64xi32, #tpu.memory_space<vmem>> -> memref<1x64xi32, #tpu.memory_space<vmem>>
        %dma_start3A_2013 = tpu.memref_squeeze %dma_start3A_2012 : memref<1x64xi32, #tpu.memory_space<vmem>> -> memref<64xi32, #tpu.memory_space<vmem>>
        %dma_start3A_2014 = arith.constant 0 : i32
        %dma_start3A_2015 = arith.constant 0 : i32
        %dma_start3A_2016 = tpu.memref_slice %arg5[%dma_start3A_2014, %dma_start3A_2015] : memref<524288x128xf32, #tpu.memory_space<hbm>> -> memref<524288x128xf32, #tpu.memory_space<hbm>>
        %dma_start3A_2017 = tpu.memref_slice %arg11[%dma_start3A_2006] : memref<8x!tpu.dma_semaphore, #tpu.memory_space<semaphore_mem>> -> memref<1x!tpu.dma_semaphore, #tpu.memory_space<semaphore_mem>>
        %dma_start3A_2018 = tpu.memref_squeeze %dma_start3A_2017 : memref<1x!tpu.dma_semaphore, #tpu.memory_space<semaphore_mem>> -> memref<!tpu.dma_semaphore, #tpu.memory_space<semaphore_mem>>
        tpu.enqueue_indirect_dma source(%dma_start3A_2010 : memref<64x128xf32, #tpu.memory_space<vmem>>) target(%dma_start3A_2016 : memref<524288x128xf32, #tpu.memory_space<hbm>>) offsets(%dma_start3A_2013 : memref<64xi32, #tpu.memory_space<vmem>>) semaphore(%dma_start3A_2018 : memref<!tpu.dma_semaphore, #tpu.memory_space<semaphore_mem>>)
        %mul3A_2019 = arith.constant 4 : i32
        %mul3A_2020 = arith.muli %mul3A_2019, %sub3A_1541 : i32
        %add3A_2021 = arith.constant 3 : i32
        %add3A_2022 = arith.addi %mul3A_2020, %add3A_2021 : i32
        %shift_right_arithmetic3A_2023 = arith.constant 4 : i32
        %shift_right_arithmetic3A_2024 = arith.shrsi %add3A_2022, %shift_right_arithmetic3A_2023 : i32
        %and3A_2025 = arith.constant 15 : i32
        %and3A_2026 = arith.andi %add3A_2022, %and3A_2025 : i32
        %add3A_2027 = arith.addi %mul3A_2, %shift_right_arithmetic3A_2024 : i32
        %iota3A_2028 = tpu.iota {dimensions = array<i32: 0>} : vector<16xi32>
        %mul3A_2029 = arith.constant 512 : i32
        %mul3A_2030 = vector.broadcast %mul3A_2029 : i32 to vector<16xi32>
        %mul3A_2031 = arith.muli %iota3A_2028, %mul3A_2030 : vector<16xi32>
        %mul3A_2032 = arith.constant 64 : i32
        %mul3A_2033 = arith.muli %and3A_2026, %mul3A_2032 : i32
        %add3A_2034 = arith.constant 0 : i32
        %add3A_2035 = arith.addi %mul3A_2033, %add3A_2034 : i32
        %mul3A_2036 = arith.constant 512 : i32
        %mul3A_2037 = arith.muli %add3A_2035, %mul3A_2036 : i32
        %add3A_2038 = vector.broadcast %mul3A_2037 : i32 to vector<16xi32>
        %add3A_2039 = arith.addi %mul3A_2031, %add3A_2038 : vector<16xi32>
        %add3A_2040 = vector.broadcast %add3A_2027 : i32 to vector<16xi32>
        %add3A_2041 = arith.addi %add3A_2039, %add3A_2040 : vector<16xi32>
        %swap3A_2042 = arith.constant 7 : i32
        %swap3A_2043 = arith.index_cast %swap3A_2042 : i32 to index
        %swap3A_2044 = arith.constant 0 : index
        %swap3A_2045 = tpu.vector_load %arg9[%swap3A_2043, %swap3A_2044] {strides = array<i32>} : memref<8x64xi32, #tpu.memory_space<vmem>>, vector<1x16xi32>,
        %swap3A_2046 = vector.shape_cast %swap3A_2045 : vector<1x16xi32> to vector<16xi32>
        %swap3A_2047 = vector.shape_cast %add3A_2041 : vector<16xi32> to vector<1x16xi32>
        tpu.vector_store %arg9[%swap3A_2043, %swap3A_2044], %swap3A_2047 {strides = array<i32>} : memref<8x64xi32, #tpu.memory_space<vmem>>, vector<1x16xi32>,
        %mul3A_2048 = arith.constant 512 : i32
        %mul3A_2049 = vector.broadcast %mul3A_2048 : i32 to vector<16xi32>
        %mul3A_2050 = arith.muli %iota3A_2028, %mul3A_2049 : vector<16xi32>
        %mul3A_2051 = arith.constant 64 : i32
        %mul3A_2052 = arith.muli %and3A_2026, %mul3A_2051 : i32
        %add3A_2053 = arith.constant 16 : i32
        %add3A_2054 = arith.addi %mul3A_2052, %add3A_2053 : i32
        %mul3A_2055 = arith.constant 512 : i32
        %mul3A_2056 = arith.muli %add3A_2054, %mul3A_2055 : i32
        %add3A_2057 = vector.broadcast %mul3A_2056 : i32 to vector<16xi32>
        %add3A_2058 = arith.addi %mul3A_2050, %add3A_2057 : vector<16xi32>
        %add3A_2059 = vector.broadcast %add3A_2027 : i32 to vector<16xi32>
        %add3A_2060 = arith.addi %add3A_2058, %add3A_2059 : vector<16xi32>
        %swap3A_2061 = arith.constant 7 : i32
        %swap3A_2062 = arith.index_cast %swap3A_2061 : i32 to index
        %swap3A_2063 = arith.constant 16 : index
        %swap3A_2064 = tpu.vector_load %arg9[%swap3A_2062, %swap3A_2063] {strides = array<i32>} : memref<8x64xi32, #tpu.memory_space<vmem>>, vector<1x16xi32>,
        %swap3A_2065 = vector.shape_cast %swap3A_2064 : vector<1x16xi32> to vector<16xi32>
        %swap3A_2066 = vector.shape_cast %add3A_2060 : vector<16xi32> to vector<1x16xi32>
        tpu.vector_store %arg9[%swap3A_2062, %swap3A_2063], %swap3A_2066 {strides = array<i32>} : memref<8x64xi32, #tpu.memory_space<vmem>>, vector<1x16xi32>,
        %mul3A_2067 = arith.constant 512 : i32
        %mul3A_2068 = vector.broadcast %mul3A_2067 : i32 to vector<16xi32>
        %mul3A_2069 = arith.muli %iota3A_2028, %mul3A_2068 : vector<16xi32>
        %mul3A_2070 = arith.constant 64 : i32
        %mul3A_2071 = arith.muli %and3A_2026, %mul3A_2070 : i32
        %add3A_2072 = arith.constant 32 : i32
        %add3A_2073 = arith.addi %mul3A_2071, %add3A_2072 : i32
        %mul3A_2074 = arith.constant 512 : i32
        %mul3A_2075 = arith.muli %add3A_2073, %mul3A_2074 : i32
        %add3A_2076 = vector.broadcast %mul3A_2075 : i32 to vector<16xi32>
        %add3A_2077 = arith.addi %mul3A_2069, %add3A_2076 : vector<16xi32>
        %add3A_2078 = vector.broadcast %add3A_2027 : i32 to vector<16xi32>
        %add3A_2079 = arith.addi %add3A_2077, %add3A_2078 : vector<16xi32>
        %swap3A_2080 = arith.constant 7 : i32
        %swap3A_2081 = arith.index_cast %swap3A_2080 : i32 to index
        %swap3A_2082 = arith.constant 32 : index
        %swap3A_2083 = tpu.vector_load %arg9[%swap3A_2081, %swap3A_2082] {strides = array<i32>} : memref<8x64xi32, #tpu.memory_space<vmem>>, vector<1x16xi32>,
        %swap3A_2084 = vector.shape_cast %swap3A_2083 : vector<1x16xi32> to vector<16xi32>
        %swap3A_2085 = vector.shape_cast %add3A_2079 : vector<16xi32> to vector<1x16xi32>
        tpu.vector_store %arg9[%swap3A_2081, %swap3A_2082], %swap3A_2085 {strides = array<i32>} : memref<8x64xi32, #tpu.memory_space<vmem>>, vector<1x16xi32>,
        %mul3A_2086 = arith.constant 512 : i32
        %mul3A_2087 = vector.broadcast %mul3A_2086 : i32 to vector<16xi32>
        %mul3A_2088 = arith.muli %iota3A_2028, %mul3A_2087 : vector<16xi32>
        %mul3A_2089 = arith.constant 64 : i32
        %mul3A_2090 = arith.muli %and3A_2026, %mul3A_2089 : i32
        %add3A_2091 = arith.constant 48 : i32
        %add3A_2092 = arith.addi %mul3A_2090, %add3A_2091 : i32
        %mul3A_2093 = arith.constant 512 : i32
        %mul3A_2094 = arith.muli %add3A_2092, %mul3A_2093 : i32
        %add3A_2095 = vector.broadcast %mul3A_2094 : i32 to vector<16xi32>
        %add3A_2096 = arith.addi %mul3A_2088, %add3A_2095 : vector<16xi32>
        %add3A_2097 = vector.broadcast %add3A_2027 : i32 to vector<16xi32>
        %add3A_2098 = arith.addi %add3A_2096, %add3A_2097 : vector<16xi32>
        %swap3A_2099 = arith.constant 7 : i32
        %swap3A_2100 = arith.index_cast %swap3A_2099 : i32 to index
        %swap3A_2101 = arith.constant 48 : index
        %swap3A_2102 = tpu.vector_load %arg9[%swap3A_2100, %swap3A_2101] {strides = array<i32>} : memref<8x64xi32, #tpu.memory_space<vmem>>, vector<1x16xi32>,
        %swap3A_2103 = vector.shape_cast %swap3A_2102 : vector<1x16xi32> to vector<16xi32>
        %swap3A_2104 = vector.shape_cast %add3A_2098 : vector<16xi32> to vector<1x16xi32>
        tpu.vector_store %arg9[%swap3A_2100, %swap3A_2101], %swap3A_2104 {strides = array<i32>} : memref<8x64xi32, #tpu.memory_space<vmem>>, vector<1x16xi32>,
        %get3A_2105 = arith.index_cast %shift_right_arithmetic3A_2024 : i32 to index
        %get3A_2106 = arith.constant 0 : index
        %get3A_2107 = tpu.vector_load %arg7[%get3A_2105, %get3A_2106] {strides = array<i32>} : memref<16x128xf32, #tpu.memory_space<vmem>>, vector<1x16xf32>,
        %get3A_2108 = vector.shape_cast %get3A_2107 : vector<1x16xf32> to vector<16xf32>
        %get3A_2109 = arith.index_cast %shift_right_arithmetic3A_2024 : i32 to index
        %get3A_2110 = arith.constant 16 : index
        %get3A_2111 = tpu.vector_load %arg7[%get3A_2109, %get3A_2110] {strides = array<i32>} : memref<16x128xf32, #tpu.memory_space<vmem>>, vector<1x16xf32>,
        %get3A_2112 = vector.shape_cast %get3A_2111 : vector<1x16xf32> to vector<16xf32>
        %get3A_2113 = arith.index_cast %shift_right_arithmetic3A_2024 : i32 to index
        %get3A_2114 = arith.constant 32 : index
        %get3A_2115 = tpu.vector_load %arg7[%get3A_2113, %get3A_2114] {strides = array<i32>} : memref<16x128xf32, #tpu.memory_space<vmem>>, vector<1x16xf32>,
        %get3A_2116 = vector.shape_cast %get3A_2115 : vector<1x16xf32> to vector<16xf32>
        %get3A_2117 = arith.index_cast %shift_right_arithmetic3A_2024 : i32 to index
        %get3A_2118 = arith.constant 48 : index
        %get3A_2119 = tpu.vector_load %arg7[%get3A_2117, %get3A_2118] {strides = array<i32>} : memref<16x128xf32, #tpu.memory_space<vmem>>, vector<1x16xf32>,
        %get3A_2120 = vector.shape_cast %get3A_2119 : vector<1x16xf32> to vector<16xf32>
        %get3A_2121 = arith.index_cast %shift_right_arithmetic3A_2024 : i32 to index
        %get3A_2122 = arith.constant 64 : index
        %get3A_2123 = tpu.vector_load %arg7[%get3A_2121, %get3A_2122] {strides = array<i32>} : memref<16x128xf32, #tpu.memory_space<vmem>>, vector<1x16xf32>,
        %get3A_2124 = vector.shape_cast %get3A_2123 : vector<1x16xf32> to vector<16xf32>
        %get3A_2125 = arith.index_cast %shift_right_arithmetic3A_2024 : i32 to index
        %get3A_2126 = arith.constant 80 : index
        %get3A_2127 = tpu.vector_load %arg7[%get3A_2125, %get3A_2126] {strides = array<i32>} : memref<16x128xf32, #tpu.memory_space<vmem>>, vector<1x16xf32>,
        %get3A_2128 = vector.shape_cast %get3A_2127 : vector<1x16xf32> to vector<16xf32>
        %get3A_2129 = arith.index_cast %shift_right_arithmetic3A_2024 : i32 to index
        %get3A_2130 = arith.constant 96 : index
        %get3A_2131 = tpu.vector_load %arg7[%get3A_2129, %get3A_2130] {strides = array<i32>} : memref<16x128xf32, #tpu.memory_space<vmem>>, vector<1x16xf32>,
        %get3A_2132 = vector.shape_cast %get3A_2131 : vector<1x16xf32> to vector<16xf32>
        %get3A_2133 = arith.index_cast %shift_right_arithmetic3A_2024 : i32 to index
        %get3A_2134 = arith.constant 112 : index
        %get3A_2135 = tpu.vector_load %arg7[%get3A_2133, %get3A_2134] {strides = array<i32>} : memref<16x128xf32, #tpu.memory_space<vmem>>, vector<1x16xf32>,
        %get3A_2136 = vector.shape_cast %get3A_2135 : vector<1x16xf32> to vector<16xf32>
        %mul3A_2137 = arith.constant 4 : i32
        %mul3A_2138 = arith.muli %mul3A_2137, %sub3A_1541 : i32
        %add3A_2139 = arith.constant 3 : i32
        %add3A_2140 = arith.addi %mul3A_2138, %add3A_2139 : i32
        %shift_right_arithmetic3A_2141 = arith.constant 4 : i32
        %shift_right_arithmetic3A_2142 = arith.shrsi %add3A_2140, %shift_right_arithmetic3A_2141 : i32
        %and3A_2143 = arith.constant 15 : i32
        %and3A_2144 = arith.andi %add3A_2140, %and3A_2143 : i32
        %mul3A_2145 = arith.constant 64 : i32
        %mul3A_2146 = arith.muli %and3A_2144, %mul3A_2145 : i32
        %dma_wait3A_2147 = arith.constant 7 : i32
        %dma_wait3A_2148 = arith.constant 7 : i32
        %dma_wait3A_2149 = arith.constant 0 : i32
        %dma_wait3A_2150 = arith.constant 0 : i32
        %dma_wait3A_2151 = tpu.memref_slice %arg8[%dma_wait3A_2147, %dma_wait3A_2149, %dma_wait3A_2150] : memref<8x64x128xf32, #tpu.memory_space<vmem>> -> memref<1x64x128xf32, #tpu.memory_space<vmem>>
        %dma_wait3A_2152 = tpu.memref_squeeze %dma_wait3A_2151 : memref<1x64x128xf32, #tpu.memory_space<vmem>> -> memref<64x128xf32, #tpu.memory_space<vmem>>
        %dma_wait3A_2153 = tpu.memref_slice %arg6[%shift_right_arithmetic3A_2142, %mul3A_2146] : memref<16x1024xi32, #tpu.memory_space<vmem>> -> memref<1x64xi32, #tpu.memory_space<vmem>>
        %dma_wait3A_2154 = tpu.memref_squeeze %dma_wait3A_2153 : memref<1x64xi32, #tpu.memory_space<vmem>> -> memref<64xi32, #tpu.memory_space<vmem>>
        %dma_wait3A_2155 = arith.constant 0 : i32
        %dma_wait3A_2156 = arith.constant 0 : i32
        %dma_wait3A_2157 = tpu.memref_slice %arg3[%dma_wait3A_2155, %dma_wait3A_2156] : memref<100000x128xf32, #tpu.memory_space<hbm>> -> memref<100000x128xf32, #tpu.memory_space<hbm>>
        %dma_wait3A_2158 = tpu.memref_slice %arg10[%dma_wait3A_2148] : memref<8x!tpu.dma_semaphore, #tpu.memory_space<semaphore_mem>> -> memref<1x!tpu.dma_semaphore, #tpu.memory_space<semaphore_mem>>
        %dma_wait3A_2159 = tpu.memref_squeeze %dma_wait3A_2158 : memref<1x!tpu.dma_semaphore, #tpu.memory_space<semaphore_mem>> -> memref<!tpu.dma_semaphore, #tpu.memory_space<semaphore_mem>>
        tpu.wait_indirect_dma semaphore(%dma_wait3A_2159 : memref<!tpu.dma_semaphore, #tpu.memory_space<semaphore_mem>>) src(%dma_wait3A_2157 : memref<100000x128xf32, #tpu.memory_space<hbm>>) dst(%dma_wait3A_2152 : memref<64x128xf32, #tpu.memory_space<vmem>>)
        %parallel_loop3A_2160 = arith.constant 0 : i32
        %parallel_loop3A_2161 = arith.constant 64 : i32
        %parallel_loop3A_2162 = arith.constant 1 : i32
        scf.for %parallel_loop3A_2238 = %parallel_loop3A_2160 to %parallel_loop3A_2161 step %parallel_loop3A_2162  : i32 {
          %parallel_loop3A_2239 = arith.constant 7 : i32
          %parallel_loop3A_2240 = arith.index_cast %parallel_loop3A_2239 : i32 to index
          %parallel_loop3A_2241 = arith.index_cast %parallel_loop3A_2238 : i32 to index
          %parallel_loop3A_2242 = arith.constant 0 : index
          %parallel_loop3A_2243 = tpu.vector_load %arg8[%parallel_loop3A_2240, %parallel_loop3A_2241, %parallel_loop3A_2242] {strides = array<i32>} : memref<8x64x128xf32, #tpu.memory_space<vmem>>, vector<1x1x16xf32>,
          %parallel_loop3A_2244 = vector.shape_cast %parallel_loop3A_2243 : vector<1x1x16xf32> to vector<16xf32>
          %parallel_loop3A_2245 = vector.shape_cast %get3A_2108 : vector<16xf32> to vector<1x1x16xf32>
          tpu.vector_store %arg8[%parallel_loop3A_2240, %parallel_loop3A_2241, %parallel_loop3A_2242], %parallel_loop3A_2245 {add = true, strides = array<i32>} : memref<8x64x128xf32, #tpu.memory_space<vmem>>, vector<1x1x16xf32>,
          %parallel_loop3A_2246 = arith.constant 7 : i32
          %parallel_loop3A_2247 = arith.index_cast %parallel_loop3A_2246 : i32 to index
          %parallel_loop3A_2248 = arith.index_cast %parallel_loop3A_2238 : i32 to index
          %parallel_loop3A_2249 = arith.constant 16 : index
          %parallel_loop3A_2250 = tpu.vector_load %arg8[%parallel_loop3A_2247, %parallel_loop3A_2248, %parallel_loop3A_2249] {strides = array<i32>} : memref<8x64x128xf32, #tpu.memory_space<vmem>>, vector<1x1x16xf32>,
          %parallel_loop3A_2251 = vector.shape_cast %parallel_loop3A_2250 : vector<1x1x16xf32> to vector<16xf32>
          %parallel_loop3A_2252 = vector.shape_cast %get3A_2112 : vector<16xf32> to vector<1x1x16xf32>
          tpu.vector_store %arg8[%parallel_loop3A_2247, %parallel_loop3A_2248, %parallel_loop3A_2249], %parallel_loop3A_2252 {add = true, strides = array<i32>} : memref<8x64x128xf32, #tpu.memory_space<vmem>>, vector<1x1x16xf32>,
          %parallel_loop3A_2253 = arith.constant 7 : i32
          %parallel_loop3A_2254 = arith.index_cast %parallel_loop3A_2253 : i32 to index
          %parallel_loop3A_2255 = arith.index_cast %parallel_loop3A_2238 : i32 to index
          %parallel_loop3A_2256 = arith.constant 32 : index
          %parallel_loop3A_2257 = tpu.vector_load %arg8[%parallel_loop3A_2254, %parallel_loop3A_2255, %parallel_loop3A_2256] {strides = array<i32>} : memref<8x64x128xf32, #tpu.memory_space<vmem>>, vector<1x1x16xf32>,
          %parallel_loop3A_2258 = vector.shape_cast %parallel_loop3A_2257 : vector<1x1x16xf32> to vector<16xf32>
          %parallel_loop3A_2259 = vector.shape_cast %get3A_2116 : vector<16xf32> to vector<1x1x16xf32>
          tpu.vector_store %arg8[%parallel_loop3A_2254, %parallel_loop3A_2255, %parallel_loop3A_2256], %parallel_loop3A_2259 {add = true, strides = array<i32>} : memref<8x64x128xf32, #tpu.memory_space<vmem>>, vector<1x1x16xf32>,
          %parallel_loop3A_2260 = arith.constant 7 : i32
          %parallel_loop3A_2261 = arith.index_cast %parallel_loop3A_2260 : i32 to index
          %parallel_loop3A_2262 = arith.index_cast %parallel_loop3A_2238 : i32 to index
          %parallel_loop3A_2263 = arith.constant 48 : index
          %parallel_loop3A_2264 = tpu.vector_load %arg8[%parallel_loop3A_2261, %parallel_loop3A_2262, %parallel_loop3A_2263] {strides = array<i32>} : memref<8x64x128xf32, #tpu.memory_space<vmem>>, vector<1x1x16xf32>,
          %parallel_loop3A_2265 = vector.shape_cast %parallel_loop3A_2264 : vector<1x1x16xf32> to vector<16xf32>
          %parallel_loop3A_2266 = vector.shape_cast %get3A_2120 : vector<16xf32> to vector<1x1x16xf32>
          tpu.vector_store %arg8[%parallel_loop3A_2261, %parallel_loop3A_2262, %parallel_loop3A_2263], %parallel_loop3A_2266 {add = true, strides = array<i32>} : memref<8x64x128xf32, #tpu.memory_space<vmem>>, vector<1x1x16xf32>,
          %parallel_loop3A_2267 = arith.constant 7 : i32
          %parallel_loop3A_2268 = arith.index_cast %parallel_loop3A_2267 : i32 to index
          %parallel_loop3A_2269 = arith.index_cast %parallel_loop3A_2238 : i32 to index
          %parallel_loop3A_2270 = arith.constant 64 : index
          %parallel_loop3A_2271 = tpu.vector_load %arg8[%parallel_loop3A_2268, %parallel_loop3A_2269, %parallel_loop3A_2270] {strides = array<i32>} : memref<8x64x128xf32, #tpu.memory_space<vmem>>, vector<1x1x16xf32>,
          %parallel_loop3A_2272 = vector.shape_cast %parallel_loop3A_2271 : vector<1x1x16xf32> to vector<16xf32>
          %parallel_loop3A_2273 = vector.shape_cast %get3A_2124 : vector<16xf32> to vector<1x1x16xf32>
          tpu.vector_store %arg8[%parallel_loop3A_2268, %parallel_loop3A_2269, %parallel_loop3A_2270], %parallel_loop3A_2273 {add = true, strides = array<i32>} : memref<8x64x128xf32, #tpu.memory_space<vmem>>, vector<1x1x16xf32>,
          %parallel_loop3A_2274 = arith.constant 7 : i32
          %parallel_loop3A_2275 = arith.index_cast %parallel_loop3A_2274 : i32 to index
          %parallel_loop3A_2276 = arith.index_cast %parallel_loop3A_2238 : i32 to index
          %parallel_loop3A_2277 = arith.constant 80 : index
          %parallel_loop3A_2278 = tpu.vector_load %arg8[%parallel_loop3A_2275, %parallel_loop3A_2276, %parallel_loop3A_2277] {strides = array<i32>} : memref<8x64x128xf32, #tpu.memory_space<vmem>>, vector<1x1x16xf32>,
          %parallel_loop3A_2279 = vector.shape_cast %parallel_loop3A_2278 : vector<1x1x16xf32> to vector<16xf32>
          %parallel_loop3A_2280 = vector.shape_cast %get3A_2128 : vector<16xf32> to vector<1x1x16xf32>
          tpu.vector_store %arg8[%parallel_loop3A_2275, %parallel_loop3A_2276, %parallel_loop3A_2277], %parallel_loop3A_2280 {add = true, strides = array<i32>} : memref<8x64x128xf32, #tpu.memory_space<vmem>>, vector<1x1x16xf32>,
          %parallel_loop3A_2281 = arith.constant 7 : i32
          %parallel_loop3A_2282 = arith.index_cast %parallel_loop3A_2281 : i32 to index
          %parallel_loop3A_2283 = arith.index_cast %parallel_loop3A_2238 : i32 to index
          %parallel_loop3A_2284 = arith.constant 96 : index
          %parallel_loop3A_2285 = tpu.vector_load %arg8[%parallel_loop3A_2282, %parallel_loop3A_2283, %parallel_loop3A_2284] {strides = array<i32>} : memref<8x64x128xf32, #tpu.memory_space<vmem>>, vector<1x1x16xf32>,
          %parallel_loop3A_2286 = vector.shape_cast %parallel_loop3A_2285 : vector<1x1x16xf32> to vector<16xf32>
          %parallel_loop3A_2287 = vector.shape_cast %get3A_2132 : vector<16xf32> to vector<1x1x16xf32>
          tpu.vector_store %arg8[%parallel_loop3A_2282, %parallel_loop3A_2283, %parallel_loop3A_2284], %parallel_loop3A_2287 {add = true, strides = array<i32>} : memref<8x64x128xf32, #tpu.memory_space<vmem>>, vector<1x1x16xf32>,
          %parallel_loop3A_2288 = arith.constant 7 : i32
          %parallel_loop3A_2289 = arith.index_cast %parallel_loop3A_2288 : i32 to index
          %parallel_loop3A_2290 = arith.index_cast %parallel_loop3A_2238 : i32 to index
          %parallel_loop3A_2291 = arith.constant 112 : index
          %parallel_loop3A_2292 = tpu.vector_load %arg8[%parallel_loop3A_2289, %parallel_loop3A_2290, %parallel_loop3A_2291] {strides = array<i32>} : memref<8x64x128xf32, #tpu.memory_space<vmem>>, vector<1x1x16xf32>,
          %parallel_loop3A_2293 = vector.shape_cast %parallel_loop3A_2292 : vector<1x1x16xf32> to vector<16xf32>
          %parallel_loop3A_2294 = vector.shape_cast %get3A_2136 : vector<16xf32> to vector<1x1x16xf32>
          tpu.vector_store %arg8[%parallel_loop3A_2289, %parallel_loop3A_2290, %parallel_loop3A_2291], %parallel_loop3A_2294 {add = true, strides = array<i32>} : memref<8x64x128xf32, #tpu.memory_space<vmem>>, vector<1x1x16xf32>,
        } {sc.loop_unroll_factor = 4 : i64, sc.parallel_access}
        %dma_start3A_2163 = arith.constant 7 : i32
        %dma_start3A_2164 = arith.constant 7 : i32
        %dma_start3A_2165 = arith.constant 7 : i32
        %dma_start3A_2166 = arith.constant 0 : i32
        %dma_start3A_2167 = arith.constant 0 : i32
        %dma_start3A_2168 = tpu.memref_slice %arg8[%dma_start3A_2163, %dma_start3A_2166, %dma_start3A_2167] : memref<8x64x128xf32, #tpu.memory_space<vmem>> -> memref<1x64x128xf32, #tpu.memory_space<vmem>>
        %dma_start3A_2169 = tpu.memref_squeeze %dma_start3A_2168 : memref<1x64x128xf32, #tpu.memory_space<vmem>> -> memref<64x128xf32, #tpu.memory_space<vmem>>
        %dma_start3A_2170 = arith.constant 0 : i32
        %dma_start3A_2171 = tpu.memref_slice %arg9[%dma_start3A_2164, %dma_start3A_2170] : memref<8x64xi32, #tpu.memory_space<vmem>> -> memref<1x64xi32, #tpu.memory_space<vmem>>
        %dma_start3A_2172 = tpu.memref_squeeze %dma_start3A_2171 : memref<1x64xi32, #tpu.memory_space<vmem>> -> memref<64xi32, #tpu.memory_space<vmem>>
        %dma_start3A_2173 = arith.constant 0 : i32
        %dma_start3A_2174 = arith.constant 0 : i32
        %dma_start3A_2175 = tpu.memref_slice %arg5[%dma_start3A_2173, %dma_start3A_2174] : memref<524288x128xf32, #tpu.memory_space<hbm>> -> memref<524288x128xf32, #tpu.memory_space<hbm>>
        %dma_start3A_2176 = tpu.memref_slice %arg11[%dma_start3A_2165] : memref<8x!tpu.dma_semaphore, #tpu.memory_space<semaphore_mem>> -> memref<1x!tpu.dma_semaphore, #tpu.memory_space<semaphore_mem>>
        %dma_start3A_2177 = tpu.memref_squeeze %dma_start3A_2176 : memref<1x!tpu.dma_semaphore, #tpu.memory_space<semaphore_mem>> -> memref<!tpu.dma_semaphore, #tpu.memory_space<semaphore_mem>>
        tpu.enqueue_indirect_dma source(%dma_start3A_2169 : memref<64x128xf32, #tpu.memory_space<vmem>>) target(%dma_start3A_2175 : memref<524288x128xf32, #tpu.memory_space<hbm>>) offsets(%dma_start3A_2172 : memref<64xi32, #tpu.memory_space<vmem>>) semaphore(%dma_start3A_2177 : memref<!tpu.dma_semaphore, #tpu.memory_space<semaphore_mem>>)
        %dma_wait3A_2178 = arith.constant 4 : i32
        %dma_wait3A_2179 = arith.constant 4 : i32
        %dma_wait3A_2180 = arith.constant 4 : i32
        %dma_wait3A_2181 = arith.constant 0 : i32
        %dma_wait3A_2182 = arith.constant 0 : i32
        %dma_wait3A_2183 = tpu.memref_slice %arg8[%dma_wait3A_2178, %dma_wait3A_2181, %dma_wait3A_2182] : memref<8x64x128xf32, #tpu.memory_space<vmem>> -> memref<1x64x128xf32, #tpu.memory_space<vmem>>
        %dma_wait3A_2184 = tpu.memref_squeeze %dma_wait3A_2183 : memref<1x64x128xf32, #tpu.memory_space<vmem>> -> memref<64x128xf32, #tpu.memory_space<vmem>>
        %dma_wait3A_2185 = arith.constant 0 : i32
        %dma_wait3A_2186 = tpu.memref_slice %arg9[%dma_wait3A_2179, %dma_wait3A_2185] : memref<8x64xi32, #tpu.memory_space<vmem>> -> memref<1x64xi32, #tpu.memory_space<vmem>>
        %dma_wait3A_2187 = tpu.memref_squeeze %dma_wait3A_2186 : memref<1x64xi32, #tpu.memory_space<vmem>> -> memref<64xi32, #tpu.memory_space<vmem>>
        %dma_wait3A_2188 = arith.constant 0 : i32
        %dma_wait3A_2189 = arith.constant 0 : i32
        %dma_wait3A_2190 = tpu.memref_slice %arg5[%dma_wait3A_2188, %dma_wait3A_2189] : memref<524288x128xf32, #tpu.memory_space<hbm>> -> memref<524288x128xf32, #tpu.memory_space<hbm>>
        %dma_wait3A_2191 = tpu.memref_slice %arg11[%dma_wait3A_2180] : memref<8x!tpu.dma_semaphore, #tpu.memory_space<semaphore_mem>> -> memref<1x!tpu.dma_semaphore, #tpu.memory_space<semaphore_mem>>
        %dma_wait3A_2192 = tpu.memref_squeeze %dma_wait3A_2191 : memref<1x!tpu.dma_semaphore, #tpu.memory_space<semaphore_mem>> -> memref<!tpu.dma_semaphore, #tpu.memory_space<semaphore_mem>>
        tpu.wait_indirect_dma semaphore(%dma_wait3A_2192 : memref<!tpu.dma_semaphore, #tpu.memory_space<semaphore_mem>>) src(%dma_wait3A_2184 : memref<64x128xf32, #tpu.memory_space<vmem>>) dst(%dma_wait3A_2190 : memref<524288x128xf32, #tpu.memory_space<hbm>>)
        %dma_wait3A_2193 = arith.constant 5 : i32
        %dma_wait3A_2194 = arith.constant 5 : i32
        %dma_wait3A_2195 = arith.constant 5 : i32
        %dma_wait3A_2196 = arith.constant 0 : i32
        %dma_wait3A_2197 = arith.constant 0 : i32
        %dma_wait3A_2198 = tpu.memref_slice %arg8[%dma_wait3A_2193, %dma_wait3A_2196, %dma_wait3A_2197] : memref<8x64x128xf32, #tpu.memory_space<vmem>> -> memref<1x64x128xf32, #tpu.memory_space<vmem>>
        %dma_wait3A_2199 = tpu.memref_squeeze %dma_wait3A_2198 : memref<1x64x128xf32, #tpu.memory_space<vmem>> -> memref<64x128xf32, #tpu.memory_space<vmem>>
        %dma_wait3A_2200 = arith.constant 0 : i32
        %dma_wait3A_2201 = tpu.memref_slice %arg9[%dma_wait3A_2194, %dma_wait3A_2200] : memref<8x64xi32, #tpu.memory_space<vmem>> -> memref<1x64xi32, #tpu.memory_space<vmem>>
        %dma_wait3A_2202 = tpu.memref_squeeze %dma_wait3A_2201 : memref<1x64xi32, #tpu.memory_space<vmem>> -> memref<64xi32, #tpu.memory_space<vmem>>
        %dma_wait3A_2203 = arith.constant 0 : i32
        %dma_wait3A_2204 = arith.constant 0 : i32
        %dma_wait3A_2205 = tpu.memref_slice %arg5[%dma_wait3A_2203, %dma_wait3A_2204] : memref<524288x128xf32, #tpu.memory_space<hbm>> -> memref<524288x128xf32, #tpu.memory_space<hbm>>
        %dma_wait3A_2206 = tpu.memref_slice %arg11[%dma_wait3A_2195] : memref<8x!tpu.dma_semaphore, #tpu.memory_space<semaphore_mem>> -> memref<1x!tpu.dma_semaphore, #tpu.memory_space<semaphore_mem>>
        %dma_wait3A_2207 = tpu.memref_squeeze %dma_wait3A_2206 : memref<1x!tpu.dma_semaphore, #tpu.memory_space<semaphore_mem>> -> memref<!tpu.dma_semaphore, #tpu.memory_space<semaphore_mem>>
        tpu.wait_indirect_dma semaphore(%dma_wait3A_2207 : memref<!tpu.dma_semaphore, #tpu.memory_space<semaphore_mem>>) src(%dma_wait3A_2199 : memref<64x128xf32, #tpu.memory_space<vmem>>) dst(%dma_wait3A_2205 : memref<524288x128xf32, #tpu.memory_space<hbm>>)
        %dma_wait3A_2208 = arith.constant 6 : i32
        %dma_wait3A_2209 = arith.constant 6 : i32
        %dma_wait3A_2210 = arith.constant 6 : i32
        %dma_wait3A_2211 = arith.constant 0 : i32
        %dma_wait3A_2212 = arith.constant 0 : i32
        %dma_wait3A_2213 = tpu.memref_slice %arg8[%dma_wait3A_2208, %dma_wait3A_2211, %dma_wait3A_2212] : memref<8x64x128xf32, #tpu.memory_space<vmem>> -> memref<1x64x128xf32, #tpu.memory_space<vmem>>
        %dma_wait3A_2214 = tpu.memref_squeeze %dma_wait3A_2213 : memref<1x64x128xf32, #tpu.memory_space<vmem>> -> memref<64x128xf32, #tpu.memory_space<vmem>>
        %dma_wait3A_2215 = arith.constant 0 : i32
        %dma_wait3A_2216 = tpu.memref_slice %arg9[%dma_wait3A_2209, %dma_wait3A_2215] : memref<8x64xi32, #tpu.memory_space<vmem>> -> memref<1x64xi32, #tpu.memory_space<vmem>>
        %dma_wait3A_2217 = tpu.memref_squeeze %dma_wait3A_2216 : memref<1x64xi32, #tpu.memory_space<vmem>> -> memref<64xi32, #tpu.memory_space<vmem>>
        %dma_wait3A_2218 = arith.constant 0 : i32
        %dma_wait3A_2219 = arith.constant 0 : i32
        %dma_wait3A_2220 = tpu.memref_slice %arg5[%dma_wait3A_2218, %dma_wait3A_2219] : memref<524288x128xf32, #tpu.memory_space<hbm>> -> memref<524288x128xf32, #tpu.memory_space<hbm>>
        %dma_wait3A_2221 = tpu.memref_slice %arg11[%dma_wait3A_2210] : memref<8x!tpu.dma_semaphore, #tpu.memory_space<semaphore_mem>> -> memref<1x!tpu.dma_semaphore, #tpu.memory_space<semaphore_mem>>
        %dma_wait3A_2222 = tpu.memref_squeeze %dma_wait3A_2221 : memref<1x!tpu.dma_semaphore, #tpu.memory_space<semaphore_mem>> -> memref<!tpu.dma_semaphore, #tpu.memory_space<semaphore_mem>>
        tpu.wait_indirect_dma semaphore(%dma_wait3A_2222 : memref<!tpu.dma_semaphore, #tpu.memory_space<semaphore_mem>>) src(%dma_wait3A_2214 : memref<64x128xf32, #tpu.memory_space<vmem>>) dst(%dma_wait3A_2220 : memref<524288x128xf32, #tpu.memory_space<hbm>>)
        %dma_wait3A_2223 = arith.constant 7 : i32
        %dma_wait3A_2224 = arith.constant 7 : i32
        %dma_wait3A_2225 = arith.constant 7 : i32
        %dma_wait3A_2226 = arith.constant 0 : i32
        %dma_wait3A_2227 = arith.constant 0 : i32
        %dma_wait3A_2228 = tpu.memref_slice %arg8[%dma_wait3A_2223, %dma_wait3A_2226, %dma_wait3A_2227] : memref<8x64x128xf32, #tpu.memory_space<vmem>> -> memref<1x64x128xf32, #tpu.memory_space<vmem>>
        %dma_wait3A_2229 = tpu.memref_squeeze %dma_wait3A_2228 : memref<1x64x128xf32, #tpu.memory_space<vmem>> -> memref<64x128xf32, #tpu.memory_space<vmem>>
        %dma_wait3A_2230 = arith.constant 0 : i32
        %dma_wait3A_2231 = tpu.memref_slice %arg9[%dma_wait3A_2224, %dma_wait3A_2230] : memref<8x64xi32, #tpu.memory_space<vmem>> -> memref<1x64xi32, #tpu.memory_space<vmem>>
        %dma_wait3A_2232 = tpu.memref_squeeze %dma_wait3A_2231 : memref<1x64xi32, #tpu.memory_space<vmem>> -> memref<64xi32, #tpu.memory_space<vmem>>
        %dma_wait3A_2233 = arith.constant 0 : i32
        %dma_wait3A_2234 = arith.constant 0 : i32
        %dma_wait3A_2235 = tpu.memref_slice %arg5[%dma_wait3A_2233, %dma_wait3A_2234] : memref<524288x128xf32, #tpu.memory_space<hbm>> -> memref<524288x128xf32, #tpu.memory_space<hbm>>
        %dma_wait3A_2236 = tpu.memref_slice %arg11[%dma_wait3A_2225] : memref<8x!tpu.dma_semaphore, #tpu.memory_space<semaphore_mem>> -> memref<1x!tpu.dma_semaphore, #tpu.memory_space<semaphore_mem>>
        %dma_wait3A_2237 = tpu.memref_squeeze %dma_wait3A_2236 : memref<1x!tpu.dma_semaphore, #tpu.memory_space<semaphore_mem>> -> memref<!tpu.dma_semaphore, #tpu.memory_space<semaphore_mem>>
        tpu.wait_indirect_dma semaphore(%dma_wait3A_2237 : memref<!tpu.dma_semaphore, #tpu.memory_space<semaphore_mem>>) src(%dma_wait3A_2229 : memref<64x128xf32, #tpu.memory_space<vmem>>) dst(%dma_wait3A_2235 : memref<524288x128xf32, #tpu.memory_space<hbm>>)
      } else {
      }
      %eq3A = arith.constant 0 : i32
      %eq3A_659 = arith.cmpi eq, %scan3A_650, %eq3A : i32
      %convert_element_type3A_660 = arith.extui %eq3A_659 : i1 to i32
      %cond3A_661 = arith.constant 0 : i32
      %cond3A_662 = arith.cmpi ne, %convert_element_type3A_660, %cond3A_661 : i32
      scf.if %cond3A_662 {
        %mul3A_1389 = arith.constant 4 : i32
        %mul3A_1390 = arith.muli %mul3A_1389, %mul3A_652 : i32
        %add3A_1391 = arith.constant 0 : i32
        %add3A_1392 = arith.addi %mul3A_1390, %add3A_1391 : i32
        %shift_right_arithmetic3A_1393 = arith.constant 4 : i32
        %shift_right_arithmetic3A_1394 = arith.shrsi %add3A_1392, %shift_right_arithmetic3A_1393 : i32
        %and3A_1395 = arith.constant 15 : i32
        %and3A_1396 = arith.andi %add3A_1392, %and3A_1395 : i32
        %mul3A_1397 = arith.constant 64 : i32
        %mul3A_1398 = arith.muli %and3A_1396, %mul3A_1397 : i32
        %dma_start3A_1399 = arith.constant 0 : i32
        %dma_start3A_1400 = arith.constant 0 : i32
        %dma_start3A_1401 = arith.constant 0 : i32
        %dma_start3A_1402 = arith.constant 0 : i32
        %dma_start3A_1403 = tpu.memref_slice %arg8[%dma_start3A_1399, %dma_start3A_1401, %dma_start3A_1402] : memref<8x64x128xf32, #tpu.memory_space<vmem>> -> memref<1x64x128xf32, #tpu.memory_space<vmem>>
        %dma_start3A_1404 = tpu.memref_squeeze %dma_start3A_1403 : memref<1x64x128xf32, #tpu.memory_space<vmem>> -> memref<64x128xf32, #tpu.memory_space<vmem>>
        %dma_start3A_1405 = tpu.memref_slice %arg6[%shift_right_arithmetic3A_1394, %mul3A_1398] : memref<16x1024xi32, #tpu.memory_space<vmem>> -> memref<1x64xi32, #tpu.memory_space<vmem>>
        %dma_start3A_1406 = tpu.memref_squeeze %dma_start3A_1405 : memref<1x64xi32, #tpu.memory_space<vmem>> -> memref<64xi32, #tpu.memory_space<vmem>>
        %dma_start3A_1407 = arith.constant 0 : i32
        %dma_start3A_1408 = arith.constant 0 : i32
        %dma_start3A_1409 = tpu.memref_slice %arg3[%dma_start3A_1407, %dma_start3A_1408] : memref<100000x128xf32, #tpu.memory_space<hbm>> -> memref<100000x128xf32, #tpu.memory_space<hbm>>
        %dma_start3A_1410 = tpu.memref_slice %arg10[%dma_start3A_1400] : memref<8x!tpu.dma_semaphore, #tpu.memory_space<semaphore_mem>> -> memref<1x!tpu.dma_semaphore, #tpu.memory_space<semaphore_mem>>
        %dma_start3A_1411 = tpu.memref_squeeze %dma_start3A_1410 : memref<1x!tpu.dma_semaphore, #tpu.memory_space<semaphore_mem>> -> memref<!tpu.dma_semaphore, #tpu.memory_space<semaphore_mem>>
        tpu.enqueue_indirect_dma source(%dma_start3A_1409 : memref<100000x128xf32, #tpu.memory_space<hbm>>) target(%dma_start3A_1404 : memref<64x128xf32, #tpu.memory_space<vmem>>) offsets(%dma_start3A_1406 : memref<64xi32, #tpu.memory_space<vmem>>) semaphore(%dma_start3A_1411 : memref<!tpu.dma_semaphore, #tpu.memory_space<semaphore_mem>>)
        %mul3A_1412 = arith.constant 4 : i32
        %mul3A_1413 = arith.muli %mul3A_1412, %mul3A_652 : i32
        %add3A_1414 = arith.constant 1 : i32
        %add3A_1415 = arith.addi %mul3A_1413, %add3A_1414 : i32
        %shift_right_arithmetic3A_1416 = arith.constant 4 : i32
        %shift_right_arithmetic3A_1417 = arith.shrsi %add3A_1415, %shift_right_arithmetic3A_1416 : i32
        %and3A_1418 = arith.constant 15 : i32
        %and3A_1419 = arith.andi %add3A_1415, %and3A_1418 : i32
        %mul3A_1420 = arith.constant 64 : i32
        %mul3A_1421 = arith.muli %and3A_1419, %mul3A_1420 : i32
        %dma_start3A_1422 = arith.constant 1 : i32
        %dma_start3A_1423 = arith.constant 1 : i32
        %dma_start3A_1424 = arith.constant 0 : i32
        %dma_start3A_1425 = arith.constant 0 : i32
        %dma_start3A_1426 = tpu.memref_slice %arg8[%dma_start3A_1422, %dma_start3A_1424, %dma_start3A_1425] : memref<8x64x128xf32, #tpu.memory_space<vmem>> -> memref<1x64x128xf32, #tpu.memory_space<vmem>>
        %dma_start3A_1427 = tpu.memref_squeeze %dma_start3A_1426 : memref<1x64x128xf32, #tpu.memory_space<vmem>> -> memref<64x128xf32, #tpu.memory_space<vmem>>
        %dma_start3A_1428 = tpu.memref_slice %arg6[%shift_right_arithmetic3A_1417, %mul3A_1421] : memref<16x1024xi32, #tpu.memory_space<vmem>> -> memref<1x64xi32, #tpu.memory_space<vmem>>
        %dma_start3A_1429 = tpu.memref_squeeze %dma_start3A_1428 : memref<1x64xi32, #tpu.memory_space<vmem>> -> memref<64xi32, #tpu.memory_space<vmem>>
        %dma_start3A_1430 = arith.constant 0 : i32
        %dma_start3A_1431 = arith.constant 0 : i32
        %dma_start3A_1432 = tpu.memref_slice %arg3[%dma_start3A_1430, %dma_start3A_1431] : memref<100000x128xf32, #tpu.memory_space<hbm>> -> memref<100000x128xf32, #tpu.memory_space<hbm>>
        %dma_start3A_1433 = tpu.memref_slice %arg10[%dma_start3A_1423] : memref<8x!tpu.dma_semaphore, #tpu.memory_space<semaphore_mem>> -> memref<1x!tpu.dma_semaphore, #tpu.memory_space<semaphore_mem>>
        %dma_start3A_1434 = tpu.memref_squeeze %dma_start3A_1433 : memref<1x!tpu.dma_semaphore, #tpu.memory_space<semaphore_mem>> -> memref<!tpu.dma_semaphore, #tpu.memory_space<semaphore_mem>>
        tpu.enqueue_indirect_dma source(%dma_start3A_1432 : memref<100000x128xf32, #tpu.memory_space<hbm>>) target(%dma_start3A_1427 : memref<64x128xf32, #tpu.memory_space<vmem>>) offsets(%dma_start3A_1429 : memref<64xi32, #tpu.memory_space<vmem>>) semaphore(%dma_start3A_1434 : memref<!tpu.dma_semaphore, #tpu.memory_space<semaphore_mem>>)
        %mul3A_1435 = arith.constant 4 : i32
        %mul3A_1436 = arith.muli %mul3A_1435, %mul3A_652 : i32
        %add3A_1437 = arith.constant 2 : i32
        %add3A_1438 = arith.addi %mul3A_1436, %add3A_1437 : i32
        %shift_right_arithmetic3A_1439 = arith.constant 4 : i32
        %shift_right_arithmetic3A_1440 = arith.shrsi %add3A_1438, %shift_right_arithmetic3A_1439 : i32
        %and3A_1441 = arith.constant 15 : i32
        %and3A_1442 = arith.andi %add3A_1438, %and3A_1441 : i32
        %mul3A_1443 = arith.constant 64 : i32
        %mul3A_1444 = arith.muli %and3A_1442, %mul3A_1443 : i32
        %dma_start3A_1445 = arith.constant 2 : i32
        %dma_start3A_1446 = arith.constant 2 : i32
        %dma_start3A_1447 = arith.constant 0 : i32
        %dma_start3A_1448 = arith.constant 0 : i32
        %dma_start3A_1449 = tpu.memref_slice %arg8[%dma_start3A_1445, %dma_start3A_1447, %dma_start3A_1448] : memref<8x64x128xf32, #tpu.memory_space<vmem>> -> memref<1x64x128xf32, #tpu.memory_space<vmem>>
        %dma_start3A_1450 = tpu.memref_squeeze %dma_start3A_1449 : memref<1x64x128xf32, #tpu.memory_space<vmem>> -> memref<64x128xf32, #tpu.memory_space<vmem>>
        %dma_start3A_1451 = tpu.memref_slice %arg6[%shift_right_arithmetic3A_1440, %mul3A_1444] : memref<16x1024xi32, #tpu.memory_space<vmem>> -> memref<1x64xi32, #tpu.memory_space<vmem>>
        %dma_start3A_1452 = tpu.memref_squeeze %dma_start3A_1451 : memref<1x64xi32, #tpu.memory_space<vmem>> -> memref<64xi32, #tpu.memory_space<vmem>>
        %dma_start3A_1453 = arith.constant 0 : i32
        %dma_start3A_1454 = arith.constant 0 : i32
        %dma_start3A_1455 = tpu.memref_slice %arg3[%dma_start3A_1453, %dma_start3A_1454] : memref<100000x128xf32, #tpu.memory_space<hbm>> -> memref<100000x128xf32, #tpu.memory_space<hbm>>
        %dma_start3A_1456 = tpu.memref_slice %arg10[%dma_start3A_1446] : memref<8x!tpu.dma_semaphore, #tpu.memory_space<semaphore_mem>> -> memref<1x!tpu.dma_semaphore, #tpu.memory_space<semaphore_mem>>
        %dma_start3A_1457 = tpu.memref_squeeze %dma_start3A_1456 : memref<1x!tpu.dma_semaphore, #tpu.memory_space<semaphore_mem>> -> memref<!tpu.dma_semaphore, #tpu.memory_space<semaphore_mem>>
        tpu.enqueue_indirect_dma source(%dma_start3A_1455 : memref<100000x128xf32, #tpu.memory_space<hbm>>) target(%dma_start3A_1450 : memref<64x128xf32, #tpu.memory_space<vmem>>) offsets(%dma_start3A_1452 : memref<64xi32, #tpu.memory_space<vmem>>) semaphore(%dma_start3A_1457 : memref<!tpu.dma_semaphore, #tpu.memory_space<semaphore_mem>>)
        %mul3A_1458 = arith.constant 4 : i32
        %mul3A_1459 = arith.muli %mul3A_1458, %mul3A_652 : i32
        %add3A_1460 = arith.constant 3 : i32
        %add3A_1461 = arith.addi %mul3A_1459, %add3A_1460 : i32
        %shift_right_arithmetic3A_1462 = arith.constant 4 : i32
        %shift_right_arithmetic3A_1463 = arith.shrsi %add3A_1461, %shift_right_arithmetic3A_1462 : i32
        %and3A_1464 = arith.constant 15 : i32
        %and3A_1465 = arith.andi %add3A_1461, %and3A_1464 : i32
        %mul3A_1466 = arith.constant 64 : i32
        %mul3A_1467 = arith.muli %and3A_1465, %mul3A_1466 : i32
        %dma_start3A_1468 = arith.constant 3 : i32
        %dma_start3A_1469 = arith.constant 3 : i32
        %dma_start3A_1470 = arith.constant 0 : i32
        %dma_start3A_1471 = arith.constant 0 : i32
        %dma_start3A_1472 = tpu.memref_slice %arg8[%dma_start3A_1468, %dma_start3A_1470, %dma_start3A_1471] : memref<8x64x128xf32, #tpu.memory_space<vmem>> -> memref<1x64x128xf32, #tpu.memory_space<vmem>>
        %dma_start3A_1473 = tpu.memref_squeeze %dma_start3A_1472 : memref<1x64x128xf32, #tpu.memory_space<vmem>> -> memref<64x128xf32, #tpu.memory_space<vmem>>
        %dma_start3A_1474 = tpu.memref_slice %arg6[%shift_right_arithmetic3A_1463, %mul3A_1467] : memref<16x1024xi32, #tpu.memory_space<vmem>> -> memref<1x64xi32, #tpu.memory_space<vmem>>
        %dma_start3A_1475 = tpu.memref_squeeze %dma_start3A_1474 : memref<1x64xi32, #tpu.memory_space<vmem>> -> memref<64xi32, #tpu.memory_space<vmem>>
        %dma_start3A_1476 = arith.constant 0 : i32
        %dma_start3A_1477 = arith.constant 0 : i32
        %dma_start3A_1478 = tpu.memref_slice %arg3[%dma_start3A_1476, %dma_start3A_1477] : memref<100000x128xf32, #tpu.memory_space<hbm>> -> memref<100000x128xf32, #tpu.memory_space<hbm>>
        %dma_start3A_1479 = tpu.memref_slice %arg10[%dma_start3A_1469] : memref<8x!tpu.dma_semaphore, #tpu.memory_space<semaphore_mem>> -> memref<1x!tpu.dma_semaphore, #tpu.memory_space<semaphore_mem>>
        %dma_start3A_1480 = tpu.memref_squeeze %dma_start3A_1479 : memref<1x!tpu.dma_semaphore, #tpu.memory_space<semaphore_mem>> -> memref<!tpu.dma_semaphore, #tpu.memory_space<semaphore_mem>>
        tpu.enqueue_indirect_dma source(%dma_start3A_1478 : memref<100000x128xf32, #tpu.memory_space<hbm>>) target(%dma_start3A_1473 : memref<64x128xf32, #tpu.memory_space<vmem>>) offsets(%dma_start3A_1475 : memref<64xi32, #tpu.memory_space<vmem>>) semaphore(%dma_start3A_1480 : memref<!tpu.dma_semaphore, #tpu.memory_space<semaphore_mem>>)
      } else {
      }
      %mul3A_663 = arith.constant 4 : i32
      %mul3A_664 = arith.muli %mul3A_663, %add3A_656 : i32
      %add3A_665 = arith.constant 0 : i32
      %add3A_666 = arith.addi %mul3A_664, %add3A_665 : i32
      %shift_right_arithmetic3A = arith.constant 4 : i32
      %shift_right_arithmetic3A_667 = arith.shrsi %add3A_666, %shift_right_arithmetic3A : i32
      %and3A = arith.constant 15 : i32
      %and3A_668 = arith.andi %add3A_666, %and3A : i32
      %mul3A_669 = arith.constant 64 : i32
      %mul3A_670 = arith.muli %and3A_668, %mul3A_669 : i32
      %dma_start3A_671 = arith.constant 4 : i32
      %dma_start3A_672 = arith.constant 4 : i32
      %dma_start3A_673 = arith.constant 0 : i32
      %dma_start3A_674 = arith.constant 0 : i32
      %dma_start3A_675 = tpu.memref_slice %arg8[%dma_start3A_671, %dma_start3A_673, %dma_start3A_674] : memref<8x64x128xf32, #tpu.memory_space<vmem>> -> memref<1x64x128xf32, #tpu.memory_space<vmem>>
      %dma_start3A_676 = tpu.memref_squeeze %dma_start3A_675 : memref<1x64x128xf32, #tpu.memory_space<vmem>> -> memref<64x128xf32, #tpu.memory_space<vmem>>
      %dma_start3A_677 = tpu.memref_slice %arg6[%shift_right_arithmetic3A_667, %mul3A_670] : memref<16x1024xi32, #tpu.memory_space<vmem>> -> memref<1x64xi32, #tpu.memory_space<vmem>>
      %dma_start3A_678 = tpu.memref_squeeze %dma_start3A_677 : memref<1x64xi32, #tpu.memory_space<vmem>> -> memref<64xi32, #tpu.memory_space<vmem>>
      %dma_start3A_679 = arith.constant 0 : i32
      %dma_start3A_680 = arith.constant 0 : i32
      %dma_start3A_681 = tpu.memref_slice %arg3[%dma_start3A_679, %dma_start3A_680] : memref<100000x128xf32, #tpu.memory_space<hbm>> -> memref<100000x128xf32, #tpu.memory_space<hbm>>
      %dma_start3A_682 = tpu.memref_slice %arg10[%dma_start3A_672] : memref<8x!tpu.dma_semaphore, #tpu.memory_space<semaphore_mem>> -> memref<1x!tpu.dma_semaphore, #tpu.memory_space<semaphore_mem>>
      %dma_start3A_683 = tpu.memref_squeeze %dma_start3A_682 : memref<1x!tpu.dma_semaphore, #tpu.memory_space<semaphore_mem>> -> memref<!tpu.dma_semaphore, #tpu.memory_space<semaphore_mem>>
      tpu.enqueue_indirect_dma source(%dma_start3A_681 : memref<100000x128xf32, #tpu.memory_space<hbm>>) target(%dma_start3A_676 : memref<64x128xf32, #tpu.memory_space<vmem>>) offsets(%dma_start3A_678 : memref<64xi32, #tpu.memory_space<vmem>>) semaphore(%dma_start3A_683 : memref<!tpu.dma_semaphore, #tpu.memory_space<semaphore_mem>>)
      %mul3A_684 = arith.constant 4 : i32
      %mul3A_685 = arith.muli %mul3A_684, %add3A_656 : i32
      %add3A_686 = arith.constant 1 : i32
      %add3A_687 = arith.addi %mul3A_685, %add3A_686 : i32
      %shift_right_arithmetic3A_688 = arith.constant 4 : i32
      %shift_right_arithmetic3A_689 = arith.shrsi %add3A_687, %shift_right_arithmetic3A_688 : i32
      %and3A_690 = arith.constant 15 : i32
      %and3A_691 = arith.andi %add3A_687, %and3A_690 : i32
      %mul3A_692 = arith.constant 64 : i32
      %mul3A_693 = arith.muli %and3A_691, %mul3A_692 : i32
      %dma_start3A_694 = arith.constant 5 : i32
      %dma_start3A_695 = arith.constant 5 : i32
      %dma_start3A_696 = arith.constant 0 : i32
      %dma_start3A_697 = arith.constant 0 : i32
      %dma_start3A_698 = tpu.memref_slice %arg8[%dma_start3A_694, %dma_start3A_696, %dma_start3A_697] : memref<8x64x128xf32, #tpu.memory_space<vmem>> -> memref<1x64x128xf32, #tpu.memory_space<vmem>>
      %dma_start3A_699 = tpu.memref_squeeze %dma_start3A_698 : memref<1x64x128xf32, #tpu.memory_space<vmem>> -> memref<64x128xf32, #tpu.memory_space<vmem>>
      %dma_start3A_700 = tpu.memref_slice %arg6[%shift_right_arithmetic3A_689, %mul3A_693] : memref<16x1024xi32, #tpu.memory_space<vmem>> -> memref<1x64xi32, #tpu.memory_space<vmem>>
      %dma_start3A_701 = tpu.memref_squeeze %dma_start3A_700 : memref<1x64xi32, #tpu.memory_space<vmem>> -> memref<64xi32, #tpu.memory_space<vmem>>
      %dma_start3A_702 = arith.constant 0 : i32
      %dma_start3A_703 = arith.constant 0 : i32
      %dma_start3A_704 = tpu.memref_slice %arg3[%dma_start3A_702, %dma_start3A_703] : memref<100000x128xf32, #tpu.memory_space<hbm>> -> memref<100000x128xf32, #tpu.memory_space<hbm>>
      %dma_start3A_705 = tpu.memref_slice %arg10[%dma_start3A_695] : memref<8x!tpu.dma_semaphore, #tpu.memory_space<semaphore_mem>> -> memref<1x!tpu.dma_semaphore, #tpu.memory_space<semaphore_mem>>
      %dma_start3A_706 = tpu.memref_squeeze %dma_start3A_705 : memref<1x!tpu.dma_semaphore, #tpu.memory_space<semaphore_mem>> -> memref<!tpu.dma_semaphore, #tpu.memory_space<semaphore_mem>>
      tpu.enqueue_indirect_dma source(%dma_start3A_704 : memref<100000x128xf32, #tpu.memory_space<hbm>>) target(%dma_start3A_699 : memref<64x128xf32, #tpu.memory_space<vmem>>) offsets(%dma_start3A_701 : memref<64xi32, #tpu.memory_space<vmem>>) semaphore(%dma_start3A_706 : memref<!tpu.dma_semaphore, #tpu.memory_space<semaphore_mem>>)
      %mul3A_707 = arith.constant 4 : i32
      %mul3A_708 = arith.muli %mul3A_707, %add3A_656 : i32
      %add3A_709 = arith.constant 2 : i32
      %add3A_710 = arith.addi %mul3A_708, %add3A_709 : i32
      %shift_right_arithmetic3A_711 = arith.constant 4 : i32
      %shift_right_arithmetic3A_712 = arith.shrsi %add3A_710, %shift_right_arithmetic3A_711 : i32
      %and3A_713 = arith.constant 15 : i32
      %and3A_714 = arith.andi %add3A_710, %and3A_713 : i32
      %mul3A_715 = arith.constant 64 : i32
      %mul3A_716 = arith.muli %and3A_714, %mul3A_715 : i32
      %dma_start3A_717 = arith.constant 6 : i32
      %dma_start3A_718 = arith.constant 6 : i32
      %dma_start3A_719 = arith.constant 0 : i32
      %dma_start3A_720 = arith.constant 0 : i32
      %dma_start3A_721 = tpu.memref_slice %arg8[%dma_start3A_717, %dma_start3A_719, %dma_start3A_720] : memref<8x64x128xf32, #tpu.memory_space<vmem>> -> memref<1x64x128xf32, #tpu.memory_space<vmem>>
      %dma_start3A_722 = tpu.memref_squeeze %dma_start3A_721 : memref<1x64x128xf32, #tpu.memory_space<vmem>> -> memref<64x128xf32, #tpu.memory_space<vmem>>
      %dma_start3A_723 = tpu.memref_slice %arg6[%shift_right_arithmetic3A_712, %mul3A_716] : memref<16x1024xi32, #tpu.memory_space<vmem>> -> memref<1x64xi32, #tpu.memory_space<vmem>>
      %dma_start3A_724 = tpu.memref_squeeze %dma_start3A_723 : memref<1x64xi32, #tpu.memory_space<vmem>> -> memref<64xi32, #tpu.memory_space<vmem>>
      %dma_start3A_725 = arith.constant 0 : i32
      %dma_start3A_726 = arith.constant 0 : i32
      %dma_start3A_727 = tpu.memref_slice %arg3[%dma_start3A_725, %dma_start3A_726] : memref<100000x128xf32, #tpu.memory_space<hbm>> -> memref<100000x128xf32, #tpu.memory_space<hbm>>
      %dma_start3A_728 = tpu.memref_slice %arg10[%dma_start3A_718] : memref<8x!tpu.dma_semaphore, #tpu.memory_space<semaphore_mem>> -> memref<1x!tpu.dma_semaphore, #tpu.memory_space<semaphore_mem>>
      %dma_start3A_729 = tpu.memref_squeeze %dma_start3A_728 : memref<1x!tpu.dma_semaphore, #tpu.memory_space<semaphore_mem>> -> memref<!tpu.dma_semaphore, #tpu.memory_space<semaphore_mem>>
      tpu.enqueue_indirect_dma source(%dma_start3A_727 : memref<100000x128xf32, #tpu.memory_space<hbm>>) target(%dma_start3A_722 : memref<64x128xf32, #tpu.memory_space<vmem>>) offsets(%dma_start3A_724 : memref<64xi32, #tpu.memory_space<vmem>>) semaphore(%dma_start3A_729 : memref<!tpu.dma_semaphore, #tpu.memory_space<semaphore_mem>>)
      %mul3A_730 = arith.constant 4 : i32
      %mul3A_731 = arith.muli %mul3A_730, %add3A_656 : i32
      %add3A_732 = arith.constant 3 : i32
      %add3A_733 = arith.addi %mul3A_731, %add3A_732 : i32
      %shift_right_arithmetic3A_734 = arith.constant 4 : i32
      %shift_right_arithmetic3A_735 = arith.shrsi %add3A_733, %shift_right_arithmetic3A_734 : i32
      %and3A_736 = arith.constant 15 : i32
      %and3A_737 = arith.andi %add3A_733, %and3A_736 : i32
      %mul3A_738 = arith.constant 64 : i32
      %mul3A_739 = arith.muli %and3A_737, %mul3A_738 : i32
      %dma_start3A_740 = arith.constant 7 : i32
      %dma_start3A_741 = arith.constant 7 : i32
      %dma_start3A_742 = arith.constant 0 : i32
      %dma_start3A_743 = arith.constant 0 : i32
      %dma_start3A_744 = tpu.memref_slice %arg8[%dma_start3A_740, %dma_start3A_742, %dma_start3A_743] : memref<8x64x128xf32, #tpu.memory_space<vmem>> -> memref<1x64x128xf32, #tpu.memory_space<vmem>>
      %dma_start3A_745 = tpu.memref_squeeze %dma_start3A_744 : memref<1x64x128xf32, #tpu.memory_space<vmem>> -> memref<64x128xf32, #tpu.memory_space<vmem>>
      %dma_start3A_746 = tpu.memref_slice %arg6[%shift_right_arithmetic3A_735, %mul3A_739] : memref<16x1024xi32, #tpu.memory_space<vmem>> -> memref<1x64xi32, #tpu.memory_space<vmem>>
      %dma_start3A_747 = tpu.memref_squeeze %dma_start3A_746 : memref<1x64xi32, #tpu.memory_space<vmem>> -> memref<64xi32, #tpu.memory_space<vmem>>
      %dma_start3A_748 = arith.constant 0 : i32
      %dma_start3A_749 = arith.constant 0 : i32
      %dma_start3A_750 = tpu.memref_slice %arg3[%dma_start3A_748, %dma_start3A_749] : memref<100000x128xf32, #tpu.memory_space<hbm>> -> memref<100000x128xf32, #tpu.memory_space<hbm>>
      %dma_start3A_751 = tpu.memref_slice %arg10[%dma_start3A_741] : memref<8x!tpu.dma_semaphore, #tpu.memory_space<semaphore_mem>> -> memref<1x!tpu.dma_semaphore, #tpu.memory_space<semaphore_mem>>
      %dma_start3A_752 = tpu.memref_squeeze %dma_start3A_751 : memref<1x!tpu.dma_semaphore, #tpu.memory_space<semaphore_mem>> -> memref<!tpu.dma_semaphore, #tpu.memory_space<semaphore_mem>>
      tpu.enqueue_indirect_dma source(%dma_start3A_750 : memref<100000x128xf32, #tpu.memory_space<hbm>>) target(%dma_start3A_745 : memref<64x128xf32, #tpu.memory_space<vmem>>) offsets(%dma_start3A_747 : memref<64xi32, #tpu.memory_space<vmem>>) semaphore(%dma_start3A_752 : memref<!tpu.dma_semaphore, #tpu.memory_space<semaphore_mem>>)
      %mul3A_753 = arith.constant 4 : i32
      %mul3A_754 = arith.muli %mul3A_753, %mul3A_652 : i32
      %add3A_755 = arith.constant 0 : i32
      %add3A_756 = arith.addi %mul3A_754, %add3A_755 : i32
      %shift_right_arithmetic3A_757 = arith.constant 4 : i32
      %shift_right_arithmetic3A_758 = arith.shrsi %add3A_756, %shift_right_arithmetic3A_757 : i32
      %and3A_759 = arith.constant 15 : i32
      %and3A_760 = arith.andi %add3A_756, %and3A_759 : i32
      %add3A_761 = arith.addi %mul3A_2, %shift_right_arithmetic3A_758 : i32
      %iota3A_762 = tpu.iota {dimensions = array<i32: 0>} : vector<16xi32>
      %mul3A_763 = arith.constant 512 : i32
      %mul3A_764 = vector.broadcast %mul3A_763 : i32 to vector<16xi32>
      %mul3A_765 = arith.muli %iota3A_762, %mul3A_764 : vector<16xi32>
      %mul3A_766 = arith.constant 64 : i32
      %mul3A_767 = arith.muli %and3A_760, %mul3A_766 : i32
      %add3A_768 = arith.constant 0 : i32
      %add3A_769 = arith.addi %mul3A_767, %add3A_768 : i32
      %mul3A_770 = arith.constant 512 : i32
      %mul3A_771 = arith.muli %add3A_769, %mul3A_770 : i32
      %add3A_772 = vector.broadcast %mul3A_771 : i32 to vector<16xi32>
      %add3A_773 = arith.addi %mul3A_765, %add3A_772 : vector<16xi32>
      %add3A_774 = vector.broadcast %add3A_761 : i32 to vector<16xi32>
      %add3A_775 = arith.addi %add3A_773, %add3A_774 : vector<16xi32>
      %swap3A_776 = arith.constant 0 : i32
      %swap3A_777 = arith.index_cast %swap3A_776 : i32 to index
      %swap3A_778 = arith.constant 0 : index
      %swap3A_779 = tpu.vector_load %arg9[%swap3A_777, %swap3A_778] {strides = array<i32>} : memref<8x64xi32, #tpu.memory_space<vmem>>, vector<1x16xi32>,
      %swap3A_780 = vector.shape_cast %swap3A_779 : vector<1x16xi32> to vector<16xi32>
      %swap3A_781 = vector.shape_cast %add3A_775 : vector<16xi32> to vector<1x16xi32>
      tpu.vector_store %arg9[%swap3A_777, %swap3A_778], %swap3A_781 {strides = array<i32>} : memref<8x64xi32, #tpu.memory_space<vmem>>, vector<1x16xi32>,
      %mul3A_782 = arith.constant 512 : i32
      %mul3A_783 = vector.broadcast %mul3A_782 : i32 to vector<16xi32>
      %mul3A_784 = arith.muli %iota3A_762, %mul3A_783 : vector<16xi32>
      %mul3A_785 = arith.constant 64 : i32
      %mul3A_786 = arith.muli %and3A_760, %mul3A_785 : i32
      %add3A_787 = arith.constant 16 : i32
      %add3A_788 = arith.addi %mul3A_786, %add3A_787 : i32
      %mul3A_789 = arith.constant 512 : i32
      %mul3A_790 = arith.muli %add3A_788, %mul3A_789 : i32
      %add3A_791 = vector.broadcast %mul3A_790 : i32 to vector<16xi32>
      %add3A_792 = arith.addi %mul3A_784, %add3A_791 : vector<16xi32>
      %add3A_793 = vector.broadcast %add3A_761 : i32 to vector<16xi32>
      %add3A_794 = arith.addi %add3A_792, %add3A_793 : vector<16xi32>
      %swap3A_795 = arith.constant 0 : i32
      %swap3A_796 = arith.index_cast %swap3A_795 : i32 to index
      %swap3A_797 = arith.constant 16 : index
      %swap3A_798 = tpu.vector_load %arg9[%swap3A_796, %swap3A_797] {strides = array<i32>} : memref<8x64xi32, #tpu.memory_space<vmem>>, vector<1x16xi32>,
      %swap3A_799 = vector.shape_cast %swap3A_798 : vector<1x16xi32> to vector<16xi32>
      %swap3A_800 = vector.shape_cast %add3A_794 : vector<16xi32> to vector<1x16xi32>
      tpu.vector_store %arg9[%swap3A_796, %swap3A_797], %swap3A_800 {strides = array<i32>} : memref<8x64xi32, #tpu.memory_space<vmem>>, vector<1x16xi32>,
      %mul3A_801 = arith.constant 512 : i32
      %mul3A_802 = vector.broadcast %mul3A_801 : i32 to vector<16xi32>
      %mul3A_803 = arith.muli %iota3A_762, %mul3A_802 : vector<16xi32>
      %mul3A_804 = arith.constant 64 : i32
      %mul3A_805 = arith.muli %and3A_760, %mul3A_804 : i32
      %add3A_806 = arith.constant 32 : i32
      %add3A_807 = arith.addi %mul3A_805, %add3A_806 : i32
      %mul3A_808 = arith.constant 512 : i32
      %mul3A_809 = arith.muli %add3A_807, %mul3A_808 : i32
      %add3A_810 = vector.broadcast %mul3A_809 : i32 to vector<16xi32>
      %add3A_811 = arith.addi %mul3A_803, %add3A_810 : vector<16xi32>
      %add3A_812 = vector.broadcast %add3A_761 : i32 to vector<16xi32>
      %add3A_813 = arith.addi %add3A_811, %add3A_812 : vector<16xi32>
      %swap3A_814 = arith.constant 0 : i32
      %swap3A_815 = arith.index_cast %swap3A_814 : i32 to index
      %swap3A_816 = arith.constant 32 : index
      %swap3A_817 = tpu.vector_load %arg9[%swap3A_815, %swap3A_816] {strides = array<i32>} : memref<8x64xi32, #tpu.memory_space<vmem>>, vector<1x16xi32>,
      %swap3A_818 = vector.shape_cast %swap3A_817 : vector<1x16xi32> to vector<16xi32>
      %swap3A_819 = vector.shape_cast %add3A_813 : vector<16xi32> to vector<1x16xi32>
      tpu.vector_store %arg9[%swap3A_815, %swap3A_816], %swap3A_819 {strides = array<i32>} : memref<8x64xi32, #tpu.memory_space<vmem>>, vector<1x16xi32>,
      %mul3A_820 = arith.constant 512 : i32
      %mul3A_821 = vector.broadcast %mul3A_820 : i32 to vector<16xi32>
      %mul3A_822 = arith.muli %iota3A_762, %mul3A_821 : vector<16xi32>
      %mul3A_823 = arith.constant 64 : i32
      %mul3A_824 = arith.muli %and3A_760, %mul3A_823 : i32
      %add3A_825 = arith.constant 48 : i32
      %add3A_826 = arith.addi %mul3A_824, %add3A_825 : i32
      %mul3A_827 = arith.constant 512 : i32
      %mul3A_828 = arith.muli %add3A_826, %mul3A_827 : i32
      %add3A_829 = vector.broadcast %mul3A_828 : i32 to vector<16xi32>
      %add3A_830 = arith.addi %mul3A_822, %add3A_829 : vector<16xi32>
      %add3A_831 = vector.broadcast %add3A_761 : i32 to vector<16xi32>
      %add3A_832 = arith.addi %add3A_830, %add3A_831 : vector<16xi32>
      %swap3A_833 = arith.constant 0 : i32
      %swap3A_834 = arith.index_cast %swap3A_833 : i32 to index
      %swap3A_835 = arith.constant 48 : index
      %swap3A_836 = tpu.vector_load %arg9[%swap3A_834, %swap3A_835] {strides = array<i32>} : memref<8x64xi32, #tpu.memory_space<vmem>>, vector<1x16xi32>,
      %swap3A_837 = vector.shape_cast %swap3A_836 : vector<1x16xi32> to vector<16xi32>
      %swap3A_838 = vector.shape_cast %add3A_832 : vector<16xi32> to vector<1x16xi32>
      tpu.vector_store %arg9[%swap3A_834, %swap3A_835], %swap3A_838 {strides = array<i32>} : memref<8x64xi32, #tpu.memory_space<vmem>>, vector<1x16xi32>,
      %get3A_839 = arith.index_cast %shift_right_arithmetic3A_758 : i32 to index
      %get3A_840 = arith.constant 0 : index
      %get3A_841 = tpu.vector_load %arg7[%get3A_839, %get3A_840] {strides = array<i32>} : memref<16x128xf32, #tpu.memory_space<vmem>>, vector<1x16xf32>,
      %get3A_842 = vector.shape_cast %get3A_841 : vector<1x16xf32> to vector<16xf32>
      %get3A_843 = arith.index_cast %shift_right_arithmetic3A_758 : i32 to index
      %get3A_844 = arith.constant 16 : index
      %get3A_845 = tpu.vector_load %arg7[%get3A_843, %get3A_844] {strides = array<i32>} : memref<16x128xf32, #tpu.memory_space<vmem>>, vector<1x16xf32>,
      %get3A_846 = vector.shape_cast %get3A_845 : vector<1x16xf32> to vector<16xf32>
      %get3A_847 = arith.index_cast %shift_right_arithmetic3A_758 : i32 to index
      %get3A_848 = arith.constant 32 : index
      %get3A_849 = tpu.vector_load %arg7[%get3A_847, %get3A_848] {strides = array<i32>} : memref<16x128xf32, #tpu.memory_space<vmem>>, vector<1x16xf32>,
      %get3A_850 = vector.shape_cast %get3A_849 : vector<1x16xf32> to vector<16xf32>
      %get3A_851 = arith.index_cast %shift_right_arithmetic3A_758 : i32 to index
      %get3A_852 = arith.constant 48 : index
      %get3A_853 = tpu.vector_load %arg7[%get3A_851, %get3A_852] {strides = array<i32>} : memref<16x128xf32, #tpu.memory_space<vmem>>, vector<1x16xf32>,
      %get3A_854 = vector.shape_cast %get3A_853 : vector<1x16xf32> to vector<16xf32>
      %get3A_855 = arith.index_cast %shift_right_arithmetic3A_758 : i32 to index
      %get3A_856 = arith.constant 64 : index
      %get3A_857 = tpu.vector_load %arg7[%get3A_855, %get3A_856] {strides = array<i32>} : memref<16x128xf32, #tpu.memory_space<vmem>>, vector<1x16xf32>,
      %get3A_858 = vector.shape_cast %get3A_857 : vector<1x16xf32> to vector<16xf32>
      %get3A_859 = arith.index_cast %shift_right_arithmetic3A_758 : i32 to index
      %get3A_860 = arith.constant 80 : index
      %get3A_861 = tpu.vector_load %arg7[%get3A_859, %get3A_860] {strides = array<i32>} : memref<16x128xf32, #tpu.memory_space<vmem>>, vector<1x16xf32>,
      %get3A_862 = vector.shape_cast %get3A_861 : vector<1x16xf32> to vector<16xf32>
      %get3A_863 = arith.index_cast %shift_right_arithmetic3A_758 : i32 to index
      %get3A_864 = arith.constant 96 : index
      %get3A_865 = tpu.vector_load %arg7[%get3A_863, %get3A_864] {strides = array<i32>} : memref<16x128xf32, #tpu.memory_space<vmem>>, vector<1x16xf32>,
      %get3A_866 = vector.shape_cast %get3A_865 : vector<1x16xf32> to vector<16xf32>
      %get3A_867 = arith.index_cast %shift_right_arithmetic3A_758 : i32 to index
      %get3A_868 = arith.constant 112 : index
      %get3A_869 = tpu.vector_load %arg7[%get3A_867, %get3A_868] {strides = array<i32>} : memref<16x128xf32, #tpu.memory_space<vmem>>, vector<1x16xf32>,
      %get3A_870 = vector.shape_cast %get3A_869 : vector<1x16xf32> to vector<16xf32>
      %mul3A_871 = arith.constant 4 : i32
      %mul3A_872 = arith.muli %mul3A_871, %mul3A_652 : i32
      %add3A_873 = arith.constant 0 : i32
      %add3A_874 = arith.addi %mul3A_872, %add3A_873 : i32
      %shift_right_arithmetic3A_875 = arith.constant 4 : i32
      %shift_right_arithmetic3A_876 = arith.shrsi %add3A_874, %shift_right_arithmetic3A_875 : i32
      %and3A_877 = arith.constant 15 : i32
      %and3A_878 = arith.andi %add3A_874, %and3A_877 : i32
      %mul3A_879 = arith.constant 64 : i32
      %mul3A_880 = arith.muli %and3A_878, %mul3A_879 : i32
      %dma_wait3A_881 = arith.constant 0 : i32
      %dma_wait3A_882 = arith.constant 0 : i32
      %dma_wait3A_883 = arith.constant 0 : i32
      %dma_wait3A_884 = arith.constant 0 : i32
      %dma_wait3A_885 = tpu.memref_slice %arg8[%dma_wait3A_881, %dma_wait3A_883, %dma_wait3A_884] : memref<8x64x128xf32, #tpu.memory_space<vmem>> -> memref<1x64x128xf32, #tpu.memory_space<vmem>>
      %dma_wait3A_886 = tpu.memref_squeeze %dma_wait3A_885 : memref<1x64x128xf32, #tpu.memory_space<vmem>> -> memref<64x128xf32, #tpu.memory_space<vmem>>
      %dma_wait3A_887 = tpu.memref_slice %arg6[%shift_right_arithmetic3A_876, %mul3A_880] : memref<16x1024xi32, #tpu.memory_space<vmem>> -> memref<1x64xi32, #tpu.memory_space<vmem>>
      %dma_wait3A_888 = tpu.memref_squeeze %dma_wait3A_887 : memref<1x64xi32, #tpu.memory_space<vmem>> -> memref<64xi32, #tpu.memory_space<vmem>>
      %dma_wait3A_889 = arith.constant 0 : i32
      %dma_wait3A_890 = arith.constant 0 : i32
      %dma_wait3A_891 = tpu.memref_slice %arg3[%dma_wait3A_889, %dma_wait3A_890] : memref<100000x128xf32, #tpu.memory_space<hbm>> -> memref<100000x128xf32, #tpu.memory_space<hbm>>
      %dma_wait3A_892 = tpu.memref_slice %arg10[%dma_wait3A_882] : memref<8x!tpu.dma_semaphore, #tpu.memory_space<semaphore_mem>> -> memref<1x!tpu.dma_semaphore, #tpu.memory_space<semaphore_mem>>
      %dma_wait3A_893 = tpu.memref_squeeze %dma_wait3A_892 : memref<1x!tpu.dma_semaphore, #tpu.memory_space<semaphore_mem>> -> memref<!tpu.dma_semaphore, #tpu.memory_space<semaphore_mem>>
      tpu.wait_indirect_dma semaphore(%dma_wait3A_893 : memref<!tpu.dma_semaphore, #tpu.memory_space<semaphore_mem>>) src(%dma_wait3A_891 : memref<100000x128xf32, #tpu.memory_space<hbm>>) dst(%dma_wait3A_886 : memref<64x128xf32, #tpu.memory_space<vmem>>)
      %parallel_loop3A_894 = arith.constant 0 : i32
      %parallel_loop3A_895 = arith.constant 64 : i32
      %parallel_loop3A_896 = arith.constant 1 : i32
      scf.for %parallel_loop3A_1389 = %parallel_loop3A_894 to %parallel_loop3A_895 step %parallel_loop3A_896  : i32 {
        %parallel_loop3A_1390 = arith.constant 0 : i32
        %parallel_loop3A_1391 = arith.index_cast %parallel_loop3A_1390 : i32 to index
        %parallel_loop3A_1392 = arith.index_cast %parallel_loop3A_1389 : i32 to index
        %parallel_loop3A_1393 = arith.constant 0 : index
        %parallel_loop3A_1394 = tpu.vector_load %arg8[%parallel_loop3A_1391, %parallel_loop3A_1392, %parallel_loop3A_1393] {strides = array<i32>} : memref<8x64x128xf32, #tpu.memory_space<vmem>>, vector<1x1x16xf32>,
        %parallel_loop3A_1395 = vector.shape_cast %parallel_loop3A_1394 : vector<1x1x16xf32> to vector<16xf32>
        %parallel_loop3A_1396 = vector.shape_cast %get3A_842 : vector<16xf32> to vector<1x1x16xf32>
        tpu.vector_store %arg8[%parallel_loop3A_1391, %parallel_loop3A_1392, %parallel_loop3A_1393], %parallel_loop3A_1396 {add = true, strides = array<i32>} : memref<8x64x128xf32, #tpu.memory_space<vmem>>, vector<1x1x16xf32>,
        %parallel_loop3A_1397 = arith.constant 0 : i32
        %parallel_loop3A_1398 = arith.index_cast %parallel_loop3A_1397 : i32 to index
        %parallel_loop3A_1399 = arith.index_cast %parallel_loop3A_1389 : i32 to index
        %parallel_loop3A_1400 = arith.constant 16 : index
        %parallel_loop3A_1401 = tpu.vector_load %arg8[%parallel_loop3A_1398, %parallel_loop3A_1399, %parallel_loop3A_1400] {strides = array<i32>} : memref<8x64x128xf32, #tpu.memory_space<vmem>>, vector<1x1x16xf32>,
        %parallel_loop3A_1402 = vector.shape_cast %parallel_loop3A_1401 : vector<1x1x16xf32> to vector<16xf32>
        %parallel_loop3A_1403 = vector.shape_cast %get3A_846 : vector<16xf32> to vector<1x1x16xf32>
        tpu.vector_store %arg8[%parallel_loop3A_1398, %parallel_loop3A_1399, %parallel_loop3A_1400], %parallel_loop3A_1403 {add = true, strides = array<i32>} : memref<8x64x128xf32, #tpu.memory_space<vmem>>, vector<1x1x16xf32>,
        %parallel_loop3A_1404 = arith.constant 0 : i32
        %parallel_loop3A_1405 = arith.index_cast %parallel_loop3A_1404 : i32 to index
        %parallel_loop3A_1406 = arith.index_cast %parallel_loop3A_1389 : i32 to index
        %parallel_loop3A_1407 = arith.constant 32 : index
        %parallel_loop3A_1408 = tpu.vector_load %arg8[%parallel_loop3A_1405, %parallel_loop3A_1406, %parallel_loop3A_1407] {strides = array<i32>} : memref<8x64x128xf32, #tpu.memory_space<vmem>>, vector<1x1x16xf32>,
        %parallel_loop3A_1409 = vector.shape_cast %parallel_loop3A_1408 : vector<1x1x16xf32> to vector<16xf32>
        %parallel_loop3A_1410 = vector.shape_cast %get3A_850 : vector<16xf32> to vector<1x1x16xf32>
        tpu.vector_store %arg8[%parallel_loop3A_1405, %parallel_loop3A_1406, %parallel_loop3A_1407], %parallel_loop3A_1410 {add = true, strides = array<i32>} : memref<8x64x128xf32, #tpu.memory_space<vmem>>, vector<1x1x16xf32>,
        %parallel_loop3A_1411 = arith.constant 0 : i32
        %parallel_loop3A_1412 = arith.index_cast %parallel_loop3A_1411 : i32 to index
        %parallel_loop3A_1413 = arith.index_cast %parallel_loop3A_1389 : i32 to index
        %parallel_loop3A_1414 = arith.constant 48 : index
        %parallel_loop3A_1415 = tpu.vector_load %arg8[%parallel_loop3A_1412, %parallel_loop3A_1413, %parallel_loop3A_1414] {strides = array<i32>} : memref<8x64x128xf32, #tpu.memory_space<vmem>>, vector<1x1x16xf32>,
        %parallel_loop3A_1416 = vector.shape_cast %parallel_loop3A_1415 : vector<1x1x16xf32> to vector<16xf32>
        %parallel_loop3A_1417 = vector.shape_cast %get3A_854 : vector<16xf32> to vector<1x1x16xf32>
        tpu.vector_store %arg8[%parallel_loop3A_1412, %parallel_loop3A_1413, %parallel_loop3A_1414], %parallel_loop3A_1417 {add = true, strides = array<i32>} : memref<8x64x128xf32, #tpu.memory_space<vmem>>, vector<1x1x16xf32>,
        %parallel_loop3A_1418 = arith.constant 0 : i32
        %parallel_loop3A_1419 = arith.index_cast %parallel_loop3A_1418 : i32 to index
        %parallel_loop3A_1420 = arith.index_cast %parallel_loop3A_1389 : i32 to index
        %parallel_loop3A_1421 = arith.constant 64 : index
        %parallel_loop3A_1422 = tpu.vector_load %arg8[%parallel_loop3A_1419, %parallel_loop3A_1420, %parallel_loop3A_1421] {strides = array<i32>} : memref<8x64x128xf32, #tpu.memory_space<vmem>>, vector<1x1x16xf32>,
        %parallel_loop3A_1423 = vector.shape_cast %parallel_loop3A_1422 : vector<1x1x16xf32> to vector<16xf32>
        %parallel_loop3A_1424 = vector.shape_cast %get3A_858 : vector<16xf32> to vector<1x1x16xf32>
        tpu.vector_store %arg8[%parallel_loop3A_1419, %parallel_loop3A_1420, %parallel_loop3A_1421], %parallel_loop3A_1424 {add = true, strides = array<i32>} : memref<8x64x128xf32, #tpu.memory_space<vmem>>, vector<1x1x16xf32>,
        %parallel_loop3A_1425 = arith.constant 0 : i32
        %parallel_loop3A_1426 = arith.index_cast %parallel_loop3A_1425 : i32 to index
        %parallel_loop3A_1427 = arith.index_cast %parallel_loop3A_1389 : i32 to index
        %parallel_loop3A_1428 = arith.constant 80 : index
        %parallel_loop3A_1429 = tpu.vector_load %arg8[%parallel_loop3A_1426, %parallel_loop3A_1427, %parallel_loop3A_1428] {strides = array<i32>} : memref<8x64x128xf32, #tpu.memory_space<vmem>>, vector<1x1x16xf32>,
        %parallel_loop3A_1430 = vector.shape_cast %parallel_loop3A_1429 : vector<1x1x16xf32> to vector<16xf32>
        %parallel_loop3A_1431 = vector.shape_cast %get3A_862 : vector<16xf32> to vector<1x1x16xf32>
        tpu.vector_store %arg8[%parallel_loop3A_1426, %parallel_loop3A_1427, %parallel_loop3A_1428], %parallel_loop3A_1431 {add = true, strides = array<i32>} : memref<8x64x128xf32, #tpu.memory_space<vmem>>, vector<1x1x16xf32>,
        %parallel_loop3A_1432 = arith.constant 0 : i32
        %parallel_loop3A_1433 = arith.index_cast %parallel_loop3A_1432 : i32 to index
        %parallel_loop3A_1434 = arith.index_cast %parallel_loop3A_1389 : i32 to index
        %parallel_loop3A_1435 = arith.constant 96 : index
        %parallel_loop3A_1436 = tpu.vector_load %arg8[%parallel_loop3A_1433, %parallel_loop3A_1434, %parallel_loop3A_1435] {strides = array<i32>} : memref<8x64x128xf32, #tpu.memory_space<vmem>>, vector<1x1x16xf32>,
        %parallel_loop3A_1437 = vector.shape_cast %parallel_loop3A_1436 : vector<1x1x16xf32> to vector<16xf32>
        %parallel_loop3A_1438 = vector.shape_cast %get3A_866 : vector<16xf32> to vector<1x1x16xf32>
        tpu.vector_store %arg8[%parallel_loop3A_1433, %parallel_loop3A_1434, %parallel_loop3A_1435], %parallel_loop3A_1438 {add = true, strides = array<i32>} : memref<8x64x128xf32, #tpu.memory_space<vmem>>, vector<1x1x16xf32>,
        %parallel_loop3A_1439 = arith.constant 0 : i32
        %parallel_loop3A_1440 = arith.index_cast %parallel_loop3A_1439 : i32 to index
        %parallel_loop3A_1441 = arith.index_cast %parallel_loop3A_1389 : i32 to index
        %parallel_loop3A_1442 = arith.constant 112 : index
        %parallel_loop3A_1443 = tpu.vector_load %arg8[%parallel_loop3A_1440, %parallel_loop3A_1441, %parallel_loop3A_1442] {strides = array<i32>} : memref<8x64x128xf32, #tpu.memory_space<vmem>>, vector<1x1x16xf32>,
        %parallel_loop3A_1444 = vector.shape_cast %parallel_loop3A_1443 : vector<1x1x16xf32> to vector<16xf32>
        %parallel_loop3A_1445 = vector.shape_cast %get3A_870 : vector<16xf32> to vector<1x1x16xf32>
        tpu.vector_store %arg8[%parallel_loop3A_1440, %parallel_loop3A_1441, %parallel_loop3A_1442], %parallel_loop3A_1445 {add = true, strides = array<i32>} : memref<8x64x128xf32, #tpu.memory_space<vmem>>, vector<1x1x16xf32>,
      } {sc.loop_unroll_factor = 4 : i64, sc.parallel_access}
      %dma_start3A_897 = arith.constant 0 : i32
      %dma_start3A_898 = arith.constant 0 : i32
      %dma_start3A_899 = arith.constant 0 : i32
      %dma_start3A_900 = arith.constant 0 : i32
      %dma_start3A_901 = arith.constant 0 : i32
      %dma_start3A_902 = tpu.memref_slice %arg8[%dma_start3A_897, %dma_start3A_900, %dma_start3A_901] : memref<8x64x128xf32, #tpu.memory_space<vmem>> -> memref<1x64x128xf32, #tpu.memory_space<vmem>>
      %dma_start3A_903 = tpu.memref_squeeze %dma_start3A_902 : memref<1x64x128xf32, #tpu.memory_space<vmem>> -> memref<64x128xf32, #tpu.memory_space<vmem>>
      %dma_start3A_904 = arith.constant 0 : i32
      %dma_start3A_905 = tpu.memref_slice %arg9[%dma_start3A_898, %dma_start3A_904] : memref<8x64xi32, #tpu.memory_space<vmem>> -> memref<1x64xi32, #tpu.memory_space<vmem>>
      %dma_start3A_906 = tpu.memref_squeeze %dma_start3A_905 : memref<1x64xi32, #tpu.memory_space<vmem>> -> memref<64xi32, #tpu.memory_space<vmem>>
      %dma_start3A_907 = arith.constant 0 : i32
      %dma_start3A_908 = arith.constant 0 : i32
      %dma_start3A_909 = tpu.memref_slice %arg5[%dma_start3A_907, %dma_start3A_908] : memref<524288x128xf32, #tpu.memory_space<hbm>> -> memref<524288x128xf32, #tpu.memory_space<hbm>>
      %dma_start3A_910 = tpu.memref_slice %arg11[%dma_start3A_899] : memref<8x!tpu.dma_semaphore, #tpu.memory_space<semaphore_mem>> -> memref<1x!tpu.dma_semaphore, #tpu.memory_space<semaphore_mem>>
      %dma_start3A_911 = tpu.memref_squeeze %dma_start3A_910 : memref<1x!tpu.dma_semaphore, #tpu.memory_space<semaphore_mem>> -> memref<!tpu.dma_semaphore, #tpu.memory_space<semaphore_mem>>
      tpu.enqueue_indirect_dma source(%dma_start3A_903 : memref<64x128xf32, #tpu.memory_space<vmem>>) target(%dma_start3A_909 : memref<524288x128xf32, #tpu.memory_space<hbm>>) offsets(%dma_start3A_906 : memref<64xi32, #tpu.memory_space<vmem>>) semaphore(%dma_start3A_911 : memref<!tpu.dma_semaphore, #tpu.memory_space<semaphore_mem>>)
      %mul3A_912 = arith.constant 4 : i32
      %mul3A_913 = arith.muli %mul3A_912, %mul3A_652 : i32
      %add3A_914 = arith.constant 1 : i32
      %add3A_915 = arith.addi %mul3A_913, %add3A_914 : i32
      %shift_right_arithmetic3A_916 = arith.constant 4 : i32
      %shift_right_arithmetic3A_917 = arith.shrsi %add3A_915, %shift_right_arithmetic3A_916 : i32
      %and3A_918 = arith.constant 15 : i32
      %and3A_919 = arith.andi %add3A_915, %and3A_918 : i32
      %add3A_920 = arith.addi %mul3A_2, %shift_right_arithmetic3A_917 : i32
      %iota3A_921 = tpu.iota {dimensions = array<i32: 0>} : vector<16xi32>
      %mul3A_922 = arith.constant 512 : i32
      %mul3A_923 = vector.broadcast %mul3A_922 : i32 to vector<16xi32>
      %mul3A_924 = arith.muli %iota3A_921, %mul3A_923 : vector<16xi32>
      %mul3A_925 = arith.constant 64 : i32
      %mul3A_926 = arith.muli %and3A_919, %mul3A_925 : i32
      %add3A_927 = arith.constant 0 : i32
      %add3A_928 = arith.addi %mul3A_926, %add3A_927 : i32
      %mul3A_929 = arith.constant 512 : i32
      %mul3A_930 = arith.muli %add3A_928, %mul3A_929 : i32
      %add3A_931 = vector.broadcast %mul3A_930 : i32 to vector<16xi32>
      %add3A_932 = arith.addi %mul3A_924, %add3A_931 : vector<16xi32>
      %add3A_933 = vector.broadcast %add3A_920 : i32 to vector<16xi32>
      %add3A_934 = arith.addi %add3A_932, %add3A_933 : vector<16xi32>
      %swap3A_935 = arith.constant 1 : i32
      %swap3A_936 = arith.index_cast %swap3A_935 : i32 to index
      %swap3A_937 = arith.constant 0 : index
      %swap3A_938 = tpu.vector_load %arg9[%swap3A_936, %swap3A_937] {strides = array<i32>} : memref<8x64xi32, #tpu.memory_space<vmem>>, vector<1x16xi32>,
      %swap3A_939 = vector.shape_cast %swap3A_938 : vector<1x16xi32> to vector<16xi32>
      %swap3A_940 = vector.shape_cast %add3A_934 : vector<16xi32> to vector<1x16xi32>
      tpu.vector_store %arg9[%swap3A_936, %swap3A_937], %swap3A_940 {strides = array<i32>} : memref<8x64xi32, #tpu.memory_space<vmem>>, vector<1x16xi32>,
      %mul3A_941 = arith.constant 512 : i32
      %mul3A_942 = vector.broadcast %mul3A_941 : i32 to vector<16xi32>
      %mul3A_943 = arith.muli %iota3A_921, %mul3A_942 : vector<16xi32>
      %mul3A_944 = arith.constant 64 : i32
      %mul3A_945 = arith.muli %and3A_919, %mul3A_944 : i32
      %add3A_946 = arith.constant 16 : i32
      %add3A_947 = arith.addi %mul3A_945, %add3A_946 : i32
      %mul3A_948 = arith.constant 512 : i32
      %mul3A_949 = arith.muli %add3A_947, %mul3A_948 : i32
      %add3A_950 = vector.broadcast %mul3A_949 : i32 to vector<16xi32>
      %add3A_951 = arith.addi %mul3A_943, %add3A_950 : vector<16xi32>
      %add3A_952 = vector.broadcast %add3A_920 : i32 to vector<16xi32>
      %add3A_953 = arith.addi %add3A_951, %add3A_952 : vector<16xi32>
      %swap3A_954 = arith.constant 1 : i32
      %swap3A_955 = arith.index_cast %swap3A_954 : i32 to index
      %swap3A_956 = arith.constant 16 : index
      %swap3A_957 = tpu.vector_load %arg9[%swap3A_955, %swap3A_956] {strides = array<i32>} : memref<8x64xi32, #tpu.memory_space<vmem>>, vector<1x16xi32>,
      %swap3A_958 = vector.shape_cast %swap3A_957 : vector<1x16xi32> to vector<16xi32>
      %swap3A_959 = vector.shape_cast %add3A_953 : vector<16xi32> to vector<1x16xi32>
      tpu.vector_store %arg9[%swap3A_955, %swap3A_956], %swap3A_959 {strides = array<i32>} : memref<8x64xi32, #tpu.memory_space<vmem>>, vector<1x16xi32>,
      %mul3A_960 = arith.constant 512 : i32
      %mul3A_961 = vector.broadcast %mul3A_960 : i32 to vector<16xi32>
      %mul3A_962 = arith.muli %iota3A_921, %mul3A_961 : vector<16xi32>
      %mul3A_963 = arith.constant 64 : i32
      %mul3A_964 = arith.muli %and3A_919, %mul3A_963 : i32
      %add3A_965 = arith.constant 32 : i32
      %add3A_966 = arith.addi %mul3A_964, %add3A_965 : i32
      %mul3A_967 = arith.constant 512 : i32
      %mul3A_968 = arith.muli %add3A_966, %mul3A_967 : i32
      %add3A_969 = vector.broadcast %mul3A_968 : i32 to vector<16xi32>
      %add3A_970 = arith.addi %mul3A_962, %add3A_969 : vector<16xi32>
      %add3A_971 = vector.broadcast %add3A_920 : i32 to vector<16xi32>
      %add3A_972 = arith.addi %add3A_970, %add3A_971 : vector<16xi32>
      %swap3A_973 = arith.constant 1 : i32
      %swap3A_974 = arith.index_cast %swap3A_973 : i32 to index
      %swap3A_975 = arith.constant 32 : index
      %swap3A_976 = tpu.vector_load %arg9[%swap3A_974, %swap3A_975] {strides = array<i32>} : memref<8x64xi32, #tpu.memory_space<vmem>>, vector<1x16xi32>,
      %swap3A_977 = vector.shape_cast %swap3A_976 : vector<1x16xi32> to vector<16xi32>
      %swap3A_978 = vector.shape_cast %add3A_972 : vector<16xi32> to vector<1x16xi32>
      tpu.vector_store %arg9[%swap3A_974, %swap3A_975], %swap3A_978 {strides = array<i32>} : memref<8x64xi32, #tpu.memory_space<vmem>>, vector<1x16xi32>,
      %mul3A_979 = arith.constant 512 : i32
      %mul3A_980 = vector.broadcast %mul3A_979 : i32 to vector<16xi32>
      %mul3A_981 = arith.muli %iota3A_921, %mul3A_980 : vector<16xi32>
      %mul3A_982 = arith.constant 64 : i32
      %mul3A_983 = arith.muli %and3A_919, %mul3A_982 : i32
      %add3A_984 = arith.constant 48 : i32
      %add3A_985 = arith.addi %mul3A_983, %add3A_984 : i32
      %mul3A_986 = arith.constant 512 : i32
      %mul3A_987 = arith.muli %add3A_985, %mul3A_986 : i32
      %add3A_988 = vector.broadcast %mul3A_987 : i32 to vector<16xi32>
      %add3A_989 = arith.addi %mul3A_981, %add3A_988 : vector<16xi32>
      %add3A_990 = vector.broadcast %add3A_920 : i32 to vector<16xi32>
      %add3A_991 = arith.addi %add3A_989, %add3A_990 : vector<16xi32>
      %swap3A_992 = arith.constant 1 : i32
      %swap3A_993 = arith.index_cast %swap3A_992 : i32 to index
      %swap3A_994 = arith.constant 48 : index
      %swap3A_995 = tpu.vector_load %arg9[%swap3A_993, %swap3A_994] {strides = array<i32>} : memref<8x64xi32, #tpu.memory_space<vmem>>, vector<1x16xi32>,
      %swap3A_996 = vector.shape_cast %swap3A_995 : vector<1x16xi32> to vector<16xi32>
      %swap3A_997 = vector.shape_cast %add3A_991 : vector<16xi32> to vector<1x16xi32>
      tpu.vector_store %arg9[%swap3A_993, %swap3A_994], %swap3A_997 {strides = array<i32>} : memref<8x64xi32, #tpu.memory_space<vmem>>, vector<1x16xi32>,
      %get3A_998 = arith.index_cast %shift_right_arithmetic3A_917 : i32 to index
      %get3A_999 = arith.constant 0 : index
      %get3A_1000 = tpu.vector_load %arg7[%get3A_998, %get3A_999] {strides = array<i32>} : memref<16x128xf32, #tpu.memory_space<vmem>>, vector<1x16xf32>,
      %get3A_1001 = vector.shape_cast %get3A_1000 : vector<1x16xf32> to vector<16xf32>
      %get3A_1002 = arith.index_cast %shift_right_arithmetic3A_917 : i32 to index
      %get3A_1003 = arith.constant 16 : index
      %get3A_1004 = tpu.vector_load %arg7[%get3A_1002, %get3A_1003] {strides = array<i32>} : memref<16x128xf32, #tpu.memory_space<vmem>>, vector<1x16xf32>,
      %get3A_1005 = vector.shape_cast %get3A_1004 : vector<1x16xf32> to vector<16xf32>
      %get3A_1006 = arith.index_cast %shift_right_arithmetic3A_917 : i32 to index
      %get3A_1007 = arith.constant 32 : index
      %get3A_1008 = tpu.vector_load %arg7[%get3A_1006, %get3A_1007] {strides = array<i32>} : memref<16x128xf32, #tpu.memory_space<vmem>>, vector<1x16xf32>,
      %get3A_1009 = vector.shape_cast %get3A_1008 : vector<1x16xf32> to vector<16xf32>
      %get3A_1010 = arith.index_cast %shift_right_arithmetic3A_917 : i32 to index
      %get3A_1011 = arith.constant 48 : index
      %get3A_1012 = tpu.vector_load %arg7[%get3A_1010, %get3A_1011] {strides = array<i32>} : memref<16x128xf32, #tpu.memory_space<vmem>>, vector<1x16xf32>,
      %get3A_1013 = vector.shape_cast %get3A_1012 : vector<1x16xf32> to vector<16xf32>
      %get3A_1014 = arith.index_cast %shift_right_arithmetic3A_917 : i32 to index
      %get3A_1015 = arith.constant 64 : index
      %get3A_1016 = tpu.vector_load %arg7[%get3A_1014, %get3A_1015] {strides = array<i32>} : memref<16x128xf32, #tpu.memory_space<vmem>>, vector<1x16xf32>,
      %get3A_1017 = vector.shape_cast %get3A_1016 : vector<1x16xf32> to vector<16xf32>
      %get3A_1018 = arith.index_cast %shift_right_arithmetic3A_917 : i32 to index
      %get3A_1019 = arith.constant 80 : index
      %get3A_1020 = tpu.vector_load %arg7[%get3A_1018, %get3A_1019] {strides = array<i32>} : memref<16x128xf32, #tpu.memory_space<vmem>>, vector<1x16xf32>,
      %get3A_1021 = vector.shape_cast %get3A_1020 : vector<1x16xf32> to vector<16xf32>
      %get3A_1022 = arith.index_cast %shift_right_arithmetic3A_917 : i32 to index
      %get3A_1023 = arith.constant 96 : index
      %get3A_1024 = tpu.vector_load %arg7[%get3A_1022, %get3A_1023] {strides = array<i32>} : memref<16x128xf32, #tpu.memory_space<vmem>>, vector<1x16xf32>,
      %get3A_1025 = vector.shape_cast %get3A_1024 : vector<1x16xf32> to vector<16xf32>
      %get3A_1026 = arith.index_cast %shift_right_arithmetic3A_917 : i32 to index
      %get3A_1027 = arith.constant 112 : index
      %get3A_1028 = tpu.vector_load %arg7[%get3A_1026, %get3A_1027] {strides = array<i32>} : memref<16x128xf32, #tpu.memory_space<vmem>>, vector<1x16xf32>,
      %get3A_1029 = vector.shape_cast %get3A_1028 : vector<1x16xf32> to vector<16xf32>
      %mul3A_1030 = arith.constant 4 : i32
      %mul3A_1031 = arith.muli %mul3A_1030, %mul3A_652 : i32
      %add3A_1032 = arith.constant 1 : i32
      %add3A_1033 = arith.addi %mul3A_1031, %add3A_1032 : i32
      %shift_right_arithmetic3A_1034 = arith.constant 4 : i32
      %shift_right_arithmetic3A_1035 = arith.shrsi %add3A_1033, %shift_right_arithmetic3A_1034 : i32
      %and3A_1036 = arith.constant 15 : i32
      %and3A_1037 = arith.andi %add3A_1033, %and3A_1036 : i32
      %mul3A_1038 = arith.constant 64 : i32
      %mul3A_1039 = arith.muli %and3A_1037, %mul3A_1038 : i32
      %dma_wait3A_1040 = arith.constant 1 : i32
      %dma_wait3A_1041 = arith.constant 1 : i32
      %dma_wait3A_1042 = arith.constant 0 : i32
      %dma_wait3A_1043 = arith.constant 0 : i32
      %dma_wait3A_1044 = tpu.memref_slice %arg8[%dma_wait3A_1040, %dma_wait3A_1042, %dma_wait3A_1043] : memref<8x64x128xf32, #tpu.memory_space<vmem>> -> memref<1x64x128xf32, #tpu.memory_space<vmem>>
      %dma_wait3A_1045 = tpu.memref_squeeze %dma_wait3A_1044 : memref<1x64x128xf32, #tpu.memory_space<vmem>> -> memref<64x128xf32, #tpu.memory_space<vmem>>
      %dma_wait3A_1046 = tpu.memref_slice %arg6[%shift_right_arithmetic3A_1035, %mul3A_1039] : memref<16x1024xi32, #tpu.memory_space<vmem>> -> memref<1x64xi32, #tpu.memory_space<vmem>>
      %dma_wait3A_1047 = tpu.memref_squeeze %dma_wait3A_1046 : memref<1x64xi32, #tpu.memory_space<vmem>> -> memref<64xi32, #tpu.memory_space<vmem>>
      %dma_wait3A_1048 = arith.constant 0 : i32
      %dma_wait3A_1049 = arith.constant 0 : i32
      %dma_wait3A_1050 = tpu.memref_slice %arg3[%dma_wait3A_1048, %dma_wait3A_1049] : memref<100000x128xf32, #tpu.memory_space<hbm>> -> memref<100000x128xf32, #tpu.memory_space<hbm>>
      %dma_wait3A_1051 = tpu.memref_slice %arg10[%dma_wait3A_1041] : memref<8x!tpu.dma_semaphore, #tpu.memory_space<semaphore_mem>> -> memref<1x!tpu.dma_semaphore, #tpu.memory_space<semaphore_mem>>
      %dma_wait3A_1052 = tpu.memref_squeeze %dma_wait3A_1051 : memref<1x!tpu.dma_semaphore, #tpu.memory_space<semaphore_mem>> -> memref<!tpu.dma_semaphore, #tpu.memory_space<semaphore_mem>>
      tpu.wait_indirect_dma semaphore(%dma_wait3A_1052 : memref<!tpu.dma_semaphore, #tpu.memory_space<semaphore_mem>>) src(%dma_wait3A_1050 : memref<100000x128xf32, #tpu.memory_space<hbm>>) dst(%dma_wait3A_1045 : memref<64x128xf32, #tpu.memory_space<vmem>>)
      %parallel_loop3A_1053 = arith.constant 0 : i32
      %parallel_loop3A_1054 = arith.constant 64 : i32
      %parallel_loop3A_1055 = arith.constant 1 : i32
      scf.for %parallel_loop3A_1389 = %parallel_loop3A_1053 to %parallel_loop3A_1054 step %parallel_loop3A_1055  : i32 {
        %parallel_loop3A_1390 = arith.constant 1 : i32
        %parallel_loop3A_1391 = arith.index_cast %parallel_loop3A_1390 : i32 to index
        %parallel_loop3A_1392 = arith.index_cast %parallel_loop3A_1389 : i32 to index
        %parallel_loop3A_1393 = arith.constant 0 : index
        %parallel_loop3A_1394 = tpu.vector_load %arg8[%parallel_loop3A_1391, %parallel_loop3A_1392, %parallel_loop3A_1393] {strides = array<i32>} : memref<8x64x128xf32, #tpu.memory_space<vmem>>, vector<1x1x16xf32>,
        %parallel_loop3A_1395 = vector.shape_cast %parallel_loop3A_1394 : vector<1x1x16xf32> to vector<16xf32>
        %parallel_loop3A_1396 = vector.shape_cast %get3A_1001 : vector<16xf32> to vector<1x1x16xf32>
        tpu.vector_store %arg8[%parallel_loop3A_1391, %parallel_loop3A_1392, %parallel_loop3A_1393], %parallel_loop3A_1396 {add = true, strides = array<i32>} : memref<8x64x128xf32, #tpu.memory_space<vmem>>, vector<1x1x16xf32>,
        %parallel_loop3A_1397 = arith.constant 1 : i32
        %parallel_loop3A_1398 = arith.index_cast %parallel_loop3A_1397 : i32 to index
        %parallel_loop3A_1399 = arith.index_cast %parallel_loop3A_1389 : i32 to index
        %parallel_loop3A_1400 = arith.constant 16 : index
        %parallel_loop3A_1401 = tpu.vector_load %arg8[%parallel_loop3A_1398, %parallel_loop3A_1399, %parallel_loop3A_1400] {strides = array<i32>} : memref<8x64x128xf32, #tpu.memory_space<vmem>>, vector<1x1x16xf32>,
        %parallel_loop3A_1402 = vector.shape_cast %parallel_loop3A_1401 : vector<1x1x16xf32> to vector<16xf32>
        %parallel_loop3A_1403 = vector.shape_cast %get3A_1005 : vector<16xf32> to vector<1x1x16xf32>
        tpu.vector_store %arg8[%parallel_loop3A_1398, %parallel_loop3A_1399, %parallel_loop3A_1400], %parallel_loop3A_1403 {add = true, strides = array<i32>} : memref<8x64x128xf32, #tpu.memory_space<vmem>>, vector<1x1x16xf32>,
        %parallel_loop3A_1404 = arith.constant 1 : i32
        %parallel_loop3A_1405 = arith.index_cast %parallel_loop3A_1404 : i32 to index
        %parallel_loop3A_1406 = arith.index_cast %parallel_loop3A_1389 : i32 to index
        %parallel_loop3A_1407 = arith.constant 32 : index
        %parallel_loop3A_1408 = tpu.vector_load %arg8[%parallel_loop3A_1405, %parallel_loop3A_1406, %parallel_loop3A_1407] {strides = array<i32>} : memref<8x64x128xf32, #tpu.memory_space<vmem>>, vector<1x1x16xf32>,
        %parallel_loop3A_1409 = vector.shape_cast %parallel_loop3A_1408 : vector<1x1x16xf32> to vector<16xf32>
        %parallel_loop3A_1410 = vector.shape_cast %get3A_1009 : vector<16xf32> to vector<1x1x16xf32>
        tpu.vector_store %arg8[%parallel_loop3A_1405, %parallel_loop3A_1406, %parallel_loop3A_1407], %parallel_loop3A_1410 {add = true, strides = array<i32>} : memref<8x64x128xf32, #tpu.memory_space<vmem>>, vector<1x1x16xf32>,
        %parallel_loop3A_1411 = arith.constant 1 : i32
        %parallel_loop3A_1412 = arith.index_cast %parallel_loop3A_1411 : i32 to index
        %parallel_loop3A_1413 = arith.index_cast %parallel_loop3A_1389 : i32 to index
        %parallel_loop3A_1414 = arith.constant 48 : index
        %parallel_loop3A_1415 = tpu.vector_load %arg8[%parallel_loop3A_1412, %parallel_loop3A_1413, %parallel_loop3A_1414] {strides = array<i32>} : memref<8x64x128xf32, #tpu.memory_space<vmem>>, vector<1x1x16xf32>,
        %parallel_loop3A_1416 = vector.shape_cast %parallel_loop3A_1415 : vector<1x1x16xf32> to vector<16xf32>
        %parallel_loop3A_1417 = vector.shape_cast %get3A_1013 : vector<16xf32> to vector<1x1x16xf32>
        tpu.vector_store %arg8[%parallel_loop3A_1412, %parallel_loop3A_1413, %parallel_loop3A_1414], %parallel_loop3A_1417 {add = true, strides = array<i32>} : memref<8x64x128xf32, #tpu.memory_space<vmem>>, vector<1x1x16xf32>,
        %parallel_loop3A_1418 = arith.constant 1 : i32
        %parallel_loop3A_1419 = arith.index_cast %parallel_loop3A_1418 : i32 to index
        %parallel_loop3A_1420 = arith.index_cast %parallel_loop3A_1389 : i32 to index
        %parallel_loop3A_1421 = arith.constant 64 : index
        %parallel_loop3A_1422 = tpu.vector_load %arg8[%parallel_loop3A_1419, %parallel_loop3A_1420, %parallel_loop3A_1421] {strides = array<i32>} : memref<8x64x128xf32, #tpu.memory_space<vmem>>, vector<1x1x16xf32>,
        %parallel_loop3A_1423 = vector.shape_cast %parallel_loop3A_1422 : vector<1x1x16xf32> to vector<16xf32>
        %parallel_loop3A_1424 = vector.shape_cast %get3A_1017 : vector<16xf32> to vector<1x1x16xf32>
        tpu.vector_store %arg8[%parallel_loop3A_1419, %parallel_loop3A_1420, %parallel_loop3A_1421], %parallel_loop3A_1424 {add = true, strides = array<i32>} : memref<8x64x128xf32, #tpu.memory_space<vmem>>, vector<1x1x16xf32>,
        %parallel_loop3A_1425 = arith.constant 1 : i32
        %parallel_loop3A_1426 = arith.index_cast %parallel_loop3A_1425 : i32 to index
        %parallel_loop3A_1427 = arith.index_cast %parallel_loop3A_1389 : i32 to index
        %parallel_loop3A_1428 = arith.constant 80 : index
        %parallel_loop3A_1429 = tpu.vector_load %arg8[%parallel_loop3A_1426, %parallel_loop3A_1427, %parallel_loop3A_1428] {strides = array<i32>} : memref<8x64x128xf32, #tpu.memory_space<vmem>>, vector<1x1x16xf32>,
        %parallel_loop3A_1430 = vector.shape_cast %parallel_loop3A_1429 : vector<1x1x16xf32> to vector<16xf32>
        %parallel_loop3A_1431 = vector.shape_cast %get3A_1021 : vector<16xf32> to vector<1x1x16xf32>
        tpu.vector_store %arg8[%parallel_loop3A_1426, %parallel_loop3A_1427, %parallel_loop3A_1428], %parallel_loop3A_1431 {add = true, strides = array<i32>} : memref<8x64x128xf32, #tpu.memory_space<vmem>>, vector<1x1x16xf32>,
        %parallel_loop3A_1432 = arith.constant 1 : i32
        %parallel_loop3A_1433 = arith.index_cast %parallel_loop3A_1432 : i32 to index
        %parallel_loop3A_1434 = arith.index_cast %parallel_loop3A_1389 : i32 to index
        %parallel_loop3A_1435 = arith.constant 96 : index
        %parallel_loop3A_1436 = tpu.vector_load %arg8[%parallel_loop3A_1433, %parallel_loop3A_1434, %parallel_loop3A_1435] {strides = array<i32>} : memref<8x64x128xf32, #tpu.memory_space<vmem>>, vector<1x1x16xf32>,
        %parallel_loop3A_1437 = vector.shape_cast %parallel_loop3A_1436 : vector<1x1x16xf32> to vector<16xf32>
        %parallel_loop3A_1438 = vector.shape_cast %get3A_1025 : vector<16xf32> to vector<1x1x16xf32>
        tpu.vector_store %arg8[%parallel_loop3A_1433, %parallel_loop3A_1434, %parallel_loop3A_1435], %parallel_loop3A_1438 {add = true, strides = array<i32>} : memref<8x64x128xf32, #tpu.memory_space<vmem>>, vector<1x1x16xf32>,
        %parallel_loop3A_1439 = arith.constant 1 : i32
        %parallel_loop3A_1440 = arith.index_cast %parallel_loop3A_1439 : i32 to index
        %parallel_loop3A_1441 = arith.index_cast %parallel_loop3A_1389 : i32 to index
        %parallel_loop3A_1442 = arith.constant 112 : index
        %parallel_loop3A_1443 = tpu.vector_load %arg8[%parallel_loop3A_1440, %parallel_loop3A_1441, %parallel_loop3A_1442] {strides = array<i32>} : memref<8x64x128xf32, #tpu.memory_space<vmem>>, vector<1x1x16xf32>,
        %parallel_loop3A_1444 = vector.shape_cast %parallel_loop3A_1443 : vector<1x1x16xf32> to vector<16xf32>
        %parallel_loop3A_1445 = vector.shape_cast %get3A_1029 : vector<16xf32> to vector<1x1x16xf32>
        tpu.vector_store %arg8[%parallel_loop3A_1440, %parallel_loop3A_1441, %parallel_loop3A_1442], %parallel_loop3A_1445 {add = true, strides = array<i32>} : memref<8x64x128xf32, #tpu.memory_space<vmem>>, vector<1x1x16xf32>,
      } {sc.loop_unroll_factor = 4 : i64, sc.parallel_access}
      %dma_start3A_1056 = arith.constant 1 : i32
      %dma_start3A_1057 = arith.constant 1 : i32
      %dma_start3A_1058 = arith.constant 1 : i32
      %dma_start3A_1059 = arith.constant 0 : i32
      %dma_start3A_1060 = arith.constant 0 : i32
      %dma_start3A_1061 = tpu.memref_slice %arg8[%dma_start3A_1056, %dma_start3A_1059, %dma_start3A_1060] : memref<8x64x128xf32, #tpu.memory_space<vmem>> -> memref<1x64x128xf32, #tpu.memory_space<vmem>>
      %dma_start3A_1062 = tpu.memref_squeeze %dma_start3A_1061 : memref<1x64x128xf32, #tpu.memory_space<vmem>> -> memref<64x128xf32, #tpu.memory_space<vmem>>
      %dma_start3A_1063 = arith.constant 0 : i32
      %dma_start3A_1064 = tpu.memref_slice %arg9[%dma_start3A_1057, %dma_start3A_1063] : memref<8x64xi32, #tpu.memory_space<vmem>> -> memref<1x64xi32, #tpu.memory_space<vmem>>
      %dma_start3A_1065 = tpu.memref_squeeze %dma_start3A_1064 : memref<1x64xi32, #tpu.memory_space<vmem>> -> memref<64xi32, #tpu.memory_space<vmem>>
      %dma_start3A_1066 = arith.constant 0 : i32
      %dma_start3A_1067 = arith.constant 0 : i32
      %dma_start3A_1068 = tpu.memref_slice %arg5[%dma_start3A_1066, %dma_start3A_1067] : memref<524288x128xf32, #tpu.memory_space<hbm>> -> memref<524288x128xf32, #tpu.memory_space<hbm>>
      %dma_start3A_1069 = tpu.memref_slice %arg11[%dma_start3A_1058] : memref<8x!tpu.dma_semaphore, #tpu.memory_space<semaphore_mem>> -> memref<1x!tpu.dma_semaphore, #tpu.memory_space<semaphore_mem>>
      %dma_start3A_1070 = tpu.memref_squeeze %dma_start3A_1069 : memref<1x!tpu.dma_semaphore, #tpu.memory_space<semaphore_mem>> -> memref<!tpu.dma_semaphore, #tpu.memory_space<semaphore_mem>>
      tpu.enqueue_indirect_dma source(%dma_start3A_1062 : memref<64x128xf32, #tpu.memory_space<vmem>>) target(%dma_start3A_1068 : memref<524288x128xf32, #tpu.memory_space<hbm>>) offsets(%dma_start3A_1065 : memref<64xi32, #tpu.memory_space<vmem>>) semaphore(%dma_start3A_1070 : memref<!tpu.dma_semaphore, #tpu.memory_space<semaphore_mem>>)
      %mul3A_1071 = arith.constant 4 : i32
      %mul3A_1072 = arith.muli %mul3A_1071, %mul3A_652 : i32
      %add3A_1073 = arith.constant 2 : i32
      %add3A_1074 = arith.addi %mul3A_1072, %add3A_1073 : i32
      %shift_right_arithmetic3A_1075 = arith.constant 4 : i32
      %shift_right_arithmetic3A_1076 = arith.shrsi %add3A_1074, %shift_right_arithmetic3A_1075 : i32
      %and3A_1077 = arith.constant 15 : i32
      %and3A_1078 = arith.andi %add3A_1074, %and3A_1077 : i32
      %add3A_1079 = arith.addi %mul3A_2, %shift_right_arithmetic3A_1076 : i32
      %iota3A_1080 = tpu.iota {dimensions = array<i32: 0>} : vector<16xi32>
      %mul3A_1081 = arith.constant 512 : i32
      %mul3A_1082 = vector.broadcast %mul3A_1081 : i32 to vector<16xi32>
      %mul3A_1083 = arith.muli %iota3A_1080, %mul3A_1082 : vector<16xi32>
      %mul3A_1084 = arith.constant 64 : i32
      %mul3A_1085 = arith.muli %and3A_1078, %mul3A_1084 : i32
      %add3A_1086 = arith.constant 0 : i32
      %add3A_1087 = arith.addi %mul3A_1085, %add3A_1086 : i32
      %mul3A_1088 = arith.constant 512 : i32
      %mul3A_1089 = arith.muli %add3A_1087, %mul3A_1088 : i32
      %add3A_1090 = vector.broadcast %mul3A_1089 : i32 to vector<16xi32>
      %add3A_1091 = arith.addi %mul3A_1083, %add3A_1090 : vector<16xi32>
      %add3A_1092 = vector.broadcast %add3A_1079 : i32 to vector<16xi32>
      %add3A_1093 = arith.addi %add3A_1091, %add3A_1092 : vector<16xi32>
      %swap3A_1094 = arith.constant 2 : i32
      %swap3A_1095 = arith.index_cast %swap3A_1094 : i32 to index
      %swap3A_1096 = arith.constant 0 : index
      %swap3A_1097 = tpu.vector_load %arg9[%swap3A_1095, %swap3A_1096] {strides = array<i32>} : memref<8x64xi32, #tpu.memory_space<vmem>>, vector<1x16xi32>,
      %swap3A_1098 = vector.shape_cast %swap3A_1097 : vector<1x16xi32> to vector<16xi32>
      %swap3A_1099 = vector.shape_cast %add3A_1093 : vector<16xi32> to vector<1x16xi32>
      tpu.vector_store %arg9[%swap3A_1095, %swap3A_1096], %swap3A_1099 {strides = array<i32>} : memref<8x64xi32, #tpu.memory_space<vmem>>, vector<1x16xi32>,
      %mul3A_1100 = arith.constant 512 : i32
      %mul3A_1101 = vector.broadcast %mul3A_1100 : i32 to vector<16xi32>
      %mul3A_1102 = arith.muli %iota3A_1080, %mul3A_1101 : vector<16xi32>
      %mul3A_1103 = arith.constant 64 : i32
      %mul3A_1104 = arith.muli %and3A_1078, %mul3A_1103 : i32
      %add3A_1105 = arith.constant 16 : i32
      %add3A_1106 = arith.addi %mul3A_1104, %add3A_1105 : i32
      %mul3A_1107 = arith.constant 512 : i32
      %mul3A_1108 = arith.muli %add3A_1106, %mul3A_1107 : i32
      %add3A_1109 = vector.broadcast %mul3A_1108 : i32 to vector<16xi32>
      %add3A_1110 = arith.addi %mul3A_1102, %add3A_1109 : vector<16xi32>
      %add3A_1111 = vector.broadcast %add3A_1079 : i32 to vector<16xi32>
      %add3A_1112 = arith.addi %add3A_1110, %add3A_1111 : vector<16xi32>
      %swap3A_1113 = arith.constant 2 : i32
      %swap3A_1114 = arith.index_cast %swap3A_1113 : i32 to index
      %swap3A_1115 = arith.constant 16 : index
      %swap3A_1116 = tpu.vector_load %arg9[%swap3A_1114, %swap3A_1115] {strides = array<i32>} : memref<8x64xi32, #tpu.memory_space<vmem>>, vector<1x16xi32>,
      %swap3A_1117 = vector.shape_cast %swap3A_1116 : vector<1x16xi32> to vector<16xi32>
      %swap3A_1118 = vector.shape_cast %add3A_1112 : vector<16xi32> to vector<1x16xi32>
      tpu.vector_store %arg9[%swap3A_1114, %swap3A_1115], %swap3A_1118 {strides = array<i32>} : memref<8x64xi32, #tpu.memory_space<vmem>>, vector<1x16xi32>,
      %mul3A_1119 = arith.constant 512 : i32
      %mul3A_1120 = vector.broadcast %mul3A_1119 : i32 to vector<16xi32>
      %mul3A_1121 = arith.muli %iota3A_1080, %mul3A_1120 : vector<16xi32>
      %mul3A_1122 = arith.constant 64 : i32
      %mul3A_1123 = arith.muli %and3A_1078, %mul3A_1122 : i32
      %add3A_1124 = arith.constant 32 : i32
      %add3A_1125 = arith.addi %mul3A_1123, %add3A_1124 : i32
      %mul3A_1126 = arith.constant 512 : i32
      %mul3A_1127 = arith.muli %add3A_1125, %mul3A_1126 : i32
      %add3A_1128 = vector.broadcast %mul3A_1127 : i32 to vector<16xi32>
      %add3A_1129 = arith.addi %mul3A_1121, %add3A_1128 : vector<16xi32>
      %add3A_1130 = vector.broadcast %add3A_1079 : i32 to vector<16xi32>
      %add3A_1131 = arith.addi %add3A_1129, %add3A_1130 : vector<16xi32>
      %swap3A_1132 = arith.constant 2 : i32
      %swap3A_1133 = arith.index_cast %swap3A_1132 : i32 to index
      %swap3A_1134 = arith.constant 32 : index
      %swap3A_1135 = tpu.vector_load %arg9[%swap3A_1133, %swap3A_1134] {strides = array<i32>} : memref<8x64xi32, #tpu.memory_space<vmem>>, vector<1x16xi32>,
      %swap3A_1136 = vector.shape_cast %swap3A_1135 : vector<1x16xi32> to vector<16xi32>
      %swap3A_1137 = vector.shape_cast %add3A_1131 : vector<16xi32> to vector<1x16xi32>
      tpu.vector_store %arg9[%swap3A_1133, %swap3A_1134], %swap3A_1137 {strides = array<i32>} : memref<8x64xi32, #tpu.memory_space<vmem>>, vector<1x16xi32>,
      %mul3A_1138 = arith.constant 512 : i32
      %mul3A_1139 = vector.broadcast %mul3A_1138 : i32 to vector<16xi32>
      %mul3A_1140 = arith.muli %iota3A_1080, %mul3A_1139 : vector<16xi32>
      %mul3A_1141 = arith.constant 64 : i32
      %mul3A_1142 = arith.muli %and3A_1078, %mul3A_1141 : i32
      %add3A_1143 = arith.constant 48 : i32
      %add3A_1144 = arith.addi %mul3A_1142, %add3A_1143 : i32
      %mul3A_1145 = arith.constant 512 : i32
      %mul3A_1146 = arith.muli %add3A_1144, %mul3A_1145 : i32
      %add3A_1147 = vector.broadcast %mul3A_1146 : i32 to vector<16xi32>
      %add3A_1148 = arith.addi %mul3A_1140, %add3A_1147 : vector<16xi32>
      %add3A_1149 = vector.broadcast %add3A_1079 : i32 to vector<16xi32>
      %add3A_1150 = arith.addi %add3A_1148, %add3A_1149 : vector<16xi32>
      %swap3A_1151 = arith.constant 2 : i32
      %swap3A_1152 = arith.index_cast %swap3A_1151 : i32 to index
      %swap3A_1153 = arith.constant 48 : index
      %swap3A_1154 = tpu.vector_load %arg9[%swap3A_1152, %swap3A_1153] {strides = array<i32>} : memref<8x64xi32, #tpu.memory_space<vmem>>, vector<1x16xi32>,
      %swap3A_1155 = vector.shape_cast %swap3A_1154 : vector<1x16xi32> to vector<16xi32>
      %swap3A_1156 = vector.shape_cast %add3A_1150 : vector<16xi32> to vector<1x16xi32>
      tpu.vector_store %arg9[%swap3A_1152, %swap3A_1153], %swap3A_1156 {strides = array<i32>} : memref<8x64xi32, #tpu.memory_space<vmem>>, vector<1x16xi32>,
      %get3A_1157 = arith.index_cast %shift_right_arithmetic3A_1076 : i32 to index
      %get3A_1158 = arith.constant 0 : index
      %get3A_1159 = tpu.vector_load %arg7[%get3A_1157, %get3A_1158] {strides = array<i32>} : memref<16x128xf32, #tpu.memory_space<vmem>>, vector<1x16xf32>,
      %get3A_1160 = vector.shape_cast %get3A_1159 : vector<1x16xf32> to vector<16xf32>
      %get3A_1161 = arith.index_cast %shift_right_arithmetic3A_1076 : i32 to index
      %get3A_1162 = arith.constant 16 : index
      %get3A_1163 = tpu.vector_load %arg7[%get3A_1161, %get3A_1162] {strides = array<i32>} : memref<16x128xf32, #tpu.memory_space<vmem>>, vector<1x16xf32>,
      %get3A_1164 = vector.shape_cast %get3A_1163 : vector<1x16xf32> to vector<16xf32>
      %get3A_1165 = arith.index_cast %shift_right_arithmetic3A_1076 : i32 to index
      %get3A_1166 = arith.constant 32 : index
      %get3A_1167 = tpu.vector_load %arg7[%get3A_1165, %get3A_1166] {strides = array<i32>} : memref<16x128xf32, #tpu.memory_space<vmem>>, vector<1x16xf32>,
      %get3A_1168 = vector.shape_cast %get3A_1167 : vector<1x16xf32> to vector<16xf32>
      %get3A_1169 = arith.index_cast %shift_right_arithmetic3A_1076 : i32 to index
      %get3A_1170 = arith.constant 48 : index
      %get3A_1171 = tpu.vector_load %arg7[%get3A_1169, %get3A_1170] {strides = array<i32>} : memref<16x128xf32, #tpu.memory_space<vmem>>, vector<1x16xf32>,
      %get3A_1172 = vector.shape_cast %get3A_1171 : vector<1x16xf32> to vector<16xf32>
      %get3A_1173 = arith.index_cast %shift_right_arithmetic3A_1076 : i32 to index
      %get3A_1174 = arith.constant 64 : index
      %get3A_1175 = tpu.vector_load %arg7[%get3A_1173, %get3A_1174] {strides = array<i32>} : memref<16x128xf32, #tpu.memory_space<vmem>>, vector<1x16xf32>,
      %get3A_1176 = vector.shape_cast %get3A_1175 : vector<1x16xf32> to vector<16xf32>
      %get3A_1177 = arith.index_cast %shift_right_arithmetic3A_1076 : i32 to index
      %get3A_1178 = arith.constant 80 : index
      %get3A_1179 = tpu.vector_load %arg7[%get3A_1177, %get3A_1178] {strides = array<i32>} : memref<16x128xf32, #tpu.memory_space<vmem>>, vector<1x16xf32>,
      %get3A_1180 = vector.shape_cast %get3A_1179 : vector<1x16xf32> to vector<16xf32>
      %get3A_1181 = arith.index_cast %shift_right_arithmetic3A_1076 : i32 to index
      %get3A_1182 = arith.constant 96 : index
      %get3A_1183 = tpu.vector_load %arg7[%get3A_1181, %get3A_1182] {strides = array<i32>} : memref<16x128xf32, #tpu.memory_space<vmem>>, vector<1x16xf32>,
      %get3A_1184 = vector.shape_cast %get3A_1183 : vector<1x16xf32> to vector<16xf32>
      %get3A_1185 = arith.index_cast %shift_right_arithmetic3A_1076 : i32 to index
      %get3A_1186 = arith.constant 112 : index
      %get3A_1187 = tpu.vector_load %arg7[%get3A_1185, %get3A_1186] {strides = array<i32>} : memref<16x128xf32, #tpu.memory_space<vmem>>, vector<1x16xf32>,
      %get3A_1188 = vector.shape_cast %get3A_1187 : vector<1x16xf32> to vector<16xf32>
      %mul3A_1189 = arith.constant 4 : i32
      %mul3A_1190 = arith.muli %mul3A_1189, %mul3A_652 : i32
      %add3A_1191 = arith.constant 2 : i32
      %add3A_1192 = arith.addi %mul3A_1190, %add3A_1191 : i32
      %shift_right_arithmetic3A_1193 = arith.constant 4 : i32
      %shift_right_arithmetic3A_1194 = arith.shrsi %add3A_1192, %shift_right_arithmetic3A_1193 : i32
      %and3A_1195 = arith.constant 15 : i32
      %and3A_1196 = arith.andi %add3A_1192, %and3A_1195 : i32
      %mul3A_1197 = arith.constant 64 : i32
      %mul3A_1198 = arith.muli %and3A_1196, %mul3A_1197 : i32
      %dma_wait3A_1199 = arith.constant 2 : i32
      %dma_wait3A_1200 = arith.constant 2 : i32
      %dma_wait3A_1201 = arith.constant 0 : i32
      %dma_wait3A_1202 = arith.constant 0 : i32
      %dma_wait3A_1203 = tpu.memref_slice %arg8[%dma_wait3A_1199, %dma_wait3A_1201, %dma_wait3A_1202] : memref<8x64x128xf32, #tpu.memory_space<vmem>> -> memref<1x64x128xf32, #tpu.memory_space<vmem>>
      %dma_wait3A_1204 = tpu.memref_squeeze %dma_wait3A_1203 : memref<1x64x128xf32, #tpu.memory_space<vmem>> -> memref<64x128xf32, #tpu.memory_space<vmem>>
      %dma_wait3A_1205 = tpu.memref_slice %arg6[%shift_right_arithmetic3A_1194, %mul3A_1198] : memref<16x1024xi32, #tpu.memory_space<vmem>> -> memref<1x64xi32, #tpu.memory_space<vmem>>
      %dma_wait3A_1206 = tpu.memref_squeeze %dma_wait3A_1205 : memref<1x64xi32, #tpu.memory_space<vmem>> -> memref<64xi32, #tpu.memory_space<vmem>>
      %dma_wait3A_1207 = arith.constant 0 : i32
      %dma_wait3A_1208 = arith.constant 0 : i32
      %dma_wait3A_1209 = tpu.memref_slice %arg3[%dma_wait3A_1207, %dma_wait3A_1208] : memref<100000x128xf32, #tpu.memory_space<hbm>> -> memref<100000x128xf32, #tpu.memory_space<hbm>>
      %dma_wait3A_1210 = tpu.memref_slice %arg10[%dma_wait3A_1200] : memref<8x!tpu.dma_semaphore, #tpu.memory_space<semaphore_mem>> -> memref<1x!tpu.dma_semaphore, #tpu.memory_space<semaphore_mem>>
      %dma_wait3A_1211 = tpu.memref_squeeze %dma_wait3A_1210 : memref<1x!tpu.dma_semaphore, #tpu.memory_space<semaphore_mem>> -> memref<!tpu.dma_semaphore, #tpu.memory_space<semaphore_mem>>
      tpu.wait_indirect_dma semaphore(%dma_wait3A_1211 : memref<!tpu.dma_semaphore, #tpu.memory_space<semaphore_mem>>) src(%dma_wait3A_1209 : memref<100000x128xf32, #tpu.memory_space<hbm>>) dst(%dma_wait3A_1204 : memref<64x128xf32, #tpu.memory_space<vmem>>)
      %parallel_loop3A_1212 = arith.constant 0 : i32
      %parallel_loop3A_1213 = arith.constant 64 : i32
      %parallel_loop3A_1214 = arith.constant 1 : i32
      scf.for %parallel_loop3A_1389 = %parallel_loop3A_1212 to %parallel_loop3A_1213 step %parallel_loop3A_1214  : i32 {
        %parallel_loop3A_1390 = arith.constant 2 : i32
        %parallel_loop3A_1391 = arith.index_cast %parallel_loop3A_1390 : i32 to index
        %parallel_loop3A_1392 = arith.index_cast %parallel_loop3A_1389 : i32 to index
        %parallel_loop3A_1393 = arith.constant 0 : index
        %parallel_loop3A_1394 = tpu.vector_load %arg8[%parallel_loop3A_1391, %parallel_loop3A_1392, %parallel_loop3A_1393] {strides = array<i32>} : memref<8x64x128xf32, #tpu.memory_space<vmem>>, vector<1x1x16xf32>,
        %parallel_loop3A_1395 = vector.shape_cast %parallel_loop3A_1394 : vector<1x1x16xf32> to vector<16xf32>
        %parallel_loop3A_1396 = vector.shape_cast %get3A_1160 : vector<16xf32> to vector<1x1x16xf32>
        tpu.vector_store %arg8[%parallel_loop3A_1391, %parallel_loop3A_1392, %parallel_loop3A_1393], %parallel_loop3A_1396 {add = true, strides = array<i32>} : memref<8x64x128xf32, #tpu.memory_space<vmem>>, vector<1x1x16xf32>,
        %parallel_loop3A_1397 = arith.constant 2 : i32
        %parallel_loop3A_1398 = arith.index_cast %parallel_loop3A_1397 : i32 to index
        %parallel_loop3A_1399 = arith.index_cast %parallel_loop3A_1389 : i32 to index
        %parallel_loop3A_1400 = arith.constant 16 : index
        %parallel_loop3A_1401 = tpu.vector_load %arg8[%parallel_loop3A_1398, %parallel_loop3A_1399, %parallel_loop3A_1400] {strides = array<i32>} : memref<8x64x128xf32, #tpu.memory_space<vmem>>, vector<1x1x16xf32>,
        %parallel_loop3A_1402 = vector.shape_cast %parallel_loop3A_1401 : vector<1x1x16xf32> to vector<16xf32>
        %parallel_loop3A_1403 = vector.shape_cast %get3A_1164 : vector<16xf32> to vector<1x1x16xf32>
        tpu.vector_store %arg8[%parallel_loop3A_1398, %parallel_loop3A_1399, %parallel_loop3A_1400], %parallel_loop3A_1403 {add = true, strides = array<i32>} : memref<8x64x128xf32, #tpu.memory_space<vmem>>, vector<1x1x16xf32>,
        %parallel_loop3A_1404 = arith.constant 2 : i32
        %parallel_loop3A_1405 = arith.index_cast %parallel_loop3A_1404 : i32 to index
        %parallel_loop3A_1406 = arith.index_cast %parallel_loop3A_1389 : i32 to index
        %parallel_loop3A_1407 = arith.constant 32 : index
        %parallel_loop3A_1408 = tpu.vector_load %arg8[%parallel_loop3A_1405, %parallel_loop3A_1406, %parallel_loop3A_1407] {strides = array<i32>} : memref<8x64x128xf32, #tpu.memory_space<vmem>>, vector<1x1x16xf32>,
        %parallel_loop3A_1409 = vector.shape_cast %parallel_loop3A_1408 : vector<1x1x16xf32> to vector<16xf32>
        %parallel_loop3A_1410 = vector.shape_cast %get3A_1168 : vector<16xf32> to vector<1x1x16xf32>
        tpu.vector_store %arg8[%parallel_loop3A_1405, %parallel_loop3A_1406, %parallel_loop3A_1407], %parallel_loop3A_1410 {add = true, strides = array<i32>} : memref<8x64x128xf32, #tpu.memory_space<vmem>>, vector<1x1x16xf32>,
        %parallel_loop3A_1411 = arith.constant 2 : i32
        %parallel_loop3A_1412 = arith.index_cast %parallel_loop3A_1411 : i32 to index
        %parallel_loop3A_1413 = arith.index_cast %parallel_loop3A_1389 : i32 to index
        %parallel_loop3A_1414 = arith.constant 48 : index
        %parallel_loop3A_1415 = tpu.vector_load %arg8[%parallel_loop3A_1412, %parallel_loop3A_1413, %parallel_loop3A_1414] {strides = array<i32>} : memref<8x64x128xf32, #tpu.memory_space<vmem>>, vector<1x1x16xf32>,
        %parallel_loop3A_1416 = vector.shape_cast %parallel_loop3A_1415 : vector<1x1x16xf32> to vector<16xf32>
        %parallel_loop3A_1417 = vector.shape_cast %get3A_1172 : vector<16xf32> to vector<1x1x16xf32>
        tpu.vector_store %arg8[%parallel_loop3A_1412, %parallel_loop3A_1413, %parallel_loop3A_1414], %parallel_loop3A_1417 {add = true, strides = array<i32>} : memref<8x64x128xf32, #tpu.memory_space<vmem>>, vector<1x1x16xf32>,
        %parallel_loop3A_1418 = arith.constant 2 : i32
        %parallel_loop3A_1419 = arith.index_cast %parallel_loop3A_1418 : i32 to index
        %parallel_loop3A_1420 = arith.index_cast %parallel_loop3A_1389 : i32 to index
        %parallel_loop3A_1421 = arith.constant 64 : index
        %parallel_loop3A_1422 = tpu.vector_load %arg8[%parallel_loop3A_1419, %parallel_loop3A_1420, %parallel_loop3A_1421] {strides = array<i32>} : memref<8x64x128xf32, #tpu.memory_space<vmem>>, vector<1x1x16xf32>,
        %parallel_loop3A_1423 = vector.shape_cast %parallel_loop3A_1422 : vector<1x1x16xf32> to vector<16xf32>
        %parallel_loop3A_1424 = vector.shape_cast %get3A_1176 : vector<16xf32> to vector<1x1x16xf32>
        tpu.vector_store %arg8[%parallel_loop3A_1419, %parallel_loop3A_1420, %parallel_loop3A_1421], %parallel_loop3A_1424 {add = true, strides = array<i32>} : memref<8x64x128xf32, #tpu.memory_space<vmem>>, vector<1x1x16xf32>,
        %parallel_loop3A_1425 = arith.constant 2 : i32
        %parallel_loop3A_1426 = arith.index_cast %parallel_loop3A_1425 : i32 to index
        %parallel_loop3A_1427 = arith.index_cast %parallel_loop3A_1389 : i32 to index
        %parallel_loop3A_1428 = arith.constant 80 : index
        %parallel_loop3A_1429 = tpu.vector_load %arg8[%parallel_loop3A_1426, %parallel_loop3A_1427, %parallel_loop3A_1428] {strides = array<i32>} : memref<8x64x128xf32, #tpu.memory_space<vmem>>, vector<1x1x16xf32>,
        %parallel_loop3A_1430 = vector.shape_cast %parallel_loop3A_1429 : vector<1x1x16xf32> to vector<16xf32>
        %parallel_loop3A_1431 = vector.shape_cast %get3A_1180 : vector<16xf32> to vector<1x1x16xf32>
        tpu.vector_store %arg8[%parallel_loop3A_1426, %parallel_loop3A_1427, %parallel_loop3A_1428], %parallel_loop3A_1431 {add = true, strides = array<i32>} : memref<8x64x128xf32, #tpu.memory_space<vmem>>, vector<1x1x16xf32>,
        %parallel_loop3A_1432 = arith.constant 2 : i32
        %parallel_loop3A_1433 = arith.index_cast %parallel_loop3A_1432 : i32 to index
        %parallel_loop3A_1434 = arith.index_cast %parallel_loop3A_1389 : i32 to index
        %parallel_loop3A_1435 = arith.constant 96 : index
        %parallel_loop3A_1436 = tpu.vector_load %arg8[%parallel_loop3A_1433, %parallel_loop3A_1434, %parallel_loop3A_1435] {strides = array<i32>} : memref<8x64x128xf32, #tpu.memory_space<vmem>>, vector<1x1x16xf32>,
        %parallel_loop3A_1437 = vector.shape_cast %parallel_loop3A_1436 : vector<1x1x16xf32> to vector<16xf32>
        %parallel_loop3A_1438 = vector.shape_cast %get3A_1184 : vector<16xf32> to vector<1x1x16xf32>
        tpu.vector_store %arg8[%parallel_loop3A_1433, %parallel_loop3A_1434, %parallel_loop3A_1435], %parallel_loop3A_1438 {add = true, strides = array<i32>} : memref<8x64x128xf32, #tpu.memory_space<vmem>>, vector<1x1x16xf32>,
        %parallel_loop3A_1439 = arith.constant 2 : i32
        %parallel_loop3A_1440 = arith.index_cast %parallel_loop3A_1439 : i32 to index
        %parallel_loop3A_1441 = arith.index_cast %parallel_loop3A_1389 : i32 to index
        %parallel_loop3A_1442 = arith.constant 112 : index
        %parallel_loop3A_1443 = tpu.vector_load %arg8[%parallel_loop3A_1440, %parallel_loop3A_1441, %parallel_loop3A_1442] {strides = array<i32>} : memref<8x64x128xf32, #tpu.memory_space<vmem>>, vector<1x1x16xf32>,
        %parallel_loop3A_1444 = vector.shape_cast %parallel_loop3A_1443 : vector<1x1x16xf32> to vector<16xf32>
        %parallel_loop3A_1445 = vector.shape_cast %get3A_1188 : vector<16xf32> to vector<1x1x16xf32>
        tpu.vector_store %arg8[%parallel_loop3A_1440, %parallel_loop3A_1441, %parallel_loop3A_1442], %parallel_loop3A_1445 {add = true, strides = array<i32>} : memref<8x64x128xf32, #tpu.memory_space<vmem>>, vector<1x1x16xf32>,
      } {sc.loop_unroll_factor = 4 : i64, sc.parallel_access}
      %dma_start3A_1215 = arith.constant 2 : i32
      %dma_start3A_1216 = arith.constant 2 : i32
      %dma_start3A_1217 = arith.constant 2 : i32
      %dma_start3A_1218 = arith.constant 0 : i32
      %dma_start3A_1219 = arith.constant 0 : i32
      %dma_start3A_1220 = tpu.memref_slice %arg8[%dma_start3A_1215, %dma_start3A_1218, %dma_start3A_1219] : memref<8x64x128xf32, #tpu.memory_space<vmem>> -> memref<1x64x128xf32, #tpu.memory_space<vmem>>
      %dma_start3A_1221 = tpu.memref_squeeze %dma_start3A_1220 : memref<1x64x128xf32, #tpu.memory_space<vmem>> -> memref<64x128xf32, #tpu.memory_space<vmem>>
      %dma_start3A_1222 = arith.constant 0 : i32
      %dma_start3A_1223 = tpu.memref_slice %arg9[%dma_start3A_1216, %dma_start3A_1222] : memref<8x64xi32, #tpu.memory_space<vmem>> -> memref<1x64xi32, #tpu.memory_space<vmem>>
      %dma_start3A_1224 = tpu.memref_squeeze %dma_start3A_1223 : memref<1x64xi32, #tpu.memory_space<vmem>> -> memref<64xi32, #tpu.memory_space<vmem>>
      %dma_start3A_1225 = arith.constant 0 : i32
      %dma_start3A_1226 = arith.constant 0 : i32
      %dma_start3A_1227 = tpu.memref_slice %arg5[%dma_start3A_1225, %dma_start3A_1226] : memref<524288x128xf32, #tpu.memory_space<hbm>> -> memref<524288x128xf32, #tpu.memory_space<hbm>>
      %dma_start3A_1228 = tpu.memref_slice %arg11[%dma_start3A_1217] : memref<8x!tpu.dma_semaphore, #tpu.memory_space<semaphore_mem>> -> memref<1x!tpu.dma_semaphore, #tpu.memory_space<semaphore_mem>>
      %dma_start3A_1229 = tpu.memref_squeeze %dma_start3A_1228 : memref<1x!tpu.dma_semaphore, #tpu.memory_space<semaphore_mem>> -> memref<!tpu.dma_semaphore, #tpu.memory_space<semaphore_mem>>
      tpu.enqueue_indirect_dma source(%dma_start3A_1221 : memref<64x128xf32, #tpu.memory_space<vmem>>) target(%dma_start3A_1227 : memref<524288x128xf32, #tpu.memory_space<hbm>>) offsets(%dma_start3A_1224 : memref<64xi32, #tpu.memory_space<vmem>>) semaphore(%dma_start3A_1229 : memref<!tpu.dma_semaphore, #tpu.memory_space<semaphore_mem>>)
      %mul3A_1230 = arith.constant 4 : i32
      %mul3A_1231 = arith.muli %mul3A_1230, %mul3A_652 : i32
      %add3A_1232 = arith.constant 3 : i32
      %add3A_1233 = arith.addi %mul3A_1231, %add3A_1232 : i32
      %shift_right_arithmetic3A_1234 = arith.constant 4 : i32
      %shift_right_arithmetic3A_1235 = arith.shrsi %add3A_1233, %shift_right_arithmetic3A_1234 : i32
      %and3A_1236 = arith.constant 15 : i32
      %and3A_1237 = arith.andi %add3A_1233, %and3A_1236 : i32
      %add3A_1238 = arith.addi %mul3A_2, %shift_right_arithmetic3A_1235 : i32
      %iota3A_1239 = tpu.iota {dimensions = array<i32: 0>} : vector<16xi32>
      %mul3A_1240 = arith.constant 512 : i32
      %mul3A_1241 = vector.broadcast %mul3A_1240 : i32 to vector<16xi32>
      %mul3A_1242 = arith.muli %iota3A_1239, %mul3A_1241 : vector<16xi32>
      %mul3A_1243 = arith.constant 64 : i32
      %mul3A_1244 = arith.muli %and3A_1237, %mul3A_1243 : i32
      %add3A_1245 = arith.constant 0 : i32
      %add3A_1246 = arith.addi %mul3A_1244, %add3A_1245 : i32
      %mul3A_1247 = arith.constant 512 : i32
      %mul3A_1248 = arith.muli %add3A_1246, %mul3A_1247 : i32
      %add3A_1249 = vector.broadcast %mul3A_1248 : i32 to vector<16xi32>
      %add3A_1250 = arith.addi %mul3A_1242, %add3A_1249 : vector<16xi32>
      %add3A_1251 = vector.broadcast %add3A_1238 : i32 to vector<16xi32>
      %add3A_1252 = arith.addi %add3A_1250, %add3A_1251 : vector<16xi32>
      %swap3A_1253 = arith.constant 3 : i32
      %swap3A_1254 = arith.index_cast %swap3A_1253 : i32 to index
      %swap3A_1255 = arith.constant 0 : index
      %swap3A_1256 = tpu.vector_load %arg9[%swap3A_1254, %swap3A_1255] {strides = array<i32>} : memref<8x64xi32, #tpu.memory_space<vmem>>, vector<1x16xi32>,
      %swap3A_1257 = vector.shape_cast %swap3A_1256 : vector<1x16xi32> to vector<16xi32>
      %swap3A_1258 = vector.shape_cast %add3A_1252 : vector<16xi32> to vector<1x16xi32>
      tpu.vector_store %arg9[%swap3A_1254, %swap3A_1255], %swap3A_1258 {strides = array<i32>} : memref<8x64xi32, #tpu.memory_space<vmem>>, vector<1x16xi32>,
      %mul3A_1259 = arith.constant 512 : i32
      %mul3A_1260 = vector.broadcast %mul3A_1259 : i32 to vector<16xi32>
      %mul3A_1261 = arith.muli %iota3A_1239, %mul3A_1260 : vector<16xi32>
      %mul3A_1262 = arith.constant 64 : i32
      %mul3A_1263 = arith.muli %and3A_1237, %mul3A_1262 : i32
      %add3A_1264 = arith.constant 16 : i32
      %add3A_1265 = arith.addi %mul3A_1263, %add3A_1264 : i32
      %mul3A_1266 = arith.constant 512 : i32
      %mul3A_1267 = arith.muli %add3A_1265, %mul3A_1266 : i32
      %add3A_1268 = vector.broadcast %mul3A_1267 : i32 to vector<16xi32>
      %add3A_1269 = arith.addi %mul3A_1261, %add3A_1268 : vector<16xi32>
      %add3A_1270 = vector.broadcast %add3A_1238 : i32 to vector<16xi32>
      %add3A_1271 = arith.addi %add3A_1269, %add3A_1270 : vector<16xi32>
      %swap3A_1272 = arith.constant 3 : i32
      %swap3A_1273 = arith.index_cast %swap3A_1272 : i32 to index
      %swap3A_1274 = arith.constant 16 : index
      %swap3A_1275 = tpu.vector_load %arg9[%swap3A_1273, %swap3A_1274] {strides = array<i32>} : memref<8x64xi32, #tpu.memory_space<vmem>>, vector<1x16xi32>,
      %swap3A_1276 = vector.shape_cast %swap3A_1275 : vector<1x16xi32> to vector<16xi32>
      %swap3A_1277 = vector.shape_cast %add3A_1271 : vector<16xi32> to vector<1x16xi32>
      tpu.vector_store %arg9[%swap3A_1273, %swap3A_1274], %swap3A_1277 {strides = array<i32>} : memref<8x64xi32, #tpu.memory_space<vmem>>, vector<1x16xi32>,
      %mul3A_1278 = arith.constant 512 : i32
      %mul3A_1279 = vector.broadcast %mul3A_1278 : i32 to vector<16xi32>
      %mul3A_1280 = arith.muli %iota3A_1239, %mul3A_1279 : vector<16xi32>
      %mul3A_1281 = arith.constant 64 : i32
      %mul3A_1282 = arith.muli %and3A_1237, %mul3A_1281 : i32
      %add3A_1283 = arith.constant 32 : i32
      %add3A_1284 = arith.addi %mul3A_1282, %add3A_1283 : i32
      %mul3A_1285 = arith.constant 512 : i32
      %mul3A_1286 = arith.muli %add3A_1284, %mul3A_1285 : i32
      %add3A_1287 = vector.broadcast %mul3A_1286 : i32 to vector<16xi32>
      %add3A_1288 = arith.addi %mul3A_1280, %add3A_1287 : vector<16xi32>
      %add3A_1289 = vector.broadcast %add3A_1238 : i32 to vector<16xi32>
      %add3A_1290 = arith.addi %add3A_1288, %add3A_1289 : vector<16xi32>
      %swap3A_1291 = arith.constant 3 : i32
      %swap3A_1292 = arith.index_cast %swap3A_1291 : i32 to index
      %swap3A_1293 = arith.constant 32 : index
      %swap3A_1294 = tpu.vector_load %arg9[%swap3A_1292, %swap3A_1293] {strides = array<i32>} : memref<8x64xi32, #tpu.memory_space<vmem>>, vector<1x16xi32>,
      %swap3A_1295 = vector.shape_cast %swap3A_1294 : vector<1x16xi32> to vector<16xi32>
      %swap3A_1296 = vector.shape_cast %add3A_1290 : vector<16xi32> to vector<1x16xi32>
      tpu.vector_store %arg9[%swap3A_1292, %swap3A_1293], %swap3A_1296 {strides = array<i32>} : memref<8x64xi32, #tpu.memory_space<vmem>>, vector<1x16xi32>,
      %mul3A_1297 = arith.constant 512 : i32
      %mul3A_1298 = vector.broadcast %mul3A_1297 : i32 to vector<16xi32>
      %mul3A_1299 = arith.muli %iota3A_1239, %mul3A_1298 : vector<16xi32>
      %mul3A_1300 = arith.constant 64 : i32
      %mul3A_1301 = arith.muli %and3A_1237, %mul3A_1300 : i32
      %add3A_1302 = arith.constant 48 : i32
      %add3A_1303 = arith.addi %mul3A_1301, %add3A_1302 : i32
      %mul3A_1304 = arith.constant 512 : i32
      %mul3A_1305 = arith.muli %add3A_1303, %mul3A_1304 : i32
      %add3A_1306 = vector.broadcast %mul3A_1305 : i32 to vector<16xi32>
      %add3A_1307 = arith.addi %mul3A_1299, %add3A_1306 : vector<16xi32>
      %add3A_1308 = vector.broadcast %add3A_1238 : i32 to vector<16xi32>
      %add3A_1309 = arith.addi %add3A_1307, %add3A_1308 : vector<16xi32>
      %swap3A_1310 = arith.constant 3 : i32
      %swap3A_1311 = arith.index_cast %swap3A_1310 : i32 to index
      %swap3A_1312 = arith.constant 48 : index
      %swap3A_1313 = tpu.vector_load %arg9[%swap3A_1311, %swap3A_1312] {strides = array<i32>} : memref<8x64xi32, #tpu.memory_space<vmem>>, vector<1x16xi32>,
      %swap3A_1314 = vector.shape_cast %swap3A_1313 : vector<1x16xi32> to vector<16xi32>
      %swap3A_1315 = vector.shape_cast %add3A_1309 : vector<16xi32> to vector<1x16xi32>
      tpu.vector_store %arg9[%swap3A_1311, %swap3A_1312], %swap3A_1315 {strides = array<i32>} : memref<8x64xi32, #tpu.memory_space<vmem>>, vector<1x16xi32>,
      %get3A_1316 = arith.index_cast %shift_right_arithmetic3A_1235 : i32 to index
      %get3A_1317 = arith.constant 0 : index
      %get3A_1318 = tpu.vector_load %arg7[%get3A_1316, %get3A_1317] {strides = array<i32>} : memref<16x128xf32, #tpu.memory_space<vmem>>, vector<1x16xf32>,
      %get3A_1319 = vector.shape_cast %get3A_1318 : vector<1x16xf32> to vector<16xf32>
      %get3A_1320 = arith.index_cast %shift_right_arithmetic3A_1235 : i32 to index
      %get3A_1321 = arith.constant 16 : index
      %get3A_1322 = tpu.vector_load %arg7[%get3A_1320, %get3A_1321] {strides = array<i32>} : memref<16x128xf32, #tpu.memory_space<vmem>>, vector<1x16xf32>,
      %get3A_1323 = vector.shape_cast %get3A_1322 : vector<1x16xf32> to vector<16xf32>
      %get3A_1324 = arith.index_cast %shift_right_arithmetic3A_1235 : i32 to index
      %get3A_1325 = arith.constant 32 : index
      %get3A_1326 = tpu.vector_load %arg7[%get3A_1324, %get3A_1325] {strides = array<i32>} : memref<16x128xf32, #tpu.memory_space<vmem>>, vector<1x16xf32>,
      %get3A_1327 = vector.shape_cast %get3A_1326 : vector<1x16xf32> to vector<16xf32>
      %get3A_1328 = arith.index_cast %shift_right_arithmetic3A_1235 : i32 to index
      %get3A_1329 = arith.constant 48 : index
      %get3A_1330 = tpu.vector_load %arg7[%get3A_1328, %get3A_1329] {strides = array<i32>} : memref<16x128xf32, #tpu.memory_space<vmem>>, vector<1x16xf32>,
      %get3A_1331 = vector.shape_cast %get3A_1330 : vector<1x16xf32> to vector<16xf32>
      %get3A_1332 = arith.index_cast %shift_right_arithmetic3A_1235 : i32 to index
      %get3A_1333 = arith.constant 64 : index
      %get3A_1334 = tpu.vector_load %arg7[%get3A_1332, %get3A_1333] {strides = array<i32>} : memref<16x128xf32, #tpu.memory_space<vmem>>, vector<1x16xf32>,
      %get3A_1335 = vector.shape_cast %get3A_1334 : vector<1x16xf32> to vector<16xf32>
      %get3A_1336 = arith.index_cast %shift_right_arithmetic3A_1235 : i32 to index
      %get3A_1337 = arith.constant 80 : index
      %get3A_1338 = tpu.vector_load %arg7[%get3A_1336, %get3A_1337] {strides = array<i32>} : memref<16x128xf32, #tpu.memory_space<vmem>>, vector<1x16xf32>,
      %get3A_1339 = vector.shape_cast %get3A_1338 : vector<1x16xf32> to vector<16xf32>
      %get3A_1340 = arith.index_cast %shift_right_arithmetic3A_1235 : i32 to index
      %get3A_1341 = arith.constant 96 : index
      %get3A_1342 = tpu.vector_load %arg7[%get3A_1340, %get3A_1341] {strides = array<i32>} : memref<16x128xf32, #tpu.memory_space<vmem>>, vector<1x16xf32>,
      %get3A_1343 = vector.shape_cast %get3A_1342 : vector<1x16xf32> to vector<16xf32>
      %get3A_1344 = arith.index_cast %shift_right_arithmetic3A_1235 : i32 to index
      %get3A_1345 = arith.constant 112 : index
      %get3A_1346 = tpu.vector_load %arg7[%get3A_1344, %get3A_1345] {strides = array<i32>} : memref<16x128xf32, #tpu.memory_space<vmem>>, vector<1x16xf32>,
      %get3A_1347 = vector.shape_cast %get3A_1346 : vector<1x16xf32> to vector<16xf32>
      %mul3A_1348 = arith.constant 4 : i32
      %mul3A_1349 = arith.muli %mul3A_1348, %mul3A_652 : i32
      %add3A_1350 = arith.constant 3 : i32
      %add3A_1351 = arith.addi %mul3A_1349, %add3A_1350 : i32
      %shift_right_arithmetic3A_1352 = arith.constant 4 : i32
      %shift_right_arithmetic3A_1353 = arith.shrsi %add3A_1351, %shift_right_arithmetic3A_1352 : i32
      %and3A_1354 = arith.constant 15 : i32
      %and3A_1355 = arith.andi %add3A_1351, %and3A_1354 : i32
      %mul3A_1356 = arith.constant 64 : i32
      %mul3A_1357 = arith.muli %and3A_1355, %mul3A_1356 : i32
      %dma_wait3A_1358 = arith.constant 3 : i32
      %dma_wait3A_1359 = arith.constant 3 : i32
      %dma_wait3A_1360 = arith.constant 0 : i32
      %dma_wait3A_1361 = arith.constant 0 : i32
      %dma_wait3A_1362 = tpu.memref_slice %arg8[%dma_wait3A_1358, %dma_wait3A_1360, %dma_wait3A_1361] : memref<8x64x128xf32, #tpu.memory_space<vmem>> -> memref<1x64x128xf32, #tpu.memory_space<vmem>>
      %dma_wait3A_1363 = tpu.memref_squeeze %dma_wait3A_1362 : memref<1x64x128xf32, #tpu.memory_space<vmem>> -> memref<64x128xf32, #tpu.memory_space<vmem>>
      %dma_wait3A_1364 = tpu.memref_slice %arg6[%shift_right_arithmetic3A_1353, %mul3A_1357] : memref<16x1024xi32, #tpu.memory_space<vmem>> -> memref<1x64xi32, #tpu.memory_space<vmem>>
      %dma_wait3A_1365 = tpu.memref_squeeze %dma_wait3A_1364 : memref<1x64xi32, #tpu.memory_space<vmem>> -> memref<64xi32, #tpu.memory_space<vmem>>
      %dma_wait3A_1366 = arith.constant 0 : i32
      %dma_wait3A_1367 = arith.constant 0 : i32
      %dma_wait3A_1368 = tpu.memref_slice %arg3[%dma_wait3A_1366, %dma_wait3A_1367] : memref<100000x128xf32, #tpu.memory_space<hbm>> -> memref<100000x128xf32, #tpu.memory_space<hbm>>
      %dma_wait3A_1369 = tpu.memref_slice %arg10[%dma_wait3A_1359] : memref<8x!tpu.dma_semaphore, #tpu.memory_space<semaphore_mem>> -> memref<1x!tpu.dma_semaphore, #tpu.memory_space<semaphore_mem>>
      %dma_wait3A_1370 = tpu.memref_squeeze %dma_wait3A_1369 : memref<1x!tpu.dma_semaphore, #tpu.memory_space<semaphore_mem>> -> memref<!tpu.dma_semaphore, #tpu.memory_space<semaphore_mem>>
      tpu.wait_indirect_dma semaphore(%dma_wait3A_1370 : memref<!tpu.dma_semaphore, #tpu.memory_space<semaphore_mem>>) src(%dma_wait3A_1368 : memref<100000x128xf32, #tpu.memory_space<hbm>>) dst(%dma_wait3A_1363 : memref<64x128xf32, #tpu.memory_space<vmem>>)
      %parallel_loop3A_1371 = arith.constant 0 : i32
      %parallel_loop3A_1372 = arith.constant 64 : i32
      %parallel_loop3A_1373 = arith.constant 1 : i32
      scf.for %parallel_loop3A_1389 = %parallel_loop3A_1371 to %parallel_loop3A_1372 step %parallel_loop3A_1373  : i32 {
        %parallel_loop3A_1390 = arith.constant 3 : i32
        %parallel_loop3A_1391 = arith.index_cast %parallel_loop3A_1390 : i32 to index
        %parallel_loop3A_1392 = arith.index_cast %parallel_loop3A_1389 : i32 to index
        %parallel_loop3A_1393 = arith.constant 0 : index
        %parallel_loop3A_1394 = tpu.vector_load %arg8[%parallel_loop3A_1391, %parallel_loop3A_1392, %parallel_loop3A_1393] {strides = array<i32>} : memref<8x64x128xf32, #tpu.memory_space<vmem>>, vector<1x1x16xf32>,
        %parallel_loop3A_1395 = vector.shape_cast %parallel_loop3A_1394 : vector<1x1x16xf32> to vector<16xf32>
        %parallel_loop3A_1396 = vector.shape_cast %get3A_1319 : vector<16xf32> to vector<1x1x16xf32>
        tpu.vector_store %arg8[%parallel_loop3A_1391, %parallel_loop3A_1392, %parallel_loop3A_1393], %parallel_loop3A_1396 {add = true, strides = array<i32>} : memref<8x64x128xf32, #tpu.memory_space<vmem>>, vector<1x1x16xf32>,
        %parallel_loop3A_1397 = arith.constant 3 : i32
        %parallel_loop3A_1398 = arith.index_cast %parallel_loop3A_1397 : i32 to index
        %parallel_loop3A_1399 = arith.index_cast %parallel_loop3A_1389 : i32 to index
        %parallel_loop3A_1400 = arith.constant 16 : index
        %parallel_loop3A_1401 = tpu.vector_load %arg8[%parallel_loop3A_1398, %parallel_loop3A_1399, %parallel_loop3A_1400] {strides = array<i32>} : memref<8x64x128xf32, #tpu.memory_space<vmem>>, vector<1x1x16xf32>,
        %parallel_loop3A_1402 = vector.shape_cast %parallel_loop3A_1401 : vector<1x1x16xf32> to vector<16xf32>
        %parallel_loop3A_1403 = vector.shape_cast %get3A_1323 : vector<16xf32> to vector<1x1x16xf32>
        tpu.vector_store %arg8[%parallel_loop3A_1398, %parallel_loop3A_1399, %parallel_loop3A_1400], %parallel_loop3A_1403 {add = true, strides = array<i32>} : memref<8x64x128xf32, #tpu.memory_space<vmem>>, vector<1x1x16xf32>,
        %parallel_loop3A_1404 = arith.constant 3 : i32
        %parallel_loop3A_1405 = arith.index_cast %parallel_loop3A_1404 : i32 to index
        %parallel_loop3A_1406 = arith.index_cast %parallel_loop3A_1389 : i32 to index
        %parallel_loop3A_1407 = arith.constant 32 : index
        %parallel_loop3A_1408 = tpu.vector_load %arg8[%parallel_loop3A_1405, %parallel_loop3A_1406, %parallel_loop3A_1407] {strides = array<i32>} : memref<8x64x128xf32, #tpu.memory_space<vmem>>, vector<1x1x16xf32>,
        %parallel_loop3A_1409 = vector.shape_cast %parallel_loop3A_1408 : vector<1x1x16xf32> to vector<16xf32>
        %parallel_loop3A_1410 = vector.shape_cast %get3A_1327 : vector<16xf32> to vector<1x1x16xf32>
        tpu.vector_store %arg8[%parallel_loop3A_1405, %parallel_loop3A_1406, %parallel_loop3A_1407], %parallel_loop3A_1410 {add = true, strides = array<i32>} : memref<8x64x128xf32, #tpu.memory_space<vmem>>, vector<1x1x16xf32>,
        %parallel_loop3A_1411 = arith.constant 3 : i32
        %parallel_loop3A_1412 = arith.index_cast %parallel_loop3A_1411 : i32 to index
        %parallel_loop3A_1413 = arith.index_cast %parallel_loop3A_1389 : i32 to index
        %parallel_loop3A_1414 = arith.constant 48 : index
        %parallel_loop3A_1415 = tpu.vector_load %arg8[%parallel_loop3A_1412, %parallel_loop3A_1413, %parallel_loop3A_1414] {strides = array<i32>} : memref<8x64x128xf32, #tpu.memory_space<vmem>>, vector<1x1x16xf32>,
        %parallel_loop3A_1416 = vector.shape_cast %parallel_loop3A_1415 : vector<1x1x16xf32> to vector<16xf32>
        %parallel_loop3A_1417 = vector.shape_cast %get3A_1331 : vector<16xf32> to vector<1x1x16xf32>
        tpu.vector_store %arg8[%parallel_loop3A_1412, %parallel_loop3A_1413, %parallel_loop3A_1414], %parallel_loop3A_1417 {add = true, strides = array<i32>} : memref<8x64x128xf32, #tpu.memory_space<vmem>>, vector<1x1x16xf32>,
        %parallel_loop3A_1418 = arith.constant 3 : i32
        %parallel_loop3A_1419 = arith.index_cast %parallel_loop3A_1418 : i32 to index
        %parallel_loop3A_1420 = arith.index_cast %parallel_loop3A_1389 : i32 to index
        %parallel_loop3A_1421 = arith.constant 64 : index
        %parallel_loop3A_1422 = tpu.vector_load %arg8[%parallel_loop3A_1419, %parallel_loop3A_1420, %parallel_loop3A_1421] {strides = array<i32>} : memref<8x64x128xf32, #tpu.memory_space<vmem>>, vector<1x1x16xf32>,
        %parallel_loop3A_1423 = vector.shape_cast %parallel_loop3A_1422 : vector<1x1x16xf32> to vector<16xf32>
        %parallel_loop3A_1424 = vector.shape_cast %get3A_1335 : vector<16xf32> to vector<1x1x16xf32>
        tpu.vector_store %arg8[%parallel_loop3A_1419, %parallel_loop3A_1420, %parallel_loop3A_1421], %parallel_loop3A_1424 {add = true, strides = array<i32>} : memref<8x64x128xf32, #tpu.memory_space<vmem>>, vector<1x1x16xf32>,
        %parallel_loop3A_1425 = arith.constant 3 : i32
        %parallel_loop3A_1426 = arith.index_cast %parallel_loop3A_1425 : i32 to index
        %parallel_loop3A_1427 = arith.index_cast %parallel_loop3A_1389 : i32 to index
        %parallel_loop3A_1428 = arith.constant 80 : index
        %parallel_loop3A_1429 = tpu.vector_load %arg8[%parallel_loop3A_1426, %parallel_loop3A_1427, %parallel_loop3A_1428] {strides = array<i32>} : memref<8x64x128xf32, #tpu.memory_space<vmem>>, vector<1x1x16xf32>,
        %parallel_loop3A_1430 = vector.shape_cast %parallel_loop3A_1429 : vector<1x1x16xf32> to vector<16xf32>
        %parallel_loop3A_1431 = vector.shape_cast %get3A_1339 : vector<16xf32> to vector<1x1x16xf32>
        tpu.vector_store %arg8[%parallel_loop3A_1426, %parallel_loop3A_1427, %parallel_loop3A_1428], %parallel_loop3A_1431 {add = true, strides = array<i32>} : memref<8x64x128xf32, #tpu.memory_space<vmem>>, vector<1x1x16xf32>,
        %parallel_loop3A_1432 = arith.constant 3 : i32
        %parallel_loop3A_1433 = arith.index_cast %parallel_loop3A_1432 : i32 to index
        %parallel_loop3A_1434 = arith.index_cast %parallel_loop3A_1389 : i32 to index
        %parallel_loop3A_1435 = arith.constant 96 : index
        %parallel_loop3A_1436 = tpu.vector_load %arg8[%parallel_loop3A_1433, %parallel_loop3A_1434, %parallel_loop3A_1435] {strides = array<i32>} : memref<8x64x128xf32, #tpu.memory_space<vmem>>, vector<1x1x16xf32>,
        %parallel_loop3A_1437 = vector.shape_cast %parallel_loop3A_1436 : vector<1x1x16xf32> to vector<16xf32>
        %parallel_loop3A_1438 = vector.shape_cast %get3A_1343 : vector<16xf32> to vector<1x1x16xf32>
        tpu.vector_store %arg8[%parallel_loop3A_1433, %parallel_loop3A_1434, %parallel_loop3A_1435], %parallel_loop3A_1438 {add = true, strides = array<i32>} : memref<8x64x128xf32, #tpu.memory_space<vmem>>, vector<1x1x16xf32>,
        %parallel_loop3A_1439 = arith.constant 3 : i32
        %parallel_loop3A_1440 = arith.index_cast %parallel_loop3A_1439 : i32 to index
        %parallel_loop3A_1441 = arith.index_cast %parallel_loop3A_1389 : i32 to index
        %parallel_loop3A_1442 = arith.constant 112 : index
        %parallel_loop3A_1443 = tpu.vector_load %arg8[%parallel_loop3A_1440, %parallel_loop3A_1441, %parallel_loop3A_1442] {strides = array<i32>} : memref<8x64x128xf32, #tpu.memory_space<vmem>>, vector<1x1x16xf32>,
        %parallel_loop3A_1444 = vector.shape_cast %parallel_loop3A_1443 : vector<1x1x16xf32> to vector<16xf32>
        %parallel_loop3A_1445 = vector.shape_cast %get3A_1347 : vector<16xf32> to vector<1x1x16xf32>
        tpu.vector_store %arg8[%parallel_loop3A_1440, %parallel_loop3A_1441, %parallel_loop3A_1442], %parallel_loop3A_1445 {add = true, strides = array<i32>} : memref<8x64x128xf32, #tpu.memory_space<vmem>>, vector<1x1x16xf32>,
      } {sc.loop_unroll_factor = 4 : i64, sc.parallel_access}
      %dma_start3A_1374 = arith.constant 3 : i32
      %dma_start3A_1375 = arith.constant 3 : i32
      %dma_start3A_1376 = arith.constant 3 : i32
      %dma_start3A_1377 = arith.constant 0 : i32
      %dma_start3A_1378 = arith.constant 0 : i32
      %dma_start3A_1379 = tpu.memref_slice %arg8[%dma_start3A_1374, %dma_start3A_1377, %dma_start3A_1378] : memref<8x64x128xf32, #tpu.memory_space<vmem>> -> memref<1x64x128xf32, #tpu.memory_space<vmem>>
      %dma_start3A_1380 = tpu.memref_squeeze %dma_start3A_1379 : memref<1x64x128xf32, #tpu.memory_space<vmem>> -> memref<64x128xf32, #tpu.memory_space<vmem>>
      %dma_start3A_1381 = arith.constant 0 : i32
      %dma_start3A_1382 = tpu.memref_slice %arg9[%dma_start3A_1375, %dma_start3A_1381] : memref<8x64xi32, #tpu.memory_space<vmem>> -> memref<1x64xi32, #tpu.memory_space<vmem>>
      %dma_start3A_1383 = tpu.memref_squeeze %dma_start3A_1382 : memref<1x64xi32, #tpu.memory_space<vmem>> -> memref<64xi32, #tpu.memory_space<vmem>>
      %dma_start3A_1384 = arith.constant 0 : i32
      %dma_start3A_1385 = arith.constant 0 : i32
      %dma_start3A_1386 = tpu.memref_slice %arg5[%dma_start3A_1384, %dma_start3A_1385] : memref<524288x128xf32, #tpu.memory_space<hbm>> -> memref<524288x128xf32, #tpu.memory_space<hbm>>
      %dma_start3A_1387 = tpu.memref_slice %arg11[%dma_start3A_1376] : memref<8x!tpu.dma_semaphore, #tpu.memory_space<semaphore_mem>> -> memref<1x!tpu.dma_semaphore, #tpu.memory_space<semaphore_mem>>
      %dma_start3A_1388 = tpu.memref_squeeze %dma_start3A_1387 : memref<1x!tpu.dma_semaphore, #tpu.memory_space<semaphore_mem>> -> memref<!tpu.dma_semaphore, #tpu.memory_space<semaphore_mem>>
      tpu.enqueue_indirect_dma source(%dma_start3A_1380 : memref<64x128xf32, #tpu.memory_space<vmem>>) target(%dma_start3A_1386 : memref<524288x128xf32, #tpu.memory_space<hbm>>) offsets(%dma_start3A_1383 : memref<64xi32, #tpu.memory_space<vmem>>) semaphore(%dma_start3A_1388 : memref<!tpu.dma_semaphore, #tpu.memory_space<semaphore_mem>>)
    }
    %scan3A_7 = arith.constant 32 : i32
    %add3A_8 = arith.constant 15 : i32
    %add3A_9 = arith.addi %mul3A_2, %add3A_8 : i32
    %iota3A = tpu.iota {dimensions = array<i32: 0>} : vector<16xi32>
    %mul3A_10 = arith.constant 512 : i32
    %mul3A_11 = vector.broadcast %mul3A_10 : i32 to vector<16xi32>
    %mul3A_12 = arith.muli %iota3A, %mul3A_11 : vector<16xi32>
    %add3A_13 = arith.constant 393216 : i32
    %add3A_14 = vector.broadcast %add3A_13 : i32 to vector<16xi32>
    %add3A_15 = arith.addi %mul3A_12, %add3A_14 : vector<16xi32>
    %add3A_16 = vector.broadcast %add3A_9 : i32 to vector<16xi32>
    %add3A_17 = arith.addi %add3A_15, %add3A_16 : vector<16xi32>
    %swap3A = arith.constant 4 : i32
    %swap3A_18 = arith.index_cast %swap3A : i32 to index
    %swap3A_19 = arith.constant 0 : index
    %swap3A_20 = tpu.vector_load %arg9[%swap3A_18, %swap3A_19] {strides = array<i32>} : memref<8x64xi32, #tpu.memory_space<vmem>>, vector<1x16xi32>,
    %swap3A_21 = vector.shape_cast %swap3A_20 : vector<1x16xi32> to vector<16xi32>
    %swap3A_22 = vector.shape_cast %add3A_17 : vector<16xi32> to vector<1x16xi32>
    tpu.vector_store %arg9[%swap3A_18, %swap3A_19], %swap3A_22 {strides = array<i32>} : memref<8x64xi32, #tpu.memory_space<vmem>>, vector<1x16xi32>,
    %mul3A_23 = arith.constant 512 : i32
    %mul3A_24 = vector.broadcast %mul3A_23 : i32 to vector<16xi32>
    %mul3A_25 = arith.muli %iota3A, %mul3A_24 : vector<16xi32>
    %add3A_26 = arith.constant 401408 : i32
    %add3A_27 = vector.broadcast %add3A_26 : i32 to vector<16xi32>
    %add3A_28 = arith.addi %mul3A_25, %add3A_27 : vector<16xi32>
    %add3A_29 = vector.broadcast %add3A_9 : i32 to vector<16xi32>
    %add3A_30 = arith.addi %add3A_28, %add3A_29 : vector<16xi32>
    %swap3A_31 = arith.constant 4 : i32
    %swap3A_32 = arith.index_cast %swap3A_31 : i32 to index
    %swap3A_33 = arith.constant 16 : index
    %swap3A_34 = tpu.vector_load %arg9[%swap3A_32, %swap3A_33] {strides = array<i32>} : memref<8x64xi32, #tpu.memory_space<vmem>>, vector<1x16xi32>,
    %swap3A_35 = vector.shape_cast %swap3A_34 : vector<1x16xi32> to vector<16xi32>
    %swap3A_36 = vector.shape_cast %add3A_30 : vector<16xi32> to vector<1x16xi32>
    tpu.vector_store %arg9[%swap3A_32, %swap3A_33], %swap3A_36 {strides = array<i32>} : memref<8x64xi32, #tpu.memory_space<vmem>>, vector<1x16xi32>,
    %mul3A_37 = arith.constant 512 : i32
    %mul3A_38 = vector.broadcast %mul3A_37 : i32 to vector<16xi32>
    %mul3A_39 = arith.muli %iota3A, %mul3A_38 : vector<16xi32>
    %add3A_40 = arith.constant 409600 : i32
    %add3A_41 = vector.broadcast %add3A_40 : i32 to vector<16xi32>
    %add3A_42 = arith.addi %mul3A_39, %add3A_41 : vector<16xi32>
    %add3A_43 = vector.broadcast %add3A_9 : i32 to vector<16xi32>
    %add3A_44 = arith.addi %add3A_42, %add3A_43 : vector<16xi32>
    %swap3A_45 = arith.constant 4 : i32
    %swap3A_46 = arith.index_cast %swap3A_45 : i32 to index
    %swap3A_47 = arith.constant 32 : index
    %swap3A_48 = tpu.vector_load %arg9[%swap3A_46, %swap3A_47] {strides = array<i32>} : memref<8x64xi32, #tpu.memory_space<vmem>>, vector<1x16xi32>,
    %swap3A_49 = vector.shape_cast %swap3A_48 : vector<1x16xi32> to vector<16xi32>
    %swap3A_50 = vector.shape_cast %add3A_44 : vector<16xi32> to vector<1x16xi32>
    tpu.vector_store %arg9[%swap3A_46, %swap3A_47], %swap3A_50 {strides = array<i32>} : memref<8x64xi32, #tpu.memory_space<vmem>>, vector<1x16xi32>,
    %mul3A_51 = arith.constant 512 : i32
    %mul3A_52 = vector.broadcast %mul3A_51 : i32 to vector<16xi32>
    %mul3A_53 = arith.muli %iota3A, %mul3A_52 : vector<16xi32>
    %add3A_54 = arith.constant 417792 : i32
    %add3A_55 = vector.broadcast %add3A_54 : i32 to vector<16xi32>
    %add3A_56 = arith.addi %mul3A_53, %add3A_55 : vector<16xi32>
    %add3A_57 = vector.broadcast %add3A_9 : i32 to vector<16xi32>
    %add3A_58 = arith.addi %add3A_56, %add3A_57 : vector<16xi32>
    %swap3A_59 = arith.constant 4 : i32
    %swap3A_60 = arith.index_cast %swap3A_59 : i32 to index
    %swap3A_61 = arith.constant 48 : index
    %swap3A_62 = tpu.vector_load %arg9[%swap3A_60, %swap3A_61] {strides = array<i32>} : memref<8x64xi32, #tpu.memory_space<vmem>>, vector<1x16xi32>,
    %swap3A_63 = vector.shape_cast %swap3A_62 : vector<1x16xi32> to vector<16xi32>
    %swap3A_64 = vector.shape_cast %add3A_58 : vector<16xi32> to vector<1x16xi32>
    tpu.vector_store %arg9[%swap3A_60, %swap3A_61], %swap3A_64 {strides = array<i32>} : memref<8x64xi32, #tpu.memory_space<vmem>>, vector<1x16xi32>,
    %get3A = arith.constant 15 : i32
    %get3A_65 = arith.index_cast %get3A : i32 to index
    %get3A_66 = arith.constant 0 : index
    %get3A_67 = tpu.vector_load %arg7[%get3A_65, %get3A_66] {strides = array<i32>} : memref<16x128xf32, #tpu.memory_space<vmem>>, vector<1x16xf32>,
    %get3A_68 = vector.shape_cast %get3A_67 : vector<1x16xf32> to vector<16xf32>
    %get3A_69 = arith.constant 15 : i32
    %get3A_70 = arith.index_cast %get3A_69 : i32 to index
    %get3A_71 = arith.constant 16 : index
    %get3A_72 = tpu.vector_load %arg7[%get3A_70, %get3A_71] {strides = array<i32>} : memref<16x128xf32, #tpu.memory_space<vmem>>, vector<1x16xf32>,
    %get3A_73 = vector.shape_cast %get3A_72 : vector<1x16xf32> to vector<16xf32>
    %get3A_74 = arith.constant 15 : i32
    %get3A_75 = arith.index_cast %get3A_74 : i32 to index
    %get3A_76 = arith.constant 32 : index
    %get3A_77 = tpu.vector_load %arg7[%get3A_75, %get3A_76] {strides = array<i32>} : memref<16x128xf32, #tpu.memory_space<vmem>>, vector<1x16xf32>,
    %get3A_78 = vector.shape_cast %get3A_77 : vector<1x16xf32> to vector<16xf32>
    %get3A_79 = arith.constant 15 : i32
    %get3A_80 = arith.index_cast %get3A_79 : i32 to index
    %get3A_81 = arith.constant 48 : index
    %get3A_82 = tpu.vector_load %arg7[%get3A_80, %get3A_81] {strides = array<i32>} : memref<16x128xf32, #tpu.memory_space<vmem>>, vector<1x16xf32>,
    %get3A_83 = vector.shape_cast %get3A_82 : vector<1x16xf32> to vector<16xf32>
    %get3A_84 = arith.constant 15 : i32
    %get3A_85 = arith.index_cast %get3A_84 : i32 to index
    %get3A_86 = arith.constant 64 : index
    %get3A_87 = tpu.vector_load %arg7[%get3A_85, %get3A_86] {strides = array<i32>} : memref<16x128xf32, #tpu.memory_space<vmem>>, vector<1x16xf32>,
    %get3A_88 = vector.shape_cast %get3A_87 : vector<1x16xf32> to vector<16xf32>
    %get3A_89 = arith.constant 15 : i32
    %get3A_90 = arith.index_cast %get3A_89 : i32 to index
    %get3A_91 = arith.constant 80 : index
    %get3A_92 = tpu.vector_load %arg7[%get3A_90, %get3A_91] {strides = array<i32>} : memref<16x128xf32, #tpu.memory_space<vmem>>, vector<1x16xf32>,
    %get3A_93 = vector.shape_cast %get3A_92 : vector<1x16xf32> to vector<16xf32>
    %get3A_94 = arith.constant 15 : i32
    %get3A_95 = arith.index_cast %get3A_94 : i32 to index
    %get3A_96 = arith.constant 96 : index
    %get3A_97 = tpu.vector_load %arg7[%get3A_95, %get3A_96] {strides = array<i32>} : memref<16x128xf32, #tpu.memory_space<vmem>>, vector<1x16xf32>,
    %get3A_98 = vector.shape_cast %get3A_97 : vector<1x16xf32> to vector<16xf32>
    %get3A_99 = arith.constant 15 : i32
    %get3A_100 = arith.index_cast %get3A_99 : i32 to index
    %get3A_101 = arith.constant 112 : index
    %get3A_102 = tpu.vector_load %arg7[%get3A_100, %get3A_101] {strides = array<i32>} : memref<16x128xf32, #tpu.memory_space<vmem>>, vector<1x16xf32>,
    %get3A_103 = vector.shape_cast %get3A_102 : vector<1x16xf32> to vector<16xf32>
    %dma_wait3A = arith.constant 15 : i32
    %dma_wait3A_104 = arith.constant 4 : i32
    %dma_wait3A_105 = arith.constant 4 : i32
    %dma_wait3A_106 = arith.constant 0 : i32
    %dma_wait3A_107 = arith.constant 0 : i32
    %dma_wait3A_108 = tpu.memref_slice %arg8[%dma_wait3A_104, %dma_wait3A_106, %dma_wait3A_107] : memref<8x64x128xf32, #tpu.memory_space<vmem>> -> memref<1x64x128xf32, #tpu.memory_space<vmem>>
    %dma_wait3A_109 = tpu.memref_squeeze %dma_wait3A_108 : memref<1x64x128xf32, #tpu.memory_space<vmem>> -> memref<64x128xf32, #tpu.memory_space<vmem>>
    %dma_wait3A_110 = arith.constant 768 : i32
    %dma_wait3A_111 = tpu.memref_slice %arg6[%dma_wait3A, %dma_wait3A_110] : memref<16x1024xi32, #tpu.memory_space<vmem>> -> memref<1x64xi32, #tpu.memory_space<vmem>>
    %dma_wait3A_112 = tpu.memref_squeeze %dma_wait3A_111 : memref<1x64xi32, #tpu.memory_space<vmem>> -> memref<64xi32, #tpu.memory_space<vmem>>
    %dma_wait3A_113 = arith.constant 0 : i32
    %dma_wait3A_114 = arith.constant 0 : i32
    %dma_wait3A_115 = tpu.memref_slice %arg3[%dma_wait3A_113, %dma_wait3A_114] : memref<100000x128xf32, #tpu.memory_space<hbm>> -> memref<100000x128xf32, #tpu.memory_space<hbm>>
    %dma_wait3A_116 = tpu.memref_slice %arg10[%dma_wait3A_105] : memref<8x!tpu.dma_semaphore, #tpu.memory_space<semaphore_mem>> -> memref<1x!tpu.dma_semaphore, #tpu.memory_space<semaphore_mem>>
    %dma_wait3A_117 = tpu.memref_squeeze %dma_wait3A_116 : memref<1x!tpu.dma_semaphore, #tpu.memory_space<semaphore_mem>> -> memref<!tpu.dma_semaphore, #tpu.memory_space<semaphore_mem>>
    tpu.wait_indirect_dma semaphore(%dma_wait3A_117 : memref<!tpu.dma_semaphore, #tpu.memory_space<semaphore_mem>>) src(%dma_wait3A_115 : memref<100000x128xf32, #tpu.memory_space<hbm>>) dst(%dma_wait3A_109 : memref<64x128xf32, #tpu.memory_space<vmem>>)
    %parallel_loop3A = arith.constant 0 : i32
    %parallel_loop3A_118 = arith.constant 64 : i32
    %parallel_loop3A_119 = arith.constant 1 : i32
    scf.for %parallel_loop3A_650 = %parallel_loop3A to %parallel_loop3A_118 step %parallel_loop3A_119  : i32 {
      %parallel_loop3A_651 = arith.constant 4 : i32
      %parallel_loop3A_652 = arith.index_cast %parallel_loop3A_651 : i32 to index
      %parallel_loop3A_653 = arith.index_cast %parallel_loop3A_650 : i32 to index
      %parallel_loop3A_654 = arith.constant 0 : index
      %parallel_loop3A_655 = tpu.vector_load %arg8[%parallel_loop3A_652, %parallel_loop3A_653, %parallel_loop3A_654] {strides = array<i32>} : memref<8x64x128xf32, #tpu.memory_space<vmem>>, vector<1x1x16xf32>,
      %parallel_loop3A_656 = vector.shape_cast %parallel_loop3A_655 : vector<1x1x16xf32> to vector<16xf32>
      %parallel_loop3A_657 = vector.shape_cast %get3A_68 : vector<16xf32> to vector<1x1x16xf32>
      tpu.vector_store %arg8[%parallel_loop3A_652, %parallel_loop3A_653, %parallel_loop3A_654], %parallel_loop3A_657 {add = true, strides = array<i32>} : memref<8x64x128xf32, #tpu.memory_space<vmem>>, vector<1x1x16xf32>,
      %parallel_loop3A_658 = arith.constant 4 : i32
      %parallel_loop3A_659 = arith.index_cast %parallel_loop3A_658 : i32 to index
      %parallel_loop3A_660 = arith.index_cast %parallel_loop3A_650 : i32 to index
      %parallel_loop3A_661 = arith.constant 16 : index
      %parallel_loop3A_662 = tpu.vector_load %arg8[%parallel_loop3A_659, %parallel_loop3A_660, %parallel_loop3A_661] {strides = array<i32>} : memref<8x64x128xf32, #tpu.memory_space<vmem>>, vector<1x1x16xf32>,
      %parallel_loop3A_663 = vector.shape_cast %parallel_loop3A_662 : vector<1x1x16xf32> to vector<16xf32>
      %parallel_loop3A_664 = vector.shape_cast %get3A_73 : vector<16xf32> to vector<1x1x16xf32>
      tpu.vector_store %arg8[%parallel_loop3A_659, %parallel_loop3A_660, %parallel_loop3A_661], %parallel_loop3A_664 {add = true, strides = array<i32>} : memref<8x64x128xf32, #tpu.memory_space<vmem>>, vector<1x1x16xf32>,
      %parallel_loop3A_665 = arith.constant 4 : i32
      %parallel_loop3A_666 = arith.index_cast %parallel_loop3A_665 : i32 to index
      %parallel_loop3A_667 = arith.index_cast %parallel_loop3A_650 : i32 to index
      %parallel_loop3A_668 = arith.constant 32 : index
      %parallel_loop3A_669 = tpu.vector_load %arg8[%parallel_loop3A_666, %parallel_loop3A_667, %parallel_loop3A_668] {strides = array<i32>} : memref<8x64x128xf32, #tpu.memory_space<vmem>>, vector<1x1x16xf32>,
      %parallel_loop3A_670 = vector.shape_cast %parallel_loop3A_669 : vector<1x1x16xf32> to vector<16xf32>
      %parallel_loop3A_671 = vector.shape_cast %get3A_78 : vector<16xf32> to vector<1x1x16xf32>
      tpu.vector_store %arg8[%parallel_loop3A_666, %parallel_loop3A_667, %parallel_loop3A_668], %parallel_loop3A_671 {add = true, strides = array<i32>} : memref<8x64x128xf32, #tpu.memory_space<vmem>>, vector<1x1x16xf32>,
      %parallel_loop3A_672 = arith.constant 4 : i32
      %parallel_loop3A_673 = arith.index_cast %parallel_loop3A_672 : i32 to index
      %parallel_loop3A_674 = arith.index_cast %parallel_loop3A_650 : i32 to index
      %parallel_loop3A_675 = arith.constant 48 : index
      %parallel_loop3A_676 = tpu.vector_load %arg8[%parallel_loop3A_673, %parallel_loop3A_674, %parallel_loop3A_675] {strides = array<i32>} : memref<8x64x128xf32, #tpu.memory_space<vmem>>, vector<1x1x16xf32>,
      %parallel_loop3A_677 = vector.shape_cast %parallel_loop3A_676 : vector<1x1x16xf32> to vector<16xf32>
      %parallel_loop3A_678 = vector.shape_cast %get3A_83 : vector<16xf32> to vector<1x1x16xf32>
      tpu.vector_store %arg8[%parallel_loop3A_673, %parallel_loop3A_674, %parallel_loop3A_675], %parallel_loop3A_678 {add = true, strides = array<i32>} : memref<8x64x128xf32, #tpu.memory_space<vmem>>, vector<1x1x16xf32>,
      %parallel_loop3A_679 = arith.constant 4 : i32
      %parallel_loop3A_680 = arith.index_cast %parallel_loop3A_679 : i32 to index
      %parallel_loop3A_681 = arith.index_cast %parallel_loop3A_650 : i32 to index
      %parallel_loop3A_682 = arith.constant 64 : index
      %parallel_loop3A_683 = tpu.vector_load %arg8[%parallel_loop3A_680, %parallel_loop3A_681, %parallel_loop3A_682] {strides = array<i32>} : memref<8x64x128xf32, #tpu.memory_space<vmem>>, vector<1x1x16xf32>,
      %parallel_loop3A_684 = vector.shape_cast %parallel_loop3A_683 : vector<1x1x16xf32> to vector<16xf32>
      %parallel_loop3A_685 = vector.shape_cast %get3A_88 : vector<16xf32> to vector<1x1x16xf32>
      tpu.vector_store %arg8[%parallel_loop3A_680, %parallel_loop3A_681, %parallel_loop3A_682], %parallel_loop3A_685 {add = true, strides = array<i32>} : memref<8x64x128xf32, #tpu.memory_space<vmem>>, vector<1x1x16xf32>,
      %parallel_loop3A_686 = arith.constant 4 : i32
      %parallel_loop3A_687 = arith.index_cast %parallel_loop3A_686 : i32 to index
      %parallel_loop3A_688 = arith.index_cast %parallel_loop3A_650 : i32 to index
      %parallel_loop3A_689 = arith.constant 80 : index
      %parallel_loop3A_690 = tpu.vector_load %arg8[%parallel_loop3A_687, %parallel_loop3A_688, %parallel_loop3A_689] {strides = array<i32>} : memref<8x64x128xf32, #tpu.memory_space<vmem>>, vector<1x1x16xf32>,
      %parallel_loop3A_691 = vector.shape_cast %parallel_loop3A_690 : vector<1x1x16xf32> to vector<16xf32>
      %parallel_loop3A_692 = vector.shape_cast %get3A_93 : vector<16xf32> to vector<1x1x16xf32>
      tpu.vector_store %arg8[%parallel_loop3A_687, %parallel_loop3A_688, %parallel_loop3A_689], %parallel_loop3A_692 {add = true, strides = array<i32>} : memref<8x64x128xf32, #tpu.memory_space<vmem>>, vector<1x1x16xf32>,
      %parallel_loop3A_693 = arith.constant 4 : i32
      %parallel_loop3A_694 = arith.index_cast %parallel_loop3A_693 : i32 to index
      %parallel_loop3A_695 = arith.index_cast %parallel_loop3A_650 : i32 to index
      %parallel_loop3A_696 = arith.constant 96 : index
      %parallel_loop3A_697 = tpu.vector_load %arg8[%parallel_loop3A_694, %parallel_loop3A_695, %parallel_loop3A_696] {strides = array<i32>} : memref<8x64x128xf32, #tpu.memory_space<vmem>>, vector<1x1x16xf32>,
      %parallel_loop3A_698 = vector.shape_cast %parallel_loop3A_697 : vector<1x1x16xf32> to vector<16xf32>
      %parallel_loop3A_699 = vector.shape_cast %get3A_98 : vector<16xf32> to vector<1x1x16xf32>
      tpu.vector_store %arg8[%parallel_loop3A_694, %parallel_loop3A_695, %parallel_loop3A_696], %parallel_loop3A_699 {add = true, strides = array<i32>} : memref<8x64x128xf32, #tpu.memory_space<vmem>>, vector<1x1x16xf32>,
      %parallel_loop3A_700 = arith.constant 4 : i32
      %parallel_loop3A_701 = arith.index_cast %parallel_loop3A_700 : i32 to index
      %parallel_loop3A_702 = arith.index_cast %parallel_loop3A_650 : i32 to index
      %parallel_loop3A_703 = arith.constant 112 : index
      %parallel_loop3A_704 = tpu.vector_load %arg8[%parallel_loop3A_701, %parallel_loop3A_702, %parallel_loop3A_703] {strides = array<i32>} : memref<8x64x128xf32, #tpu.memory_space<vmem>>, vector<1x1x16xf32>,
      %parallel_loop3A_705 = vector.shape_cast %parallel_loop3A_704 : vector<1x1x16xf32> to vector<16xf32>
      %parallel_loop3A_706 = vector.shape_cast %get3A_103 : vector<16xf32> to vector<1x1x16xf32>
      tpu.vector_store %arg8[%parallel_loop3A_701, %parallel_loop3A_702, %parallel_loop3A_703], %parallel_loop3A_706 {add = true, strides = array<i32>} : memref<8x64x128xf32, #tpu.memory_space<vmem>>, vector<1x1x16xf32>,
    } {sc.loop_unroll_factor = 4 : i64, sc.parallel_access}
    %dma_start3A = arith.constant 4 : i32
    %dma_start3A_120 = arith.constant 4 : i32
    %dma_start3A_121 = arith.constant 4 : i32
    %dma_start3A_122 = arith.constant 0 : i32
    %dma_start3A_123 = arith.constant 0 : i32
    %dma_start3A_124 = tpu.memref_slice %arg8[%dma_start3A, %dma_start3A_122, %dma_start3A_123] : memref<8x64x128xf32, #tpu.memory_space<vmem>> -> memref<1x64x128xf32, #tpu.memory_space<vmem>>
    %dma_start3A_125 = tpu.memref_squeeze %dma_start3A_124 : memref<1x64x128xf32, #tpu.memory_space<vmem>> -> memref<64x128xf32, #tpu.memory_space<vmem>>
    %dma_start3A_126 = arith.constant 0 : i32
    %dma_start3A_127 = tpu.memref_slice %arg9[%dma_start3A_120, %dma_start3A_126] : memref<8x64xi32, #tpu.memory_space<vmem>> -> memref<1x64xi32, #tpu.memory_space<vmem>>
    %dma_start3A_128 = tpu.memref_squeeze %dma_start3A_127 : memref<1x64xi32, #tpu.memory_space<vmem>> -> memref<64xi32, #tpu.memory_space<vmem>>
    %dma_start3A_129 = arith.constant 0 : i32
    %dma_start3A_130 = arith.constant 0 : i32
    %dma_start3A_131 = tpu.memref_slice %arg5[%dma_start3A_129, %dma_start3A_130] : memref<524288x128xf32, #tpu.memory_space<hbm>> -> memref<524288x128xf32, #tpu.memory_space<hbm>>
    %dma_start3A_132 = tpu.memref_slice %arg11[%dma_start3A_121] : memref<8x!tpu.dma_semaphore, #tpu.memory_space<semaphore_mem>> -> memref<1x!tpu.dma_semaphore, #tpu.memory_space<semaphore_mem>>
    %dma_start3A_133 = tpu.memref_squeeze %dma_start3A_132 : memref<1x!tpu.dma_semaphore, #tpu.memory_space<semaphore_mem>> -> memref<!tpu.dma_semaphore, #tpu.memory_space<semaphore_mem>>
    tpu.enqueue_indirect_dma source(%dma_start3A_125 : memref<64x128xf32, #tpu.memory_space<vmem>>) target(%dma_start3A_131 : memref<524288x128xf32, #tpu.memory_space<hbm>>) offsets(%dma_start3A_128 : memref<64xi32, #tpu.memory_space<vmem>>) semaphore(%dma_start3A_133 : memref<!tpu.dma_semaphore, #tpu.memory_space<semaphore_mem>>)
    %add3A_134 = arith.constant 15 : i32
    %add3A_135 = arith.addi %mul3A_2, %add3A_134 : i32
    %iota3A_136 = tpu.iota {dimensions = array<i32: 0>} : vector<16xi32>
    %mul3A_137 = arith.constant 512 : i32
    %mul3A_138 = vector.broadcast %mul3A_137 : i32 to vector<16xi32>
    %mul3A_139 = arith.muli %iota3A_136, %mul3A_138 : vector<16xi32>
    %add3A_140 = arith.constant 425984 : i32
    %add3A_141 = vector.broadcast %add3A_140 : i32 to vector<16xi32>
    %add3A_142 = arith.addi %mul3A_139, %add3A_141 : vector<16xi32>
    %add3A_143 = vector.broadcast %add3A_135 : i32 to vector<16xi32>
    %add3A_144 = arith.addi %add3A_142, %add3A_143 : vector<16xi32>
    %swap3A_145 = arith.constant 5 : i32
    %swap3A_146 = arith.index_cast %swap3A_145 : i32 to index
    %swap3A_147 = arith.constant 0 : index
    %swap3A_148 = tpu.vector_load %arg9[%swap3A_146, %swap3A_147] {strides = array<i32>} : memref<8x64xi32, #tpu.memory_space<vmem>>, vector<1x16xi32>,
    %swap3A_149 = vector.shape_cast %swap3A_148 : vector<1x16xi32> to vector<16xi32>
    %swap3A_150 = vector.shape_cast %add3A_144 : vector<16xi32> to vector<1x16xi32>
    tpu.vector_store %arg9[%swap3A_146, %swap3A_147], %swap3A_150 {strides = array<i32>} : memref<8x64xi32, #tpu.memory_space<vmem>>, vector<1x16xi32>,
    %mul3A_151 = arith.constant 512 : i32
    %mul3A_152 = vector.broadcast %mul3A_151 : i32 to vector<16xi32>
    %mul3A_153 = arith.muli %iota3A_136, %mul3A_152 : vector<16xi32>
    %add3A_154 = arith.constant 434176 : i32
    %add3A_155 = vector.broadcast %add3A_154 : i32 to vector<16xi32>
    %add3A_156 = arith.addi %mul3A_153, %add3A_155 : vector<16xi32>
    %add3A_157 = vector.broadcast %add3A_135 : i32 to vector<16xi32>
    %add3A_158 = arith.addi %add3A_156, %add3A_157 : vector<16xi32>
    %swap3A_159 = arith.constant 5 : i32
    %swap3A_160 = arith.index_cast %swap3A_159 : i32 to index
    %swap3A_161 = arith.constant 16 : index
    %swap3A_162 = tpu.vector_load %arg9[%swap3A_160, %swap3A_161] {strides = array<i32>} : memref<8x64xi32, #tpu.memory_space<vmem>>, vector<1x16xi32>,
    %swap3A_163 = vector.shape_cast %swap3A_162 : vector<1x16xi32> to vector<16xi32>
    %swap3A_164 = vector.shape_cast %add3A_158 : vector<16xi32> to vector<1x16xi32>
    tpu.vector_store %arg9[%swap3A_160, %swap3A_161], %swap3A_164 {strides = array<i32>} : memref<8x64xi32, #tpu.memory_space<vmem>>, vector<1x16xi32>,
    %mul3A_165 = arith.constant 512 : i32
    %mul3A_166 = vector.broadcast %mul3A_165 : i32 to vector<16xi32>
    %mul3A_167 = arith.muli %iota3A_136, %mul3A_166 : vector<16xi32>
    %add3A_168 = arith.constant 442368 : i32
    %add3A_169 = vector.broadcast %add3A_168 : i32 to vector<16xi32>
    %add3A_170 = arith.addi %mul3A_167, %add3A_169 : vector<16xi32>
    %add3A_171 = vector.broadcast %add3A_135 : i32 to vector<16xi32>
    %add3A_172 = arith.addi %add3A_170, %add3A_171 : vector<16xi32>
    %swap3A_173 = arith.constant 5 : i32
    %swap3A_174 = arith.index_cast %swap3A_173 : i32 to index
    %swap3A_175 = arith.constant 32 : index
    %swap3A_176 = tpu.vector_load %arg9[%swap3A_174, %swap3A_175] {strides = array<i32>} : memref<8x64xi32, #tpu.memory_space<vmem>>, vector<1x16xi32>,
    %swap3A_177 = vector.shape_cast %swap3A_176 : vector<1x16xi32> to vector<16xi32>
    %swap3A_178 = vector.shape_cast %add3A_172 : vector<16xi32> to vector<1x16xi32>
    tpu.vector_store %arg9[%swap3A_174, %swap3A_175], %swap3A_178 {strides = array<i32>} : memref<8x64xi32, #tpu.memory_space<vmem>>, vector<1x16xi32>,
    %mul3A_179 = arith.constant 512 : i32
    %mul3A_180 = vector.broadcast %mul3A_179 : i32 to vector<16xi32>
    %mul3A_181 = arith.muli %iota3A_136, %mul3A_180 : vector<16xi32>
    %add3A_182 = arith.constant 450560 : i32
    %add3A_183 = vector.broadcast %add3A_182 : i32 to vector<16xi32>
    %add3A_184 = arith.addi %mul3A_181, %add3A_183 : vector<16xi32>
    %add3A_185 = vector.broadcast %add3A_135 : i32 to vector<16xi32>
    %add3A_186 = arith.addi %add3A_184, %add3A_185 : vector<16xi32>
    %swap3A_187 = arith.constant 5 : i32
    %swap3A_188 = arith.index_cast %swap3A_187 : i32 to index
    %swap3A_189 = arith.constant 48 : index
    %swap3A_190 = tpu.vector_load %arg9[%swap3A_188, %swap3A_189] {strides = array<i32>} : memref<8x64xi32, #tpu.memory_space<vmem>>, vector<1x16xi32>,
    %swap3A_191 = vector.shape_cast %swap3A_190 : vector<1x16xi32> to vector<16xi32>
    %swap3A_192 = vector.shape_cast %add3A_186 : vector<16xi32> to vector<1x16xi32>
    tpu.vector_store %arg9[%swap3A_188, %swap3A_189], %swap3A_192 {strides = array<i32>} : memref<8x64xi32, #tpu.memory_space<vmem>>, vector<1x16xi32>,
    %get3A_193 = arith.constant 15 : i32
    %get3A_194 = arith.index_cast %get3A_193 : i32 to index
    %get3A_195 = arith.constant 0 : index
    %get3A_196 = tpu.vector_load %arg7[%get3A_194, %get3A_195] {strides = array<i32>} : memref<16x128xf32, #tpu.memory_space<vmem>>, vector<1x16xf32>,
    %get3A_197 = vector.shape_cast %get3A_196 : vector<1x16xf32> to vector<16xf32>
    %get3A_198 = arith.constant 15 : i32
    %get3A_199 = arith.index_cast %get3A_198 : i32 to index
    %get3A_200 = arith.constant 16 : index
    %get3A_201 = tpu.vector_load %arg7[%get3A_199, %get3A_200] {strides = array<i32>} : memref<16x128xf32, #tpu.memory_space<vmem>>, vector<1x16xf32>,
    %get3A_202 = vector.shape_cast %get3A_201 : vector<1x16xf32> to vector<16xf32>
    %get3A_203 = arith.constant 15 : i32
    %get3A_204 = arith.index_cast %get3A_203 : i32 to index
    %get3A_205 = arith.constant 32 : index
    %get3A_206 = tpu.vector_load %arg7[%get3A_204, %get3A_205] {strides = array<i32>} : memref<16x128xf32, #tpu.memory_space<vmem>>, vector<1x16xf32>,
    %get3A_207 = vector.shape_cast %get3A_206 : vector<1x16xf32> to vector<16xf32>
    %get3A_208 = arith.constant 15 : i32
    %get3A_209 = arith.index_cast %get3A_208 : i32 to index
    %get3A_210 = arith.constant 48 : index
    %get3A_211 = tpu.vector_load %arg7[%get3A_209, %get3A_210] {strides = array<i32>} : memref<16x128xf32, #tpu.memory_space<vmem>>, vector<1x16xf32>,
    %get3A_212 = vector.shape_cast %get3A_211 : vector<1x16xf32> to vector<16xf32>
    %get3A_213 = arith.constant 15 : i32
    %get3A_214 = arith.index_cast %get3A_213 : i32 to index
    %get3A_215 = arith.constant 64 : index
    %get3A_216 = tpu.vector_load %arg7[%get3A_214, %get3A_215] {strides = array<i32>} : memref<16x128xf32, #tpu.memory_space<vmem>>, vector<1x16xf32>,
    %get3A_217 = vector.shape_cast %get3A_216 : vector<1x16xf32> to vector<16xf32>
    %get3A_218 = arith.constant 15 : i32
    %get3A_219 = arith.index_cast %get3A_218 : i32 to index
    %get3A_220 = arith.constant 80 : index
    %get3A_221 = tpu.vector_load %arg7[%get3A_219, %get3A_220] {strides = array<i32>} : memref<16x128xf32, #tpu.memory_space<vmem>>, vector<1x16xf32>,
    %get3A_222 = vector.shape_cast %get3A_221 : vector<1x16xf32> to vector<16xf32>
    %get3A_223 = arith.constant 15 : i32
    %get3A_224 = arith.index_cast %get3A_223 : i32 to index
    %get3A_225 = arith.constant 96 : index
    %get3A_226 = tpu.vector_load %arg7[%get3A_224, %get3A_225] {strides = array<i32>} : memref<16x128xf32, #tpu.memory_space<vmem>>, vector<1x16xf32>,
    %get3A_227 = vector.shape_cast %get3A_226 : vector<1x16xf32> to vector<16xf32>
    %get3A_228 = arith.constant 15 : i32
    %get3A_229 = arith.index_cast %get3A_228 : i32 to index
    %get3A_230 = arith.constant 112 : index
    %get3A_231 = tpu.vector_load %arg7[%get3A_229, %get3A_230] {strides = array<i32>} : memref<16x128xf32, #tpu.memory_space<vmem>>, vector<1x16xf32>,
    %get3A_232 = vector.shape_cast %get3A_231 : vector<1x16xf32> to vector<16xf32>
    %dma_wait3A_233 = arith.constant 15 : i32
    %dma_wait3A_234 = arith.constant 5 : i32
    %dma_wait3A_235 = arith.constant 5 : i32
    %dma_wait3A_236 = arith.constant 0 : i32
    %dma_wait3A_237 = arith.constant 0 : i32
    %dma_wait3A_238 = tpu.memref_slice %arg8[%dma_wait3A_234, %dma_wait3A_236, %dma_wait3A_237] : memref<8x64x128xf32, #tpu.memory_space<vmem>> -> memref<1x64x128xf32, #tpu.memory_space<vmem>>
    %dma_wait3A_239 = tpu.memref_squeeze %dma_wait3A_238 : memref<1x64x128xf32, #tpu.memory_space<vmem>> -> memref<64x128xf32, #tpu.memory_space<vmem>>
    %dma_wait3A_240 = arith.constant 832 : i32
    %dma_wait3A_241 = tpu.memref_slice %arg6[%dma_wait3A_233, %dma_wait3A_240] : memref<16x1024xi32, #tpu.memory_space<vmem>> -> memref<1x64xi32, #tpu.memory_space<vmem>>
    %dma_wait3A_242 = tpu.memref_squeeze %dma_wait3A_241 : memref<1x64xi32, #tpu.memory_space<vmem>> -> memref<64xi32, #tpu.memory_space<vmem>>
    %dma_wait3A_243 = arith.constant 0 : i32
    %dma_wait3A_244 = arith.constant 0 : i32
    %dma_wait3A_245 = tpu.memref_slice %arg3[%dma_wait3A_243, %dma_wait3A_244] : memref<100000x128xf32, #tpu.memory_space<hbm>> -> memref<100000x128xf32, #tpu.memory_space<hbm>>
    %dma_wait3A_246 = tpu.memref_slice %arg10[%dma_wait3A_235] : memref<8x!tpu.dma_semaphore, #tpu.memory_space<semaphore_mem>> -> memref<1x!tpu.dma_semaphore, #tpu.memory_space<semaphore_mem>>
    %dma_wait3A_247 = tpu.memref_squeeze %dma_wait3A_246 : memref<1x!tpu.dma_semaphore, #tpu.memory_space<semaphore_mem>> -> memref<!tpu.dma_semaphore, #tpu.memory_space<semaphore_mem>>
    tpu.wait_indirect_dma semaphore(%dma_wait3A_247 : memref<!tpu.dma_semaphore, #tpu.memory_space<semaphore_mem>>) src(%dma_wait3A_245 : memref<100000x128xf32, #tpu.memory_space<hbm>>) dst(%dma_wait3A_239 : memref<64x128xf32, #tpu.memory_space<vmem>>)
    %parallel_loop3A_248 = arith.constant 0 : i32
    %parallel_loop3A_249 = arith.constant 64 : i32
    %parallel_loop3A_250 = arith.constant 1 : i32
    scf.for %parallel_loop3A_650 = %parallel_loop3A_248 to %parallel_loop3A_249 step %parallel_loop3A_250  : i32 {
      %parallel_loop3A_651 = arith.constant 5 : i32
      %parallel_loop3A_652 = arith.index_cast %parallel_loop3A_651 : i32 to index
      %parallel_loop3A_653 = arith.index_cast %parallel_loop3A_650 : i32 to index
      %parallel_loop3A_654 = arith.constant 0 : index
      %parallel_loop3A_655 = tpu.vector_load %arg8[%parallel_loop3A_652, %parallel_loop3A_653, %parallel_loop3A_654] {strides = array<i32>} : memref<8x64x128xf32, #tpu.memory_space<vmem>>, vector<1x1x16xf32>,
      %parallel_loop3A_656 = vector.shape_cast %parallel_loop3A_655 : vector<1x1x16xf32> to vector<16xf32>
      %parallel_loop3A_657 = vector.shape_cast %get3A_197 : vector<16xf32> to vector<1x1x16xf32>
      tpu.vector_store %arg8[%parallel_loop3A_652, %parallel_loop3A_653, %parallel_loop3A_654], %parallel_loop3A_657 {add = true, strides = array<i32>} : memref<8x64x128xf32, #tpu.memory_space<vmem>>, vector<1x1x16xf32>,
      %parallel_loop3A_658 = arith.constant 5 : i32
      %parallel_loop3A_659 = arith.index_cast %parallel_loop3A_658 : i32 to index
      %parallel_loop3A_660 = arith.index_cast %parallel_loop3A_650 : i32 to index
      %parallel_loop3A_661 = arith.constant 16 : index
      %parallel_loop3A_662 = tpu.vector_load %arg8[%parallel_loop3A_659, %parallel_loop3A_660, %parallel_loop3A_661] {strides = array<i32>} : memref<8x64x128xf32, #tpu.memory_space<vmem>>, vector<1x1x16xf32>,
      %parallel_loop3A_663 = vector.shape_cast %parallel_loop3A_662 : vector<1x1x16xf32> to vector<16xf32>
      %parallel_loop3A_664 = vector.shape_cast %get3A_202 : vector<16xf32> to vector<1x1x16xf32>
      tpu.vector_store %arg8[%parallel_loop3A_659, %parallel_loop3A_660, %parallel_loop3A_661], %parallel_loop3A_664 {add = true, strides = array<i32>} : memref<8x64x128xf32, #tpu.memory_space<vmem>>, vector<1x1x16xf32>,
      %parallel_loop3A_665 = arith.constant 5 : i32
      %parallel_loop3A_666 = arith.index_cast %parallel_loop3A_665 : i32 to index
      %parallel_loop3A_667 = arith.index_cast %parallel_loop3A_650 : i32 to index
      %parallel_loop3A_668 = arith.constant 32 : index
      %parallel_loop3A_669 = tpu.vector_load %arg8[%parallel_loop3A_666, %parallel_loop3A_667, %parallel_loop3A_668] {strides = array<i32>} : memref<8x64x128xf32, #tpu.memory_space<vmem>>, vector<1x1x16xf32>,
      %parallel_loop3A_670 = vector.shape_cast %parallel_loop3A_669 : vector<1x1x16xf32> to vector<16xf32>
      %parallel_loop3A_671 = vector.shape_cast %get3A_207 : vector<16xf32> to vector<1x1x16xf32>
      tpu.vector_store %arg8[%parallel_loop3A_666, %parallel_loop3A_667, %parallel_loop3A_668], %parallel_loop3A_671 {add = true, strides = array<i32>} : memref<8x64x128xf32, #tpu.memory_space<vmem>>, vector<1x1x16xf32>,
      %parallel_loop3A_672 = arith.constant 5 : i32
      %parallel_loop3A_673 = arith.index_cast %parallel_loop3A_672 : i32 to index
      %parallel_loop3A_674 = arith.index_cast %parallel_loop3A_650 : i32 to index
      %parallel_loop3A_675 = arith.constant 48 : index
      %parallel_loop3A_676 = tpu.vector_load %arg8[%parallel_loop3A_673, %parallel_loop3A_674, %parallel_loop3A_675] {strides = array<i32>} : memref<8x64x128xf32, #tpu.memory_space<vmem>>, vector<1x1x16xf32>,
      %parallel_loop3A_677 = vector.shape_cast %parallel_loop3A_676 : vector<1x1x16xf32> to vector<16xf32>
      %parallel_loop3A_678 = vector.shape_cast %get3A_212 : vector<16xf32> to vector<1x1x16xf32>
      tpu.vector_store %arg8[%parallel_loop3A_673, %parallel_loop3A_674, %parallel_loop3A_675], %parallel_loop3A_678 {add = true, strides = array<i32>} : memref<8x64x128xf32, #tpu.memory_space<vmem>>, vector<1x1x16xf32>,
      %parallel_loop3A_679 = arith.constant 5 : i32
      %parallel_loop3A_680 = arith.index_cast %parallel_loop3A_679 : i32 to index
      %parallel_loop3A_681 = arith.index_cast %parallel_loop3A_650 : i32 to index
      %parallel_loop3A_682 = arith.constant 64 : index
      %parallel_loop3A_683 = tpu.vector_load %arg8[%parallel_loop3A_680, %parallel_loop3A_681, %parallel_loop3A_682] {strides = array<i32>} : memref<8x64x128xf32, #tpu.memory_space<vmem>>, vector<1x1x16xf32>,
      %parallel_loop3A_684 = vector.shape_cast %parallel_loop3A_683 : vector<1x1x16xf32> to vector<16xf32>
      %parallel_loop3A_685 = vector.shape_cast %get3A_217 : vector<16xf32> to vector<1x1x16xf32>
      tpu.vector_store %arg8[%parallel_loop3A_680, %parallel_loop3A_681, %parallel_loop3A_682], %parallel_loop3A_685 {add = true, strides = array<i32>} : memref<8x64x128xf32, #tpu.memory_space<vmem>>, vector<1x1x16xf32>,
      %parallel_loop3A_686 = arith.constant 5 : i32
      %parallel_loop3A_687 = arith.index_cast %parallel_loop3A_686 : i32 to index
      %parallel_loop3A_688 = arith.index_cast %parallel_loop3A_650 : i32 to index
      %parallel_loop3A_689 = arith.constant 80 : index
      %parallel_loop3A_690 = tpu.vector_load %arg8[%parallel_loop3A_687, %parallel_loop3A_688, %parallel_loop3A_689] {strides = array<i32>} : memref<8x64x128xf32, #tpu.memory_space<vmem>>, vector<1x1x16xf32>,
      %parallel_loop3A_691 = vector.shape_cast %parallel_loop3A_690 : vector<1x1x16xf32> to vector<16xf32>
      %parallel_loop3A_692 = vector.shape_cast %get3A_222 : vector<16xf32> to vector<1x1x16xf32>
      tpu.vector_store %arg8[%parallel_loop3A_687, %parallel_loop3A_688, %parallel_loop3A_689], %parallel_loop3A_692 {add = true, strides = array<i32>} : memref<8x64x128xf32, #tpu.memory_space<vmem>>, vector<1x1x16xf32>,
      %parallel_loop3A_693 = arith.constant 5 : i32
      %parallel_loop3A_694 = arith.index_cast %parallel_loop3A_693 : i32 to index
      %parallel_loop3A_695 = arith.index_cast %parallel_loop3A_650 : i32 to index
      %parallel_loop3A_696 = arith.constant 96 : index
      %parallel_loop3A_697 = tpu.vector_load %arg8[%parallel_loop3A_694, %parallel_loop3A_695, %parallel_loop3A_696] {strides = array<i32>} : memref<8x64x128xf32, #tpu.memory_space<vmem>>, vector<1x1x16xf32>,
      %parallel_loop3A_698 = vector.shape_cast %parallel_loop3A_697 : vector<1x1x16xf32> to vector<16xf32>
      %parallel_loop3A_699 = vector.shape_cast %get3A_227 : vector<16xf32> to vector<1x1x16xf32>
      tpu.vector_store %arg8[%parallel_loop3A_694, %parallel_loop3A_695, %parallel_loop3A_696], %parallel_loop3A_699 {add = true, strides = array<i32>} : memref<8x64x128xf32, #tpu.memory_space<vmem>>, vector<1x1x16xf32>,
      %parallel_loop3A_700 = arith.constant 5 : i32
      %parallel_loop3A_701 = arith.index_cast %parallel_loop3A_700 : i32 to index
      %parallel_loop3A_702 = arith.index_cast %parallel_loop3A_650 : i32 to index
      %parallel_loop3A_703 = arith.constant 112 : index
      %parallel_loop3A_704 = tpu.vector_load %arg8[%parallel_loop3A_701, %parallel_loop3A_702, %parallel_loop3A_703] {strides = array<i32>} : memref<8x64x128xf32, #tpu.memory_space<vmem>>, vector<1x1x16xf32>,
      %parallel_loop3A_705 = vector.shape_cast %parallel_loop3A_704 : vector<1x1x16xf32> to vector<16xf32>
      %parallel_loop3A_706 = vector.shape_cast %get3A_232 : vector<16xf32> to vector<1x1x16xf32>
      tpu.vector_store %arg8[%parallel_loop3A_701, %parallel_loop3A_702, %parallel_loop3A_703], %parallel_loop3A_706 {add = true, strides = array<i32>} : memref<8x64x128xf32, #tpu.memory_space<vmem>>, vector<1x1x16xf32>,
    } {sc.loop_unroll_factor = 4 : i64, sc.parallel_access}
    %dma_start3A_251 = arith.constant 5 : i32
    %dma_start3A_252 = arith.constant 5 : i32
    %dma_start3A_253 = arith.constant 5 : i32
    %dma_start3A_254 = arith.constant 0 : i32
    %dma_start3A_255 = arith.constant 0 : i32
    %dma_start3A_256 = tpu.memref_slice %arg8[%dma_start3A_251, %dma_start3A_254, %dma_start3A_255] : memref<8x64x128xf32, #tpu.memory_space<vmem>> -> memref<1x64x128xf32, #tpu.memory_space<vmem>>
    %dma_start3A_257 = tpu.memref_squeeze %dma_start3A_256 : memref<1x64x128xf32, #tpu.memory_space<vmem>> -> memref<64x128xf32, #tpu.memory_space<vmem>>
    %dma_start3A_258 = arith.constant 0 : i32
    %dma_start3A_259 = tpu.memref_slice %arg9[%dma_start3A_252, %dma_start3A_258] : memref<8x64xi32, #tpu.memory_space<vmem>> -> memref<1x64xi32, #tpu.memory_space<vmem>>
    %dma_start3A_260 = tpu.memref_squeeze %dma_start3A_259 : memref<1x64xi32, #tpu.memory_space<vmem>> -> memref<64xi32, #tpu.memory_space<vmem>>
    %dma_start3A_261 = arith.constant 0 : i32
    %dma_start3A_262 = arith.constant 0 : i32
    %dma_start3A_263 = tpu.memref_slice %arg5[%dma_start3A_261, %dma_start3A_262] : memref<524288x128xf32, #tpu.memory_space<hbm>> -> memref<524288x128xf32, #tpu.memory_space<hbm>>
    %dma_start3A_264 = tpu.memref_slice %arg11[%dma_start3A_253] : memref<8x!tpu.dma_semaphore, #tpu.memory_space<semaphore_mem>> -> memref<1x!tpu.dma_semaphore, #tpu.memory_space<semaphore_mem>>
    %dma_start3A_265 = tpu.memref_squeeze %dma_start3A_264 : memref<1x!tpu.dma_semaphore, #tpu.memory_space<semaphore_mem>> -> memref<!tpu.dma_semaphore, #tpu.memory_space<semaphore_mem>>
    tpu.enqueue_indirect_dma source(%dma_start3A_257 : memref<64x128xf32, #tpu.memory_space<vmem>>) target(%dma_start3A_263 : memref<524288x128xf32, #tpu.memory_space<hbm>>) offsets(%dma_start3A_260 : memref<64xi32, #tpu.memory_space<vmem>>) semaphore(%dma_start3A_265 : memref<!tpu.dma_semaphore, #tpu.memory_space<semaphore_mem>>)
    %add3A_266 = arith.constant 15 : i32
    %add3A_267 = arith.addi %mul3A_2, %add3A_266 : i32
    %iota3A_268 = tpu.iota {dimensions = array<i32: 0>} : vector<16xi32>
    %mul3A_269 = arith.constant 512 : i32
    %mul3A_270 = vector.broadcast %mul3A_269 : i32 to vector<16xi32>
    %mul3A_271 = arith.muli %iota3A_268, %mul3A_270 : vector<16xi32>
    %add3A_272 = arith.constant 458752 : i32
    %add3A_273 = vector.broadcast %add3A_272 : i32 to vector<16xi32>
    %add3A_274 = arith.addi %mul3A_271, %add3A_273 : vector<16xi32>
    %add3A_275 = vector.broadcast %add3A_267 : i32 to vector<16xi32>
    %add3A_276 = arith.addi %add3A_274, %add3A_275 : vector<16xi32>
    %swap3A_277 = arith.constant 6 : i32
    %swap3A_278 = arith.index_cast %swap3A_277 : i32 to index
    %swap3A_279 = arith.constant 0 : index
    %swap3A_280 = tpu.vector_load %arg9[%swap3A_278, %swap3A_279] {strides = array<i32>} : memref<8x64xi32, #tpu.memory_space<vmem>>, vector<1x16xi32>,
    %swap3A_281 = vector.shape_cast %swap3A_280 : vector<1x16xi32> to vector<16xi32>
    %swap3A_282 = vector.shape_cast %add3A_276 : vector<16xi32> to vector<1x16xi32>
    tpu.vector_store %arg9[%swap3A_278, %swap3A_279], %swap3A_282 {strides = array<i32>} : memref<8x64xi32, #tpu.memory_space<vmem>>, vector<1x16xi32>,
    %mul3A_283 = arith.constant 512 : i32
    %mul3A_284 = vector.broadcast %mul3A_283 : i32 to vector<16xi32>
    %mul3A_285 = arith.muli %iota3A_268, %mul3A_284 : vector<16xi32>
    %add3A_286 = arith.constant 466944 : i32
    %add3A_287 = vector.broadcast %add3A_286 : i32 to vector<16xi32>
    %add3A_288 = arith.addi %mul3A_285, %add3A_287 : vector<16xi32>
    %add3A_289 = vector.broadcast %add3A_267 : i32 to vector<16xi32>
    %add3A_290 = arith.addi %add3A_288, %add3A_289 : vector<16xi32>
    %swap3A_291 = arith.constant 6 : i32
    %swap3A_292 = arith.index_cast %swap3A_291 : i32 to index
    %swap3A_293 = arith.constant 16 : index
    %swap3A_294 = tpu.vector_load %arg9[%swap3A_292, %swap3A_293] {strides = array<i32>} : memref<8x64xi32, #tpu.memory_space<vmem>>, vector<1x16xi32>,
    %swap3A_295 = vector.shape_cast %swap3A_294 : vector<1x16xi32> to vector<16xi32>
    %swap3A_296 = vector.shape_cast %add3A_290 : vector<16xi32> to vector<1x16xi32>
    tpu.vector_store %arg9[%swap3A_292, %swap3A_293], %swap3A_296 {strides = array<i32>} : memref<8x64xi32, #tpu.memory_space<vmem>>, vector<1x16xi32>,
    %mul3A_297 = arith.constant 512 : i32
    %mul3A_298 = vector.broadcast %mul3A_297 : i32 to vector<16xi32>
    %mul3A_299 = arith.muli %iota3A_268, %mul3A_298 : vector<16xi32>
    %add3A_300 = arith.constant 475136 : i32
    %add3A_301 = vector.broadcast %add3A_300 : i32 to vector<16xi32>
    %add3A_302 = arith.addi %mul3A_299, %add3A_301 : vector<16xi32>
    %add3A_303 = vector.broadcast %add3A_267 : i32 to vector<16xi32>
    %add3A_304 = arith.addi %add3A_302, %add3A_303 : vector<16xi32>
    %swap3A_305 = arith.constant 6 : i32
    %swap3A_306 = arith.index_cast %swap3A_305 : i32 to index
    %swap3A_307 = arith.constant 32 : index
    %swap3A_308 = tpu.vector_load %arg9[%swap3A_306, %swap3A_307] {strides = array<i32>} : memref<8x64xi32, #tpu.memory_space<vmem>>, vector<1x16xi32>,
    %swap3A_309 = vector.shape_cast %swap3A_308 : vector<1x16xi32> to vector<16xi32>
    %swap3A_310 = vector.shape_cast %add3A_304 : vector<16xi32> to vector<1x16xi32>
    tpu.vector_store %arg9[%swap3A_306, %swap3A_307], %swap3A_310 {strides = array<i32>} : memref<8x64xi32, #tpu.memory_space<vmem>>, vector<1x16xi32>,
    %mul3A_311 = arith.constant 512 : i32
    %mul3A_312 = vector.broadcast %mul3A_311 : i32 to vector<16xi32>
    %mul3A_313 = arith.muli %iota3A_268, %mul3A_312 : vector<16xi32>
    %add3A_314 = arith.constant 483328 : i32
    %add3A_315 = vector.broadcast %add3A_314 : i32 to vector<16xi32>
    %add3A_316 = arith.addi %mul3A_313, %add3A_315 : vector<16xi32>
    %add3A_317 = vector.broadcast %add3A_267 : i32 to vector<16xi32>
    %add3A_318 = arith.addi %add3A_316, %add3A_317 : vector<16xi32>
    %swap3A_319 = arith.constant 6 : i32
    %swap3A_320 = arith.index_cast %swap3A_319 : i32 to index
    %swap3A_321 = arith.constant 48 : index
    %swap3A_322 = tpu.vector_load %arg9[%swap3A_320, %swap3A_321] {strides = array<i32>} : memref<8x64xi32, #tpu.memory_space<vmem>>, vector<1x16xi32>,
    %swap3A_323 = vector.shape_cast %swap3A_322 : vector<1x16xi32> to vector<16xi32>
    %swap3A_324 = vector.shape_cast %add3A_318 : vector<16xi32> to vector<1x16xi32>
    tpu.vector_store %arg9[%swap3A_320, %swap3A_321], %swap3A_324 {strides = array<i32>} : memref<8x64xi32, #tpu.memory_space<vmem>>, vector<1x16xi32>,
    %get3A_325 = arith.constant 15 : i32
    %get3A_326 = arith.index_cast %get3A_325 : i32 to index
    %get3A_327 = arith.constant 0 : index
    %get3A_328 = tpu.vector_load %arg7[%get3A_326, %get3A_327] {strides = array<i32>} : memref<16x128xf32, #tpu.memory_space<vmem>>, vector<1x16xf32>,
    %get3A_329 = vector.shape_cast %get3A_328 : vector<1x16xf32> to vector<16xf32>
    %get3A_330 = arith.constant 15 : i32
    %get3A_331 = arith.index_cast %get3A_330 : i32 to index
    %get3A_332 = arith.constant 16 : index
    %get3A_333 = tpu.vector_load %arg7[%get3A_331, %get3A_332] {strides = array<i32>} : memref<16x128xf32, #tpu.memory_space<vmem>>, vector<1x16xf32>,
    %get3A_334 = vector.shape_cast %get3A_333 : vector<1x16xf32> to vector<16xf32>
    %get3A_335 = arith.constant 15 : i32
    %get3A_336 = arith.index_cast %get3A_335 : i32 to index
    %get3A_337 = arith.constant 32 : index
    %get3A_338 = tpu.vector_load %arg7[%get3A_336, %get3A_337] {strides = array<i32>} : memref<16x128xf32, #tpu.memory_space<vmem>>, vector<1x16xf32>,
    %get3A_339 = vector.shape_cast %get3A_338 : vector<1x16xf32> to vector<16xf32>
    %get3A_340 = arith.constant 15 : i32
    %get3A_341 = arith.index_cast %get3A_340 : i32 to index
    %get3A_342 = arith.constant 48 : index
    %get3A_343 = tpu.vector_load %arg7[%get3A_341, %get3A_342] {strides = array<i32>} : memref<16x128xf32, #tpu.memory_space<vmem>>, vector<1x16xf32>,
    %get3A_344 = vector.shape_cast %get3A_343 : vector<1x16xf32> to vector<16xf32>
    %get3A_345 = arith.constant 15 : i32
    %get3A_346 = arith.index_cast %get3A_345 : i32 to index
    %get3A_347 = arith.constant 64 : index
    %get3A_348 = tpu.vector_load %arg7[%get3A_346, %get3A_347] {strides = array<i32>} : memref<16x128xf32, #tpu.memory_space<vmem>>, vector<1x16xf32>,
    %get3A_349 = vector.shape_cast %get3A_348 : vector<1x16xf32> to vector<16xf32>
    %get3A_350 = arith.constant 15 : i32
    %get3A_351 = arith.index_cast %get3A_350 : i32 to index
    %get3A_352 = arith.constant 80 : index
    %get3A_353 = tpu.vector_load %arg7[%get3A_351, %get3A_352] {strides = array<i32>} : memref<16x128xf32, #tpu.memory_space<vmem>>, vector<1x16xf32>,
    %get3A_354 = vector.shape_cast %get3A_353 : vector<1x16xf32> to vector<16xf32>
    %get3A_355 = arith.constant 15 : i32
    %get3A_356 = arith.index_cast %get3A_355 : i32 to index
    %get3A_357 = arith.constant 96 : index
    %get3A_358 = tpu.vector_load %arg7[%get3A_356, %get3A_357] {strides = array<i32>} : memref<16x128xf32, #tpu.memory_space<vmem>>, vector<1x16xf32>,
    %get3A_359 = vector.shape_cast %get3A_358 : vector<1x16xf32> to vector<16xf32>
    %get3A_360 = arith.constant 15 : i32
    %get3A_361 = arith.index_cast %get3A_360 : i32 to index
    %get3A_362 = arith.constant 112 : index
    %get3A_363 = tpu.vector_load %arg7[%get3A_361, %get3A_362] {strides = array<i32>} : memref<16x128xf32, #tpu.memory_space<vmem>>, vector<1x16xf32>,
    %get3A_364 = vector.shape_cast %get3A_363 : vector<1x16xf32> to vector<16xf32>
    %dma_wait3A_365 = arith.constant 15 : i32
    %dma_wait3A_366 = arith.constant 6 : i32
    %dma_wait3A_367 = arith.constant 6 : i32
    %dma_wait3A_368 = arith.constant 0 : i32
    %dma_wait3A_369 = arith.constant 0 : i32
    %dma_wait3A_370 = tpu.memref_slice %arg8[%dma_wait3A_366, %dma_wait3A_368, %dma_wait3A_369] : memref<8x64x128xf32, #tpu.memory_space<vmem>> -> memref<1x64x128xf32, #tpu.memory_space<vmem>>
    %dma_wait3A_371 = tpu.memref_squeeze %dma_wait3A_370 : memref<1x64x128xf32, #tpu.memory_space<vmem>> -> memref<64x128xf32, #tpu.memory_space<vmem>>
    %dma_wait3A_372 = arith.constant 896 : i32
    %dma_wait3A_373 = tpu.memref_slice %arg6[%dma_wait3A_365, %dma_wait3A_372] : memref<16x1024xi32, #tpu.memory_space<vmem>> -> memref<1x64xi32, #tpu.memory_space<vmem>>
    %dma_wait3A_374 = tpu.memref_squeeze %dma_wait3A_373 : memref<1x64xi32, #tpu.memory_space<vmem>> -> memref<64xi32, #tpu.memory_space<vmem>>
    %dma_wait3A_375 = arith.constant 0 : i32
    %dma_wait3A_376 = arith.constant 0 : i32
    %dma_wait3A_377 = tpu.memref_slice %arg3[%dma_wait3A_375, %dma_wait3A_376] : memref<100000x128xf32, #tpu.memory_space<hbm>> -> memref<100000x128xf32, #tpu.memory_space<hbm>>
    %dma_wait3A_378 = tpu.memref_slice %arg10[%dma_wait3A_367] : memref<8x!tpu.dma_semaphore, #tpu.memory_space<semaphore_mem>> -> memref<1x!tpu.dma_semaphore, #tpu.memory_space<semaphore_mem>>
    %dma_wait3A_379 = tpu.memref_squeeze %dma_wait3A_378 : memref<1x!tpu.dma_semaphore, #tpu.memory_space<semaphore_mem>> -> memref<!tpu.dma_semaphore, #tpu.memory_space<semaphore_mem>>
    tpu.wait_indirect_dma semaphore(%dma_wait3A_379 : memref<!tpu.dma_semaphore, #tpu.memory_space<semaphore_mem>>) src(%dma_wait3A_377 : memref<100000x128xf32, #tpu.memory_space<hbm>>) dst(%dma_wait3A_371 : memref<64x128xf32, #tpu.memory_space<vmem>>)
    %parallel_loop3A_380 = arith.constant 0 : i32
    %parallel_loop3A_381 = arith.constant 64 : i32
    %parallel_loop3A_382 = arith.constant 1 : i32
    scf.for %parallel_loop3A_650 = %parallel_loop3A_380 to %parallel_loop3A_381 step %parallel_loop3A_382  : i32 {
      %parallel_loop3A_651 = arith.constant 6 : i32
      %parallel_loop3A_652 = arith.index_cast %parallel_loop3A_651 : i32 to index
      %parallel_loop3A_653 = arith.index_cast %parallel_loop3A_650 : i32 to index
      %parallel_loop3A_654 = arith.constant 0 : index
      %parallel_loop3A_655 = tpu.vector_load %arg8[%parallel_loop3A_652, %parallel_loop3A_653, %parallel_loop3A_654] {strides = array<i32>} : memref<8x64x128xf32, #tpu.memory_space<vmem>>, vector<1x1x16xf32>,
      %parallel_loop3A_656 = vector.shape_cast %parallel_loop3A_655 : vector<1x1x16xf32> to vector<16xf32>
      %parallel_loop3A_657 = vector.shape_cast %get3A_329 : vector<16xf32> to vector<1x1x16xf32>
      tpu.vector_store %arg8[%parallel_loop3A_652, %parallel_loop3A_653, %parallel_loop3A_654], %parallel_loop3A_657 {add = true, strides = array<i32>} : memref<8x64x128xf32, #tpu.memory_space<vmem>>, vector<1x1x16xf32>,
      %parallel_loop3A_658 = arith.constant 6 : i32
      %parallel_loop3A_659 = arith.index_cast %parallel_loop3A_658 : i32 to index
      %parallel_loop3A_660 = arith.index_cast %parallel_loop3A_650 : i32 to index
      %parallel_loop3A_661 = arith.constant 16 : index
      %parallel_loop3A_662 = tpu.vector_load %arg8[%parallel_loop3A_659, %parallel_loop3A_660, %parallel_loop3A_661] {strides = array<i32>} : memref<8x64x128xf32, #tpu.memory_space<vmem>>, vector<1x1x16xf32>,
      %parallel_loop3A_663 = vector.shape_cast %parallel_loop3A_662 : vector<1x1x16xf32> to vector<16xf32>
      %parallel_loop3A_664 = vector.shape_cast %get3A_334 : vector<16xf32> to vector<1x1x16xf32>
      tpu.vector_store %arg8[%parallel_loop3A_659, %parallel_loop3A_660, %parallel_loop3A_661], %parallel_loop3A_664 {add = true, strides = array<i32>} : memref<8x64x128xf32, #tpu.memory_space<vmem>>, vector<1x1x16xf32>,
      %parallel_loop3A_665 = arith.constant 6 : i32
      %parallel_loop3A_666 = arith.index_cast %parallel_loop3A_665 : i32 to index
      %parallel_loop3A_667 = arith.index_cast %parallel_loop3A_650 : i32 to index
      %parallel_loop3A_668 = arith.constant 32 : index
      %parallel_loop3A_669 = tpu.vector_load %arg8[%parallel_loop3A_666, %parallel_loop3A_667, %parallel_loop3A_668] {strides = array<i32>} : memref<8x64x128xf32, #tpu.memory_space<vmem>>, vector<1x1x16xf32>,
      %parallel_loop3A_670 = vector.shape_cast %parallel_loop3A_669 : vector<1x1x16xf32> to vector<16xf32>
      %parallel_loop3A_671 = vector.shape_cast %get3A_339 : vector<16xf32> to vector<1x1x16xf32>
      tpu.vector_store %arg8[%parallel_loop3A_666, %parallel_loop3A_667, %parallel_loop3A_668], %parallel_loop3A_671 {add = true, strides = array<i32>} : memref<8x64x128xf32, #tpu.memory_space<vmem>>, vector<1x1x16xf32>,
      %parallel_loop3A_672 = arith.constant 6 : i32
      %parallel_loop3A_673 = arith.index_cast %parallel_loop3A_672 : i32 to index
      %parallel_loop3A_674 = arith.index_cast %parallel_loop3A_650 : i32 to index
      %parallel_loop3A_675 = arith.constant 48 : index
      %parallel_loop3A_676 = tpu.vector_load %arg8[%parallel_loop3A_673, %parallel_loop3A_674, %parallel_loop3A_675] {strides = array<i32>} : memref<8x64x128xf32, #tpu.memory_space<vmem>>, vector<1x1x16xf32>,
      %parallel_loop3A_677 = vector.shape_cast %parallel_loop3A_676 : vector<1x1x16xf32> to vector<16xf32>
      %parallel_loop3A_678 = vector.shape_cast %get3A_344 : vector<16xf32> to vector<1x1x16xf32>
      tpu.vector_store %arg8[%parallel_loop3A_673, %parallel_loop3A_674, %parallel_loop3A_675], %parallel_loop3A_678 {add = true, strides = array<i32>} : memref<8x64x128xf32, #tpu.memory_space<vmem>>, vector<1x1x16xf32>,
      %parallel_loop3A_679 = arith.constant 6 : i32
      %parallel_loop3A_680 = arith.index_cast %parallel_loop3A_679 : i32 to index
      %parallel_loop3A_681 = arith.index_cast %parallel_loop3A_650 : i32 to index
      %parallel_loop3A_682 = arith.constant 64 : index
      %parallel_loop3A_683 = tpu.vector_load %arg8[%parallel_loop3A_680, %parallel_loop3A_681, %parallel_loop3A_682] {strides = array<i32>} : memref<8x64x128xf32, #tpu.memory_space<vmem>>, vector<1x1x16xf32>,
      %parallel_loop3A_684 = vector.shape_cast %parallel_loop3A_683 : vector<1x1x16xf32> to vector<16xf32>
      %parallel_loop3A_685 = vector.shape_cast %get3A_349 : vector<16xf32> to vector<1x1x16xf32>
      tpu.vector_store %arg8[%parallel_loop3A_680, %parallel_loop3A_681, %parallel_loop3A_682], %parallel_loop3A_685 {add = true, strides = array<i32>} : memref<8x64x128xf32, #tpu.memory_space<vmem>>, vector<1x1x16xf32>,
      %parallel_loop3A_686 = arith.constant 6 : i32
      %parallel_loop3A_687 = arith.index_cast %parallel_loop3A_686 : i32 to index
      %parallel_loop3A_688 = arith.index_cast %parallel_loop3A_650 : i32 to index
      %parallel_loop3A_689 = arith.constant 80 : index
      %parallel_loop3A_690 = tpu.vector_load %arg8[%parallel_loop3A_687, %parallel_loop3A_688, %parallel_loop3A_689] {strides = array<i32>} : memref<8x64x128xf32, #tpu.memory_space<vmem>>, vector<1x1x16xf32>,
      %parallel_loop3A_691 = vector.shape_cast %parallel_loop3A_690 : vector<1x1x16xf32> to vector<16xf32>
      %parallel_loop3A_692 = vector.shape_cast %get3A_354 : vector<16xf32> to vector<1x1x16xf32>
      tpu.vector_store %arg8[%parallel_loop3A_687, %parallel_loop3A_688, %parallel_loop3A_689], %parallel_loop3A_692 {add = true, strides = array<i32>} : memref<8x64x128xf32, #tpu.memory_space<vmem>>, vector<1x1x16xf32>,
      %parallel_loop3A_693 = arith.constant 6 : i32
      %parallel_loop3A_694 = arith.index_cast %parallel_loop3A_693 : i32 to index
      %parallel_loop3A_695 = arith.index_cast %parallel_loop3A_650 : i32 to index
      %parallel_loop3A_696 = arith.constant 96 : index
      %parallel_loop3A_697 = tpu.vector_load %arg8[%parallel_loop3A_694, %parallel_loop3A_695, %parallel_loop3A_696] {strides = array<i32>} : memref<8x64x128xf32, #tpu.memory_space<vmem>>, vector<1x1x16xf32>,
      %parallel_loop3A_698 = vector.shape_cast %parallel_loop3A_697 : vector<1x1x16xf32> to vector<16xf32>
      %parallel_loop3A_699 = vector.shape_cast %get3A_359 : vector<16xf32> to vector<1x1x16xf32>
      tpu.vector_store %arg8[%parallel_loop3A_694, %parallel_loop3A_695, %parallel_loop3A_696], %parallel_loop3A_699 {add = true, strides = array<i32>} : memref<8x64x128xf32, #tpu.memory_space<vmem>>, vector<1x1x16xf32>,
      %parallel_loop3A_700 = arith.constant 6 : i32
      %parallel_loop3A_701 = arith.index_cast %parallel_loop3A_700 : i32 to index
      %parallel_loop3A_702 = arith.index_cast %parallel_loop3A_650 : i32 to index
      %parallel_loop3A_703 = arith.constant 112 : index
      %parallel_loop3A_704 = tpu.vector_load %arg8[%parallel_loop3A_701, %parallel_loop3A_702, %parallel_loop3A_703] {strides = array<i32>} : memref<8x64x128xf32, #tpu.memory_space<vmem>>, vector<1x1x16xf32>,
      %parallel_loop3A_705 = vector.shape_cast %parallel_loop3A_704 : vector<1x1x16xf32> to vector<16xf32>
      %parallel_loop3A_706 = vector.shape_cast %get3A_364 : vector<16xf32> to vector<1x1x16xf32>
      tpu.vector_store %arg8[%parallel_loop3A_701, %parallel_loop3A_702, %parallel_loop3A_703], %parallel_loop3A_706 {add = true, strides = array<i32>} : memref<8x64x128xf32, #tpu.memory_space<vmem>>, vector<1x1x16xf32>,
    } {sc.loop_unroll_factor = 4 : i64, sc.parallel_access}
    %dma_start3A_383 = arith.constant 6 : i32
    %dma_start3A_384 = arith.constant 6 : i32
    %dma_start3A_385 = arith.constant 6 : i32
    %dma_start3A_386 = arith.constant 0 : i32
    %dma_start3A_387 = arith.constant 0 : i32
    %dma_start3A_388 = tpu.memref_slice %arg8[%dma_start3A_383, %dma_start3A_386, %dma_start3A_387] : memref<8x64x128xf32, #tpu.memory_space<vmem>> -> memref<1x64x128xf32, #tpu.memory_space<vmem>>
    %dma_start3A_389 = tpu.memref_squeeze %dma_start3A_388 : memref<1x64x128xf32, #tpu.memory_space<vmem>> -> memref<64x128xf32, #tpu.memory_space<vmem>>
    %dma_start3A_390 = arith.constant 0 : i32
    %dma_start3A_391 = tpu.memref_slice %arg9[%dma_start3A_384, %dma_start3A_390] : memref<8x64xi32, #tpu.memory_space<vmem>> -> memref<1x64xi32, #tpu.memory_space<vmem>>
    %dma_start3A_392 = tpu.memref_squeeze %dma_start3A_391 : memref<1x64xi32, #tpu.memory_space<vmem>> -> memref<64xi32, #tpu.memory_space<vmem>>
    %dma_start3A_393 = arith.constant 0 : i32
    %dma_start3A_394 = arith.constant 0 : i32
    %dma_start3A_395 = tpu.memref_slice %arg5[%dma_start3A_393, %dma_start3A_394] : memref<524288x128xf32, #tpu.memory_space<hbm>> -> memref<524288x128xf32, #tpu.memory_space<hbm>>
    %dma_start3A_396 = tpu.memref_slice %arg11[%dma_start3A_385] : memref<8x!tpu.dma_semaphore, #tpu.memory_space<semaphore_mem>> -> memref<1x!tpu.dma_semaphore, #tpu.memory_space<semaphore_mem>>
    %dma_start3A_397 = tpu.memref_squeeze %dma_start3A_396 : memref<1x!tpu.dma_semaphore, #tpu.memory_space<semaphore_mem>> -> memref<!tpu.dma_semaphore, #tpu.memory_space<semaphore_mem>>
    tpu.enqueue_indirect_dma source(%dma_start3A_389 : memref<64x128xf32, #tpu.memory_space<vmem>>) target(%dma_start3A_395 : memref<524288x128xf32, #tpu.memory_space<hbm>>) offsets(%dma_start3A_392 : memref<64xi32, #tpu.memory_space<vmem>>) semaphore(%dma_start3A_397 : memref<!tpu.dma_semaphore, #tpu.memory_space<semaphore_mem>>)
    %add3A_398 = arith.constant 15 : i32
    %add3A_399 = arith.addi %mul3A_2, %add3A_398 : i32
    %iota3A_400 = tpu.iota {dimensions = array<i32: 0>} : vector<16xi32>
    %mul3A_401 = arith.constant 512 : i32
    %mul3A_402 = vector.broadcast %mul3A_401 : i32 to vector<16xi32>
    %mul3A_403 = arith.muli %iota3A_400, %mul3A_402 : vector<16xi32>
    %add3A_404 = arith.constant 491520 : i32
    %add3A_405 = vector.broadcast %add3A_404 : i32 to vector<16xi32>
    %add3A_406 = arith.addi %mul3A_403, %add3A_405 : vector<16xi32>
    %add3A_407 = vector.broadcast %add3A_399 : i32 to vector<16xi32>
    %add3A_408 = arith.addi %add3A_406, %add3A_407 : vector<16xi32>
    %swap3A_409 = arith.constant 7 : i32
    %swap3A_410 = arith.index_cast %swap3A_409 : i32 to index
    %swap3A_411 = arith.constant 0 : index
    %swap3A_412 = tpu.vector_load %arg9[%swap3A_410, %swap3A_411] {strides = array<i32>} : memref<8x64xi32, #tpu.memory_space<vmem>>, vector<1x16xi32>,
    %swap3A_413 = vector.shape_cast %swap3A_412 : vector<1x16xi32> to vector<16xi32>
    %swap3A_414 = vector.shape_cast %add3A_408 : vector<16xi32> to vector<1x16xi32>
    tpu.vector_store %arg9[%swap3A_410, %swap3A_411], %swap3A_414 {strides = array<i32>} : memref<8x64xi32, #tpu.memory_space<vmem>>, vector<1x16xi32>,
    %mul3A_415 = arith.constant 512 : i32
    %mul3A_416 = vector.broadcast %mul3A_415 : i32 to vector<16xi32>
    %mul3A_417 = arith.muli %iota3A_400, %mul3A_416 : vector<16xi32>
    %add3A_418 = arith.constant 499712 : i32
    %add3A_419 = vector.broadcast %add3A_418 : i32 to vector<16xi32>
    %add3A_420 = arith.addi %mul3A_417, %add3A_419 : vector<16xi32>
    %add3A_421 = vector.broadcast %add3A_399 : i32 to vector<16xi32>
    %add3A_422 = arith.addi %add3A_420, %add3A_421 : vector<16xi32>
    %swap3A_423 = arith.constant 7 : i32
    %swap3A_424 = arith.index_cast %swap3A_423 : i32 to index
    %swap3A_425 = arith.constant 16 : index
    %swap3A_426 = tpu.vector_load %arg9[%swap3A_424, %swap3A_425] {strides = array<i32>} : memref<8x64xi32, #tpu.memory_space<vmem>>, vector<1x16xi32>,
    %swap3A_427 = vector.shape_cast %swap3A_426 : vector<1x16xi32> to vector<16xi32>
    %swap3A_428 = vector.shape_cast %add3A_422 : vector<16xi32> to vector<1x16xi32>
    tpu.vector_store %arg9[%swap3A_424, %swap3A_425], %swap3A_428 {strides = array<i32>} : memref<8x64xi32, #tpu.memory_space<vmem>>, vector<1x16xi32>,
    %mul3A_429 = arith.constant 512 : i32
    %mul3A_430 = vector.broadcast %mul3A_429 : i32 to vector<16xi32>
    %mul3A_431 = arith.muli %iota3A_400, %mul3A_430 : vector<16xi32>
    %add3A_432 = arith.constant 507904 : i32
    %add3A_433 = vector.broadcast %add3A_432 : i32 to vector<16xi32>
    %add3A_434 = arith.addi %mul3A_431, %add3A_433 : vector<16xi32>
    %add3A_435 = vector.broadcast %add3A_399 : i32 to vector<16xi32>
    %add3A_436 = arith.addi %add3A_434, %add3A_435 : vector<16xi32>
    %swap3A_437 = arith.constant 7 : i32
    %swap3A_438 = arith.index_cast %swap3A_437 : i32 to index
    %swap3A_439 = arith.constant 32 : index
    %swap3A_440 = tpu.vector_load %arg9[%swap3A_438, %swap3A_439] {strides = array<i32>} : memref<8x64xi32, #tpu.memory_space<vmem>>, vector<1x16xi32>,
    %swap3A_441 = vector.shape_cast %swap3A_440 : vector<1x16xi32> to vector<16xi32>
    %swap3A_442 = vector.shape_cast %add3A_436 : vector<16xi32> to vector<1x16xi32>
    tpu.vector_store %arg9[%swap3A_438, %swap3A_439], %swap3A_442 {strides = array<i32>} : memref<8x64xi32, #tpu.memory_space<vmem>>, vector<1x16xi32>,
    %mul3A_443 = arith.constant 512 : i32
    %mul3A_444 = vector.broadcast %mul3A_443 : i32 to vector<16xi32>
    %mul3A_445 = arith.muli %iota3A_400, %mul3A_444 : vector<16xi32>
    %add3A_446 = arith.constant 516096 : i32
    %add3A_447 = vector.broadcast %add3A_446 : i32 to vector<16xi32>
    %add3A_448 = arith.addi %mul3A_445, %add3A_447 : vector<16xi32>
    %add3A_449 = vector.broadcast %add3A_399 : i32 to vector<16xi32>
    %add3A_450 = arith.addi %add3A_448, %add3A_449 : vector<16xi32>
    %swap3A_451 = arith.constant 7 : i32
    %swap3A_452 = arith.index_cast %swap3A_451 : i32 to index
    %swap3A_453 = arith.constant 48 : index
    %swap3A_454 = tpu.vector_load %arg9[%swap3A_452, %swap3A_453] {strides = array<i32>} : memref<8x64xi32, #tpu.memory_space<vmem>>, vector<1x16xi32>,
    %swap3A_455 = vector.shape_cast %swap3A_454 : vector<1x16xi32> to vector<16xi32>
    %swap3A_456 = vector.shape_cast %add3A_450 : vector<16xi32> to vector<1x16xi32>
    tpu.vector_store %arg9[%swap3A_452, %swap3A_453], %swap3A_456 {strides = array<i32>} : memref<8x64xi32, #tpu.memory_space<vmem>>, vector<1x16xi32>,
    %get3A_457 = arith.constant 15 : i32
    %get3A_458 = arith.index_cast %get3A_457 : i32 to index
    %get3A_459 = arith.constant 0 : index
    %get3A_460 = tpu.vector_load %arg7[%get3A_458, %get3A_459] {strides = array<i32>} : memref<16x128xf32, #tpu.memory_space<vmem>>, vector<1x16xf32>,
    %get3A_461 = vector.shape_cast %get3A_460 : vector<1x16xf32> to vector<16xf32>
    %get3A_462 = arith.constant 15 : i32
    %get3A_463 = arith.index_cast %get3A_462 : i32 to index
    %get3A_464 = arith.constant 16 : index
    %get3A_465 = tpu.vector_load %arg7[%get3A_463, %get3A_464] {strides = array<i32>} : memref<16x128xf32, #tpu.memory_space<vmem>>, vector<1x16xf32>,
    %get3A_466 = vector.shape_cast %get3A_465 : vector<1x16xf32> to vector<16xf32>
    %get3A_467 = arith.constant 15 : i32
    %get3A_468 = arith.index_cast %get3A_467 : i32 to index
    %get3A_469 = arith.constant 32 : index
    %get3A_470 = tpu.vector_load %arg7[%get3A_468, %get3A_469] {strides = array<i32>} : memref<16x128xf32, #tpu.memory_space<vmem>>, vector<1x16xf32>,
    %get3A_471 = vector.shape_cast %get3A_470 : vector<1x16xf32> to vector<16xf32>
    %get3A_472 = arith.constant 15 : i32
    %get3A_473 = arith.index_cast %get3A_472 : i32 to index
    %get3A_474 = arith.constant 48 : index
    %get3A_475 = tpu.vector_load %arg7[%get3A_473, %get3A_474] {strides = array<i32>} : memref<16x128xf32, #tpu.memory_space<vmem>>, vector<1x16xf32>,
    %get3A_476 = vector.shape_cast %get3A_475 : vector<1x16xf32> to vector<16xf32>
    %get3A_477 = arith.constant 15 : i32
    %get3A_478 = arith.index_cast %get3A_477 : i32 to index
    %get3A_479 = arith.constant 64 : index
    %get3A_480 = tpu.vector_load %arg7[%get3A_478, %get3A_479] {strides = array<i32>} : memref<16x128xf32, #tpu.memory_space<vmem>>, vector<1x16xf32>,
    %get3A_481 = vector.shape_cast %get3A_480 : vector<1x16xf32> to vector<16xf32>
    %get3A_482 = arith.constant 15 : i32
    %get3A_483 = arith.index_cast %get3A_482 : i32 to index
    %get3A_484 = arith.constant 80 : index
    %get3A_485 = tpu.vector_load %arg7[%get3A_483, %get3A_484] {strides = array<i32>} : memref<16x128xf32, #tpu.memory_space<vmem>>, vector<1x16xf32>,
    %get3A_486 = vector.shape_cast %get3A_485 : vector<1x16xf32> to vector<16xf32>
    %get3A_487 = arith.constant 15 : i32
    %get3A_488 = arith.index_cast %get3A_487 : i32 to index
    %get3A_489 = arith.constant 96 : index
    %get3A_490 = tpu.vector_load %arg7[%get3A_488, %get3A_489] {strides = array<i32>} : memref<16x128xf32, #tpu.memory_space<vmem>>, vector<1x16xf32>,
    %get3A_491 = vector.shape_cast %get3A_490 : vector<1x16xf32> to vector<16xf32>
    %get3A_492 = arith.constant 15 : i32
    %get3A_493 = arith.index_cast %get3A_492 : i32 to index
    %get3A_494 = arith.constant 112 : index
    %get3A_495 = tpu.vector_load %arg7[%get3A_493, %get3A_494] {strides = array<i32>} : memref<16x128xf32, #tpu.memory_space<vmem>>, vector<1x16xf32>,
    %get3A_496 = vector.shape_cast %get3A_495 : vector<1x16xf32> to vector<16xf32>
    %dma_wait3A_497 = arith.constant 15 : i32
    %dma_wait3A_498 = arith.constant 7 : i32
    %dma_wait3A_499 = arith.constant 7 : i32
    %dma_wait3A_500 = arith.constant 0 : i32
    %dma_wait3A_501 = arith.constant 0 : i32
    %dma_wait3A_502 = tpu.memref_slice %arg8[%dma_wait3A_498, %dma_wait3A_500, %dma_wait3A_501] : memref<8x64x128xf32, #tpu.memory_space<vmem>> -> memref<1x64x128xf32, #tpu.memory_space<vmem>>
    %dma_wait3A_503 = tpu.memref_squeeze %dma_wait3A_502 : memref<1x64x128xf32, #tpu.memory_space<vmem>> -> memref<64x128xf32, #tpu.memory_space<vmem>>
    %dma_wait3A_504 = arith.constant 960 : i32
    %dma_wait3A_505 = tpu.memref_slice %arg6[%dma_wait3A_497, %dma_wait3A_504] : memref<16x1024xi32, #tpu.memory_space<vmem>> -> memref<1x64xi32, #tpu.memory_space<vmem>>
    %dma_wait3A_506 = tpu.memref_squeeze %dma_wait3A_505 : memref<1x64xi32, #tpu.memory_space<vmem>> -> memref<64xi32, #tpu.memory_space<vmem>>
    %dma_wait3A_507 = arith.constant 0 : i32
    %dma_wait3A_508 = arith.constant 0 : i32
    %dma_wait3A_509 = tpu.memref_slice %arg3[%dma_wait3A_507, %dma_wait3A_508] : memref<100000x128xf32, #tpu.memory_space<hbm>> -> memref<100000x128xf32, #tpu.memory_space<hbm>>
    %dma_wait3A_510 = tpu.memref_slice %arg10[%dma_wait3A_499] : memref<8x!tpu.dma_semaphore, #tpu.memory_space<semaphore_mem>> -> memref<1x!tpu.dma_semaphore, #tpu.memory_space<semaphore_mem>>
    %dma_wait3A_511 = tpu.memref_squeeze %dma_wait3A_510 : memref<1x!tpu.dma_semaphore, #tpu.memory_space<semaphore_mem>> -> memref<!tpu.dma_semaphore, #tpu.memory_space<semaphore_mem>>
    tpu.wait_indirect_dma semaphore(%dma_wait3A_511 : memref<!tpu.dma_semaphore, #tpu.memory_space<semaphore_mem>>) src(%dma_wait3A_509 : memref<100000x128xf32, #tpu.memory_space<hbm>>) dst(%dma_wait3A_503 : memref<64x128xf32, #tpu.memory_space<vmem>>)
    %parallel_loop3A_512 = arith.constant 0 : i32
    %parallel_loop3A_513 = arith.constant 64 : i32
    %parallel_loop3A_514 = arith.constant 1 : i32
    scf.for %parallel_loop3A_650 = %parallel_loop3A_512 to %parallel_loop3A_513 step %parallel_loop3A_514  : i32 {
      %parallel_loop3A_651 = arith.constant 7 : i32
      %parallel_loop3A_652 = arith.index_cast %parallel_loop3A_651 : i32 to index
      %parallel_loop3A_653 = arith.index_cast %parallel_loop3A_650 : i32 to index
      %parallel_loop3A_654 = arith.constant 0 : index
      %parallel_loop3A_655 = tpu.vector_load %arg8[%parallel_loop3A_652, %parallel_loop3A_653, %parallel_loop3A_654] {strides = array<i32>} : memref<8x64x128xf32, #tpu.memory_space<vmem>>, vector<1x1x16xf32>,
      %parallel_loop3A_656 = vector.shape_cast %parallel_loop3A_655 : vector<1x1x16xf32> to vector<16xf32>
      %parallel_loop3A_657 = vector.shape_cast %get3A_461 : vector<16xf32> to vector<1x1x16xf32>
      tpu.vector_store %arg8[%parallel_loop3A_652, %parallel_loop3A_653, %parallel_loop3A_654], %parallel_loop3A_657 {add = true, strides = array<i32>} : memref<8x64x128xf32, #tpu.memory_space<vmem>>, vector<1x1x16xf32>,
      %parallel_loop3A_658 = arith.constant 7 : i32
      %parallel_loop3A_659 = arith.index_cast %parallel_loop3A_658 : i32 to index
      %parallel_loop3A_660 = arith.index_cast %parallel_loop3A_650 : i32 to index
      %parallel_loop3A_661 = arith.constant 16 : index
      %parallel_loop3A_662 = tpu.vector_load %arg8[%parallel_loop3A_659, %parallel_loop3A_660, %parallel_loop3A_661] {strides = array<i32>} : memref<8x64x128xf32, #tpu.memory_space<vmem>>, vector<1x1x16xf32>,
      %parallel_loop3A_663 = vector.shape_cast %parallel_loop3A_662 : vector<1x1x16xf32> to vector<16xf32>
      %parallel_loop3A_664 = vector.shape_cast %get3A_466 : vector<16xf32> to vector<1x1x16xf32>
      tpu.vector_store %arg8[%parallel_loop3A_659, %parallel_loop3A_660, %parallel_loop3A_661], %parallel_loop3A_664 {add = true, strides = array<i32>} : memref<8x64x128xf32, #tpu.memory_space<vmem>>, vector<1x1x16xf32>,
      %parallel_loop3A_665 = arith.constant 7 : i32
      %parallel_loop3A_666 = arith.index_cast %parallel_loop3A_665 : i32 to index
      %parallel_loop3A_667 = arith.index_cast %parallel_loop3A_650 : i32 to index
      %parallel_loop3A_668 = arith.constant 32 : index
      %parallel_loop3A_669 = tpu.vector_load %arg8[%parallel_loop3A_666, %parallel_loop3A_667, %parallel_loop3A_668] {strides = array<i32>} : memref<8x64x128xf32, #tpu.memory_space<vmem>>, vector<1x1x16xf32>,
      %parallel_loop3A_670 = vector.shape_cast %parallel_loop3A_669 : vector<1x1x16xf32> to vector<16xf32>
      %parallel_loop3A_671 = vector.shape_cast %get3A_471 : vector<16xf32> to vector<1x1x16xf32>
      tpu.vector_store %arg8[%parallel_loop3A_666, %parallel_loop3A_667, %parallel_loop3A_668], %parallel_loop3A_671 {add = true, strides = array<i32>} : memref<8x64x128xf32, #tpu.memory_space<vmem>>, vector<1x1x16xf32>,
      %parallel_loop3A_672 = arith.constant 7 : i32
      %parallel_loop3A_673 = arith.index_cast %parallel_loop3A_672 : i32 to index
      %parallel_loop3A_674 = arith.index_cast %parallel_loop3A_650 : i32 to index
      %parallel_loop3A_675 = arith.constant 48 : index
      %parallel_loop3A_676 = tpu.vector_load %arg8[%parallel_loop3A_673, %parallel_loop3A_674, %parallel_loop3A_675] {strides = array<i32>} : memref<8x64x128xf32, #tpu.memory_space<vmem>>, vector<1x1x16xf32>,
      %parallel_loop3A_677 = vector.shape_cast %parallel_loop3A_676 : vector<1x1x16xf32> to vector<16xf32>
      %parallel_loop3A_678 = vector.shape_cast %get3A_476 : vector<16xf32> to vector<1x1x16xf32>
      tpu.vector_store %arg8[%parallel_loop3A_673, %parallel_loop3A_674, %parallel_loop3A_675], %parallel_loop3A_678 {add = true, strides = array<i32>} : memref<8x64x128xf32, #tpu.memory_space<vmem>>, vector<1x1x16xf32>,
      %parallel_loop3A_679 = arith.constant 7 : i32
      %parallel_loop3A_680 = arith.index_cast %parallel_loop3A_679 : i32 to index
      %parallel_loop3A_681 = arith.index_cast %parallel_loop3A_650 : i32 to index
      %parallel_loop3A_682 = arith.constant 64 : index
      %parallel_loop3A_683 = tpu.vector_load %arg8[%parallel_loop3A_680, %parallel_loop3A_681, %parallel_loop3A_682] {strides = array<i32>} : memref<8x64x128xf32, #tpu.memory_space<vmem>>, vector<1x1x16xf32>,
      %parallel_loop3A_684 = vector.shape_cast %parallel_loop3A_683 : vector<1x1x16xf32> to vector<16xf32>
      %parallel_loop3A_685 = vector.shape_cast %get3A_481 : vector<16xf32> to vector<1x1x16xf32>
      tpu.vector_store %arg8[%parallel_loop3A_680, %parallel_loop3A_681, %parallel_loop3A_682], %parallel_loop3A_685 {add = true, strides = array<i32>} : memref<8x64x128xf32, #tpu.memory_space<vmem>>, vector<1x1x16xf32>,
      %parallel_loop3A_686 = arith.constant 7 : i32
      %parallel_loop3A_687 = arith.index_cast %parallel_loop3A_686 : i32 to index
      %parallel_loop3A_688 = arith.index_cast %parallel_loop3A_650 : i32 to index
      %parallel_loop3A_689 = arith.constant 80 : index
      %parallel_loop3A_690 = tpu.vector_load %arg8[%parallel_loop3A_687, %parallel_loop3A_688, %parallel_loop3A_689] {strides = array<i32>} : memref<8x64x128xf32, #tpu.memory_space<vmem>>, vector<1x1x16xf32>,
      %parallel_loop3A_691 = vector.shape_cast %parallel_loop3A_690 : vector<1x1x16xf32> to vector<16xf32>
      %parallel_loop3A_692 = vector.shape_cast %get3A_486 : vector<16xf32> to vector<1x1x16xf32>
      tpu.vector_store %arg8[%parallel_loop3A_687, %parallel_loop3A_688, %parallel_loop3A_689], %parallel_loop3A_692 {add = true, strides = array<i32>} : memref<8x64x128xf32, #tpu.memory_space<vmem>>, vector<1x1x16xf32>,
      %parallel_loop3A_693 = arith.constant 7 : i32
      %parallel_loop3A_694 = arith.index_cast %parallel_loop3A_693 : i32 to index
      %parallel_loop3A_695 = arith.index_cast %parallel_loop3A_650 : i32 to index
      %parallel_loop3A_696 = arith.constant 96 : index
      %parallel_loop3A_697 = tpu.vector_load %arg8[%parallel_loop3A_694, %parallel_loop3A_695, %parallel_loop3A_696] {strides = array<i32>} : memref<8x64x128xf32, #tpu.memory_space<vmem>>, vector<1x1x16xf32>,
      %parallel_loop3A_698 = vector.shape_cast %parallel_loop3A_697 : vector<1x1x16xf32> to vector<16xf32>
      %parallel_loop3A_699 = vector.shape_cast %get3A_491 : vector<16xf32> to vector<1x1x16xf32>
      tpu.vector_store %arg8[%parallel_loop3A_694, %parallel_loop3A_695, %parallel_loop3A_696], %parallel_loop3A_699 {add = true, strides = array<i32>} : memref<8x64x128xf32, #tpu.memory_space<vmem>>, vector<1x1x16xf32>,
      %parallel_loop3A_700 = arith.constant 7 : i32
      %parallel_loop3A_701 = arith.index_cast %parallel_loop3A_700 : i32 to index
      %parallel_loop3A_702 = arith.index_cast %parallel_loop3A_650 : i32 to index
      %parallel_loop3A_703 = arith.constant 112 : index
      %parallel_loop3A_704 = tpu.vector_load %arg8[%parallel_loop3A_701, %parallel_loop3A_702, %parallel_loop3A_703] {strides = array<i32>} : memref<8x64x128xf32, #tpu.memory_space<vmem>>, vector<1x1x16xf32>,
      %parallel_loop3A_705 = vector.shape_cast %parallel_loop3A_704 : vector<1x1x16xf32> to vector<16xf32>
      %parallel_loop3A_706 = vector.shape_cast %get3A_496 : vector<16xf32> to vector<1x1x16xf32>
      tpu.vector_store %arg8[%parallel_loop3A_701, %parallel_loop3A_702, %parallel_loop3A_703], %parallel_loop3A_706 {add = true, strides = array<i32>} : memref<8x64x128xf32, #tpu.memory_space<vmem>>, vector<1x1x16xf32>,
    } {sc.loop_unroll_factor = 4 : i64, sc.parallel_access}
    %dma_start3A_515 = arith.constant 7 : i32
    %dma_start3A_516 = arith.constant 7 : i32
    %dma_start3A_517 = arith.constant 7 : i32
    %dma_start3A_518 = arith.constant 0 : i32
    %dma_start3A_519 = arith.constant 0 : i32
    %dma_start3A_520 = tpu.memref_slice %arg8[%dma_start3A_515, %dma_start3A_518, %dma_start3A_519] : memref<8x64x128xf32, #tpu.memory_space<vmem>> -> memref<1x64x128xf32, #tpu.memory_space<vmem>>
    %dma_start3A_521 = tpu.memref_squeeze %dma_start3A_520 : memref<1x64x128xf32, #tpu.memory_space<vmem>> -> memref<64x128xf32, #tpu.memory_space<vmem>>
    %dma_start3A_522 = arith.constant 0 : i32
    %dma_start3A_523 = tpu.memref_slice %arg9[%dma_start3A_516, %dma_start3A_522] : memref<8x64xi32, #tpu.memory_space<vmem>> -> memref<1x64xi32, #tpu.memory_space<vmem>>
    %dma_start3A_524 = tpu.memref_squeeze %dma_start3A_523 : memref<1x64xi32, #tpu.memory_space<vmem>> -> memref<64xi32, #tpu.memory_space<vmem>>
    %dma_start3A_525 = arith.constant 0 : i32
    %dma_start3A_526 = arith.constant 0 : i32
    %dma_start3A_527 = tpu.memref_slice %arg5[%dma_start3A_525, %dma_start3A_526] : memref<524288x128xf32, #tpu.memory_space<hbm>> -> memref<524288x128xf32, #tpu.memory_space<hbm>>
    %dma_start3A_528 = tpu.memref_slice %arg11[%dma_start3A_517] : memref<8x!tpu.dma_semaphore, #tpu.memory_space<semaphore_mem>> -> memref<1x!tpu.dma_semaphore, #tpu.memory_space<semaphore_mem>>
    %dma_start3A_529 = tpu.memref_squeeze %dma_start3A_528 : memref<1x!tpu.dma_semaphore, #tpu.memory_space<semaphore_mem>> -> memref<!tpu.dma_semaphore, #tpu.memory_space<semaphore_mem>>
    tpu.enqueue_indirect_dma source(%dma_start3A_521 : memref<64x128xf32, #tpu.memory_space<vmem>>) target(%dma_start3A_527 : memref<524288x128xf32, #tpu.memory_space<hbm>>) offsets(%dma_start3A_524 : memref<64xi32, #tpu.memory_space<vmem>>) semaphore(%dma_start3A_529 : memref<!tpu.dma_semaphore, #tpu.memory_space<semaphore_mem>>)
    %dma_wait3A_530 = arith.constant 0 : i32
    %dma_wait3A_531 = arith.constant 0 : i32
    %dma_wait3A_532 = arith.constant 0 : i32
    %dma_wait3A_533 = arith.constant 0 : i32
    %dma_wait3A_534 = arith.constant 0 : i32
    %dma_wait3A_535 = tpu.memref_slice %arg8[%dma_wait3A_530, %dma_wait3A_533, %dma_wait3A_534] : memref<8x64x128xf32, #tpu.memory_space<vmem>> -> memref<1x64x128xf32, #tpu.memory_space<vmem>>
    %dma_wait3A_536 = tpu.memref_squeeze %dma_wait3A_535 : memref<1x64x128xf32, #tpu.memory_space<vmem>> -> memref<64x128xf32, #tpu.memory_space<vmem>>
    %dma_wait3A_537 = arith.constant 0 : i32
    %dma_wait3A_538 = tpu.memref_slice %arg9[%dma_wait3A_531, %dma_wait3A_537] : memref<8x64xi32, #tpu.memory_space<vmem>> -> memref<1x64xi32, #tpu.memory_space<vmem>>
    %dma_wait3A_539 = tpu.memref_squeeze %dma_wait3A_538 : memref<1x64xi32, #tpu.memory_space<vmem>> -> memref<64xi32, #tpu.memory_space<vmem>>
    %dma_wait3A_540 = arith.constant 0 : i32
    %dma_wait3A_541 = arith.constant 0 : i32
    %dma_wait3A_542 = tpu.memref_slice %arg5[%dma_wait3A_540, %dma_wait3A_541] : memref<524288x128xf32, #tpu.memory_space<hbm>> -> memref<524288x128xf32, #tpu.memory_space<hbm>>
    %dma_wait3A_543 = tpu.memref_slice %arg11[%dma_wait3A_532] : memref<8x!tpu.dma_semaphore, #tpu.memory_space<semaphore_mem>> -> memref<1x!tpu.dma_semaphore, #tpu.memory_space<semaphore_mem>>
    %dma_wait3A_544 = tpu.memref_squeeze %dma_wait3A_543 : memref<1x!tpu.dma_semaphore, #tpu.memory_space<semaphore_mem>> -> memref<!tpu.dma_semaphore, #tpu.memory_space<semaphore_mem>>
    tpu.wait_indirect_dma semaphore(%dma_wait3A_544 : memref<!tpu.dma_semaphore, #tpu.memory_space<semaphore_mem>>) src(%dma_wait3A_536 : memref<64x128xf32, #tpu.memory_space<vmem>>) dst(%dma_wait3A_542 : memref<524288x128xf32, #tpu.memory_space<hbm>>)
    %dma_wait3A_545 = arith.constant 1 : i32
    %dma_wait3A_546 = arith.constant 1 : i32
    %dma_wait3A_547 = arith.constant 1 : i32
    %dma_wait3A_548 = arith.constant 0 : i32
    %dma_wait3A_549 = arith.constant 0 : i32
    %dma_wait3A_550 = tpu.memref_slice %arg8[%dma_wait3A_545, %dma_wait3A_548, %dma_wait3A_549] : memref<8x64x128xf32, #tpu.memory_space<vmem>> -> memref<1x64x128xf32, #tpu.memory_space<vmem>>
    %dma_wait3A_551 = tpu.memref_squeeze %dma_wait3A_550 : memref<1x64x128xf32, #tpu.memory_space<vmem>> -> memref<64x128xf32, #tpu.memory_space<vmem>>
    %dma_wait3A_552 = arith.constant 0 : i32
    %dma_wait3A_553 = tpu.memref_slice %arg9[%dma_wait3A_546, %dma_wait3A_552] : memref<8x64xi32, #tpu.memory_space<vmem>> -> memref<1x64xi32, #tpu.memory_space<vmem>>
    %dma_wait3A_554 = tpu.memref_squeeze %dma_wait3A_553 : memref<1x64xi32, #tpu.memory_space<vmem>> -> memref<64xi32, #tpu.memory_space<vmem>>
    %dma_wait3A_555 = arith.constant 0 : i32
    %dma_wait3A_556 = arith.constant 0 : i32
    %dma_wait3A_557 = tpu.memref_slice %arg5[%dma_wait3A_555, %dma_wait3A_556] : memref<524288x128xf32, #tpu.memory_space<hbm>> -> memref<524288x128xf32, #tpu.memory_space<hbm>>
    %dma_wait3A_558 = tpu.memref_slice %arg11[%dma_wait3A_547] : memref<8x!tpu.dma_semaphore, #tpu.memory_space<semaphore_mem>> -> memref<1x!tpu.dma_semaphore, #tpu.memory_space<semaphore_mem>>
    %dma_wait3A_559 = tpu.memref_squeeze %dma_wait3A_558 : memref<1x!tpu.dma_semaphore, #tpu.memory_space<semaphore_mem>> -> memref<!tpu.dma_semaphore, #tpu.memory_space<semaphore_mem>>
    tpu.wait_indirect_dma semaphore(%dma_wait3A_559 : memref<!tpu.dma_semaphore, #tpu.memory_space<semaphore_mem>>) src(%dma_wait3A_551 : memref<64x128xf32, #tpu.memory_space<vmem>>) dst(%dma_wait3A_557 : memref<524288x128xf32, #tpu.memory_space<hbm>>)
    %dma_wait3A_560 = arith.constant 2 : i32
    %dma_wait3A_561 = arith.constant 2 : i32
    %dma_wait3A_562 = arith.constant 2 : i32
    %dma_wait3A_563 = arith.constant 0 : i32
    %dma_wait3A_564 = arith.constant 0 : i32
    %dma_wait3A_565 = tpu.memref_slice %arg8[%dma_wait3A_560, %dma_wait3A_563, %dma_wait3A_564] : memref<8x64x128xf32, #tpu.memory_space<vmem>> -> memref<1x64x128xf32, #tpu.memory_space<vmem>>
    %dma_wait3A_566 = tpu.memref_squeeze %dma_wait3A_565 : memref<1x64x128xf32, #tpu.memory_space<vmem>> -> memref<64x128xf32, #tpu.memory_space<vmem>>
    %dma_wait3A_567 = arith.constant 0 : i32
    %dma_wait3A_568 = tpu.memref_slice %arg9[%dma_wait3A_561, %dma_wait3A_567] : memref<8x64xi32, #tpu.memory_space<vmem>> -> memref<1x64xi32, #tpu.memory_space<vmem>>
    %dma_wait3A_569 = tpu.memref_squeeze %dma_wait3A_568 : memref<1x64xi32, #tpu.memory_space<vmem>> -> memref<64xi32, #tpu.memory_space<vmem>>
    %dma_wait3A_570 = arith.constant 0 : i32
    %dma_wait3A_571 = arith.constant 0 : i32
    %dma_wait3A_572 = tpu.memref_slice %arg5[%dma_wait3A_570, %dma_wait3A_571] : memref<524288x128xf32, #tpu.memory_space<hbm>> -> memref<524288x128xf32, #tpu.memory_space<hbm>>
    %dma_wait3A_573 = tpu.memref_slice %arg11[%dma_wait3A_562] : memref<8x!tpu.dma_semaphore, #tpu.memory_space<semaphore_mem>> -> memref<1x!tpu.dma_semaphore, #tpu.memory_space<semaphore_mem>>
    %dma_wait3A_574 = tpu.memref_squeeze %dma_wait3A_573 : memref<1x!tpu.dma_semaphore, #tpu.memory_space<semaphore_mem>> -> memref<!tpu.dma_semaphore, #tpu.memory_space<semaphore_mem>>
    tpu.wait_indirect_dma semaphore(%dma_wait3A_574 : memref<!tpu.dma_semaphore, #tpu.memory_space<semaphore_mem>>) src(%dma_wait3A_566 : memref<64x128xf32, #tpu.memory_space<vmem>>) dst(%dma_wait3A_572 : memref<524288x128xf32, #tpu.memory_space<hbm>>)
    %dma_wait3A_575 = arith.constant 3 : i32
    %dma_wait3A_576 = arith.constant 3 : i32
    %dma_wait3A_577 = arith.constant 3 : i32
    %dma_wait3A_578 = arith.constant 0 : i32
    %dma_wait3A_579 = arith.constant 0 : i32
    %dma_wait3A_580 = tpu.memref_slice %arg8[%dma_wait3A_575, %dma_wait3A_578, %dma_wait3A_579] : memref<8x64x128xf32, #tpu.memory_space<vmem>> -> memref<1x64x128xf32, #tpu.memory_space<vmem>>
    %dma_wait3A_581 = tpu.memref_squeeze %dma_wait3A_580 : memref<1x64x128xf32, #tpu.memory_space<vmem>> -> memref<64x128xf32, #tpu.memory_space<vmem>>
    %dma_wait3A_582 = arith.constant 0 : i32
    %dma_wait3A_583 = tpu.memref_slice %arg9[%dma_wait3A_576, %dma_wait3A_582] : memref<8x64xi32, #tpu.memory_space<vmem>> -> memref<1x64xi32, #tpu.memory_space<vmem>>
    %dma_wait3A_584 = tpu.memref_squeeze %dma_wait3A_583 : memref<1x64xi32, #tpu.memory_space<vmem>> -> memref<64xi32, #tpu.memory_space<vmem>>
    %dma_wait3A_585 = arith.constant 0 : i32
    %dma_wait3A_586 = arith.constant 0 : i32
    %dma_wait3A_587 = tpu.memref_slice %arg5[%dma_wait3A_585, %dma_wait3A_586] : memref<524288x128xf32, #tpu.memory_space<hbm>> -> memref<524288x128xf32, #tpu.memory_space<hbm>>
    %dma_wait3A_588 = tpu.memref_slice %arg11[%dma_wait3A_577] : memref<8x!tpu.dma_semaphore, #tpu.memory_space<semaphore_mem>> -> memref<1x!tpu.dma_semaphore, #tpu.memory_space<semaphore_mem>>
    %dma_wait3A_589 = tpu.memref_squeeze %dma_wait3A_588 : memref<1x!tpu.dma_semaphore, #tpu.memory_space<semaphore_mem>> -> memref<!tpu.dma_semaphore, #tpu.memory_space<semaphore_mem>>
    tpu.wait_indirect_dma semaphore(%dma_wait3A_589 : memref<!tpu.dma_semaphore, #tpu.memory_space<semaphore_mem>>) src(%dma_wait3A_581 : memref<64x128xf32, #tpu.memory_space<vmem>>) dst(%dma_wait3A_587 : memref<524288x128xf32, #tpu.memory_space<hbm>>)
    %dma_wait3A_590 = arith.constant 4 : i32
    %dma_wait3A_591 = arith.constant 4 : i32
    %dma_wait3A_592 = arith.constant 4 : i32
    %dma_wait3A_593 = arith.constant 0 : i32
    %dma_wait3A_594 = arith.constant 0 : i32
    %dma_wait3A_595 = tpu.memref_slice %arg8[%dma_wait3A_590, %dma_wait3A_593, %dma_wait3A_594] : memref<8x64x128xf32, #tpu.memory_space<vmem>> -> memref<1x64x128xf32, #tpu.memory_space<vmem>>
    %dma_wait3A_596 = tpu.memref_squeeze %dma_wait3A_595 : memref<1x64x128xf32, #tpu.memory_space<vmem>> -> memref<64x128xf32, #tpu.memory_space<vmem>>
    %dma_wait3A_597 = arith.constant 0 : i32
    %dma_wait3A_598 = tpu.memref_slice %arg9[%dma_wait3A_591, %dma_wait3A_597] : memref<8x64xi32, #tpu.memory_space<vmem>> -> memref<1x64xi32, #tpu.memory_space<vmem>>
    %dma_wait3A_599 = tpu.memref_squeeze %dma_wait3A_598 : memref<1x64xi32, #tpu.memory_space<vmem>> -> memref<64xi32, #tpu.memory_space<vmem>>
    %dma_wait3A_600 = arith.constant 0 : i32
    %dma_wait3A_601 = arith.constant 0 : i32
    %dma_wait3A_602 = tpu.memref_slice %arg5[%dma_wait3A_600, %dma_wait3A_601] : memref<524288x128xf32, #tpu.memory_space<hbm>> -> memref<524288x128xf32, #tpu.memory_space<hbm>>
    %dma_wait3A_603 = tpu.memref_slice %arg11[%dma_wait3A_592] : memref<8x!tpu.dma_semaphore, #tpu.memory_space<semaphore_mem>> -> memref<1x!tpu.dma_semaphore, #tpu.memory_space<semaphore_mem>>
    %dma_wait3A_604 = tpu.memref_squeeze %dma_wait3A_603 : memref<1x!tpu.dma_semaphore, #tpu.memory_space<semaphore_mem>> -> memref<!tpu.dma_semaphore, #tpu.memory_space<semaphore_mem>>
    tpu.wait_indirect_dma semaphore(%dma_wait3A_604 : memref<!tpu.dma_semaphore, #tpu.memory_space<semaphore_mem>>) src(%dma_wait3A_596 : memref<64x128xf32, #tpu.memory_space<vmem>>) dst(%dma_wait3A_602 : memref<524288x128xf32, #tpu.memory_space<hbm>>)
    %dma_wait3A_605 = arith.constant 5 : i32
    %dma_wait3A_606 = arith.constant 5 : i32
    %dma_wait3A_607 = arith.constant 5 : i32
    %dma_wait3A_608 = arith.constant 0 : i32
    %dma_wait3A_609 = arith.constant 0 : i32
    %dma_wait3A_610 = tpu.memref_slice %arg8[%dma_wait3A_605, %dma_wait3A_608, %dma_wait3A_609] : memref<8x64x128xf32, #tpu.memory_space<vmem>> -> memref<1x64x128xf32, #tpu.memory_space<vmem>>
    %dma_wait3A_611 = tpu.memref_squeeze %dma_wait3A_610 : memref<1x64x128xf32, #tpu.memory_space<vmem>> -> memref<64x128xf32, #tpu.memory_space<vmem>>
    %dma_wait3A_612 = arith.constant 0 : i32
    %dma_wait3A_613 = tpu.memref_slice %arg9[%dma_wait3A_606, %dma_wait3A_612] : memref<8x64xi32, #tpu.memory_space<vmem>> -> memref<1x64xi32, #tpu.memory_space<vmem>>
    %dma_wait3A_614 = tpu.memref_squeeze %dma_wait3A_613 : memref<1x64xi32, #tpu.memory_space<vmem>> -> memref<64xi32, #tpu.memory_space<vmem>>
    %dma_wait3A_615 = arith.constant 0 : i32
    %dma_wait3A_616 = arith.constant 0 : i32
    %dma_wait3A_617 = tpu.memref_slice %arg5[%dma_wait3A_615, %dma_wait3A_616] : memref<524288x128xf32, #tpu.memory_space<hbm>> -> memref<524288x128xf32, #tpu.memory_space<hbm>>
    %dma_wait3A_618 = tpu.memref_slice %arg11[%dma_wait3A_607] : memref<8x!tpu.dma_semaphore, #tpu.memory_space<semaphore_mem>> -> memref<1x!tpu.dma_semaphore, #tpu.memory_space<semaphore_mem>>
    %dma_wait3A_619 = tpu.memref_squeeze %dma_wait3A_618 : memref<1x!tpu.dma_semaphore, #tpu.memory_space<semaphore_mem>> -> memref<!tpu.dma_semaphore, #tpu.memory_space<semaphore_mem>>
    tpu.wait_indirect_dma semaphore(%dma_wait3A_619 : memref<!tpu.dma_semaphore, #tpu.memory_space<semaphore_mem>>) src(%dma_wait3A_611 : memref<64x128xf32, #tpu.memory_space<vmem>>) dst(%dma_wait3A_617 : memref<524288x128xf32, #tpu.memory_space<hbm>>)
    %dma_wait3A_620 = arith.constant 6 : i32
    %dma_wait3A_621 = arith.constant 6 : i32
    %dma_wait3A_622 = arith.constant 6 : i32
    %dma_wait3A_623 = arith.constant 0 : i32
    %dma_wait3A_624 = arith.constant 0 : i32
    %dma_wait3A_625 = tpu.memref_slice %arg8[%dma_wait3A_620, %dma_wait3A_623, %dma_wait3A_624] : memref<8x64x128xf32, #tpu.memory_space<vmem>> -> memref<1x64x128xf32, #tpu.memory_space<vmem>>
    %dma_wait3A_626 = tpu.memref_squeeze %dma_wait3A_625 : memref<1x64x128xf32, #tpu.memory_space<vmem>> -> memref<64x128xf32, #tpu.memory_space<vmem>>
    %dma_wait3A_627 = arith.constant 0 : i32
    %dma_wait3A_628 = tpu.memref_slice %arg9[%dma_wait3A_621, %dma_wait3A_627] : memref<8x64xi32, #tpu.memory_space<vmem>> -> memref<1x64xi32, #tpu.memory_space<vmem>>
    %dma_wait3A_629 = tpu.memref_squeeze %dma_wait3A_628 : memref<1x64xi32, #tpu.memory_space<vmem>> -> memref<64xi32, #tpu.memory_space<vmem>>
    %dma_wait3A_630 = arith.constant 0 : i32
    %dma_wait3A_631 = arith.constant 0 : i32
    %dma_wait3A_632 = tpu.memref_slice %arg5[%dma_wait3A_630, %dma_wait3A_631] : memref<524288x128xf32, #tpu.memory_space<hbm>> -> memref<524288x128xf32, #tpu.memory_space<hbm>>
    %dma_wait3A_633 = tpu.memref_slice %arg11[%dma_wait3A_622] : memref<8x!tpu.dma_semaphore, #tpu.memory_space<semaphore_mem>> -> memref<1x!tpu.dma_semaphore, #tpu.memory_space<semaphore_mem>>
    %dma_wait3A_634 = tpu.memref_squeeze %dma_wait3A_633 : memref<1x!tpu.dma_semaphore, #tpu.memory_space<semaphore_mem>> -> memref<!tpu.dma_semaphore, #tpu.memory_space<semaphore_mem>>
    tpu.wait_indirect_dma semaphore(%dma_wait3A_634 : memref<!tpu.dma_semaphore, #tpu.memory_space<semaphore_mem>>) src(%dma_wait3A_626 : memref<64x128xf32, #tpu.memory_space<vmem>>) dst(%dma_wait3A_632 : memref<524288x128xf32, #tpu.memory_space<hbm>>)
    %dma_wait3A_635 = arith.constant 7 : i32
    %dma_wait3A_636 = arith.constant 7 : i32
    %dma_wait3A_637 = arith.constant 7 : i32
    %dma_wait3A_638 = arith.constant 0 : i32
    %dma_wait3A_639 = arith.constant 0 : i32
    %dma_wait3A_640 = tpu.memref_slice %arg8[%dma_wait3A_635, %dma_wait3A_638, %dma_wait3A_639] : memref<8x64x128xf32, #tpu.memory_space<vmem>> -> memref<1x64x128xf32, #tpu.memory_space<vmem>>
    %dma_wait3A_641 = tpu.memref_squeeze %dma_wait3A_640 : memref<1x64x128xf32, #tpu.memory_space<vmem>> -> memref<64x128xf32, #tpu.memory_space<vmem>>
    %dma_wait3A_642 = arith.constant 0 : i32
    %dma_wait3A_643 = tpu.memref_slice %arg9[%dma_wait3A_636, %dma_wait3A_642] : memref<8x64xi32, #tpu.memory_space<vmem>> -> memref<1x64xi32, #tpu.memory_space<vmem>>
    %dma_wait3A_644 = tpu.memref_squeeze %dma_wait3A_643 : memref<1x64xi32, #tpu.memory_space<vmem>> -> memref<64xi32, #tpu.memory_space<vmem>>
    %dma_wait3A_645 = arith.constant 0 : i32
    %dma_wait3A_646 = arith.constant 0 : i32
    %dma_wait3A_647 = tpu.memref_slice %arg5[%dma_wait3A_645, %dma_wait3A_646] : memref<524288x128xf32, #tpu.memory_space<hbm>> -> memref<524288x128xf32, #tpu.memory_space<hbm>>
    %dma_wait3A_648 = tpu.memref_slice %arg11[%dma_wait3A_637] : memref<8x!tpu.dma_semaphore, #tpu.memory_space<semaphore_mem>> -> memref<1x!tpu.dma_semaphore, #tpu.memory_space<semaphore_mem>>
    %dma_wait3A_649 = tpu.memref_squeeze %dma_wait3A_648 : memref<1x!tpu.dma_semaphore, #tpu.memory_space<semaphore_mem>> -> memref<!tpu.dma_semaphore, #tpu.memory_space<semaphore_mem>>
    tpu.wait_indirect_dma semaphore(%dma_wait3A_649 : memref<!tpu.dma_semaphore, #tpu.memory_space<semaphore_mem>>) src(%dma_wait3A_641 : memref<64x128xf32, #tpu.memory_space<vmem>>) dst(%dma_wait3A_647 : memref<524288x128xf32, #tpu.memory_space<hbm>>)
    return
  }
}

</mosaic_0001>

<sc_bundles>
// kernel: kernel.3.cloned.1.call-start
scs
__scs_entry_jumppad:
0x0: {  	(pc) =	sbr.rel $0x88, $3  }
0x1: {  	(tag) =	ssettag $0x0;
	lr =	simm.s32 $0x1  }
0x2: {  	[smem:$0x3F9E] =	sst lr;
	_ =	strace $0xD0000000  }
0x3: {  	_ = 	snop  }
0x4: {  	_ = 	snop  }
0x5: {  	_ = 	snop  }
0x6: {  	_ = 	snop  }
0x7: {  	_ = 	snop  }
__scs_overlays_trampoline_lowered:
0x8: {  	[smem:$0x3FAD] =	sst s0  }
0x9: {  	[smem:$0x3FAE] =	sst s1  }
0xa: {  	[smem:$0x3FAF] =	sst s2  }
0xb: {  	[smem:$0x3FB0] =	sst s3  }
0xc: {  	[smem:$0x3FB1] =	sst s4  }
0xd: {  	[smem:$0x3FB2] =	sst s5  }
0xe: {  	[smem:$0x3FB3] =	sst s6  }
0xf: {  	[smem:$0x3FB4] =	sst s7  }
0x10: {  	[smem:$0x3FB5] =	sst s8  }
0x11: {  	[smem:$0x3FB6] =	sst s9;
	s0 =	simm.s32 @!p0 $0x0  }
0x12: {  	s1 =	sld [smem:$0x3F9C];
	s0 =	simm.s32 @p0 $0x1  }
0x13: {  	[smem:$0x3FB7] =	sst s0;
	s0 =	simm.s32 @!p1 $0x0  }
0x14: {  	s2 =	sld [smem:$0x3F9B];
	s0 =	simm.s32 @p1 $0x1  }
0x15: {  	[smem:$0x3FB8] =	sst s0;
	s0 =	simm.s32 @!p2 $0x0  }
0x16: {  	s3 =	sld [smem:$0x3FDB];
	s0 =	simm.s32 @p2 $0x1  }
0x17: {  	s4 =	simm.s32 $0x1BF5;
	[smem:$0x3FBA] =	sst s0  }
0x18: {  	s0 =	sld [smem:$0x3F9D];
	_ =	swait.ge [sflag:s4], $0x0  }
0x19: {  	s7 =	sld [smem:$0x3F9E]  }
0x1a: {  	s8 =	sadd.s32 $0xFFFFE003, lr  }
0x1b: {  	s9 =	sadd.s32 $0xFFFFFEF7, lr;
	s5 =	simm.s32 $0xFFFFFFFF;
	p2 =	slt.u32 s8, $0xFFFFF086  }
0x1c: {  	p1 =	slt.u32 s9, $0xF7A;
	s5 =	simm.s32 @!p2 $0x0  }
0x1d: {  	s5 =	simm.s32 @p1 $0x1;
	p0 =	seq.s32 s7, s2  }
0x1e: {  	s7 =	smul.u32 @!p0 $0xF7A, s2;
	p2 =	seq.s32 @!p0 s5, $0x0  }
0x1f: {  	s9 =	smul.u32 $0xF7A, s1;
	s8 =	simm.s32 @!p0 $0x1BF5;
	p2 =	por !p2, p0  }
0x20: {  	[sflag:s8] =	ssyncset.s32 @!p0 $0xFFFFF086;
	s6 =	sadd.s32 @!p0 s3, s7;
	s7 =	simm.s32 @!p0 $0x108  }
0x21: {  	s3 =	sadd.s32 s3, s9;
	s6 =	sadd.s32 @!p0 $0x88, s6;
	s7 =	simm.s32 @p2 $0x1082  }
0x22: {  	[simem:s7], [sflag:s8] =	dma.local @!p0 [hbm:s6], $0xF7A  }
0x23: {  	s9 =	sor.u32 $0xD0000000, s2;
	s6 =	simm.s32 $0x108;
	_ =	swait.ge @!p0 [sflag:s8], $0x0  }
0x24: {  	s3 =	sadd.s32 $0x88, s3;
	s6 =	simm.s32 @!p1 $0x1082;
	[sflag:s4] =	ssyncset.s32 $0xFFFFF086  }
0x25: {  	[simem:s6], [sflag:s4] =	dma.local [hbm:s3], $0xF7A  }
0x26: {  	[smem:$0x3F9E] =	sst s1;
	(tag) =	ssettag s2;
	_ =	strace s9  }
0x27: {  	s1 =	sld [smem:$0x3FAE]  }
0x28: {  	s2 =	sld [smem:$0x3FAF]  }
0x29: {  	s4 =	sld [smem:$0x3FB1]  }
0x2a: {  	p0 =	seq.s32 s5, $0x0;
	s5 =	sld [smem:$0x3FB2]  }
0x2b: {  	s6 =	sld [smem:$0x3FB3]  }
0x2c: {  	s7 =	sld [smem:$0x3FB4]  }
0x2d: {  	s3 =	simm.s32 $0x108;
	s8 =	sld [smem:$0x3FB5]  }
0x2e: {  	s3 =	simm.s32 @!p0 $0x1082;
	s9 =	sld [smem:$0x3FB6]  }
0x2f: {  	lr =	sadd.s32 s0, s3;
	s0 =	sld [smem:$0x3FAD]  }
0x30: {  	s3 =	sld [smem:$0x3FB0]  }
0x31: {  	[smem:$0x3FB9] =	sst s10  }
0x32: {  	s10 =	sld [smem:$0x3FB7];
	_ =	sdelay $0x3  }
0x33: {  	p0 =	seq.s32 s10, $0x1;
	s10 =	sld [smem:$0x3FB9];
	_ =	sdelay $0x3  }
0x34: {  	[smem:$0x3FB9] =	sst s10  }
0x35: {  	s10 =	sld [smem:$0x3FB8];
	_ =	sdelay $0x3  }
0x36: {  	p1 =	seq.s32 s10, $0x1;
	s10 =	sld [smem:$0x3FB9];
	_ =	sdelay $0x3  }
0x37: {  	[smem:$0x3FB9] =	sst s10  }
0x38: {  	s10 =	sld [smem:$0x3FBA]  }
0x39: {  	_ = 	snop;
	(pc) =	sbr.ind lr, $3  }
0x3a: {  	_ = 	snop  }
0x3b: {  	_ = 	snop  }
0x3c: {  	p2 =	seq.s32 s10, $0x1;
	s10 =	sld [smem:$0x3FB9]  }
0x3d: {  	_ =	shalt  }
0x3e: {  	_ =	shalt  }
0x3f: {  	_ =	shalt  }
0x40: {  	_ =	shalt  }
0x41: {  	_ =	shalt  }
0x42: {  	_ =	shalt  }
0x43: {  	_ =	shalt  }
0x44: {  	_ =	shalt  }
0x45: {  	_ =	shalt  }
0x46: {  	_ =	shalt  }
0x47: {  	_ =	shalt  }
0x48: {  	_ =	shalt  }
0x49: {  	_ =	shalt  }
0x4a: {  	_ =	shalt  }
0x4b: {  	_ =	shalt  }
0x4c: {  	_ =	shalt  }
0x4d: {  	_ =	shalt  }
0x4e: {  	_ =	shalt  }
0x4f: {  	_ =	shalt  }
0x50: {  	_ =	shalt  }
0x51: {  	_ =	shalt  }
0x52: {  	_ =	shalt  }
0x53: {  	_ =	shalt  }
0x54: {  	_ =	shalt  }
0x55: {  	_ =	shalt  }
0x56: {  	_ =	shalt  }
0x57: {  	_ =	shalt  }
0x58: {  	_ =	shalt  }
0x59: {  	_ =	shalt  }
0x5a: {  	_ =	shalt  }
0x5b: {  	_ =	shalt  }
0x5c: {  	_ =	shalt  }
0x5d: {  	_ =	shalt  }
0x5e: {  	_ =	shalt  }
0x5f: {  	_ =	shalt  }
0x60: {  	_ =	shalt  }
0x61: {  	_ =	shalt  }
0x62: {  	_ =	shalt  }
0x63: {  	_ =	shalt  }
0x64: {  	_ =	shalt  }
0x65: {  	_ =	shalt  }
0x66: {  	_ =	shalt  }
0x67: {  	_ =	shalt  }
0x68: {  	_ =	shalt  }
0x69: {  	_ =	shalt  }
0x6a: {  	_ =	shalt  }
0x6b: {  	_ =	shalt  }
0x6c: {  	_ =	shalt  }
0x6d: {  	_ =	shalt  }
0x6e: {  	_ =	shalt  }
0x6f: {  	_ =	shalt  }
0x70: {  	_ =	shalt  }
0x71: {  	_ =	shalt  }
0x72: {  	_ =	shalt  }
0x73: {  	_ =	shalt  }
0x74: {  	_ =	shalt  }
0x75: {  	_ =	shalt  }
0x76: {  	_ =	shalt  }
0x77: {  	_ =	shalt  }
0x78: {  	_ =	shalt  }
0x79: {  	_ =	shalt  }
0x7a: {  	_ =	shalt  }
0x7b: {  	_ =	shalt  }
0x7c: {  	_ =	shalt  }
0x7d: {  	_ =	shalt  }
0x7e: {  	_ =	shalt  }
0x7f: {  	_ =	shalt  }
0x80: {  	_ =	shalt  }
0x81: {  	_ =	shalt  }
0x82: {  	_ =	shalt  }
0x83: {  	_ =	shalt  }
0x84: {  	_ =	shalt  }
0x85: {  	_ =	shalt  }
0x86: {  	_ =	shalt  }
0x87: {  	_ =	shalt  }
.Lfunc_end0:
.L_simem_size_0:
called_computation_lowered:
.L_overlay_start_0:
0x88: {  	s2 =	sld [smem:$0x3FD9]  }
0x89: {  	s3 =	sld [smem:$0x3FFE];
	_ =	sdelay $0x1  }
0x8a: {  	s1 =	srdreg.scid  }
0x8b: {  	s0 =	sand.u32 $0x1, s1  }
0x8c: {  	s17 =	sshll.u32 s0, $0xA;
	s2 =	sadd.s32 s3, s2  }
0x8d: {  	s2 =	sadd.s32 s2, s17  }
0x8e: {  	[smem:$0x3FC5] =	sst s2  }
0x8f: {  	_ = 	snop  }
0x90: {  	s2 =	sld [smem:$0x3FC8]  }
0x91: {  	s18 =	sld [smem:$0x3FC7]  }
0x92: {  	s4 =	sld [smem:$0x3FD0];
	(tm) =	ssettm $0x1  }
0x93: {  	s5 =	sld [smem:$0x3FFB];
	_ =	sdelay $0x3  }
0x94: {  	_ =	strace s5  }
0x95: {  	s5 =	sld [smem:$0x3FFC];
	_ =	sdelay $0x3  }
0x96: {  	_ =	strace s5  }
0x97: {  	s5 =	sld [smem:$0x3FFD];
	_ =	sdelay $0x3  }
0x98: {  	_ =	strace s5  }
0x99: {  	_ =	strace $0x8FFFFFFF  }
0x9a: {  	s19 =	sld [smem:$0x3FDB];
	_ =	sdelay $0x1  }
0x9b: {  	s6 =	simm.s32 $_scs_section_size  }
0x9c: {  	s7 =	simm.s32 $_size__tile_overlayer_lowered;
	s8 =	simm.s32 $_tile_overlayer_lowered  }
0x9d: {  	s22 =	simm.s32 $0x1BFF;
	s21 =	sshll.u32 s8, $0x1;
	s5 =	sadd.s32 s6, s19  }
0x9e: {  	s9 =	simm.s32 $0x0;
	s20 =	sshll.u32 s7, $0x1;
	s7 =	sadd.s32 s21, s5  }
0x9f: {  	[timem:s9], [sflag:s22] =	dma.local [hbm:s7], s20  }
0xa0: {  	_ =	swait.ge [sflag:s22], s20  }
0xa1: {  	s6 =	ssub.s32 $0x0, s20;
	[sflag:s22] =	ssyncset.done $0x0  }
0xa2: {  	[sflag:s22] =	ssyncadd.s32 s6;
	_ =	sdelay $0x1  }
0xa3: {  	s23 =	simm.s32 $0x1B8B  }
0xa4: {  	_ =	swait.ge [sflag:s23], $0x1  }
0xa5: {  	[sflag:s23] =	ssyncset.done $0x0  }
0xa6: {  	s25 =	simm.s32 $0x1B8E;
	s24 =	sld [smem:$0x3FFE];
	[sflag:s23] =	ssyncadd.s32 $0xFFFFFFFF  }
0xa7: {  	s26 =	simm.s32 $execute0_lowered;
	[smem:$0x3FD2] =	sst s25  }
0xa8: {  	s7 =	sshll.u32 s26, $0x1;
	_ =	strace $0x80000046;
	[dreg:$0x1] =	wrdreg $0xFFFFFFFF  }
0xa9: {  	s28 =	simm.s32 $_size_execute0_lowered;
	s5 =	sadd.s32 s5, s7;
	[dreg:$0x0] =	wrdreg $0x0  }
0xaa: {  	s7 =	sshll.u32 s28, $0x1;
	[dreg:$0x2] =	wrdreg s5  }
0xab: {  	[dreg:$0x3] =	wrdreg s7  }
0xac: {  	[dreg:$0x4] =	wrdreg $0xC0  }
0xad: {  	_ =	task [dreg:s9], $0x5FFFF  }
0xae: {  	[dreg:$0x1] =	wrdreg $0xFFFFFFFF  }
0xaf: {  	[dreg:$0x0] =	wrdreg $0x60  }
0xb0: {  	[dreg:$0x2] =	wrdreg s24  }
0xb1: {  	[dreg:$0x3] =	wrdreg s2  }
0xb2: {  	[dreg:$0x4] =	wrdreg s18  }
0xb3: {  	[dreg:$0x5] =	wrdreg s4  }
0xb4: {  	[dreg:$0x6] =	wrdreg $0x9  }
0xb5: {  	_ =	task.clear_ibuf [dreg:s9], $0x7FFFF;
	_ =	strace $0x90000046  }
0xb6: {  	s29 =	simm.s32 $0x9;
	_ =	strace $0x80000048  }
0xb7: {  	_ =	swait.ge [sflag:s29], $0x1  }
0xb8: {  	[sflag:s29] =	ssyncadd.s32 $0xFFFFFFFF  }
0xb9: {  	_ =	strace $0x90000048  }
0xba: {  	_ =	sfence  }
0xbb: {  	s30 =	sld [smem:$0x0];
	_ =	sdelay $0x2  }
0xbc: {  	s31 =	sshll.u32 s1, $0xD;
	s1 =	sshrl.u32 s1, $0x2  }
0xbd: {  	s3 =	sand.u32 $0x4000, s31;
	s1 =	sadd.s32 s1, s30  }
0xbe: {  	s0 =	sor.u32 s3, s0;
	s1 =	sshll.u32 s1, $0x11  }
0xbf: {  	s0 =	sor.u32 s1, s0  }
0xc0: {  	s0 =	sadd.s32 $0x8F2B, s0  }
0xc1: {  	[sflag:s0] =	ssyncadd.remote.s32 $0x1  }
0xc2: {  	_ =	sfence.sel $0xFFFF  }
0xc3: {  	[dreg:$0x0] =	wrdreg $0xFFFFFFFF;
	(pc) =	sbr.abs _section_cstart, $3  }
0xc4: {  	[dreg:$0x1] =	wrdreg $0xFFFFFFFF  }
0xc5: {  	_ =	task.clear_ibuf [dreg:s9], $0x2FFFF;
	_ =	strace $0x9FFFFFFF  }
0xc6: {  	(tm) =	ssettm $0x7FFFFFFF  }
0xc7: {  	_ =	shalt  }
tec
execute0_lowered:
.L_overlay_start_1:
0x0: {  	(tag) =	ssettag $0x1  }
0x1: {  	s0 =	rddreg [dreg:$0x0]  }
0x2: {  	s1 =	rddreg [dreg:$0x1]  }
0x3: {  	s2 =	rddreg [dreg:$0x2]  }
0x4: {  	s3 =	rddreg [dreg:$0x3];
	s4 =	srdreg.scid  }
0x5: {  	s5 =	stileid.u32;
	s7 =	simm.s32 $0x0;
	v0 =	vlaneseq.u32;
	s11 =	simm.s32 $0x40  }
0x6: {  	s21 =	simm.s32 $0x4800;
	s31 =	simm.s32 $0x6800;
	s17 =	simm.s32 $0xA800;
	v0 =	vmul.u32 $0x200, v0  }
0x7: {  	s20 =	simm.s32 $0x12800;
	s22 =	simm.s32 $0x1;
	s24 =	simm.s32 $0x2  }
0x8: {  	s29 =	simm.s32 $0x4;
	s9 =	simm.s32 $0x9;
	s14 =	simm.s32 $0xA;
	v1 =	vor.u32 $0x60000, v0;
	v2 =	vor.u32 $0x62000, v0  }
0x9: {  	s16 =	simm.s32 $0xB;
	s10 =	simm.s32 $0xD;
	s4 =	sand.u32 $0x1, s4;
	v3 =	vor.u32 $0x64000, v0;
	v4 =	vor.u32 $0x66000, v0;
	v5 =	vor.u32 $0x68000, v0  }
0xa: {  	s23 =	simm.s32 $0x10;
	s5 =	sshll.u32 s5, $0x5;
	s6 =	sshll.u32 s4, $0x4;
	v6 =	vor.u32 $0x6A000, v0;
	v7 =	vor.u32 $0x6C000, v0;
	v8 =	vor.u32 $0x6E000, v0  }
0xb: {  	s13 =	simm.s32 $0x0;
	[smem:$0x7FF] =	sst s7;
	s5 =	sor.u32 s6, s5;
	v9 =	vor.u32 $0x70000, v0;
	v10 =	vor.u32 $0x72000, v0;
	v11 =	vor.u32 $0x74000, v0  }
0xc: {  	s7 =	simm.s32 $0x8;
	s4 =	ssub.s32 $0x2, s4;
	v12 =	vor.u32 $0x76000, v0;
	v13 =	vor.u32 $0x78000, v0;
	v14 =	vor.u32 $0x7A000, v0;
	s8 =	sor.u32 $0xF, s5  }
0xd: {  	_ =	strace $0x80000047;
	s25 =	sshrl.u32 s4, $0x1;
	v15 =	vor.u32 $0x7C000, v0;
	v16 =	vor.u32 $0x7E000, v0;
	s6 =	sshll.u32 s5, $0x7;
	v1 =	vor.u32 s8, v1  }
0xe: {  	s4 =	ssub.s32 s4, s25;
	s26 =	sshll.u32 s5, $0x4;
	s0 =	sadd.s32 s6, s0;
	v2 =	vor.u32 s8, v2;
	v3 =	vor.u32 s8, v3;
	v4 =	vor.u32 s8, v4  }
0xf: {  	s28 =	sadd.s32 s2, s26;
	s30 =	smax.u32 s4, $0x1;
	v5 =	vor.u32 s8, v5;
	v6 =	vor.u32 s8, v6;
	v7 =	vor.u32 s8, v7;
	s26 =	simm.s32 $0x3  }
0x10: {  	v8 =	vor.u32 s8, v8;
	v9 =	vor.u32 s8, v9;
	v10 =	vor.u32 s8, v10;
	s2 =	simm.s32 $0x6;
	s4 =	simm.s32 $0x7;
	[dreg:$0x6] =	wrdreg s28  }
0x11: {  	v11 =	vor.u32 s8, v11;
	v12 =	vor.u32 s8, v12;
	v13 =	vor.u32 s8, v13;
	s6 =	simm.s32 $0xE;
	s0 =	sadd.s32 $0x400, s0;
	[dreg:$0x7] =	wrdreg s30  }
0x12: {  	v14 =	vor.u32 s8, v14;
	v15 =	vor.u32 s8, v15;
	v16 =	vor.u32 s8, v16;
	s8 =	simm.s32 $0xF;
	[dreg:$0x5] =	wrdreg s0;
	s0 =	simm.s32 $0xC  }
.LBB2_1:
0x13: {  	[dreg:$0x8] =	wrdreg s13  }
0x14: {  	s12 =	simm.s32 $0x0;
	s28 =	rddreg [dreg:$0x5];
	s15 =	simm.s32 $0x11  }
0x15: {  	[tilespmem:s12], [sflag:$0x11] =	stream.linear.gather [hbm4b:s28+s12], $0x4000, $0x38;
	[tilespmem:$0x14C00] =	vst v63  }
0x16: {  	_ =	swait.ge [sflag:s15], $0x4000  }
0x17: {  	[sflag:s15] =	ssyncset.done $0x0  }
0x18: {  	s18 =	simm.s32 $0x4000;
	s30 =	rddreg [dreg:$0x6];
	[sflag:s15] =	ssyncadd.s32 $0xFFFFC000  }
0x19: {  	[tilespmem:s18], [sflag:$0x11] =	stream.linear.gather [hbm4b:s30+s12], $0x800, $0x38;
	[tilespmem:$0x14C00] =	vst v63  }
0x1a: {  	_ =	swait.ge [sflag:s15], $0x800  }
0x1b: {  	[sflag:s15] =	ssyncset.done $0x0  }
0x1c: {  	s25 =	simm.s32 $0x0;
	[sflag:s15] =	ssyncadd.s32 $0xFFFFF800  }
.LBB2_2:
0x1d: {  	p0 =	seq.s32 s25, $0x0  }
.Ltmp0:
0x1e: {  	_ = 	snop;
	(pc) =	sbr.rel @p0 .LBB2_12-.Ltmp0, $1  }
0x1f: {  	_ =	sdelay $0x3  }
0x20: {  	_ =	swait.ge [sflag:s9], $0x2000  }
0x21: {  	[sflag:s9] =	ssyncset.done $0x0  }
0x22: {  	[sflag:s9] =	ssyncadd.s32 $0xFFFFE000  }
0x23: {  	_ =	swait.ge [sflag:s14], $0x2000  }
0x24: {  	[sflag:s14] =	ssyncset.done $0x0  }
0x25: {  	[sflag:s14] =	ssyncadd.s32 $0xFFFFE000  }
0x26: {  	_ =	swait.ge [sflag:s16], $0x2000  }
0x27: {  	s20 =	sshrl.u32 s25, $0x1;
	s12 =	sshll.u32 s25, $0xC;
	[sflag:s16] =	ssyncset.done $0x0  }
0x28: {  	s13 =	sshll.u32 s25, $0x9;
	s30 =	sand.u32 $0x1000, s12;
	[sflag:s16] =	ssyncadd.s32 $0xFFFFE000  }
0x29: {  	s19 =	sand.u32 $0x2000, s13;
	s28 =	sshll.u32 s20, $0x7;
	_ =	swait.ge [sflag:s0], $0x2000  }
0x2a: {  	s18 =	sand.u32 $0x380, s28;
	s12 =	sor.u32 s30, s19;
	[sflag:s0] =	ssyncset.done $0x0  }
0x2b: {  	s12 =	sor.u32 s18, s12;
	[sflag:s0] =	ssyncadd.s32 $0xFFFFE000  }
0x2c: {  	[tilespmem:s21], [sflag:$0x1] =	stream.indirect.gather [hbm4b:s1+s11], $0x80, s12, s11, $0xb8;
	[tilespmem:$0x14C00] =	vst v63  }
0x2d: {  	s21 =	sor.u32 $0x40, s12  }
0x2e: {  	[tilespmem:s31], [sflag:$0x2] =	stream.indirect.gather [hbm4b:s1+s11], $0x80, s21, s11, $0xb8;
	[tilespmem:$0x14C00] =	vst v63  }
0x2f: {  	s21 =	sshll.u32 s25, $0x3  }
0x30: {  	s15 =	simm.s32 $0x8800;
	s31 =	sor.u32 $0x400, s12;
	s13 =	sadd.s32 $0xFFFFFFFC, s21  }
0x31: {  	[tilespmem:s15], [sflag:$0x3] =	stream.indirect.gather [hbm4b:s1+s11], $0x80, s31, s11, $0xb8;
	[tilespmem:$0x14C00] =	vst v63  }
0x32: {  	s15 =	sshrl.u32 s13, $0x4  }
0x33: {  	s13 =	sshll.u32 s13, $0xF;
	s31 =	sadd.s32 s5, s15  }
0x34: {  	s13 =	sand.u32 $0x60000, s13;
	v17 =	vmov s31  }
0x35: {  	s12 =	sor.u32 $0x440, s12;
	v17 =	vadd.s32 s13, v17  }
0x36: {  	[tilespmem:s17], [sflag:$0x4] =	stream.indirect.gather [hbm4b:s1+s11], $0x80, s12, s11, $0xb8;
	v17 =	vbroadcast v17, $0x0;
	[tilespmem:$0x14C00] =	vst v63  }
0x37: {  	s17 =	sadd.s32 s13, s31  }
0x38: {  	s13 =	sadd.s32 $0x2000, s17;
	v17 =	vadd.s32 v0, v17  }
0x39: {  	s31 =	sadd.s32 $0x4000, s17;
	[tilespmem:$0x14A00] =	vst v17;
	v17 =	vadd.s32 s13, v0  }
0x3a: {  	s12 =	sadd.s32 $0x6000, s17;
	[tilespmem:$0x14A10] =	vst v17;
	v17 =	vadd.s32 s31, v0  }
0x3b: {  	s17 =	sshll.u32 s15, $0x9;
	[tilespmem:$0x14A20] =	vst v17;
	v17 =	vadd.s32 s12, v0  }
0x3c: {  	s12 =	sshra.s32 s17, $0x2;
	[tilespmem:$0x14A30] =	vst v17  }
0x3d: {  	v18 =	vld [tilespmem:s12+$0x4000]  }
0x3e: {  	v17 =	vld [tilespmem:s12+$0x4010]  }
0x3f: {  	v19 =	vld [tilespmem:s12+$0x4020]  }
0x40: {  	v20 =	vld [tilespmem:s12+$0x4030]  }
0x41: {  	v21 =	vld [tilespmem:s12+$0x4040]  }
0x42: {  	v22 =	vld [tilespmem:s12+$0x4050]  }
0x43: {  	s31 =	simm.s32 $0x5;
	v24 =	vld [tilespmem:s12+$0x4070]  }
0x44: {  	v23 =	vld [tilespmem:s12+$0x4060];
	_ =	swait.ge [sflag:s31], $0x2000  }
0x45: {  	[sflag:s31] =	ssyncset.done $0x0  }
0x46: {  	s12 =	simm.s32 $0xC800;
	[sflag:s31] =	ssyncadd.s32 $0xFFFFE000  }
0x47: {  	[tilespmem:s12+$0x0] =	vst.add.f32.msk $0xffff, v18  }
0x48: {  	[tilespmem:s12+$0x1F0] =	vst.add.f32.msk $0xffff, v24  }
0x49: {  	[tilespmem:s12+$0x1E0] =	vst.add.f32.msk $0xffff, v23  }
0x4a: {  	[tilespmem:s12+$0x1D0] =	vst.add.f32.msk $0xffff, v22  }
0x4b: {  	[tilespmem:s12+$0x1C0] =	vst.add.f32.msk $0xffff, v21  }
0x4c: {  	[tilespmem:s12+$0x1B0] =	vst.add.f32.msk $0xffff, v20  }
0x4d: {  	[tilespmem:s12+$0x1A0] =	vst.add.f32.msk $0xffff, v19  }
0x4e: {  	[tilespmem:s12+$0x190] =	vst.add.f32.msk $0xffff, v17  }
0x4f: {  	[tilespmem:s12+$0x180] =	vst.add.f32.msk $0xffff, v18  }
0x50: {  	[tilespmem:s12+$0x170] =	vst.add.f32.msk $0xffff, v24  }
0x51: {  	[tilespmem:s12+$0x160] =	vst.add.f32.msk $0xffff, v23  }
0x52: {  	[tilespmem:s12+$0x150] =	vst.add.f32.msk $0xffff, v22  }
0x53: {  	[tilespmem:s12+$0x140] =	vst.add.f32.msk $0xffff, v21  }
0x54: {  	[tilespmem:s12+$0x130] =	vst.add.f32.msk $0xffff, v20  }
0x55: {  	[tilespmem:s12+$0x120] =	vst.add.f32.msk $0xffff, v19  }
0x56: {  	[tilespmem:s12+$0x110] =	vst.add.f32.msk $0xffff, v17  }
0x57: {  	[tilespmem:s12+$0x100] =	vst.add.f32.msk $0xffff, v18  }
0x58: {  	[tilespmem:s12+$0xF0] =	vst.add.f32.msk $0xffff, v24  }
0x59: {  	[tilespmem:s12+$0xE0] =	vst.add.f32.msk $0xffff, v23  }
0x5a: {  	[tilespmem:s12+$0xD0] =	vst.add.f32.msk $0xffff, v22  }
0x5b: {  	[tilespmem:s12+$0xC0] =	vst.add.f32.msk $0xffff, v21  }
0x5c: {  	[tilespmem:s12+$0xB0] =	vst.add.f32.msk $0xffff, v20  }
0x5d: {  	[tilespmem:s12+$0xA0] =	vst.add.f32.msk $0xffff, v19  }
0x5e: {  	[tilespmem:s12+$0x90] =	vst.add.f32.msk $0xffff, v17  }
0x5f: {  	[tilespmem:s12+$0x80] =	vst.add.f32.msk $0xffff, v18  }
0x60: {  	[tilespmem:s12+$0x70] =	vst.add.f32.msk $0xffff, v24  }
0x61: {  	[tilespmem:s12+$0x60] =	vst.add.f32.msk $0xffff, v23  }
0x62: {  	[tilespmem:s12+$0x50] =	vst.add.f32.msk $0xffff, v22  }
0x63: {  	[tilespmem:s12+$0x40] =	vst.add.f32.msk $0xffff, v21  }
0x64: {  	[tilespmem:s12+$0x30] =	vst.add.f32.msk $0xffff, v20  }
0x65: {  	s13 =	simm.s32 $0x0;
	[tilespmem:s12+$0x20] =	vst.add.f32.msk $0xffff, v19  }
.LBB2_4:
0x66: {  	s13 =	sadd.s32 $0x4, s13;
	[tilespmem:s12+$0x10] =	vst.add.f32.msk $0xffff, v17;
	s12 =	sadd.s32 $0x200, s12  }
0x67: {  	[tilespmem:s12+$0x0] =	vst.add.f32.msk $0xffff, v18;
	p0 =	slt.u32 s13, $0x3C  }
0x68: {  	[tilespmem:s12+$0x1F0] =	vst.add.f32.msk $0xffff, v24  }
0x69: {  	[tilespmem:s12+$0x1E0] =	vst.add.f32.msk $0xffff, v23  }
0x6a: {  	[tilespmem:s12+$0x1D0] =	vst.add.f32.msk $0xffff, v22  }
0x6b: {  	[tilespmem:s12+$0x1C0] =	vst.add.f32.msk $0xffff, v21  }
0x6c: {  	[tilespmem:s12+$0x1B0] =	vst.add.f32.msk $0xffff, v20  }
0x6d: {  	[tilespmem:s12+$0x1A0] =	vst.add.f32.msk $0xffff, v19  }
0x6e: {  	[tilespmem:s12+$0x190] =	vst.add.f32.msk $0xffff, v17  }
0x6f: {  	[tilespmem:s12+$0x180] =	vst.add.f32.msk $0xffff, v18  }
0x70: {  	[tilespmem:s12+$0x170] =	vst.add.f32.msk $0xffff, v24  }
0x71: {  	[tilespmem:s12+$0x160] =	vst.add.f32.msk $0xffff, v23  }
0x72: {  	[tilespmem:s12+$0x150] =	vst.add.f32.msk $0xffff, v22  }
0x73: {  	[tilespmem:s12+$0x140] =	vst.add.f32.msk $0xffff, v21  }
0x74: {  	[tilespmem:s12+$0x130] =	vst.add.f32.msk $0xffff, v20  }
0x75: {  	[tilespmem:s12+$0x120] =	vst.add.f32.msk $0xffff, v19  }
0x76: {  	[tilespmem:s12+$0x110] =	vst.add.f32.msk $0xffff, v17  }
0x77: {  	[tilespmem:s12+$0x100] =	vst.add.f32.msk $0xffff, v18  }
0x78: {  	[tilespmem:s12+$0xF0] =	vst.add.f32.msk $0xffff, v24  }
0x79: {  	[tilespmem:s12+$0xE0] =	vst.add.f32.msk $0xffff, v23  }
0x7a: {  	[tilespmem:s12+$0xD0] =	vst.add.f32.msk $0xffff, v22  }
0x7b: {  	[tilespmem:s12+$0xC0] =	vst.add.f32.msk $0xffff, v21  }
0x7c: {  	[tilespmem:s12+$0xB0] =	vst.add.f32.msk $0xffff, v20  }
0x7d: {  	[tilespmem:s12+$0xA0] =	vst.add.f32.msk $0xffff, v19  }
0x7e: {  	[tilespmem:s12+$0x90] =	vst.add.f32.msk $0xffff, v17  }
0x7f: {  	[tilespmem:s12+$0x80] =	vst.add.f32.msk $0xffff, v18  }
0x80: {  	[tilespmem:s12+$0x70] =	vst.add.f32.msk $0xffff, v24  }
.Ltmp1:
0x81: {  	[tilespmem:s12+$0x60] =	vst.add.f32.msk $0xffff, v23;
	(pc) =	sbr.rel @p0 .LBB2_4-.Ltmp1, $4  }
0x82: {  	[tilespmem:s12+$0x50] =	vst.add.f32.msk $0xffff, v22  }
0x83: {  	[tilespmem:s12+$0x40] =	vst.add.f32.msk $0xffff, v21  }
0x84: {  	[tilespmem:s12+$0x30] =	vst.add.f32.msk $0xffff, v20  }
0x85: {  	[tilespmem:s12+$0x20] =	vst.add.f32.msk $0xffff, v19  }
0x86: {  	s13 =	sadd.s32 $0xFFFFFFFD, s21  }
0x87: {  	s15 =	sshrl.u32 s13, $0x4  }
0x88: {  	s13 =	sshll.u32 s13, $0xF;
	s31 =	sadd.s32 s5, s15  }
0x89: {  	s13 =	sand.u32 $0x68000, s13;
	v18 =	vmov s31  }
0x8a: {  	[tilespmem:s12+$0x10] =	vst.add.f32.msk $0xffff, v17;
	s12 =	simm.s32 $0xC800;
	s17 =	simm.s32 $0x14A00;
	v17 =	vadd.s32 s13, v18  }
0x8b: {  	[hbm4b:s3+s11] =	stream.indirect.scatter [tilespmem:s12], [sflag:$0xD], $0x80, s17, s11, $0xb8;
	v17 =	vbroadcast v17, $0x0;
	[tilespmem:$0x14C00] =	vst v63  }
0x8c: {  	s31 =	sadd.s32 s13, s31  }
0x8d: {  	s13 =	sadd.s32 $0x2000, s31;
	v17 =	vadd.s32 v0, v17  }
0x8e: {  	s17 =	sadd.s32 $0x4000, s31;
	[tilespmem:$0x14A80] =	vst v17;
	v17 =	vadd.s32 s13, v0  }
0x8f: {  	s12 =	sadd.s32 $0x6000, s31;
	[tilespmem:$0x14A90] =	vst v17;
	v17 =	vadd.s32 s17, v0  }
0x90: {  	s31 =	sshll.u32 s15, $0x9;
	[tilespmem:$0x14AA0] =	vst v17;
	v17 =	vadd.s32 s12, v0  }
0x91: {  	s12 =	sshra.s32 s31, $0x2;
	[tilespmem:$0x14AB0] =	vst v17  }
0x92: {  	v18 =	vld [tilespmem:s12+$0x4000]  }
0x93: {  	v17 =	vld [tilespmem:s12+$0x4010]  }
0x94: {  	v19 =	vld [tilespmem:s12+$0x4020]  }
0x95: {  	v20 =	vld [tilespmem:s12+$0x4030]  }
0x96: {  	v21 =	vld [tilespmem:s12+$0x4040]  }
0x97: {  	v22 =	vld [tilespmem:s12+$0x4050]  }
0x98: {  	v24 =	vld [tilespmem:s12+$0x4070]  }
0x99: {  	v23 =	vld [tilespmem:s12+$0x4060];
	_ =	swait.ge [sflag:s2], $0x2000  }
0x9a: {  	[sflag:s2] =	ssyncset.done $0x0  }
0x9b: {  	s12 =	simm.s32 $0xE800;
	[sflag:s2] =	ssyncadd.s32 $0xFFFFE000  }
0x9c: {  	[tilespmem:s12+$0x0] =	vst.add.f32.msk $0xffff, v18  }
0x9d: {  	[tilespmem:s12+$0x1F0] =	vst.add.f32.msk $0xffff, v24  }
0x9e: {  	[tilespmem:s12+$0x1E0] =	vst.add.f32.msk $0xffff, v23  }
0x9f: {  	[tilespmem:s12+$0x1D0] =	vst.add.f32.msk $0xffff, v22  }
0xa0: {  	[tilespmem:s12+$0x1C0] =	vst.add.f32.msk $0xffff, v21  }
0xa1: {  	[tilespmem:s12+$0x1B0] =	vst.add.f32.msk $0xffff, v20  }
0xa2: {  	[tilespmem:s12+$0x1A0] =	vst.add.f32.msk $0xffff, v19  }
0xa3: {  	[tilespmem:s12+$0x190] =	vst.add.f32.msk $0xffff, v17  }
0xa4: {  	[tilespmem:s12+$0x180] =	vst.add.f32.msk $0xffff, v18  }
0xa5: {  	[tilespmem:s12+$0x170] =	vst.add.f32.msk $0xffff, v24  }
0xa6: {  	[tilespmem:s12+$0x160] =	vst.add.f32.msk $0xffff, v23  }
0xa7: {  	[tilespmem:s12+$0x150] =	vst.add.f32.msk $0xffff, v22  }
0xa8: {  	[tilespmem:s12+$0x140] =	vst.add.f32.msk $0xffff, v21  }
0xa9: {  	[tilespmem:s12+$0x130] =	vst.add.f32.msk $0xffff, v20  }
0xaa: {  	[tilespmem:s12+$0x120] =	vst.add.f32.msk $0xffff, v19  }
0xab: {  	[tilespmem:s12+$0x110] =	vst.add.f32.msk $0xffff, v17  }
0xac: {  	[tilespmem:s12+$0x100] =	vst.add.f32.msk $0xffff, v18  }
0xad: {  	[tilespmem:s12+$0xF0] =	vst.add.f32.msk $0xffff, v24  }
0xae: {  	[tilespmem:s12+$0xE0] =	vst.add.f32.msk $0xffff, v23  }
0xaf: {  	[tilespmem:s12+$0xD0] =	vst.add.f32.msk $0xffff, v22  }
0xb0: {  	[tilespmem:s12+$0xC0] =	vst.add.f32.msk $0xffff, v21  }
0xb1: {  	[tilespmem:s12+$0xB0] =	vst.add.f32.msk $0xffff, v20  }
0xb2: {  	[tilespmem:s12+$0xA0] =	vst.add.f32.msk $0xffff, v19  }
0xb3: {  	[tilespmem:s12+$0x90] =	vst.add.f32.msk $0xffff, v17  }
0xb4: {  	[tilespmem:s12+$0x80] =	vst.add.f32.msk $0xffff, v18  }
0xb5: {  	[tilespmem:s12+$0x70] =	vst.add.f32.msk $0xffff, v24  }
0xb6: {  	[tilespmem:s12+$0x60] =	vst.add.f32.msk $0xffff, v23  }
0xb7: {  	[tilespmem:s12+$0x50] =	vst.add.f32.msk $0xffff, v22  }
0xb8: {  	[tilespmem:s12+$0x40] =	vst.add.f32.msk $0xffff, v21  }
0xb9: {  	[tilespmem:s12+$0x30] =	vst.add.f32.msk $0xffff, v20  }
0xba: {  	s13 =	simm.s32 $0x0;
	[tilespmem:s12+$0x20] =	vst.add.f32.msk $0xffff, v19  }
.LBB2_6:
0xbb: {  	s13 =	sadd.s32 $0x4, s13;
	[tilespmem:s12+$0x10] =	vst.add.f32.msk $0xffff, v17;
	s12 =	sadd.s32 $0x200, s12  }
0xbc: {  	[tilespmem:s12+$0x0] =	vst.add.f32.msk $0xffff, v18;
	p0 =	slt.u32 s13, $0x3C  }
0xbd: {  	[tilespmem:s12+$0x1F0] =	vst.add.f32.msk $0xffff, v24  }
0xbe: {  	[tilespmem:s12+$0x1E0] =	vst.add.f32.msk $0xffff, v23  }
0xbf: {  	[tilespmem:s12+$0x1D0] =	vst.add.f32.msk $0xffff, v22  }
0xc0: {  	[tilespmem:s12+$0x1C0] =	vst.add.f32.msk $0xffff, v21  }
0xc1: {  	[tilespmem:s12+$0x1B0] =	vst.add.f32.msk $0xffff, v20  }
0xc2: {  	[tilespmem:s12+$0x1A0] =	vst.add.f32.msk $0xffff, v19  }
0xc3: {  	[tilespmem:s12+$0x190] =	vst.add.f32.msk $0xffff, v17  }
0xc4: {  	[tilespmem:s12+$0x180] =	vst.add.f32.msk $0xffff, v18  }
0xc5: {  	[tilespmem:s12+$0x170] =	vst.add.f32.msk $0xffff, v24  }
0xc6: {  	[tilespmem:s12+$0x160] =	vst.add.f32.msk $0xffff, v23  }
0xc7: {  	[tilespmem:s12+$0x150] =	vst.add.f32.msk $0xffff, v22  }
0xc8: {  	[tilespmem:s12+$0x140] =	vst.add.f32.msk $0xffff, v21  }
0xc9: {  	[tilespmem:s12+$0x130] =	vst.add.f32.msk $0xffff, v20  }
0xca: {  	[tilespmem:s12+$0x120] =	vst.add.f32.msk $0xffff, v19  }
0xcb: {  	[tilespmem:s12+$0x110] =	vst.add.f32.msk $0xffff, v17  }
0xcc: {  	[tilespmem:s12+$0x100] =	vst.add.f32.msk $0xffff, v18  }
0xcd: {  	[tilespmem:s12+$0xF0] =	vst.add.f32.msk $0xffff, v24  }
0xce: {  	[tilespmem:s12+$0xE0] =	vst.add.f32.msk $0xffff, v23  }
0xcf: {  	[tilespmem:s12+$0xD0] =	vst.add.f32.msk $0xffff, v22  }
0xd0: {  	[tilespmem:s12+$0xC0] =	vst.add.f32.msk $0xffff, v21  }
0xd1: {  	[tilespmem:s12+$0xB0] =	vst.add.f32.msk $0xffff, v20  }
0xd2: {  	[tilespmem:s12+$0xA0] =	vst.add.f32.msk $0xffff, v19  }
0xd3: {  	[tilespmem:s12+$0x90] =	vst.add.f32.msk $0xffff, v17  }
0xd4: {  	[tilespmem:s12+$0x80] =	vst.add.f32.msk $0xffff, v18  }
0xd5: {  	[tilespmem:s12+$0x70] =	vst.add.f32.msk $0xffff, v24  }
.Ltmp2:
0xd6: {  	[tilespmem:s12+$0x60] =	vst.add.f32.msk $0xffff, v23;
	(pc) =	sbr.rel @p0 .LBB2_6-.Ltmp2, $4  }
0xd7: {  	[tilespmem:s12+$0x50] =	vst.add.f32.msk $0xffff, v22  }
0xd8: {  	[tilespmem:s12+$0x40] =	vst.add.f32.msk $0xffff, v21  }
0xd9: {  	[tilespmem:s12+$0x30] =	vst.add.f32.msk $0xffff, v20  }
0xda: {  	[tilespmem:s12+$0x20] =	vst.add.f32.msk $0xffff, v19  }
0xdb: {  	s13 =	sadd.s32 $0xFFFFFFFE, s21  }
0xdc: {  	s15 =	sshrl.u32 s13, $0x4  }
0xdd: {  	s13 =	sshll.u32 s13, $0xF;
	s31 =	sadd.s32 s5, s15  }
0xde: {  	s13 =	sand.u32 $0x70000, s13;
	v18 =	vmov s31  }
0xdf: {  	[tilespmem:s12+$0x10] =	vst.add.f32.msk $0xffff, v17;
	s12 =	simm.s32 $0xE800;
	s17 =	simm.s32 $0x14A80;
	v17 =	vadd.s32 s13, v18  }
0xe0: {  	[hbm4b:s3+s11] =	stream.indirect.scatter [tilespmem:s12], [sflag:$0xE], $0x80, s17, s11, $0xb8;
	v17 =	vbroadcast v17, $0x0;
	[tilespmem:$0x14C00] =	vst v63  }
0xe1: {  	s31 =	sadd.s32 s13, s31  }
0xe2: {  	s13 =	sadd.s32 $0x2000, s31;
	v17 =	vadd.s32 v0, v17  }
0xe3: {  	s17 =	sadd.s32 $0x4000, s31;
	[tilespmem:$0x14B00] =	vst v17;
	v17 =	vadd.s32 s13, v0  }
0xe4: {  	s12 =	sadd.s32 $0x6000, s31;
	[tilespmem:$0x14B10] =	vst v17;
	v17 =	vadd.s32 s17, v0  }
0xe5: {  	s31 =	sshll.u32 s15, $0x9;
	[tilespmem:$0x14B20] =	vst v17;
	v17 =	vadd.s32 s12, v0  }
0xe6: {  	s12 =	sshra.s32 s31, $0x2;
	[tilespmem:$0x14B30] =	vst v17  }
0xe7: {  	v18 =	vld [tilespmem:s12+$0x4000]  }
0xe8: {  	v17 =	vld [tilespmem:s12+$0x4010]  }
0xe9: {  	v19 =	vld [tilespmem:s12+$0x4020]  }
0xea: {  	v20 =	vld [tilespmem:s12+$0x4030]  }
0xeb: {  	v21 =	vld [tilespmem:s12+$0x4040]  }
0xec: {  	v22 =	vld [tilespmem:s12+$0x4050]  }
0xed: {  	v24 =	vld [tilespmem:s12+$0x4070]  }
0xee: {  	v23 =	vld [tilespmem:s12+$0x4060];
	_ =	swait.ge [sflag:s4], $0x2000  }
0xef: {  	[sflag:s4] =	ssyncset.done $0x0  }
0xf0: {  	s12 =	simm.s32 $0x10800;
	[sflag:s4] =	ssyncadd.s32 $0xFFFFE000  }
0xf1: {  	[tilespmem:s12+$0x0] =	vst.add.f32.msk $0xffff, v18  }
0xf2: {  	[tilespmem:s12+$0x1F0] =	vst.add.f32.msk $0xffff, v24  }
0xf3: {  	[tilespmem:s12+$0x1E0] =	vst.add.f32.msk $0xffff, v23  }
0xf4: {  	[tilespmem:s12+$0x1D0] =	vst.add.f32.msk $0xffff, v22  }
0xf5: {  	[tilespmem:s12+$0x1C0] =	vst.add.f32.msk $0xffff, v21  }
0xf6: {  	[tilespmem:s12+$0x1B0] =	vst.add.f32.msk $0xffff, v20  }
0xf7: {  	[tilespmem:s12+$0x1A0] =	vst.add.f32.msk $0xffff, v19  }
0xf8: {  	[tilespmem:s12+$0x190] =	vst.add.f32.msk $0xffff, v17  }
0xf9: {  	[tilespmem:s12+$0x180] =	vst.add.f32.msk $0xffff, v18  }
0xfa: {  	[tilespmem:s12+$0x170] =	vst.add.f32.msk $0xffff, v24  }
0xfb: {  	[tilespmem:s12+$0x160] =	vst.add.f32.msk $0xffff, v23  }
0xfc: {  	[tilespmem:s12+$0x150] =	vst.add.f32.msk $0xffff, v22  }
0xfd: {  	[tilespmem:s12+$0x140] =	vst.add.f32.msk $0xffff, v21  }
0xfe: {  	[tilespmem:s12+$0x130] =	vst.add.f32.msk $0xffff, v20  }
0xff: {  	[tilespmem:s12+$0x120] =	vst.add.f32.msk $0xffff, v19  }
0x100: {  	[tilespmem:s12+$0x110] =	vst.add.f32.msk $0xffff, v17  }
0x101: {  	[tilespmem:s12+$0x100] =	vst.add.f32.msk $0xffff, v18  }
0x102: {  	[tilespmem:s12+$0xF0] =	vst.add.f32.msk $0xffff, v24  }
0x103: {  	[tilespmem:s12+$0xE0] =	vst.add.f32.msk $0xffff, v23  }
0x104: {  	[tilespmem:s12+$0xD0] =	vst.add.f32.msk $0xffff, v22  }
0x105: {  	[tilespmem:s12+$0xC0] =	vst.add.f32.msk $0xffff, v21  }
0x106: {  	[tilespmem:s12+$0xB0] =	vst.add.f32.msk $0xffff, v20  }
0x107: {  	[tilespmem:s12+$0xA0] =	vst.add.f32.msk $0xffff, v19  }
0x108: {  	[tilespmem:s12+$0x90] =	vst.add.f32.msk $0xffff, v17  }
0x109: {  	[tilespmem:s12+$0x80] =	vst.add.f32.msk $0xffff, v18  }
0x10a: {  	[tilespmem:s12+$0x70] =	vst.add.f32.msk $0xffff, v24  }
0x10b: {  	[tilespmem:s12+$0x60] =	vst.add.f32.msk $0xffff, v23  }
0x10c: {  	[tilespmem:s12+$0x50] =	vst.add.f32.msk $0xffff, v22  }
0x10d: {  	[tilespmem:s12+$0x40] =	vst.add.f32.msk $0xffff, v21  }
0x10e: {  	[tilespmem:s12+$0x30] =	vst.add.f32.msk $0xffff, v20  }
0x10f: {  	s13 =	simm.s32 $0x0;
	[tilespmem:s12+$0x20] =	vst.add.f32.msk $0xffff, v19  }
.LBB2_8:
0x110: {  	s13 =	sadd.s32 $0x4, s13;
	[tilespmem:s12+$0x10] =	vst.add.f32.msk $0xffff, v17;
	s12 =	sadd.s32 $0x200, s12  }
0x111: {  	[tilespmem:s12+$0x0] =	vst.add.f32.msk $0xffff, v18;
	p0 =	slt.u32 s13, $0x3C  }
0x112: {  	[tilespmem:s12+$0x1F0] =	vst.add.f32.msk $0xffff, v24  }
0x113: {  	[tilespmem:s12+$0x1E0] =	vst.add.f32.msk $0xffff, v23  }
0x114: {  	[tilespmem:s12+$0x1D0] =	vst.add.f32.msk $0xffff, v22  }
0x115: {  	[tilespmem:s12+$0x1C0] =	vst.add.f32.msk $0xffff, v21  }
0x116: {  	[tilespmem:s12+$0x1B0] =	vst.add.f32.msk $0xffff, v20  }
0x117: {  	[tilespmem:s12+$0x1A0] =	vst.add.f32.msk $0xffff, v19  }
0x118: {  	[tilespmem:s12+$0x190] =	vst.add.f32.msk $0xffff, v17  }
0x119: {  	[tilespmem:s12+$0x180] =	vst.add.f32.msk $0xffff, v18  }
0x11a: {  	[tilespmem:s12+$0x170] =	vst.add.f32.msk $0xffff, v24  }
0x11b: {  	[tilespmem:s12+$0x160] =	vst.add.f32.msk $0xffff, v23  }
0x11c: {  	[tilespmem:s12+$0x150] =	vst.add.f32.msk $0xffff, v22  }
0x11d: {  	[tilespmem:s12+$0x140] =	vst.add.f32.msk $0xffff, v21  }
0x11e: {  	[tilespmem:s12+$0x130] =	vst.add.f32.msk $0xffff, v20  }
0x11f: {  	[tilespmem:s12+$0x120] =	vst.add.f32.msk $0xffff, v19  }
0x120: {  	[tilespmem:s12+$0x110] =	vst.add.f32.msk $0xffff, v17  }
0x121: {  	[tilespmem:s12+$0x100] =	vst.add.f32.msk $0xffff, v18  }
0x122: {  	[tilespmem:s12+$0xF0] =	vst.add.f32.msk $0xffff, v24  }
0x123: {  	[tilespmem:s12+$0xE0] =	vst.add.f32.msk $0xffff, v23  }
0x124: {  	[tilespmem:s12+$0xD0] =	vst.add.f32.msk $0xffff, v22  }
0x125: {  	[tilespmem:s12+$0xC0] =	vst.add.f32.msk $0xffff, v21  }
0x126: {  	[tilespmem:s12+$0xB0] =	vst.add.f32.msk $0xffff, v20  }
0x127: {  	[tilespmem:s12+$0xA0] =	vst.add.f32.msk $0xffff, v19  }
0x128: {  	[tilespmem:s12+$0x90] =	vst.add.f32.msk $0xffff, v17  }
0x129: {  	[tilespmem:s12+$0x80] =	vst.add.f32.msk $0xffff, v18  }
0x12a: {  	[tilespmem:s12+$0x70] =	vst.add.f32.msk $0xffff, v24  }
.Ltmp3:
0x12b: {  	[tilespmem:s12+$0x60] =	vst.add.f32.msk $0xffff, v23;
	(pc) =	sbr.rel @p0 .LBB2_8-.Ltmp3, $4  }
0x12c: {  	[tilespmem:s12+$0x50] =	vst.add.f32.msk $0xffff, v22  }
0x12d: {  	[tilespmem:s12+$0x40] =	vst.add.f32.msk $0xffff, v21  }
0x12e: {  	[tilespmem:s12+$0x30] =	vst.add.f32.msk $0xffff, v20  }
0x12f: {  	[tilespmem:s12+$0x20] =	vst.add.f32.msk $0xffff, v19  }
0x130: {  	s13 =	sadd.s32 $0xFFFFFFFF, s21  }
0x131: {  	s15 =	sshrl.u32 s13, $0x4  }
0x132: {  	s13 =	sshll.u32 s13, $0xF;
	s21 =	sadd.s32 s5, s15  }
0x133: {  	s13 =	sand.u32 $0x78000, s13;
	v18 =	vmov s21  }
0x134: {  	[tilespmem:s12+$0x10] =	vst.add.f32.msk $0xffff, v17;
	s12 =	simm.s32 $0x10800;
	s17 =	simm.s32 $0x14B00;
	v17 =	vadd.s32 s13, v18  }
0x135: {  	[hbm4b:s3+s11] =	stream.indirect.scatter [tilespmem:s12], [sflag:$0xF], $0x80, s17, s11, $0xb8;
	v17 =	vbroadcast v17, $0x0;
	[tilespmem:$0x14C00] =	vst v63  }
0x136: {  	s21 =	sadd.s32 s13, s21  }
0x137: {  	s13 =	sadd.s32 $0x2000, s21;
	v17 =	vadd.s32 v0, v17  }
0x138: {  	s17 =	sadd.s32 $0x4000, s21;
	[tilespmem:$0x14B80] =	vst v17;
	v17 =	vadd.s32 s13, v0  }
0x139: {  	s12 =	sadd.s32 $0x6000, s21;
	[tilespmem:$0x14B90] =	vst v17;
	v17 =	vadd.s32 s17, v0  }
0x13a: {  	s21 =	sshll.u32 s15, $0x9;
	[tilespmem:$0x14BA0] =	vst v17;
	v17 =	vadd.s32 s12, v0  }
0x13b: {  	s12 =	sshra.s32 s21, $0x2;
	[tilespmem:$0x14BB0] =	vst v17  }
0x13c: {  	v18 =	vld [tilespmem:s12+$0x4000]  }
0x13d: {  	v17 =	vld [tilespmem:s12+$0x4010]  }
0x13e: {  	v19 =	vld [tilespmem:s12+$0x4020]  }
0x13f: {  	v20 =	vld [tilespmem:s12+$0x4030]  }
0x140: {  	v21 =	vld [tilespmem:s12+$0x4040]  }
0x141: {  	v22 =	vld [tilespmem:s12+$0x4050]  }
0x142: {  	v24 =	vld [tilespmem:s12+$0x4070]  }
0x143: {  	v23 =	vld [tilespmem:s12+$0x4060];
	_ =	swait.ge [sflag:s7], $0x2000  }
0x144: {  	[sflag:s7] =	ssyncset.done $0x0  }
0x145: {  	s12 =	simm.s32 $0x12800;
	[sflag:s7] =	ssyncadd.s32 $0xFFFFE000  }
0x146: {  	[tilespmem:s12+$0x0] =	vst.add.f32.msk $0xffff, v18  }
0x147: {  	[tilespmem:s12+$0x1F0] =	vst.add.f32.msk $0xffff, v24  }
0x148: {  	[tilespmem:s12+$0x1E0] =	vst.add.f32.msk $0xffff, v23  }
0x149: {  	[tilespmem:s12+$0x1D0] =	vst.add.f32.msk $0xffff, v22  }
0x14a: {  	[tilespmem:s12+$0x1C0] =	vst.add.f32.msk $0xffff, v21  }
0x14b: {  	[tilespmem:s12+$0x1B0] =	vst.add.f32.msk $0xffff, v20  }
0x14c: {  	[tilespmem:s12+$0x1A0] =	vst.add.f32.msk $0xffff, v19  }
0x14d: {  	[tilespmem:s12+$0x190] =	vst.add.f32.msk $0xffff, v17  }
0x14e: {  	[tilespmem:s12+$0x180] =	vst.add.f32.msk $0xffff, v18  }
0x14f: {  	[tilespmem:s12+$0x170] =	vst.add.f32.msk $0xffff, v24  }
0x150: {  	[tilespmem:s12+$0x160] =	vst.add.f32.msk $0xffff, v23  }
0x151: {  	[tilespmem:s12+$0x150] =	vst.add.f32.msk $0xffff, v22  }
0x152: {  	[tilespmem:s12+$0x140] =	vst.add.f32.msk $0xffff, v21  }
0x153: {  	[tilespmem:s12+$0x130] =	vst.add.f32.msk $0xffff, v20  }
0x154: {  	[tilespmem:s12+$0x120] =	vst.add.f32.msk $0xffff, v19  }
0x155: {  	[tilespmem:s12+$0x110] =	vst.add.f32.msk $0xffff, v17  }
0x156: {  	[tilespmem:s12+$0x100] =	vst.add.f32.msk $0xffff, v18  }
0x157: {  	[tilespmem:s12+$0xF0] =	vst.add.f32.msk $0xffff, v24  }
0x158: {  	[tilespmem:s12+$0xE0] =	vst.add.f32.msk $0xffff, v23  }
0x159: {  	[tilespmem:s12+$0xD0] =	vst.add.f32.msk $0xffff, v22  }
0x15a: {  	[tilespmem:s12+$0xC0] =	vst.add.f32.msk $0xffff, v21  }
0x15b: {  	[tilespmem:s12+$0xB0] =	vst.add.f32.msk $0xffff, v20  }
0x15c: {  	[tilespmem:s12+$0xA0] =	vst.add.f32.msk $0xffff, v19  }
0x15d: {  	[tilespmem:s12+$0x90] =	vst.add.f32.msk $0xffff, v17  }
0x15e: {  	[tilespmem:s12+$0x80] =	vst.add.f32.msk $0xffff, v18  }
0x15f: {  	[tilespmem:s12+$0x70] =	vst.add.f32.msk $0xffff, v24  }
0x160: {  	[tilespmem:s12+$0x60] =	vst.add.f32.msk $0xffff, v23  }
0x161: {  	[tilespmem:s12+$0x50] =	vst.add.f32.msk $0xffff, v22  }
0x162: {  	[tilespmem:s12+$0x40] =	vst.add.f32.msk $0xffff, v21  }
0x163: {  	[tilespmem:s12+$0x30] =	vst.add.f32.msk $0xffff, v20  }
0x164: {  	s31 =	simm.s32 $0x6800;
	s13 =	simm.s32 $0x0;
	s17 =	simm.s32 $0xA800;
	[tilespmem:s12+$0x20] =	vst.add.f32.msk $0xffff, v19  }
.LBB2_10:
0x165: {  	s13 =	sadd.s32 $0x4, s13;
	[tilespmem:s12+$0x10] =	vst.add.f32.msk $0xffff, v17;
	s12 =	sadd.s32 $0x200, s12  }
0x166: {  	[tilespmem:s12+$0x0] =	vst.add.f32.msk $0xffff, v18;
	p0 =	slt.u32 s13, $0x3C  }
0x167: {  	[tilespmem:s12+$0x1F0] =	vst.add.f32.msk $0xffff, v24  }
0x168: {  	[tilespmem:s12+$0x1E0] =	vst.add.f32.msk $0xffff, v23  }
0x169: {  	[tilespmem:s12+$0x1D0] =	vst.add.f32.msk $0xffff, v22  }
0x16a: {  	[tilespmem:s12+$0x1C0] =	vst.add.f32.msk $0xffff, v21  }
0x16b: {  	[tilespmem:s12+$0x1B0] =	vst.add.f32.msk $0xffff, v20  }
0x16c: {  	[tilespmem:s12+$0x1A0] =	vst.add.f32.msk $0xffff, v19  }
0x16d: {  	[tilespmem:s12+$0x190] =	vst.add.f32.msk $0xffff, v17  }
0x16e: {  	[tilespmem:s12+$0x180] =	vst.add.f32.msk $0xffff, v18  }
0x16f: {  	[tilespmem:s12+$0x170] =	vst.add.f32.msk $0xffff, v24  }
0x170: {  	[tilespmem:s12+$0x160] =	vst.add.f32.msk $0xffff, v23  }
0x171: {  	[tilespmem:s12+$0x150] =	vst.add.f32.msk $0xffff, v22  }
0x172: {  	[tilespmem:s12+$0x140] =	vst.add.f32.msk $0xffff, v21  }
0x173: {  	[tilespmem:s12+$0x130] =	vst.add.f32.msk $0xffff, v20  }
0x174: {  	[tilespmem:s12+$0x120] =	vst.add.f32.msk $0xffff, v19  }
0x175: {  	[tilespmem:s12+$0x110] =	vst.add.f32.msk $0xffff, v17  }
0x176: {  	[tilespmem:s12+$0x100] =	vst.add.f32.msk $0xffff, v18  }
0x177: {  	[tilespmem:s12+$0xF0] =	vst.add.f32.msk $0xffff, v24  }
0x178: {  	[tilespmem:s12+$0xE0] =	vst.add.f32.msk $0xffff, v23  }
0x179: {  	[tilespmem:s12+$0xD0] =	vst.add.f32.msk $0xffff, v22  }
0x17a: {  	[tilespmem:s12+$0xC0] =	vst.add.f32.msk $0xffff, v21  }
0x17b: {  	[tilespmem:s12+$0xB0] =	vst.add.f32.msk $0xffff, v20  }
0x17c: {  	[tilespmem:s12+$0xA0] =	vst.add.f32.msk $0xffff, v19  }
0x17d: {  	[tilespmem:s12+$0x90] =	vst.add.f32.msk $0xffff, v17  }
0x17e: {  	[tilespmem:s12+$0x80] =	vst.add.f32.msk $0xffff, v18  }
0x17f: {  	[tilespmem:s12+$0x70] =	vst.add.f32.msk $0xffff, v24  }
.Ltmp4:
0x180: {  	[tilespmem:s12+$0x60] =	vst.add.f32.msk $0xffff, v23;
	(pc) =	sbr.rel @p0 .LBB2_10-.Ltmp4, $4  }
0x181: {  	[tilespmem:s12+$0x50] =	vst.add.f32.msk $0xffff, v22  }
0x182: {  	[tilespmem:s12+$0x40] =	vst.add.f32.msk $0xffff, v21  }
0x183: {  	[tilespmem:s12+$0x30] =	vst.add.f32.msk $0xffff, v20  }
0x184: {  	[tilespmem:s12+$0x20] =	vst.add.f32.msk $0xffff, v19  }
0x185: {  	[tilespmem:s12+$0x10] =	vst.add.f32.msk $0xffff, v17;
	s15 =	simm.s32 $0x12800;
	s13 =	simm.s32 $0x14B80  }
0x186: {  	[hbm4b:s3+s11] =	stream.indirect.scatter [tilespmem:s15], [sflag:$0x10], $0x80, s13, s11, $0xb8;
	[tilespmem:$0x14C00] =	vst v63  }
0x187: {  	_ =	swait.ge [sflag:s10], $0x2000  }
0x188: {  	[sflag:s10] =	ssyncset.done $0x0  }
0x189: {  	[sflag:s10] =	ssyncadd.s32 $0xFFFFE000  }
0x18a: {  	_ =	swait.ge [sflag:s6], $0x2000  }
0x18b: {  	[sflag:s6] =	ssyncset.done $0x0  }
0x18c: {  	[sflag:s6] =	ssyncadd.s32 $0xFFFFE000  }
0x18d: {  	_ =	swait.ge [sflag:s8], $0x2000  }
.Ltmp5:
0x18e: {  	[sflag:s8] =	ssyncset.done $0x0;
	(pc) =	sbr.rel .LBB2_13-.Ltmp5, $4  }
0x18f: {  	[sflag:s8] =	ssyncadd.s32 $0xFFFFE000  }
0x190: {  	s21 =	sshll.u32 s25, $0x12;
	_ =	swait.ge [sflag:s23], $0x2000  }
0x191: {  	s13 =	sor.u32 s5, s20;
	s20 =	simm.s32 $0x12800;
	[sflag:s23] =	ssyncset.done $0x0  }
0x192: {  	s12 =	sand.u32 $0x40000, s21;
	s21 =	simm.s32 $0x4800;
	[sflag:s23] =	ssyncadd.s32 $0xFFFFE000  }
.LBB2_12:
0x193: {  	s12 =	simm.s32 $0x0  }
0x194: {  	[tilespmem:s21], [sflag:$0x1] =	stream.indirect.gather [hbm4b:s1+s11], $0x80, s12, s11, $0xb8;
	[tilespmem:$0x14C00] =	vst v63  }
0x195: {  	_ = 	snop  }
0x196: {  	[tilespmem:s31], [sflag:$0x2] =	stream.indirect.gather [hbm4b:s1+s11], $0x80, s11, s11, $0xb8;
	[tilespmem:$0x14C00] =	vst v63  }
0x197: {  	s13 =	simm.s32 $0x400;
	s15 =	simm.s32 $0x8800  }
0x198: {  	[tilespmem:s15], [sflag:$0x3] =	stream.indirect.gather [hbm4b:s1+s11], $0x80, s13, s11, $0xb8;
	[tilespmem:$0x14C00] =	vst v63  }
0x199: {  	s19 =	simm.s32 $0x440;
	s18 =	simm.s32 $0x0;
	s28 =	simm.s32 $0x0  }
0x19a: {  	[tilespmem:s17], [sflag:$0x4] =	stream.indirect.gather [hbm4b:s1+s11], $0x80, s19, s11, $0xb8;
	[tilespmem:$0x14C00] =	vst v63  }
0x19b: {  	s30 =	simm.s32 $0x0;
	s13 =	smov.u32 s5;
	s19 =	simm.s32 $0x0  }
.LBB2_13:
0x19c: {  	s15 =	sadd.s32 s30, s19  }
0x19d: {  	s15 =	sadd.s32 s18, s15  }
0x19e: {  	s30 =	simm.s32 $0xC800;
	s18 =	sadd.s32 $0x800, s15  }
0x19f: {  	[tilespmem:s30], [sflag:$0x5] =	stream.indirect.gather [hbm4b:s1+s11], $0x80, s18, s11, $0xb8;
	[tilespmem:$0x14C00] =	vst v63  }
0x1a0: {  	s19 =	sadd.s32 $0x840, s15;
	s30 =	simm.s32 $0xE800  }
0x1a1: {  	[tilespmem:s30], [sflag:$0x6] =	stream.indirect.gather [hbm4b:s1+s11], $0x80, s19, s11, $0xb8;
	[tilespmem:$0x14C00] =	vst v63  }
0x1a2: {  	s18 =	sor.u32 s13, s12;
	s19 =	sadd.s32 $0xC00, s15;
	s30 =	simm.s32 $0x10800  }
0x1a3: {  	[tilespmem:s30], [sflag:$0x7] =	stream.indirect.gather [hbm4b:s1+s11], $0x80, s19, s11, $0xb8;
	[tilespmem:$0x14C00] =	vst v63  }
0x1a4: {  	s12 =	sor.u32 $0x2000, s18;
	s15 =	sadd.s32 $0xC40, s15  }
0x1a5: {  	v17 =	vor.u32 s18, v0;
	[tilespmem:s20], [sflag:$0x8] =	stream.indirect.gather [hbm4b:s1+s11], $0x80, s15, s11, $0xb8;
	[tilespmem:$0x14C00] =	vst v63  }
0x1a6: {  	s19 =	sor.u32 $0x4000, s18;
	[tilespmem:$0x14800] =	vst v17;
	v17 =	vor.u32 s12, v0  }
0x1a7: {  	s30 =	sor.u32 $0x6000, s18;
	[tilespmem:$0x14810] =	vst v17;
	v17 =	vor.u32 s19, v0  }
0x1a8: {  	[tilespmem:$0x14820] =	vst v17;
	v17 =	vor.u32 s30, v0  }
0x1a9: {  	[tilespmem:$0x14830] =	vst v17  }
0x1aa: {  	v18 =	vld [tilespmem:s28+$0x4000]  }
0x1ab: {  	v17 =	vld [tilespmem:s28+$0x4010]  }
0x1ac: {  	v19 =	vld [tilespmem:s28+$0x4020]  }
0x1ad: {  	v20 =	vld [tilespmem:s28+$0x4030]  }
0x1ae: {  	v21 =	vld [tilespmem:s28+$0x4040]  }
0x1af: {  	v22 =	vld [tilespmem:s28+$0x4050]  }
0x1b0: {  	v24 =	vld [tilespmem:s28+$0x4070]  }
0x1b1: {  	v23 =	vld [tilespmem:s28+$0x4060];
	_ =	swait.ge [sflag:s22], $0x2000  }
0x1b2: {  	[sflag:s22] =	ssyncset.done $0x0  }
0x1b3: {  	s12 =	simm.s32 $0x4800;
	[sflag:s22] =	ssyncadd.s32 $0xFFFFE000  }
0x1b4: {  	[tilespmem:s12+$0x0] =	vst.add.f32.msk $0xffff, v18  }
0x1b5: {  	[tilespmem:s12+$0x1F0] =	vst.add.f32.msk $0xffff, v24  }
0x1b6: {  	[tilespmem:s12+$0x1E0] =	vst.add.f32.msk $0xffff, v23  }
0x1b7: {  	[tilespmem:s12+$0x1D0] =	vst.add.f32.msk $0xffff, v22  }
0x1b8: {  	[tilespmem:s12+$0x1C0] =	vst.add.f32.msk $0xffff, v21  }
0x1b9: {  	[tilespmem:s12+$0x1B0] =	vst.add.f32.msk $0xffff, v20  }
0x1ba: {  	[tilespmem:s12+$0x1A0] =	vst.add.f32.msk $0xffff, v19  }
0x1bb: {  	[tilespmem:s12+$0x190] =	vst.add.f32.msk $0xffff, v17  }
0x1bc: {  	[tilespmem:s12+$0x180] =	vst.add.f32.msk $0xffff, v18  }
0x1bd: {  	[tilespmem:s12+$0x170] =	vst.add.f32.msk $0xffff, v24  }
0x1be: {  	[tilespmem:s12+$0x160] =	vst.add.f32.msk $0xffff, v23  }
0x1bf: {  	[tilespmem:s12+$0x150] =	vst.add.f32.msk $0xffff, v22  }
0x1c0: {  	[tilespmem:s12+$0x140] =	vst.add.f32.msk $0xffff, v21  }
0x1c1: {  	[tilespmem:s12+$0x130] =	vst.add.f32.msk $0xffff, v20  }
0x1c2: {  	[tilespmem:s12+$0x120] =	vst.add.f32.msk $0xffff, v19  }
0x1c3: {  	[tilespmem:s12+$0x110] =	vst.add.f32.msk $0xffff, v17  }
0x1c4: {  	[tilespmem:s12+$0x100] =	vst.add.f32.msk $0xffff, v18  }
0x1c5: {  	[tilespmem:s12+$0xF0] =	vst.add.f32.msk $0xffff, v24  }
0x1c6: {  	[tilespmem:s12+$0xE0] =	vst.add.f32.msk $0xffff, v23  }
0x1c7: {  	[tilespmem:s12+$0xD0] =	vst.add.f32.msk $0xffff, v22  }
0x1c8: {  	[tilespmem:s12+$0xC0] =	vst.add.f32.msk $0xffff, v21  }
0x1c9: {  	[tilespmem:s12+$0xB0] =	vst.add.f32.msk $0xffff, v20  }
0x1ca: {  	[tilespmem:s12+$0xA0] =	vst.add.f32.msk $0xffff, v19  }
0x1cb: {  	[tilespmem:s12+$0x90] =	vst.add.f32.msk $0xffff, v17  }
0x1cc: {  	[tilespmem:s12+$0x80] =	vst.add.f32.msk $0xffff, v18  }
0x1cd: {  	[tilespmem:s12+$0x70] =	vst.add.f32.msk $0xffff, v24  }
0x1ce: {  	[tilespmem:s12+$0x60] =	vst.add.f32.msk $0xffff, v23  }
0x1cf: {  	[tilespmem:s12+$0x50] =	vst.add.f32.msk $0xffff, v22  }
0x1d0: {  	[tilespmem:s12+$0x40] =	vst.add.f32.msk $0xffff, v21  }
0x1d1: {  	[tilespmem:s12+$0x30] =	vst.add.f32.msk $0xffff, v20  }
0x1d2: {  	s13 =	simm.s32 $0x0;
	[tilespmem:s12+$0x20] =	vst.add.f32.msk $0xffff, v19  }
.LBB2_14:
0x1d3: {  	s13 =	sadd.s32 $0x4, s13;
	[tilespmem:s12+$0x10] =	vst.add.f32.msk $0xffff, v17;
	s12 =	sadd.s32 $0x200, s12  }
0x1d4: {  	[tilespmem:s12+$0x0] =	vst.add.f32.msk $0xffff, v18;
	p0 =	slt.u32 s13, $0x3C  }
0x1d5: {  	[tilespmem:s12+$0x1F0] =	vst.add.f32.msk $0xffff, v24  }
0x1d6: {  	[tilespmem:s12+$0x1E0] =	vst.add.f32.msk $0xffff, v23  }
0x1d7: {  	[tilespmem:s12+$0x1D0] =	vst.add.f32.msk $0xffff, v22  }
0x1d8: {  	[tilespmem:s12+$0x1C0] =	vst.add.f32.msk $0xffff, v21  }
0x1d9: {  	[tilespmem:s12+$0x1B0] =	vst.add.f32.msk $0xffff, v20  }
0x1da: {  	[tilespmem:s12+$0x1A0] =	vst.add.f32.msk $0xffff, v19  }
0x1db: {  	[tilespmem:s12+$0x190] =	vst.add.f32.msk $0xffff, v17  }
0x1dc: {  	[tilespmem:s12+$0x180] =	vst.add.f32.msk $0xffff, v18  }
0x1dd: {  	[tilespmem:s12+$0x170] =	vst.add.f32.msk $0xffff, v24  }
0x1de: {  	[tilespmem:s12+$0x160] =	vst.add.f32.msk $0xffff, v23  }
0x1df: {  	[tilespmem:s12+$0x150] =	vst.add.f32.msk $0xffff, v22  }
0x1e0: {  	[tilespmem:s12+$0x140] =	vst.add.f32.msk $0xffff, v21  }
0x1e1: {  	[tilespmem:s12+$0x130] =	vst.add.f32.msk $0xffff, v20  }
0x1e2: {  	[tilespmem:s12+$0x120] =	vst.add.f32.msk $0xffff, v19  }
0x1e3: {  	[tilespmem:s12+$0x110] =	vst.add.f32.msk $0xffff, v17  }
0x1e4: {  	[tilespmem:s12+$0x100] =	vst.add.f32.msk $0xffff, v18  }
0x1e5: {  	[tilespmem:s12+$0xF0] =	vst.add.f32.msk $0xffff, v24  }
0x1e6: {  	[tilespmem:s12+$0xE0] =	vst.add.f32.msk $0xffff, v23  }
0x1e7: {  	[tilespmem:s12+$0xD0] =	vst.add.f32.msk $0xffff, v22  }
0x1e8: {  	[tilespmem:s12+$0xC0] =	vst.add.f32.msk $0xffff, v21  }
0x1e9: {  	[tilespmem:s12+$0xB0] =	vst.add.f32.msk $0xffff, v20  }
0x1ea: {  	[tilespmem:s12+$0xA0] =	vst.add.f32.msk $0xffff, v19  }
0x1eb: {  	[tilespmem:s12+$0x90] =	vst.add.f32.msk $0xffff, v17  }
0x1ec: {  	[tilespmem:s12+$0x80] =	vst.add.f32.msk $0xffff, v18  }
0x1ed: {  	[tilespmem:s12+$0x70] =	vst.add.f32.msk $0xffff, v24  }
.Ltmp6:
0x1ee: {  	[tilespmem:s12+$0x60] =	vst.add.f32.msk $0xffff, v23;
	(pc) =	sbr.rel @p0 .LBB2_14-.Ltmp6, $4  }
0x1ef: {  	[tilespmem:s12+$0x50] =	vst.add.f32.msk $0xffff, v22  }
0x1f0: {  	[tilespmem:s12+$0x40] =	vst.add.f32.msk $0xffff, v21  }
0x1f1: {  	[tilespmem:s12+$0x30] =	vst.add.f32.msk $0xffff, v20  }
0x1f2: {  	[tilespmem:s12+$0x20] =	vst.add.f32.msk $0xffff, v19  }
0x1f3: {  	[tilespmem:s12+$0x10] =	vst.add.f32.msk $0xffff, v17;
	s30 =	simm.s32 $0x14800;
	s13 =	sor.u32 $0x8000, s18;
	s15 =	sor.u32 $0xA000, s18  }
0x1f4: {  	[hbm4b:s3+s11] =	stream.indirect.scatter [tilespmem:s21], [sflag:$0x9], $0x80, s30, s11, $0xb8;
	v17 =	vor.u32 s13, v0;
	[tilespmem:$0x14C00] =	vst v63  }
0x1f5: {  	s19 =	sor.u32 $0xC000, s18;
	[tilespmem:$0x14880] =	vst v17;
	v17 =	vor.u32 s15, v0  }
0x1f6: {  	s30 =	sor.u32 $0xE000, s18;
	[tilespmem:$0x14890] =	vst v17;
	v17 =	vor.u32 s19, v0  }
0x1f7: {  	[tilespmem:$0x148A0] =	vst v17;
	v17 =	vor.u32 s30, v0  }
0x1f8: {  	[tilespmem:$0x148B0] =	vst v17  }
0x1f9: {  	v18 =	vld [tilespmem:s28+$0x4000]  }
0x1fa: {  	v17 =	vld [tilespmem:s28+$0x4010]  }
0x1fb: {  	v19 =	vld [tilespmem:s28+$0x4020]  }
0x1fc: {  	v20 =	vld [tilespmem:s28+$0x4030]  }
0x1fd: {  	v21 =	vld [tilespmem:s28+$0x4040]  }
0x1fe: {  	v22 =	vld [tilespmem:s28+$0x4050]  }
0x1ff: {  	v24 =	vld [tilespmem:s28+$0x4070]  }
0x200: {  	v23 =	vld [tilespmem:s28+$0x4060];
	_ =	swait.ge [sflag:s24], $0x2000  }
0x201: {  	[sflag:s24] =	ssyncset.done $0x0  }
0x202: {  	s12 =	simm.s32 $0x6800;
	[sflag:s24] =	ssyncadd.s32 $0xFFFFE000  }
0x203: {  	[tilespmem:s12+$0x0] =	vst.add.f32.msk $0xffff, v18  }
0x204: {  	[tilespmem:s12+$0x1F0] =	vst.add.f32.msk $0xffff, v24  }
0x205: {  	[tilespmem:s12+$0x1E0] =	vst.add.f32.msk $0xffff, v23  }
0x206: {  	[tilespmem:s12+$0x1D0] =	vst.add.f32.msk $0xffff, v22  }
0x207: {  	[tilespmem:s12+$0x1C0] =	vst.add.f32.msk $0xffff, v21  }
0x208: {  	[tilespmem:s12+$0x1B0] =	vst.add.f32.msk $0xffff, v20  }
0x209: {  	[tilespmem:s12+$0x1A0] =	vst.add.f32.msk $0xffff, v19  }
0x20a: {  	[tilespmem:s12+$0x190] =	vst.add.f32.msk $0xffff, v17  }
0x20b: {  	[tilespmem:s12+$0x180] =	vst.add.f32.msk $0xffff, v18  }
0x20c: {  	[tilespmem:s12+$0x170] =	vst.add.f32.msk $0xffff, v24  }
0x20d: {  	[tilespmem:s12+$0x160] =	vst.add.f32.msk $0xffff, v23  }
0x20e: {  	[tilespmem:s12+$0x150] =	vst.add.f32.msk $0xffff, v22  }
0x20f: {  	[tilespmem:s12+$0x140] =	vst.add.f32.msk $0xffff, v21  }
0x210: {  	[tilespmem:s12+$0x130] =	vst.add.f32.msk $0xffff, v20  }
0x211: {  	[tilespmem:s12+$0x120] =	vst.add.f32.msk $0xffff, v19  }
0x212: {  	[tilespmem:s12+$0x110] =	vst.add.f32.msk $0xffff, v17  }
0x213: {  	[tilespmem:s12+$0x100] =	vst.add.f32.msk $0xffff, v18  }
0x214: {  	[tilespmem:s12+$0xF0] =	vst.add.f32.msk $0xffff, v24  }
0x215: {  	[tilespmem:s12+$0xE0] =	vst.add.f32.msk $0xffff, v23  }
0x216: {  	[tilespmem:s12+$0xD0] =	vst.add.f32.msk $0xffff, v22  }
0x217: {  	[tilespmem:s12+$0xC0] =	vst.add.f32.msk $0xffff, v21  }
0x218: {  	[tilespmem:s12+$0xB0] =	vst.add.f32.msk $0xffff, v20  }
0x219: {  	[tilespmem:s12+$0xA0] =	vst.add.f32.msk $0xffff, v19  }
0x21a: {  	[tilespmem:s12+$0x90] =	vst.add.f32.msk $0xffff, v17  }
0x21b: {  	[tilespmem:s12+$0x80] =	vst.add.f32.msk $0xffff, v18  }
0x21c: {  	[tilespmem:s12+$0x70] =	vst.add.f32.msk $0xffff, v24  }
0x21d: {  	[tilespmem:s12+$0x60] =	vst.add.f32.msk $0xffff, v23  }
0x21e: {  	[tilespmem:s12+$0x50] =	vst.add.f32.msk $0xffff, v22  }
0x21f: {  	[tilespmem:s12+$0x40] =	vst.add.f32.msk $0xffff, v21  }
0x220: {  	[tilespmem:s12+$0x30] =	vst.add.f32.msk $0xffff, v20  }
0x221: {  	s13 =	simm.s32 $0x0;
	[tilespmem:s12+$0x20] =	vst.add.f32.msk $0xffff, v19  }
.LBB2_16:
0x222: {  	s13 =	sadd.s32 $0x4, s13;
	[tilespmem:s12+$0x10] =	vst.add.f32.msk $0xffff, v17;
	s12 =	sadd.s32 $0x200, s12  }
0x223: {  	[tilespmem:s12+$0x0] =	vst.add.f32.msk $0xffff, v18;
	p0 =	slt.u32 s13, $0x3C  }
0x224: {  	[tilespmem:s12+$0x1F0] =	vst.add.f32.msk $0xffff, v24  }
0x225: {  	[tilespmem:s12+$0x1E0] =	vst.add.f32.msk $0xffff, v23  }
0x226: {  	[tilespmem:s12+$0x1D0] =	vst.add.f32.msk $0xffff, v22  }
0x227: {  	[tilespmem:s12+$0x1C0] =	vst.add.f32.msk $0xffff, v21  }
0x228: {  	[tilespmem:s12+$0x1B0] =	vst.add.f32.msk $0xffff, v20  }
0x229: {  	[tilespmem:s12+$0x1A0] =	vst.add.f32.msk $0xffff, v19  }
0x22a: {  	[tilespmem:s12+$0x190] =	vst.add.f32.msk $0xffff, v17  }
0x22b: {  	[tilespmem:s12+$0x180] =	vst.add.f32.msk $0xffff, v18  }
0x22c: {  	[tilespmem:s12+$0x170] =	vst.add.f32.msk $0xffff, v24  }
0x22d: {  	[tilespmem:s12+$0x160] =	vst.add.f32.msk $0xffff, v23  }
0x22e: {  	[tilespmem:s12+$0x150] =	vst.add.f32.msk $0xffff, v22  }
0x22f: {  	[tilespmem:s12+$0x140] =	vst.add.f32.msk $0xffff, v21  }
0x230: {  	[tilespmem:s12+$0x130] =	vst.add.f32.msk $0xffff, v20  }
0x231: {  	[tilespmem:s12+$0x120] =	vst.add.f32.msk $0xffff, v19  }
0x232: {  	[tilespmem:s12+$0x110] =	vst.add.f32.msk $0xffff, v17  }
0x233: {  	[tilespmem:s12+$0x100] =	vst.add.f32.msk $0xffff, v18  }
0x234: {  	[tilespmem:s12+$0xF0] =	vst.add.f32.msk $0xffff, v24  }
0x235: {  	[tilespmem:s12+$0xE0] =	vst.add.f32.msk $0xffff, v23  }
0x236: {  	[tilespmem:s12+$0xD0] =	vst.add.f32.msk $0xffff, v22  }
0x237: {  	[tilespmem:s12+$0xC0] =	vst.add.f32.msk $0xffff, v21  }
0x238: {  	[tilespmem:s12+$0xB0] =	vst.add.f32.msk $0xffff, v20  }
0x239: {  	[tilespmem:s12+$0xA0] =	vst.add.f32.msk $0xffff, v19  }
0x23a: {  	[tilespmem:s12+$0x90] =	vst.add.f32.msk $0xffff, v17  }
0x23b: {  	[tilespmem:s12+$0x80] =	vst.add.f32.msk $0xffff, v18  }
0x23c: {  	[tilespmem:s12+$0x70] =	vst.add.f32.msk $0xffff, v24  }
.Ltmp7:
0x23d: {  	[tilespmem:s12+$0x60] =	vst.add.f32.msk $0xffff, v23;
	(pc) =	sbr.rel @p0 .LBB2_16-.Ltmp7, $4  }
0x23e: {  	[tilespmem:s12+$0x50] =	vst.add.f32.msk $0xffff, v22  }
0x23f: {  	[tilespmem:s12+$0x40] =	vst.add.f32.msk $0xffff, v21  }
0x240: {  	[tilespmem:s12+$0x30] =	vst.add.f32.msk $0xffff, v20  }
0x241: {  	[tilespmem:s12+$0x20] =	vst.add.f32.msk $0xffff, v19  }
0x242: {  	[tilespmem:s12+$0x10] =	vst.add.f32.msk $0xffff, v17;
	s30 =	simm.s32 $0x14880;
	s13 =	sor.u32 $0x10000, s18;
	s15 =	sor.u32 $0x12000, s18  }
0x243: {  	[hbm4b:s3+s11] =	stream.indirect.scatter [tilespmem:s31], [sflag:$0xA], $0x80, s30, s11, $0xb8;
	v17 =	vor.u32 s13, v0;
	[tilespmem:$0x14C00] =	vst v63  }
0x244: {  	s19 =	sor.u32 $0x14000, s18;
	[tilespmem:$0x14900] =	vst v17;
	v17 =	vor.u32 s15, v0  }
0x245: {  	s30 =	sor.u32 $0x16000, s18;
	[tilespmem:$0x14910] =	vst v17;
	v17 =	vor.u32 s19, v0  }
0x246: {  	[tilespmem:$0x14920] =	vst v17;
	v17 =	vor.u32 s30, v0  }
0x247: {  	[tilespmem:$0x14930] =	vst v17  }
0x248: {  	v18 =	vld [tilespmem:s28+$0x4000]  }
0x249: {  	v17 =	vld [tilespmem:s28+$0x4010]  }
0x24a: {  	v19 =	vld [tilespmem:s28+$0x4020]  }
0x24b: {  	v20 =	vld [tilespmem:s28+$0x4030]  }
0x24c: {  	v21 =	vld [tilespmem:s28+$0x4040]  }
0x24d: {  	v22 =	vld [tilespmem:s28+$0x4050]  }
0x24e: {  	v24 =	vld [tilespmem:s28+$0x4070]  }
0x24f: {  	v23 =	vld [tilespmem:s28+$0x4060];
	_ =	swait.ge [sflag:s26], $0x2000  }
0x250: {  	[sflag:s26] =	ssyncset.done $0x0  }
0x251: {  	s12 =	simm.s32 $0x8800;
	[sflag:s26] =	ssyncadd.s32 $0xFFFFE000  }
0x252: {  	[tilespmem:s12+$0x0] =	vst.add.f32.msk $0xffff, v18  }
0x253: {  	[tilespmem:s12+$0x1F0] =	vst.add.f32.msk $0xffff, v24  }
0x254: {  	[tilespmem:s12+$0x1E0] =	vst.add.f32.msk $0xffff, v23  }
0x255: {  	[tilespmem:s12+$0x1D0] =	vst.add.f32.msk $0xffff, v22  }
0x256: {  	[tilespmem:s12+$0x1C0] =	vst.add.f32.msk $0xffff, v21  }
0x257: {  	[tilespmem:s12+$0x1B0] =	vst.add.f32.msk $0xffff, v20  }
0x258: {  	[tilespmem:s12+$0x1A0] =	vst.add.f32.msk $0xffff, v19  }
0x259: {  	[tilespmem:s12+$0x190] =	vst.add.f32.msk $0xffff, v17  }
0x25a: {  	[tilespmem:s12+$0x180] =	vst.add.f32.msk $0xffff, v18  }
0x25b: {  	[tilespmem:s12+$0x170] =	vst.add.f32.msk $0xffff, v24  }
0x25c: {  	[tilespmem:s12+$0x160] =	vst.add.f32.msk $0xffff, v23  }
0x25d: {  	[tilespmem:s12+$0x150] =	vst.add.f32.msk $0xffff, v22  }
0x25e: {  	[tilespmem:s12+$0x140] =	vst.add.f32.msk $0xffff, v21  }
0x25f: {  	[tilespmem:s12+$0x130] =	vst.add.f32.msk $0xffff, v20  }
0x260: {  	[tilespmem:s12+$0x120] =	vst.add.f32.msk $0xffff, v19  }
0x261: {  	[tilespmem:s12+$0x110] =	vst.add.f32.msk $0xffff, v17  }
0x262: {  	[tilespmem:s12+$0x100] =	vst.add.f32.msk $0xffff, v18  }
0x263: {  	[tilespmem:s12+$0xF0] =	vst.add.f32.msk $0xffff, v24  }
0x264: {  	[tilespmem:s12+$0xE0] =	vst.add.f32.msk $0xffff, v23  }
0x265: {  	[tilespmem:s12+$0xD0] =	vst.add.f32.msk $0xffff, v22  }
0x266: {  	[tilespmem:s12+$0xC0] =	vst.add.f32.msk $0xffff, v21  }
0x267: {  	[tilespmem:s12+$0xB0] =	vst.add.f32.msk $0xffff, v20  }
0x268: {  	[tilespmem:s12+$0xA0] =	vst.add.f32.msk $0xffff, v19  }
0x269: {  	[tilespmem:s12+$0x90] =	vst.add.f32.msk $0xffff, v17  }
0x26a: {  	[tilespmem:s12+$0x80] =	vst.add.f32.msk $0xffff, v18  }
0x26b: {  	[tilespmem:s12+$0x70] =	vst.add.f32.msk $0xffff, v24  }
0x26c: {  	[tilespmem:s12+$0x60] =	vst.add.f32.msk $0xffff, v23  }
0x26d: {  	[tilespmem:s12+$0x50] =	vst.add.f32.msk $0xffff, v22  }
0x26e: {  	[tilespmem:s12+$0x40] =	vst.add.f32.msk $0xffff, v21  }
0x26f: {  	[tilespmem:s12+$0x30] =	vst.add.f32.msk $0xffff, v20  }
0x270: {  	s13 =	simm.s32 $0x0;
	[tilespmem:s12+$0x20] =	vst.add.f32.msk $0xffff, v19  }
.LBB2_18:
0x271: {  	s13 =	sadd.s32 $0x4, s13;
	[tilespmem:s12+$0x10] =	vst.add.f32.msk $0xffff, v17;
	s12 =	sadd.s32 $0x200, s12  }
0x272: {  	[tilespmem:s12+$0x0] =	vst.add.f32.msk $0xffff, v18;
	p0 =	slt.u32 s13, $0x3C  }
0x273: {  	[tilespmem:s12+$0x1F0] =	vst.add.f32.msk $0xffff, v24  }
0x274: {  	[tilespmem:s12+$0x1E0] =	vst.add.f32.msk $0xffff, v23  }
0x275: {  	[tilespmem:s12+$0x1D0] =	vst.add.f32.msk $0xffff, v22  }
0x276: {  	[tilespmem:s12+$0x1C0] =	vst.add.f32.msk $0xffff, v21  }
0x277: {  	[tilespmem:s12+$0x1B0] =	vst.add.f32.msk $0xffff, v20  }
0x278: {  	[tilespmem:s12+$0x1A0] =	vst.add.f32.msk $0xffff, v19  }
0x279: {  	[tilespmem:s12+$0x190] =	vst.add.f32.msk $0xffff, v17  }
0x27a: {  	[tilespmem:s12+$0x180] =	vst.add.f32.msk $0xffff, v18  }
0x27b: {  	[tilespmem:s12+$0x170] =	vst.add.f32.msk $0xffff, v24  }
0x27c: {  	[tilespmem:s12+$0x160] =	vst.add.f32.msk $0xffff, v23  }
0x27d: {  	[tilespmem:s12+$0x150] =	vst.add.f32.msk $0xffff, v22  }
0x27e: {  	[tilespmem:s12+$0x140] =	vst.add.f32.msk $0xffff, v21  }
0x27f: {  	[tilespmem:s12+$0x130] =	vst.add.f32.msk $0xffff, v20  }
0x280: {  	[tilespmem:s12+$0x120] =	vst.add.f32.msk $0xffff, v19  }
0x281: {  	[tilespmem:s12+$0x110] =	vst.add.f32.msk $0xffff, v17  }
0x282: {  	[tilespmem:s12+$0x100] =	vst.add.f32.msk $0xffff, v18  }
0x283: {  	[tilespmem:s12+$0xF0] =	vst.add.f32.msk $0xffff, v24  }
0x284: {  	[tilespmem:s12+$0xE0] =	vst.add.f32.msk $0xffff, v23  }
0x285: {  	[tilespmem:s12+$0xD0] =	vst.add.f32.msk $0xffff, v22  }
0x286: {  	[tilespmem:s12+$0xC0] =	vst.add.f32.msk $0xffff, v21  }
0x287: {  	[tilespmem:s12+$0xB0] =	vst.add.f32.msk $0xffff, v20  }
0x288: {  	[tilespmem:s12+$0xA0] =	vst.add.f32.msk $0xffff, v19  }
0x289: {  	[tilespmem:s12+$0x90] =	vst.add.f32.msk $0xffff, v17  }
0x28a: {  	[tilespmem:s12+$0x80] =	vst.add.f32.msk $0xffff, v18  }
0x28b: {  	[tilespmem:s12+$0x70] =	vst.add.f32.msk $0xffff, v24  }
.Ltmp8:
0x28c: {  	[tilespmem:s12+$0x60] =	vst.add.f32.msk $0xffff, v23;
	(pc) =	sbr.rel @p0 .LBB2_18-.Ltmp8, $4  }
0x28d: {  	[tilespmem:s12+$0x50] =	vst.add.f32.msk $0xffff, v22  }
0x28e: {  	[tilespmem:s12+$0x40] =	vst.add.f32.msk $0xffff, v21  }
0x28f: {  	[tilespmem:s12+$0x30] =	vst.add.f32.msk $0xffff, v20  }
0x290: {  	[tilespmem:s12+$0x20] =	vst.add.f32.msk $0xffff, v19  }
0x291: {  	[tilespmem:s12+$0x10] =	vst.add.f32.msk $0xffff, v17;
	s30 =	simm.s32 $0x8800;
	s13 =	simm.s32 $0x14900  }
0x292: {  	[hbm4b:s3+s11] =	stream.indirect.scatter [tilespmem:s30], [sflag:$0xB], $0x80, s13, s11, $0xb8;
	[tilespmem:$0x14C00] =	vst v63  }
0x293: {  	s13 =	sor.u32 $0x18000, s18  }
0x294: {  	s15 =	sor.u32 $0x1A000, s18;
	v17 =	vor.u32 s13, v0  }
0x295: {  	s19 =	sor.u32 $0x1C000, s18;
	[tilespmem:$0x14980] =	vst v17;
	v17 =	vor.u32 s15, v0  }
0x296: {  	s30 =	sor.u32 $0x1E000, s18;
	[tilespmem:$0x14990] =	vst v17;
	v17 =	vor.u32 s19, v0  }
0x297: {  	[tilespmem:$0x149A0] =	vst v17;
	v17 =	vor.u32 s30, v0  }
0x298: {  	[tilespmem:$0x149B0] =	vst v17  }
0x299: {  	v18 =	vld [tilespmem:s28+$0x4000]  }
0x29a: {  	v17 =	vld [tilespmem:s28+$0x4010]  }
0x29b: {  	v19 =	vld [tilespmem:s28+$0x4020]  }
0x29c: {  	v20 =	vld [tilespmem:s28+$0x4030]  }
0x29d: {  	v21 =	vld [tilespmem:s28+$0x4040]  }
0x29e: {  	v22 =	vld [tilespmem:s28+$0x4050]  }
0x29f: {  	v24 =	vld [tilespmem:s28+$0x4070]  }
0x2a0: {  	v23 =	vld [tilespmem:s28+$0x4060];
	_ =	swait.ge [sflag:s29], $0x2000  }
0x2a1: {  	[sflag:s29] =	ssyncset.done $0x0  }
0x2a2: {  	s12 =	simm.s32 $0xA800;
	[sflag:s29] =	ssyncadd.s32 $0xFFFFE000  }
0x2a3: {  	[tilespmem:s12+$0x0] =	vst.add.f32.msk $0xffff, v18  }
0x2a4: {  	[tilespmem:s12+$0x1F0] =	vst.add.f32.msk $0xffff, v24  }
0x2a5: {  	[tilespmem:s12+$0x1E0] =	vst.add.f32.msk $0xffff, v23  }
0x2a6: {  	[tilespmem:s12+$0x1D0] =	vst.add.f32.msk $0xffff, v22  }
0x2a7: {  	[tilespmem:s12+$0x1C0] =	vst.add.f32.msk $0xffff, v21  }
0x2a8: {  	[tilespmem:s12+$0x1B0] =	vst.add.f32.msk $0xffff, v20  }
0x2a9: {  	[tilespmem:s12+$0x1A0] =	vst.add.f32.msk $0xffff, v19  }
0x2aa: {  	[tilespmem:s12+$0x190] =	vst.add.f32.msk $0xffff, v17  }
0x2ab: {  	[tilespmem:s12+$0x180] =	vst.add.f32.msk $0xffff, v18  }
0x2ac: {  	[tilespmem:s12+$0x170] =	vst.add.f32.msk $0xffff, v24  }
0x2ad: {  	[tilespmem:s12+$0x160] =	vst.add.f32.msk $0xffff, v23  }
0x2ae: {  	[tilespmem:s12+$0x150] =	vst.add.f32.msk $0xffff, v22  }
0x2af: {  	[tilespmem:s12+$0x140] =	vst.add.f32.msk $0xffff, v21  }
0x2b0: {  	[tilespmem:s12+$0x130] =	vst.add.f32.msk $0xffff, v20  }
0x2b1: {  	[tilespmem:s12+$0x120] =	vst.add.f32.msk $0xffff, v19  }
0x2b2: {  	[tilespmem:s12+$0x110] =	vst.add.f32.msk $0xffff, v17  }
0x2b3: {  	[tilespmem:s12+$0x100] =	vst.add.f32.msk $0xffff, v18  }
0x2b4: {  	[tilespmem:s12+$0xF0] =	vst.add.f32.msk $0xffff, v24  }
0x2b5: {  	[tilespmem:s12+$0xE0] =	vst.add.f32.msk $0xffff, v23  }
0x2b6: {  	[tilespmem:s12+$0xD0] =	vst.add.f32.msk $0xffff, v22  }
0x2b7: {  	[tilespmem:s12+$0xC0] =	vst.add.f32.msk $0xffff, v21  }
0x2b8: {  	[tilespmem:s12+$0xB0] =	vst.add.f32.msk $0xffff, v20  }
0x2b9: {  	[tilespmem:s12+$0xA0] =	vst.add.f32.msk $0xffff, v19  }
0x2ba: {  	[tilespmem:s12+$0x90] =	vst.add.f32.msk $0xffff, v17  }
0x2bb: {  	[tilespmem:s12+$0x80] =	vst.add.f32.msk $0xffff, v18  }
0x2bc: {  	[tilespmem:s12+$0x70] =	vst.add.f32.msk $0xffff, v24  }
0x2bd: {  	[tilespmem:s12+$0x60] =	vst.add.f32.msk $0xffff, v23  }
0x2be: {  	[tilespmem:s12+$0x50] =	vst.add.f32.msk $0xffff, v22  }
0x2bf: {  	[tilespmem:s12+$0x40] =	vst.add.f32.msk $0xffff, v21  }
0x2c0: {  	[tilespmem:s12+$0x30] =	vst.add.f32.msk $0xffff, v20  }
0x2c1: {  	s13 =	simm.s32 $0x0;
	[tilespmem:s12+$0x20] =	vst.add.f32.msk $0xffff, v19  }
.LBB2_20:
0x2c2: {  	s13 =	sadd.s32 $0x4, s13;
	[tilespmem:s12+$0x10] =	vst.add.f32.msk $0xffff, v17;
	s12 =	sadd.s32 $0x200, s12  }
0x2c3: {  	[tilespmem:s12+$0x0] =	vst.add.f32.msk $0xffff, v18;
	p0 =	slt.u32 s13, $0x3C  }
0x2c4: {  	[tilespmem:s12+$0x1F0] =	vst.add.f32.msk $0xffff, v24  }
0x2c5: {  	[tilespmem:s12+$0x1E0] =	vst.add.f32.msk $0xffff, v23  }
0x2c6: {  	[tilespmem:s12+$0x1D0] =	vst.add.f32.msk $0xffff, v22  }
0x2c7: {  	[tilespmem:s12+$0x1C0] =	vst.add.f32.msk $0xffff, v21  }
0x2c8: {  	[tilespmem:s12+$0x1B0] =	vst.add.f32.msk $0xffff, v20  }
0x2c9: {  	[tilespmem:s12+$0x1A0] =	vst.add.f32.msk $0xffff, v19  }
0x2ca: {  	[tilespmem:s12+$0x190] =	vst.add.f32.msk $0xffff, v17  }
0x2cb: {  	[tilespmem:s12+$0x180] =	vst.add.f32.msk $0xffff, v18  }
0x2cc: {  	[tilespmem:s12+$0x170] =	vst.add.f32.msk $0xffff, v24  }
0x2cd: {  	[tilespmem:s12+$0x160] =	vst.add.f32.msk $0xffff, v23  }
0x2ce: {  	[tilespmem:s12+$0x150] =	vst.add.f32.msk $0xffff, v22  }
0x2cf: {  	[tilespmem:s12+$0x140] =	vst.add.f32.msk $0xffff, v21  }
0x2d0: {  	[tilespmem:s12+$0x130] =	vst.add.f32.msk $0xffff, v20  }
0x2d1: {  	[tilespmem:s12+$0x120] =	vst.add.f32.msk $0xffff, v19  }
0x2d2: {  	[tilespmem:s12+$0x110] =	vst.add.f32.msk $0xffff, v17  }
0x2d3: {  	[tilespmem:s12+$0x100] =	vst.add.f32.msk $0xffff, v18  }
0x2d4: {  	[tilespmem:s12+$0xF0] =	vst.add.f32.msk $0xffff, v24  }
0x2d5: {  	[tilespmem:s12+$0xE0] =	vst.add.f32.msk $0xffff, v23  }
0x2d6: {  	[tilespmem:s12+$0xD0] =	vst.add.f32.msk $0xffff, v22  }
0x2d7: {  	[tilespmem:s12+$0xC0] =	vst.add.f32.msk $0xffff, v21  }
0x2d8: {  	[tilespmem:s12+$0xB0] =	vst.add.f32.msk $0xffff, v20  }
0x2d9: {  	[tilespmem:s12+$0xA0] =	vst.add.f32.msk $0xffff, v19  }
0x2da: {  	[tilespmem:s12+$0x90] =	vst.add.f32.msk $0xffff, v17  }
0x2db: {  	[tilespmem:s12+$0x80] =	vst.add.f32.msk $0xffff, v18  }
0x2dc: {  	[tilespmem:s12+$0x70] =	vst.add.f32.msk $0xffff, v24  }
.Ltmp9:
0x2dd: {  	[tilespmem:s12+$0x60] =	vst.add.f32.msk $0xffff, v23;
	(pc) =	sbr.rel @p0 .LBB2_20-.Ltmp9, $4  }
0x2de: {  	[tilespmem:s12+$0x50] =	vst.add.f32.msk $0xffff, v22  }
0x2df: {  	[tilespmem:s12+$0x40] =	vst.add.f32.msk $0xffff, v21  }
0x2e0: {  	[tilespmem:s12+$0x30] =	vst.add.f32.msk $0xffff, v20  }
0x2e1: {  	[tilespmem:s12+$0x20] =	vst.add.f32.msk $0xffff, v19  }
0x2e2: {  	s25 =	sadd.s32 $0x1, s25  }
0x2e3: {  	p0 =	sne.s32 s25, $0x20  }
.Ltmp10:
0x2e4: {  	_ = 	snop;
	(pc) =	sbr.rel @p0 .LBB2_2-.Ltmp10, $3  }
0x2e5: {  	_ =	sdelay $0x1  }
0x2e6: {  	[tilespmem:s12+$0x10] =	vst.add.f32.msk $0xffff, v17;
	s30 =	simm.s32 $0x14980  }
0x2e7: {  	[hbm4b:s3+s11] =	stream.indirect.scatter [tilespmem:s17], [sflag:$0xC], $0x80, s30, s11, $0xb8;
	[tilespmem:$0x14C00] =	vst v63  }
0x2e8: {  	v18 =	vld [tilespmem:$0x4780]  }
0x2e9: {  	v17 =	vld [tilespmem:$0x4790]  }
0x2ea: {  	v19 =	vld [tilespmem:$0x47A0]  }
0x2eb: {  	v20 =	vld [tilespmem:$0x47B0];
	[tilespmem:$0x14A00] =	vst v1  }
0x2ec: {  	v21 =	vld [tilespmem:$0x47C0];
	[tilespmem:$0x14A10] =	vst v2  }
0x2ed: {  	v22 =	vld [tilespmem:$0x47D0];
	[tilespmem:$0x14A20] =	vst v3  }
0x2ee: {  	[tilespmem:$0x14A30] =	vst v4;
	v24 =	vld [tilespmem:$0x47F0];
	s12 =	simm.s32 $0x5  }
0x2ef: {  	v23 =	vld [tilespmem:$0x47E0];
	_ =	swait.ge [sflag:s12], $0x2000  }
0x2f0: {  	[sflag:s12] =	ssyncset.done $0x0  }
0x2f1: {  	[sflag:s12] =	ssyncadd.s32 $0xFFFFE000;
	s12 =	simm.s32 $0xC800  }
0x2f2: {  	[tilespmem:s12+$0x0] =	vst.add.f32.msk $0xffff, v18  }
0x2f3: {  	[tilespmem:s12+$0x1F0] =	vst.add.f32.msk $0xffff, v24  }
0x2f4: {  	[tilespmem:s12+$0x1E0] =	vst.add.f32.msk $0xffff, v23  }
0x2f5: {  	[tilespmem:s12+$0x1D0] =	vst.add.f32.msk $0xffff, v22  }
0x2f6: {  	[tilespmem:s12+$0x1C0] =	vst.add.f32.msk $0xffff, v21  }
0x2f7: {  	[tilespmem:s12+$0x1B0] =	vst.add.f32.msk $0xffff, v20  }
0x2f8: {  	[tilespmem:s12+$0x1A0] =	vst.add.f32.msk $0xffff, v19  }
0x2f9: {  	[tilespmem:s12+$0x190] =	vst.add.f32.msk $0xffff, v17  }
0x2fa: {  	[tilespmem:s12+$0x180] =	vst.add.f32.msk $0xffff, v18  }
0x2fb: {  	[tilespmem:s12+$0x170] =	vst.add.f32.msk $0xffff, v24  }
0x2fc: {  	[tilespmem:s12+$0x160] =	vst.add.f32.msk $0xffff, v23  }
0x2fd: {  	[tilespmem:s12+$0x150] =	vst.add.f32.msk $0xffff, v22  }
0x2fe: {  	[tilespmem:s12+$0x140] =	vst.add.f32.msk $0xffff, v21  }
0x2ff: {  	[tilespmem:s12+$0x130] =	vst.add.f32.msk $0xffff, v20  }
0x300: {  	[tilespmem:s12+$0x120] =	vst.add.f32.msk $0xffff, v19  }
0x301: {  	[tilespmem:s12+$0x110] =	vst.add.f32.msk $0xffff, v17  }
0x302: {  	[tilespmem:s12+$0x100] =	vst.add.f32.msk $0xffff, v18  }
0x303: {  	[tilespmem:s12+$0xF0] =	vst.add.f32.msk $0xffff, v24  }
0x304: {  	[tilespmem:s12+$0xE0] =	vst.add.f32.msk $0xffff, v23  }
0x305: {  	[tilespmem:s12+$0xD0] =	vst.add.f32.msk $0xffff, v22  }
0x306: {  	[tilespmem:s12+$0xC0] =	vst.add.f32.msk $0xffff, v21  }
0x307: {  	[tilespmem:s12+$0xB0] =	vst.add.f32.msk $0xffff, v20  }
0x308: {  	[tilespmem:s12+$0xA0] =	vst.add.f32.msk $0xffff, v19  }
0x309: {  	[tilespmem:s12+$0x90] =	vst.add.f32.msk $0xffff, v17  }
0x30a: {  	[tilespmem:s12+$0x80] =	vst.add.f32.msk $0xffff, v18  }
0x30b: {  	[tilespmem:s12+$0x70] =	vst.add.f32.msk $0xffff, v24  }
0x30c: {  	[tilespmem:s12+$0x60] =	vst.add.f32.msk $0xffff, v23  }
0x30d: {  	[tilespmem:s12+$0x50] =	vst.add.f32.msk $0xffff, v22  }
0x30e: {  	[tilespmem:s12+$0x40] =	vst.add.f32.msk $0xffff, v21  }
0x30f: {  	[tilespmem:s12+$0x30] =	vst.add.f32.msk $0xffff, v20  }
0x310: {  	s13 =	simm.s32 $0x0;
	[tilespmem:s12+$0x20] =	vst.add.f32.msk $0xffff, v19  }
.LBB2_23:
0x311: {  	s13 =	sadd.s32 $0x4, s13;
	[tilespmem:s12+$0x10] =	vst.add.f32.msk $0xffff, v17;
	s12 =	sadd.s32 $0x200, s12  }
0x312: {  	[tilespmem:s12+$0x0] =	vst.add.f32.msk $0xffff, v18;
	p0 =	slt.u32 s13, $0x3C  }
0x313: {  	[tilespmem:s12+$0x1F0] =	vst.add.f32.msk $0xffff, v24  }
0x314: {  	[tilespmem:s12+$0x1E0] =	vst.add.f32.msk $0xffff, v23  }
0x315: {  	[tilespmem:s12+$0x1D0] =	vst.add.f32.msk $0xffff, v22  }
0x316: {  	[tilespmem:s12+$0x1C0] =	vst.add.f32.msk $0xffff, v21  }
0x317: {  	[tilespmem:s12+$0x1B0] =	vst.add.f32.msk $0xffff, v20  }
0x318: {  	[tilespmem:s12+$0x1A0] =	vst.add.f32.msk $0xffff, v19  }
0x319: {  	[tilespmem:s12+$0x190] =	vst.add.f32.msk $0xffff, v17  }
0x31a: {  	[tilespmem:s12+$0x180] =	vst.add.f32.msk $0xffff, v18  }
0x31b: {  	[tilespmem:s12+$0x170] =	vst.add.f32.msk $0xffff, v24  }
0x31c: {  	[tilespmem:s12+$0x160] =	vst.add.f32.msk $0xffff, v23  }
0x31d: {  	[tilespmem:s12+$0x150] =	vst.add.f32.msk $0xffff, v22  }
0x31e: {  	[tilespmem:s12+$0x140] =	vst.add.f32.msk $0xffff, v21  }
0x31f: {  	[tilespmem:s12+$0x130] =	vst.add.f32.msk $0xffff, v20  }
0x320: {  	[tilespmem:s12+$0x120] =	vst.add.f32.msk $0xffff, v19  }
0x321: {  	[tilespmem:s12+$0x110] =	vst.add.f32.msk $0xffff, v17  }
0x322: {  	[tilespmem:s12+$0x100] =	vst.add.f32.msk $0xffff, v18  }
0x323: {  	[tilespmem:s12+$0xF0] =	vst.add.f32.msk $0xffff, v24  }
0x324: {  	[tilespmem:s12+$0xE0] =	vst.add.f32.msk $0xffff, v23  }
0x325: {  	[tilespmem:s12+$0xD0] =	vst.add.f32.msk $0xffff, v22  }
0x326: {  	[tilespmem:s12+$0xC0] =	vst.add.f32.msk $0xffff, v21  }
0x327: {  	[tilespmem:s12+$0xB0] =	vst.add.f32.msk $0xffff, v20  }
0x328: {  	[tilespmem:s12+$0xA0] =	vst.add.f32.msk $0xffff, v19  }
0x329: {  	[tilespmem:s12+$0x90] =	vst.add.f32.msk $0xffff, v17  }
0x32a: {  	[tilespmem:s12+$0x80] =	vst.add.f32.msk $0xffff, v18  }
0x32b: {  	[tilespmem:s12+$0x70] =	vst.add.f32.msk $0xffff, v24  }
.Ltmp11:
0x32c: {  	[tilespmem:s12+$0x60] =	vst.add.f32.msk $0xffff, v23;
	(pc) =	sbr.rel @p0 .LBB2_23-.Ltmp11, $4  }
0x32d: {  	[tilespmem:s12+$0x50] =	vst.add.f32.msk $0xffff, v22  }
0x32e: {  	[tilespmem:s12+$0x40] =	vst.add.f32.msk $0xffff, v21  }
0x32f: {  	[tilespmem:s12+$0x30] =	vst.add.f32.msk $0xffff, v20  }
0x330: {  	[tilespmem:s12+$0x20] =	vst.add.f32.msk $0xffff, v19  }
0x331: {  	[tilespmem:s12+$0x10] =	vst.add.f32.msk $0xffff, v17;
	s30 =	simm.s32 $0xC800;
	s13 =	simm.s32 $0x14A00  }
0x332: {  	[hbm4b:s3+s11] =	stream.indirect.scatter [tilespmem:s30], [sflag:$0xD], $0x80, s13, s11, $0xb8;
	[tilespmem:$0x14C00] =	vst v63  }
0x333: {  	v18 =	vld [tilespmem:$0x4780]  }
0x334: {  	v17 =	vld [tilespmem:$0x4790]  }
0x335: {  	v19 =	vld [tilespmem:$0x47A0]  }
0x336: {  	v20 =	vld [tilespmem:$0x47B0];
	[tilespmem:$0x14A80] =	vst v5  }
0x337: {  	v21 =	vld [tilespmem:$0x47C0];
	[tilespmem:$0x14A90] =	vst v6  }
0x338: {  	v22 =	vld [tilespmem:$0x47D0];
	[tilespmem:$0x14AA0] =	vst v7  }
0x339: {  	[tilespmem:$0x14AB0] =	vst v8;
	v24 =	vld [tilespmem:$0x47F0]  }
0x33a: {  	v23 =	vld [tilespmem:$0x47E0];
	_ =	swait.ge [sflag:s2], $0x2000  }
0x33b: {  	[sflag:s2] =	ssyncset.done $0x0  }
0x33c: {  	s12 =	simm.s32 $0xE800;
	[sflag:s2] =	ssyncadd.s32 $0xFFFFE000  }
0x33d: {  	[tilespmem:s12+$0x0] =	vst.add.f32.msk $0xffff, v18  }
0x33e: {  	[tilespmem:s12+$0x1F0] =	vst.add.f32.msk $0xffff, v24  }
0x33f: {  	[tilespmem:s12+$0x1E0] =	vst.add.f32.msk $0xffff, v23  }
0x340: {  	[tilespmem:s12+$0x1D0] =	vst.add.f32.msk $0xffff, v22  }
0x341: {  	[tilespmem:s12+$0x1C0] =	vst.add.f32.msk $0xffff, v21  }
0x342: {  	[tilespmem:s12+$0x1B0] =	vst.add.f32.msk $0xffff, v20  }
0x343: {  	[tilespmem:s12+$0x1A0] =	vst.add.f32.msk $0xffff, v19  }
0x344: {  	[tilespmem:s12+$0x190] =	vst.add.f32.msk $0xffff, v17  }
0x345: {  	[tilespmem:s12+$0x180] =	vst.add.f32.msk $0xffff, v18  }
0x346: {  	[tilespmem:s12+$0x170] =	vst.add.f32.msk $0xffff, v24  }
0x347: {  	[tilespmem:s12+$0x160] =	vst.add.f32.msk $0xffff, v23  }
0x348: {  	[tilespmem:s12+$0x150] =	vst.add.f32.msk $0xffff, v22  }
0x349: {  	[tilespmem:s12+$0x140] =	vst.add.f32.msk $0xffff, v21  }
0x34a: {  	[tilespmem:s12+$0x130] =	vst.add.f32.msk $0xffff, v20  }
0x34b: {  	[tilespmem:s12+$0x120] =	vst.add.f32.msk $0xffff, v19  }
0x34c: {  	[tilespmem:s12+$0x110] =	vst.add.f32.msk $0xffff, v17  }
0x34d: {  	[tilespmem:s12+$0x100] =	vst.add.f32.msk $0xffff, v18  }
0x34e: {  	[tilespmem:s12+$0xF0] =	vst.add.f32.msk $0xffff, v24  }
0x34f: {  	[tilespmem:s12+$0xE0] =	vst.add.f32.msk $0xffff, v23  }
0x350: {  	[tilespmem:s12+$0xD0] =	vst.add.f32.msk $0xffff, v22  }
0x351: {  	[tilespmem:s12+$0xC0] =	vst.add.f32.msk $0xffff, v21  }
0x352: {  	[tilespmem:s12+$0xB0] =	vst.add.f32.msk $0xffff, v20  }
0x353: {  	[tilespmem:s12+$0xA0] =	vst.add.f32.msk $0xffff, v19  }
0x354: {  	[tilespmem:s12+$0x90] =	vst.add.f32.msk $0xffff, v17  }
0x355: {  	[tilespmem:s12+$0x80] =	vst.add.f32.msk $0xffff, v18  }
0x356: {  	[tilespmem:s12+$0x70] =	vst.add.f32.msk $0xffff, v24  }
0x357: {  	[tilespmem:s12+$0x60] =	vst.add.f32.msk $0xffff, v23  }
0x358: {  	[tilespmem:s12+$0x50] =	vst.add.f32.msk $0xffff, v22  }
0x359: {  	[tilespmem:s12+$0x40] =	vst.add.f32.msk $0xffff, v21  }
0x35a: {  	[tilespmem:s12+$0x30] =	vst.add.f32.msk $0xffff, v20  }
0x35b: {  	s13 =	simm.s32 $0x0;
	[tilespmem:s12+$0x20] =	vst.add.f32.msk $0xffff, v19  }
.LBB2_25:
0x35c: {  	s13 =	sadd.s32 $0x4, s13;
	[tilespmem:s12+$0x10] =	vst.add.f32.msk $0xffff, v17;
	s12 =	sadd.s32 $0x200, s12  }
0x35d: {  	[tilespmem:s12+$0x0] =	vst.add.f32.msk $0xffff, v18;
	p0 =	slt.u32 s13, $0x3C  }
0x35e: {  	[tilespmem:s12+$0x1F0] =	vst.add.f32.msk $0xffff, v24  }
0x35f: {  	[tilespmem:s12+$0x1E0] =	vst.add.f32.msk $0xffff, v23  }
0x360: {  	[tilespmem:s12+$0x1D0] =	vst.add.f32.msk $0xffff, v22  }
0x361: {  	[tilespmem:s12+$0x1C0] =	vst.add.f32.msk $0xffff, v21  }
0x362: {  	[tilespmem:s12+$0x1B0] =	vst.add.f32.msk $0xffff, v20  }
0x363: {  	[tilespmem:s12+$0x1A0] =	vst.add.f32.msk $0xffff, v19  }
0x364: {  	[tilespmem:s12+$0x190] =	vst.add.f32.msk $0xffff, v17  }
0x365: {  	[tilespmem:s12+$0x180] =	vst.add.f32.msk $0xffff, v18  }
0x366: {  	[tilespmem:s12+$0x170] =	vst.add.f32.msk $0xffff, v24  }
0x367: {  	[tilespmem:s12+$0x160] =	vst.add.f32.msk $0xffff, v23  }
0x368: {  	[tilespmem:s12+$0x150] =	vst.add.f32.msk $0xffff, v22  }
0x369: {  	[tilespmem:s12+$0x140] =	vst.add.f32.msk $0xffff, v21  }
0x36a: {  	[tilespmem:s12+$0x130] =	vst.add.f32.msk $0xffff, v20  }
0x36b: {  	[tilespmem:s12+$0x120] =	vst.add.f32.msk $0xffff, v19  }
0x36c: {  	[tilespmem:s12+$0x110] =	vst.add.f32.msk $0xffff, v17  }
0x36d: {  	[tilespmem:s12+$0x100] =	vst.add.f32.msk $0xffff, v18  }
0x36e: {  	[tilespmem:s12+$0xF0] =	vst.add.f32.msk $0xffff, v24  }
0x36f: {  	[tilespmem:s12+$0xE0] =	vst.add.f32.msk $0xffff, v23  }
0x370: {  	[tilespmem:s12+$0xD0] =	vst.add.f32.msk $0xffff, v22  }
0x371: {  	[tilespmem:s12+$0xC0] =	vst.add.f32.msk $0xffff, v21  }
0x372: {  	[tilespmem:s12+$0xB0] =	vst.add.f32.msk $0xffff, v20  }
0x373: {  	[tilespmem:s12+$0xA0] =	vst.add.f32.msk $0xffff, v19  }
0x374: {  	[tilespmem:s12+$0x90] =	vst.add.f32.msk $0xffff, v17  }
0x375: {  	[tilespmem:s12+$0x80] =	vst.add.f32.msk $0xffff, v18  }
0x376: {  	[tilespmem:s12+$0x70] =	vst.add.f32.msk $0xffff, v24  }
.Ltmp12:
0x377: {  	[tilespmem:s12+$0x60] =	vst.add.f32.msk $0xffff, v23;
	(pc) =	sbr.rel @p0 .LBB2_25-.Ltmp12, $4  }
0x378: {  	[tilespmem:s12+$0x50] =	vst.add.f32.msk $0xffff, v22  }
0x379: {  	[tilespmem:s12+$0x40] =	vst.add.f32.msk $0xffff, v21  }
0x37a: {  	[tilespmem:s12+$0x30] =	vst.add.f32.msk $0xffff, v20  }
0x37b: {  	[tilespmem:s12+$0x20] =	vst.add.f32.msk $0xffff, v19  }
0x37c: {  	[tilespmem:s12+$0x10] =	vst.add.f32.msk $0xffff, v17;
	s30 =	simm.s32 $0xE800;
	s13 =	simm.s32 $0x14A80  }
0x37d: {  	[hbm4b:s3+s11] =	stream.indirect.scatter [tilespmem:s30], [sflag:$0xE], $0x80, s13, s11, $0xb8;
	[tilespmem:$0x14C00] =	vst v63  }
0x37e: {  	v18 =	vld [tilespmem:$0x4780]  }
0x37f: {  	v17 =	vld [tilespmem:$0x4790]  }
0x380: {  	v19 =	vld [tilespmem:$0x47A0]  }
0x381: {  	v20 =	vld [tilespmem:$0x47B0];
	[tilespmem:$0x14B00] =	vst v9  }
0x382: {  	v21 =	vld [tilespmem:$0x47C0];
	[tilespmem:$0x14B10] =	vst v10  }
0x383: {  	v22 =	vld [tilespmem:$0x47D0];
	[tilespmem:$0x14B20] =	vst v11  }
0x384: {  	[tilespmem:$0x14B30] =	vst v12;
	v24 =	vld [tilespmem:$0x47F0]  }
0x385: {  	v23 =	vld [tilespmem:$0x47E0];
	_ =	swait.ge [sflag:s4], $0x2000  }
0x386: {  	[sflag:s4] =	ssyncset.done $0x0  }
0x387: {  	s12 =	simm.s32 $0x10800;
	[sflag:s4] =	ssyncadd.s32 $0xFFFFE000  }
0x388: {  	[tilespmem:s12+$0x0] =	vst.add.f32.msk $0xffff, v18  }
0x389: {  	[tilespmem:s12+$0x1F0] =	vst.add.f32.msk $0xffff, v24  }
0x38a: {  	[tilespmem:s12+$0x1E0] =	vst.add.f32.msk $0xffff, v23  }
0x38b: {  	[tilespmem:s12+$0x1D0] =	vst.add.f32.msk $0xffff, v22  }
0x38c: {  	[tilespmem:s12+$0x1C0] =	vst.add.f32.msk $0xffff, v21  }
0x38d: {  	[tilespmem:s12+$0x1B0] =	vst.add.f32.msk $0xffff, v20  }
0x38e: {  	[tilespmem:s12+$0x1A0] =	vst.add.f32.msk $0xffff, v19  }
0x38f: {  	[tilespmem:s12+$0x190] =	vst.add.f32.msk $0xffff, v17  }
0x390: {  	[tilespmem:s12+$0x180] =	vst.add.f32.msk $0xffff, v18  }
0x391: {  	[tilespmem:s12+$0x170] =	vst.add.f32.msk $0xffff, v24  }
0x392: {  	[tilespmem:s12+$0x160] =	vst.add.f32.msk $0xffff, v23  }
0x393: {  	[tilespmem:s12+$0x150] =	vst.add.f32.msk $0xffff, v22  }
0x394: {  	[tilespmem:s12+$0x140] =	vst.add.f32.msk $0xffff, v21  }
0x395: {  	[tilespmem:s12+$0x130] =	vst.add.f32.msk $0xffff, v20  }
0x396: {  	[tilespmem:s12+$0x120] =	vst.add.f32.msk $0xffff, v19  }
0x397: {  	[tilespmem:s12+$0x110] =	vst.add.f32.msk $0xffff, v17  }
0x398: {  	[tilespmem:s12+$0x100] =	vst.add.f32.msk $0xffff, v18  }
0x399: {  	[tilespmem:s12+$0xF0] =	vst.add.f32.msk $0xffff, v24  }
0x39a: {  	[tilespmem:s12+$0xE0] =	vst.add.f32.msk $0xffff, v23  }
0x39b: {  	[tilespmem:s12+$0xD0] =	vst.add.f32.msk $0xffff, v22  }
0x39c: {  	[tilespmem:s12+$0xC0] =	vst.add.f32.msk $0xffff, v21  }
0x39d: {  	[tilespmem:s12+$0xB0] =	vst.add.f32.msk $0xffff, v20  }
0x39e: {  	[tilespmem:s12+$0xA0] =	vst.add.f32.msk $0xffff, v19  }
0x39f: {  	[tilespmem:s12+$0x90] =	vst.add.f32.msk $0xffff, v17  }
0x3a0: {  	[tilespmem:s12+$0x80] =	vst.add.f32.msk $0xffff, v18  }
0x3a1: {  	[tilespmem:s12+$0x70] =	vst.add.f32.msk $0xffff, v24  }
0x3a2: {  	[tilespmem:s12+$0x60] =	vst.add.f32.msk $0xffff, v23  }
0x3a3: {  	[tilespmem:s12+$0x50] =	vst.add.f32.msk $0xffff, v22  }
0x3a4: {  	[tilespmem:s12+$0x40] =	vst.add.f32.msk $0xffff, v21  }
0x3a5: {  	[tilespmem:s12+$0x30] =	vst.add.f32.msk $0xffff, v20  }
0x3a6: {  	s13 =	simm.s32 $0x0;
	[tilespmem:s12+$0x20] =	vst.add.f32.msk $0xffff, v19  }
.LBB2_27:
0x3a7: {  	s13 =	sadd.s32 $0x4, s13;
	[tilespmem:s12+$0x10] =	vst.add.f32.msk $0xffff, v17;
	s12 =	sadd.s32 $0x200, s12  }
0x3a8: {  	[tilespmem:s12+$0x0] =	vst.add.f32.msk $0xffff, v18;
	p0 =	slt.u32 s13, $0x3C  }
0x3a9: {  	[tilespmem:s12+$0x1F0] =	vst.add.f32.msk $0xffff, v24  }
0x3aa: {  	[tilespmem:s12+$0x1E0] =	vst.add.f32.msk $0xffff, v23  }
0x3ab: {  	[tilespmem:s12+$0x1D0] =	vst.add.f32.msk $0xffff, v22  }
0x3ac: {  	[tilespmem:s12+$0x1C0] =	vst.add.f32.msk $0xffff, v21  }
0x3ad: {  	[tilespmem:s12+$0x1B0] =	vst.add.f32.msk $0xffff, v20  }
0x3ae: {  	[tilespmem:s12+$0x1A0] =	vst.add.f32.msk $0xffff, v19  }
0x3af: {  	[tilespmem:s12+$0x190] =	vst.add.f32.msk $0xffff, v17  }
0x3b0: {  	[tilespmem:s12+$0x180] =	vst.add.f32.msk $0xffff, v18  }
0x3b1: {  	[tilespmem:s12+$0x170] =	vst.add.f32.msk $0xffff, v24  }
0x3b2: {  	[tilespmem:s12+$0x160] =	vst.add.f32.msk $0xffff, v23  }
0x3b3: {  	[tilespmem:s12+$0x150] =	vst.add.f32.msk $0xffff, v22  }
0x3b4: {  	[tilespmem:s12+$0x140] =	vst.add.f32.msk $0xffff, v21  }
0x3b5: {  	[tilespmem:s12+$0x130] =	vst.add.f32.msk $0xffff, v20  }
0x3b6: {  	[tilespmem:s12+$0x120] =	vst.add.f32.msk $0xffff, v19  }
0x3b7: {  	[tilespmem:s12+$0x110] =	vst.add.f32.msk $0xffff, v17  }
0x3b8: {  	[tilespmem:s12+$0x100] =	vst.add.f32.msk $0xffff, v18  }
0x3b9: {  	[tilespmem:s12+$0xF0] =	vst.add.f32.msk $0xffff, v24  }
0x3ba: {  	[tilespmem:s12+$0xE0] =	vst.add.f32.msk $0xffff, v23  }
0x3bb: {  	[tilespmem:s12+$0xD0] =	vst.add.f32.msk $0xffff, v22  }
0x3bc: {  	[tilespmem:s12+$0xC0] =	vst.add.f32.msk $0xffff, v21  }
0x3bd: {  	[tilespmem:s12+$0xB0] =	vst.add.f32.msk $0xffff, v20  }
0x3be: {  	[tilespmem:s12+$0xA0] =	vst.add.f32.msk $0xffff, v19  }
0x3bf: {  	[tilespmem:s12+$0x90] =	vst.add.f32.msk $0xffff, v17  }
0x3c0: {  	[tilespmem:s12+$0x80] =	vst.add.f32.msk $0xffff, v18  }
0x3c1: {  	[tilespmem:s12+$0x70] =	vst.add.f32.msk $0xffff, v24  }
.Ltmp13:
0x3c2: {  	[tilespmem:s12+$0x60] =	vst.add.f32.msk $0xffff, v23;
	(pc) =	sbr.rel @p0 .LBB2_27-.Ltmp13, $4  }
0x3c3: {  	[tilespmem:s12+$0x50] =	vst.add.f32.msk $0xffff, v22  }
0x3c4: {  	[tilespmem:s12+$0x40] =	vst.add.f32.msk $0xffff, v21  }
0x3c5: {  	[tilespmem:s12+$0x30] =	vst.add.f32.msk $0xffff, v20  }
0x3c6: {  	[tilespmem:s12+$0x20] =	vst.add.f32.msk $0xffff, v19  }
0x3c7: {  	[tilespmem:s12+$0x10] =	vst.add.f32.msk $0xffff, v17;
	s30 =	simm.s32 $0x10800;
	s13 =	simm.s32 $0x14B00  }
0x3c8: {  	[hbm4b:s3+s11] =	stream.indirect.scatter [tilespmem:s30], [sflag:$0xF], $0x80, s13, s11, $0xb8;
	[tilespmem:$0x14C00] =	vst v63  }
0x3c9: {  	v18 =	vld [tilespmem:$0x4780]  }
0x3ca: {  	v17 =	vld [tilespmem:$0x4790]  }
0x3cb: {  	v19 =	vld [tilespmem:$0x47A0]  }
0x3cc: {  	v20 =	vld [tilespmem:$0x47B0];
	[tilespmem:$0x14B80] =	vst v13  }
0x3cd: {  	v21 =	vld [tilespmem:$0x47C0];
	[tilespmem:$0x14B90] =	vst v14  }
0x3ce: {  	v22 =	vld [tilespmem:$0x47D0];
	[tilespmem:$0x14BA0] =	vst v15  }
0x3cf: {  	[tilespmem:$0x14BB0] =	vst v16;
	v24 =	vld [tilespmem:$0x47F0]  }
0x3d0: {  	v23 =	vld [tilespmem:$0x47E0];
	_ =	swait.ge [sflag:s7], $0x2000  }
0x3d1: {  	[sflag:s7] =	ssyncset.done $0x0  }
0x3d2: {  	s12 =	simm.s32 $0x12800;
	[sflag:s7] =	ssyncadd.s32 $0xFFFFE000  }
0x3d3: {  	[tilespmem:s12+$0x0] =	vst.add.f32.msk $0xffff, v18  }
0x3d4: {  	[tilespmem:s12+$0x1F0] =	vst.add.f32.msk $0xffff, v24  }
0x3d5: {  	[tilespmem:s12+$0x1E0] =	vst.add.f32.msk $0xffff, v23  }
0x3d6: {  	[tilespmem:s12+$0x1D0] =	vst.add.f32.msk $0xffff, v22  }
0x3d7: {  	[tilespmem:s12+$0x1C0] =	vst.add.f32.msk $0xffff, v21  }
0x3d8: {  	[tilespmem:s12+$0x1B0] =	vst.add.f32.msk $0xffff, v20  }
0x3d9: {  	[tilespmem:s12+$0x1A0] =	vst.add.f32.msk $0xffff, v19  }
0x3da: {  	[tilespmem:s12+$0x190] =	vst.add.f32.msk $0xffff, v17  }
0x3db: {  	[tilespmem:s12+$0x180] =	vst.add.f32.msk $0xffff, v18  }
0x3dc: {  	[tilespmem:s12+$0x170] =	vst.add.f32.msk $0xffff, v24  }
0x3dd: {  	[tilespmem:s12+$0x160] =	vst.add.f32.msk $0xffff, v23  }
0x3de: {  	[tilespmem:s12+$0x150] =	vst.add.f32.msk $0xffff, v22  }
0x3df: {  	[tilespmem:s12+$0x140] =	vst.add.f32.msk $0xffff, v21  }
0x3e0: {  	[tilespmem:s12+$0x130] =	vst.add.f32.msk $0xffff, v20  }
0x3e1: {  	[tilespmem:s12+$0x120] =	vst.add.f32.msk $0xffff, v19  }
0x3e2: {  	[tilespmem:s12+$0x110] =	vst.add.f32.msk $0xffff, v17  }
0x3e3: {  	[tilespmem:s12+$0x100] =	vst.add.f32.msk $0xffff, v18  }
0x3e4: {  	[tilespmem:s12+$0xF0] =	vst.add.f32.msk $0xffff, v24  }
0x3e5: {  	[tilespmem:s12+$0xE0] =	vst.add.f32.msk $0xffff, v23  }
0x3e6: {  	[tilespmem:s12+$0xD0] =	vst.add.f32.msk $0xffff, v22  }
0x3e7: {  	[tilespmem:s12+$0xC0] =	vst.add.f32.msk $0xffff, v21  }
0x3e8: {  	[tilespmem:s12+$0xB0] =	vst.add.f32.msk $0xffff, v20  }
0x3e9: {  	[tilespmem:s12+$0xA0] =	vst.add.f32.msk $0xffff, v19  }
0x3ea: {  	[tilespmem:s12+$0x90] =	vst.add.f32.msk $0xffff, v17  }
0x3eb: {  	[tilespmem:s12+$0x80] =	vst.add.f32.msk $0xffff, v18  }
0x3ec: {  	[tilespmem:s12+$0x70] =	vst.add.f32.msk $0xffff, v24  }
0x3ed: {  	[tilespmem:s12+$0x60] =	vst.add.f32.msk $0xffff, v23  }
0x3ee: {  	[tilespmem:s12+$0x50] =	vst.add.f32.msk $0xffff, v22  }
0x3ef: {  	[tilespmem:s12+$0x40] =	vst.add.f32.msk $0xffff, v21  }
0x3f0: {  	[tilespmem:s12+$0x30] =	vst.add.f32.msk $0xffff, v20  }
0x3f1: {  	s13 =	simm.s32 $0x0;
	[tilespmem:s12+$0x20] =	vst.add.f32.msk $0xffff, v19  }
.LBB2_29:
0x3f2: {  	s13 =	sadd.s32 $0x4, s13;
	[tilespmem:s12+$0x10] =	vst.add.f32.msk $0xffff, v17;
	s12 =	sadd.s32 $0x200, s12  }
0x3f3: {  	[tilespmem:s12+$0x0] =	vst.add.f32.msk $0xffff, v18;
	p0 =	slt.u32 s13, $0x3C  }
0x3f4: {  	[tilespmem:s12+$0x1F0] =	vst.add.f32.msk $0xffff, v24  }
0x3f5: {  	[tilespmem:s12+$0x1E0] =	vst.add.f32.msk $0xffff, v23  }
0x3f6: {  	[tilespmem:s12+$0x1D0] =	vst.add.f32.msk $0xffff, v22  }
0x3f7: {  	[tilespmem:s12+$0x1C0] =	vst.add.f32.msk $0xffff, v21  }
0x3f8: {  	[tilespmem:s12+$0x1B0] =	vst.add.f32.msk $0xffff, v20  }
0x3f9: {  	[tilespmem:s12+$0x1A0] =	vst.add.f32.msk $0xffff, v19  }
0x3fa: {  	[tilespmem:s12+$0x190] =	vst.add.f32.msk $0xffff, v17  }
0x3fb: {  	[tilespmem:s12+$0x180] =	vst.add.f32.msk $0xffff, v18  }
0x3fc: {  	[tilespmem:s12+$0x170] =	vst.add.f32.msk $0xffff, v24  }
0x3fd: {  	[tilespmem:s12+$0x160] =	vst.add.f32.msk $0xffff, v23  }
0x3fe: {  	[tilespmem:s12+$0x150] =	vst.add.f32.msk $0xffff, v22  }
0x3ff: {  	[tilespmem:s12+$0x140] =	vst.add.f32.msk $0xffff, v21  }
0x400: {  	[tilespmem:s12+$0x130] =	vst.add.f32.msk $0xffff, v20  }
0x401: {  	[tilespmem:s12+$0x120] =	vst.add.f32.msk $0xffff, v19  }
0x402: {  	[tilespmem:s12+$0x110] =	vst.add.f32.msk $0xffff, v17  }
0x403: {  	[tilespmem:s12+$0x100] =	vst.add.f32.msk $0xffff, v18  }
0x404: {  	[tilespmem:s12+$0xF0] =	vst.add.f32.msk $0xffff, v24  }
0x405: {  	[tilespmem:s12+$0xE0] =	vst.add.f32.msk $0xffff, v23  }
0x406: {  	[tilespmem:s12+$0xD0] =	vst.add.f32.msk $0xffff, v22  }
0x407: {  	[tilespmem:s12+$0xC0] =	vst.add.f32.msk $0xffff, v21  }
0x408: {  	[tilespmem:s12+$0xB0] =	vst.add.f32.msk $0xffff, v20  }
0x409: {  	[tilespmem:s12+$0xA0] =	vst.add.f32.msk $0xffff, v19  }
0x40a: {  	[tilespmem:s12+$0x90] =	vst.add.f32.msk $0xffff, v17  }
0x40b: {  	[tilespmem:s12+$0x80] =	vst.add.f32.msk $0xffff, v18  }
0x40c: {  	[tilespmem:s12+$0x70] =	vst.add.f32.msk $0xffff, v24  }
.Ltmp14:
0x40d: {  	[tilespmem:s12+$0x60] =	vst.add.f32.msk $0xffff, v23;
	(pc) =	sbr.rel @p0 .LBB2_29-.Ltmp14, $4  }
0x40e: {  	[tilespmem:s12+$0x50] =	vst.add.f32.msk $0xffff, v22  }
0x40f: {  	[tilespmem:s12+$0x40] =	vst.add.f32.msk $0xffff, v21  }
0x410: {  	[tilespmem:s12+$0x30] =	vst.add.f32.msk $0xffff, v20  }
0x411: {  	[tilespmem:s12+$0x20] =	vst.add.f32.msk $0xffff, v19  }
0x412: {  	[tilespmem:s12+$0x10] =	vst.add.f32.msk $0xffff, v17;
	s28 =	simm.s32 $0x14B80  }
0x413: {  	[hbm4b:s3+s11] =	stream.indirect.scatter [tilespmem:s20], [sflag:$0x10], $0x80, s28, s11, $0xb8;
	[tilespmem:$0x14C00] =	vst v63  }
0x414: {  	_ =	swait.ge [sflag:s9], $0x2000  }
0x415: {  	[sflag:s9] =	ssyncset.done $0x0  }
0x416: {  	[sflag:s9] =	ssyncadd.s32 $0xFFFFE000  }
0x417: {  	_ =	swait.ge [sflag:s14], $0x2000  }
0x418: {  	[sflag:s14] =	ssyncset.done $0x0  }
0x419: {  	[sflag:s14] =	ssyncadd.s32 $0xFFFFE000  }
0x41a: {  	_ =	swait.ge [sflag:s16], $0x2000  }
0x41b: {  	[sflag:s16] =	ssyncset.done $0x0  }
0x41c: {  	[sflag:s16] =	ssyncadd.s32 $0xFFFFE000  }
0x41d: {  	_ =	swait.ge [sflag:s0], $0x2000  }
0x41e: {  	[sflag:s0] =	ssyncset.done $0x0  }
0x41f: {  	[sflag:s0] =	ssyncadd.s32 $0xFFFFE000  }
0x420: {  	_ =	swait.ge [sflag:s10], $0x2000  }
0x421: {  	[sflag:s10] =	ssyncset.done $0x0  }
0x422: {  	[sflag:s10] =	ssyncadd.s32 $0xFFFFE000  }
0x423: {  	_ =	swait.ge [sflag:s6], $0x2000  }
0x424: {  	[sflag:s6] =	ssyncset.done $0x0  }
0x425: {  	[sflag:s6] =	ssyncadd.s32 $0xFFFFE000  }
0x426: {  	_ =	swait.ge [sflag:s8], $0x2000  }
0x427: {  	[sflag:s8] =	ssyncset.done $0x0  }
0x428: {  	[sflag:s8] =	ssyncadd.s32 $0xFFFFE000  }
0x429: {  	_ =	swait.ge [sflag:s23], $0x2000  }
0x42a: {  	s13 =	rddreg [dreg:$0x8]  }
0x42b: {  	s30 =	rddreg [dreg:$0x7];
	s13 =	sadd.s32 $0x1, s13  }
0x42c: {  	p0 =	sne.s32 s13, s30  }
.Ltmp15:
0x42d: {  	_ = 	snop;
	(pc) =	sbr.rel @p0 .LBB2_1-.Ltmp15, $3  }
0x42e: {  	_ =	sdelay $0x1  }
0x42f: {  	[sflag:s23] =	ssyncset.done $0x0  }
0x430: {  	[sflag:s23] =	ssyncadd.s32 $0xFFFFE000  }
0x431: {  	_ =	sfence.sel $0x180000  }
0x432: {  	[bflag:$0x0] =	sbarrier.arrive $0xFFFF  }
0x433: {  	_ =	strace $0x90000047  }
0x434: {  	s0 =	stileid.u32;
	[bflag:$0x2] =	sbarrier.arrive $0xFFFF  }
0x435: {  	p0 =	sne.s32 s0, $0x0;
	s0 =	rddreg [dreg:$0x4]  }
0x436: {  	s0 =	sadd.s32 @!p0 $0x100000, s0  }
0x437: {  	[sflag:s0] =	ssyncadd.tile.s32 @!p0 $0x1;
	_ =	shalt  }
.Lfunc_end2:
_tile_overlayer_lowered:
.L_overlay_start_2:
0x438: {  	(tag) =	ssettag $0x2  }
0x439: {  	s0 =	rddreg [dreg:$0x0];
	s2 =	stileid.u32  }
0x43a: {  	s1 =	rddreg [dreg:$0x1];
	p0 =	sne.s32 s2, $0x0  }
0x43b: {  	s3 =	rddreg [dreg:$0x2];
	[bflag:$0x3] =	sbarrier.arrive $0xFFFF;
	s2 =	simm.s32 @!p0 $0x1C11  }
0x43c: {  	[timem:s3], [sflag:s2] =	dma.local @!p0 [hbm:s0], s1  }
0x43d: {  	s0 =	simm.s32 @!p0 $0x11  }
0x43e: {  	_ =	swait.ge @!p0 [sflag:s0], s1  }
0x43f: {  	s1 =	ssub.s32 @!p0 $0x0, s1;
	[sflag:s0] =	ssyncset.done @!p0 $0x0  }
0x440: {  	[sflag:s0] =	ssyncadd.s32 @!p0 s1  }
0x441: {  	[bflag:$0x3] =	sbarrier.arrive $0xFFFF  }
0x442: {  	_ =	shalt  }

</sc_bundles>
